<compile_context>
chip_gen: v7x
topology: tpu7x:2x2x1
jax: 0.10.2.dev20260603
libtpu: 0.0.44.dev20260713+nightly
codegen_flags: <defaults>
</compile_context>

<pallas_src>
import functools

import jax
import jax.numpy as jnp
from jax import lax
from jax.experimental import pallas as pl
from jax.experimental.pallas import tpu as pltpu
from jax.experimental.pallas import tpu_sc as plsc

N = 10000
E = 160000
D = 256
HW = 128
ND = 10240
RB = 1000
NRB = N // RB
CHUNK = 80
NS = 16
EPS = E // NS
NCH = EPS // CHUNK
RK = 4
KI = 8
GA = 3



def _mm_body(x_ref, w_ref, oa_ref, ob_ref):
    y = jnp.dot(x_ref[...], w_ref[...], preferred_element_type=jnp.float32)
    oa_ref[...] = y[:, :HW]
    ob_ref[...] = y[:, HW:]


def _mm(x, w):
    return pl.pallas_call(
        _mm_body,
        grid=(NRB,),
        in_specs=[
            pl.BlockSpec((RB, D), lambda i: (i, 0)),
            pl.BlockSpec((D, D), lambda i: (0, 0)),
        ],
        out_specs=[
            pl.BlockSpec((RB, HW), lambda i: (i, 0)),
            pl.BlockSpec((RB, HW), lambda i: (i, 0)),
        ],
        out_shape=[
            jax.ShapeDtypeStruct((N, HW), jnp.float32),
            jax.ShapeDtypeStruct((N, HW), jnp.float32),
        ],
    )(x, w)


def _agg_to_hidden(acca_ref, accb_ref, deg_ref, b_ref):
    agg = jnp.concatenate([acca_ref[...], accb_ref[...]], axis=1)
    agg = agg / jnp.maximum(deg_ref[...], 1.0)
    return jnp.maximum(agg + b_ref[...], 0.0)


def _layer_mm_body(acca_ref, accb_ref, deg_ref, b_ref, w_ref, oa_ref, ob_ref):
    hid = _agg_to_hidden(acca_ref, accb_ref, deg_ref, b_ref)
    y = jnp.dot(hid, w_ref[...], preferred_element_type=jnp.float32)
    oa_ref[...] = y[:, :HW]
    ob_ref[...] = y[:, HW:]


def _layer_mm(acca, accb, deg, b, w):
    return pl.pallas_call(
        _layer_mm_body,
        grid=(NRB,),
        in_specs=[
            pl.BlockSpec((RB, HW), lambda i: (i, 0)),
            pl.BlockSpec((RB, HW), lambda i: (i, 0)),
            pl.BlockSpec((RB, 1), lambda i: (i, 0)),
            pl.BlockSpec((1, D), lambda i: (0, 0)),
            pl.BlockSpec((D, D), lambda i: (0, 0)),
        ],
        out_specs=[
            pl.BlockSpec((RB, HW), lambda i: (i, 0)),
            pl.BlockSpec((RB, HW), lambda i: (i, 0)),
        ],
        out_shape=[
            jax.ShapeDtypeStruct((N, HW), jnp.float32),
            jax.ShapeDtypeStruct((N, HW), jnp.float32),
        ],
    )(acca, accb, deg, b.reshape(1, D), w)


def _final_body(acca_ref, accb_ref, deg_ref, b_ref, o_ref):
    hid = _agg_to_hidden(acca_ref, accb_ref, deg_ref, b_ref)
    nrm = jnp.sqrt(jnp.sum(hid * hid, axis=1, keepdims=True))
    o_ref[...] = hid / jnp.maximum(nrm, 1e-12)


def _final(acca, accb, deg, b):
    return pl.pallas_call(
        _final_body,
        grid=(NRB,),
        in_specs=[
            pl.BlockSpec((RB, HW), lambda i: (i, 0)),
            pl.BlockSpec((RB, HW), lambda i: (i, 0)),
            pl.BlockSpec((RB, 1), lambda i: (i, 0)),
            pl.BlockSpec((1, D), lambda i: (0, 0)),
        ],
        out_specs=pl.BlockSpec((RB, D), lambda i: (i, 0)),
        out_shape=jax.ShapeDtypeStruct((N, D), jnp.float32),
    )(acca, accb, deg, b.reshape(1, D))



@functools.cache
def _build_sc_agg():
    mesh = plsc.VectorSubcoreMesh(
        core_axis_name="c", subcore_axis_name="s", num_cores=2, num_subcores=NS
    )
    return functools.partial(
        pl.kernel,
        mesh=mesh,
        compiler_params=pltpu.CompilerParams(use_tc_tiling_on_sc=False),
        out_type=(
            jax.ShapeDtypeStruct((N, HW), jnp.float32),
            jax.ShapeDtypeStruct((N, HW), jnp.float32),
            jax.ShapeDtypeStruct((ND,), jnp.float32),
        ),
        scratch_types=[
            pltpu.VMEM((KI, CHUNK), jnp.int32),
            pltpu.VMEM((KI, CHUNK), jnp.int32),
            pltpu.VMEM((RK, CHUNK, HW), jnp.float32),
            pltpu.VMEM((CHUNK,), jnp.float32),
            pltpu.VMEM((ND // NS,), jnp.float32),
            pltpu.VMEM_SHARED((N, HW), jnp.float32),
            pltpu.VMEM_SHARED((ND,), jnp.float32),
            pltpu.SemaphoreType.DMA((KI,)),
            pltpu.SemaphoreType.DMA((RK,)),
        ],
    )(_sc_agg_body)


def _sc_agg(ya, yb, src, dst):
    return _build_sc_agg()(ya, yb, src, dst)


def _sc_agg_body(ya_hbm, yb_hbm, src_hbm, dst_hbm, acca_hbm, accb_hbm,
                 deg_hbm, sloc, dloc, rows_v, ones_v, zeros_v, acc_sh,
                 deg_sh, isem, gsem):
    c = lax.axis_index("c")
    s = lax.axis_index("s")
    rows_per_sub = N // NS
    deg_per_sub = ND // NS

    def _fire_idx(ci, slot):
        e0 = s * EPS + ci * CHUNK
        pltpu.async_copy(src_hbm.at[pl.ds(e0, CHUNK)], sloc.at[slot],
                         isem.at[slot])
        pltpu.async_copy(dst_hbm.at[pl.ds(e0, CHUNK)], dloc.at[slot],
                         isem.at[slot])

    def _wait_fire_gather(islot, gslot):
        pltpu.make_async_copy(src_hbm.at[pl.ds(0, CHUNK)], sloc.at[islot],
                              isem.at[islot]).wait()
        pltpu.make_async_copy(dst_hbm.at[pl.ds(0, CHUNK)], dloc.at[islot],
                              isem.at[islot]).wait()

        @pl.when(c == 0)
        def _():
            pltpu.async_copy(ya_hbm.at[sloc.at[islot]], rows_v.at[gslot],
                             gsem.at[gslot])

        @pl.when(c == 1)
        def _():
            pltpu.async_copy(yb_hbm.at[sloc.at[islot]], rows_v.at[gslot],
                             gsem.at[gslot])

    for k in range(CHUNK // 16):
        ones_v[pl.ds(k * 16, 16)] = jnp.full((16,), 1.0, jnp.float32)

    def _zrow(r, _):
        for k in range(HW // 16):
            rows_v[0, r, pl.ds(k * 16, 16)] = jnp.zeros((16,), jnp.float32)
        return 0
    lax.fori_loop(0, CHUNK, _zrow, 0)

    def _zdeg(r, _):
        zeros_v[pl.ds(r * 16, 16)] = jnp.zeros((16,), jnp.float32)
        return 0
    lax.fori_loop(0, deg_per_sub // 16, _zdeg, 0)

    zbase = s * rows_per_sub
    for j in range(rows_per_sub // CHUNK):
        pltpu.sync_copy(rows_v.at[0], acc_sh.at[pl.ds(zbase + j * CHUNK, CHUNK)])
    zrem = rows_per_sub % CHUNK
    pltpu.sync_copy(
        rows_v.at[0].at[pl.ds(0, zrem)],
        acc_sh.at[pl.ds(zbase + rows_per_sub - zrem, zrem)],
    )

    @pl.when(c == 1)
    def _():
        pltpu.sync_copy(zeros_v, deg_sh.at[pl.ds(s * deg_per_sub, deg_per_sub)])
    plsc.subcore_barrier()

    for q in range(KI):
        _fire_idx(q, q)
    for q in range(GA):
        _wait_fire_gather(q, q)

    def _visit(ci, _):
        g = lax.rem(ci, RK)
        islot = lax.rem(ci, KI)
        pltpu.make_async_copy(ya_hbm.at[sloc.at[0]], rows_v.at[g],
                              gsem.at[g]).wait()
        pltpu.sync_copy(rows_v.at[g], acc_sh.at[dloc.at[islot]], add=True)

        @pl.when(c == 1)
        def _():
            pltpu.sync_copy(ones_v, deg_sh.at[dloc.at[islot]], add=True)

        @pl.when(ci + KI < NCH)
        def _():
            _fire_idx(ci + KI, islot)

        @pl.when(ci + GA < NCH)
        def _():
            nxt = ci + GA
            _wait_fire_gather(lax.rem(nxt, KI), lax.rem(nxt, RK))
        return 0

    lax.fori_loop(0, NCH, _visit, 0)
    plsc.subcore_barrier()

    @pl.when(c == 0)
    def _():
        pltpu.sync_copy(acc_sh.at[pl.ds(s * rows_per_sub, rows_per_sub)],
                        acca_hbm.at[pl.ds(s * rows_per_sub, rows_per_sub)])

    @pl.when(c == 1)
    def _():
        pltpu.sync_copy(acc_sh.at[pl.ds(s * rows_per_sub, rows_per_sub)],
                        accb_hbm.at[pl.ds(s * rows_per_sub, rows_per_sub)])
        pltpu.sync_copy(deg_sh.at[pl.ds(s * deg_per_sub, deg_per_sub)],
                        deg_hbm.at[pl.ds(s * deg_per_sub, deg_per_sub)])



def kernel(x, edge_index, W0, b0, W1, b1):
    src = edge_index[0]
    dst = edge_index[1]
    y0a, y0b = _mm(x, W0)
    acc0a, acc0b, deg = _sc_agg(y0a, y0b, src, dst)
    deg_col = deg[:N, None]
    y1a, y1b = _layer_mm(acc0a, acc0b, deg_col, b0, W1)
    acc1a, acc1b, _ = _sc_agg(y1a, y1b, src, dst)
    return _final(acc1a, acc1b, deg_col, b1)

# --- scband reference (transcript-rebuilt; emitter-appended) ---
"""Pipeline reference for scband-gnnstack-stage-66219805770328 (READ-ONLY COPY).

The authoritative reference and input builder live on the scoring server;
editing this copy changes nothing except your own understanding.
"""

import jax, jax.numpy as jnp
import numpy as np

N = 10000
E = 160000
D = 256

def setup_inputs(seed: int = 0) -> dict:
    key = jax.random.key(seed)
    k1, k2, k3, k4, k5, k6 = jax.random.split(key, 6)
    x = jax.random.normal(k1, (N, D), dtype=jnp.float32)
    edge_index = jax.random.randint(k2, (2, E), 0, N, dtype=jnp.int32)
    scale = 1.0 / np.sqrt(D)
    W0 = jax.random.normal(k3, (D, D), dtype=jnp.float32) * scale
    b0 = jnp.zeros((D,), dtype=jnp.float32)
    W1 = jax.random.normal(k4, (D, D), dtype=jnp.float32) * scale
    b1 = jnp.zeros((D,), dtype=jnp.float32)
    return {"x": x, "edge_index": edge_index, "W0": W0, "b0": b0, "W1": W1, "b1": b1}

def reference(x, edge_index, W0, b0, W1, b1):
    # GNNStackStage with num_layers=2: each GNNLayer does mean-aggregate
    # message passing (gather from src, scatter-add to dst, degree-normalize),
    # a linear transform, and ReLU activation; final L2 normalization
    # (cfg.gnn.l2norm=True).
    src = edge_index[0]
    dst = edge_index[1]
    n = x.shape[0]
    ones = jnp.ones((src.shape[0],), dtype=x.dtype)
    deg = jax.ops.segment_sum(ones, dst, num_segments=n)
    deg = jnp.maximum(deg, 1.0)[:, None]

    def layer(h, W, b):
        msg = jnp.take(h, src, axis=0)
        agg = jax.ops.segment_sum(msg, dst, num_segments=n)
        agg = agg / deg
        h_new = jnp.dot(agg, W) + b
        return jax.nn.relu(h_new)

    h = layer(x, W0, b0)
    h = layer(h, W1, b1)
    norm = jnp.sqrt(jnp.sum(h * h, axis=-1, keepdims=True))
    h = h / jnp.maximum(norm, 1e-12)
    return h

if __name__ == "__main__":
    import jax
    _d = setup_inputs()
    print(jax.jit(kernel)(*tuple(_d.values())))

</pallas_src>

<mosaic_0001>
#map = affine_map<(d0, d1) -> (0, 0)>
#map1 = affine_map<(d0, d1) -> (0)>
module attributes {stable_mosaic.version = 14 : i64} {
  func.func @_sc_agg_body(%arg0: i32, %arg1: i32, %arg2: memref<10000x128xf32, #tpu.memory_space<hbm>>, %arg3: memref<10000x128xf32, #tpu.memory_space<hbm>>, %arg4: memref<160000xi32, #tpu.memory_space<hbm>>, %arg5: memref<160000xi32, #tpu.memory_space<hbm>>, %arg6: memref<10000x128xf32, #tpu.memory_space<hbm>>, %arg7: memref<10000x128xf32, #tpu.memory_space<hbm>>, %arg8: memref<10240xf32, #tpu.memory_space<hbm>>, %arg9: memref<8x80xi32, #tpu.memory_space<vmem>>, %arg10: memref<8x80xi32, #tpu.memory_space<vmem>>, %arg11: memref<4x80x128xf32, #tpu.memory_space<vmem>>, %arg12: memref<80xf32, #tpu.memory_space<vmem>>, %arg13: memref<640xf32, #tpu.memory_space<vmem>>, %arg14: memref<10000x128xf32, #tpu.memory_space<vmem_shared>>, %arg15: memref<10240xf32, #tpu.memory_space<vmem_shared>>, %arg16: memref<8x!tpu.dma_semaphore, #tpu.memory_space<semaphore_mem>>, %arg17: memref<4x!tpu.dma_semaphore, #tpu.memory_space<semaphore_mem>>) attributes {dimension_semantics = [#tpu.dimension_semantics<core_parallel>, #tpu.dimension_semantics<subcore_parallel>], iteration_bounds = array<i64: 2, 16>, scalar_prefetch = 0 : i64, scratch_operands = 9 : i64, tpu.core_type = #tpu.core_type<sc_vector_subcore>, window_params = [{transform_indices = #map}, {transform_indices = #map}, {transform_indices = #map1}, {transform_indices = #map1}, {transform_indices = #map}, {transform_indices = #map}, {transform_indices = #map1}]} {
    %broadcast_in_dim3A = arith.constant 1.000000e+00 : f32
    %broadcast_in_dim3A_0 = vector.broadcast %broadcast_in_dim3A : f32 to vector<16xf32>
    %swap3A = arith.constant 0 : index
    %swap3A_1 = tpu.vector_load %arg12[%swap3A] {strides = array<i32>} : memref<80xf32, #tpu.memory_space<vmem>>, vector<16xf32>,
    %swap3A_2 = vector.shape_cast %swap3A_1 : vector<16xf32> to vector<16xf32>
    %swap3A_3 = vector.shape_cast %broadcast_in_dim3A_0 : vector<16xf32> to vector<16xf32>
    tpu.vector_store %arg12[%swap3A], %swap3A_3 {strides = array<i32>} : memref<80xf32, #tpu.memory_space<vmem>>, vector<16xf32>,
    %broadcast_in_dim3A_4 = arith.constant 1.000000e+00 : f32
    %broadcast_in_dim3A_5 = vector.broadcast %broadcast_in_dim3A_4 : f32 to vector<16xf32>
    %swap3A_6 = arith.constant 16 : index
    %swap3A_7 = tpu.vector_load %arg12[%swap3A_6] {strides = array<i32>} : memref<80xf32, #tpu.memory_space<vmem>>, vector<16xf32>,
    %swap3A_8 = vector.shape_cast %swap3A_7 : vector<16xf32> to vector<16xf32>
    %swap3A_9 = vector.shape_cast %broadcast_in_dim3A_5 : vector<16xf32> to vector<16xf32>
    tpu.vector_store %arg12[%swap3A_6], %swap3A_9 {strides = array<i32>} : memref<80xf32, #tpu.memory_space<vmem>>, vector<16xf32>,
    %broadcast_in_dim3A_10 = arith.constant 1.000000e+00 : f32
    %broadcast_in_dim3A_11 = vector.broadcast %broadcast_in_dim3A_10 : f32 to vector<16xf32>
    %swap3A_12 = arith.constant 32 : index
    %swap3A_13 = tpu.vector_load %arg12[%swap3A_12] {strides = array<i32>} : memref<80xf32, #tpu.memory_space<vmem>>, vector<16xf32>,
    %swap3A_14 = vector.shape_cast %swap3A_13 : vector<16xf32> to vector<16xf32>
    %swap3A_15 = vector.shape_cast %broadcast_in_dim3A_11 : vector<16xf32> to vector<16xf32>
    tpu.vector_store %arg12[%swap3A_12], %swap3A_15 {strides = array<i32>} : memref<80xf32, #tpu.memory_space<vmem>>, vector<16xf32>,
    %broadcast_in_dim3A_16 = arith.constant 1.000000e+00 : f32
    %broadcast_in_dim3A_17 = vector.broadcast %broadcast_in_dim3A_16 : f32 to vector<16xf32>
    %swap3A_18 = arith.constant 48 : index
    %swap3A_19 = tpu.vector_load %arg12[%swap3A_18] {strides = array<i32>} : memref<80xf32, #tpu.memory_space<vmem>>, vector<16xf32>,
    %swap3A_20 = vector.shape_cast %swap3A_19 : vector<16xf32> to vector<16xf32>
    %swap3A_21 = vector.shape_cast %broadcast_in_dim3A_17 : vector<16xf32> to vector<16xf32>
    tpu.vector_store %arg12[%swap3A_18], %swap3A_21 {strides = array<i32>} : memref<80xf32, #tpu.memory_space<vmem>>, vector<16xf32>,
    %broadcast_in_dim3A_22 = arith.constant 1.000000e+00 : f32
    %broadcast_in_dim3A_23 = vector.broadcast %broadcast_in_dim3A_22 : f32 to vector<16xf32>
    %swap3A_24 = arith.constant 64 : index
    %swap3A_25 = tpu.vector_load %arg12[%swap3A_24] {strides = array<i32>} : memref<80xf32, #tpu.memory_space<vmem>>, vector<16xf32>,
    %swap3A_26 = vector.shape_cast %swap3A_25 : vector<16xf32> to vector<16xf32>
    %swap3A_27 = vector.shape_cast %broadcast_in_dim3A_23 : vector<16xf32> to vector<16xf32>
    tpu.vector_store %arg12[%swap3A_24], %swap3A_27 {strides = array<i32>} : memref<80xf32, #tpu.memory_space<vmem>>, vector<16xf32>,
    %scan3A = arith.constant 0 : i32
    %scan3A_28 = arith.constant 0 : i32
    %scan3A_29 = arith.constant 80 : i32
    %scan3A_30 = arith.addi %scan3A_28, %scan3A_29 : i32
    %scan3A_31 = arith.constant 1 : i32
    %scan3A_32 = scf.for %scan3A_421 = %scan3A_28 to %scan3A_30 step %scan3A_31 iter_args(%scan3A_422 = %scan3A) -> (i32)  : i32 {
      %broadcast_in_dim3A_423 = arith.constant 0.000000e+00 : f32
      %broadcast_in_dim3A_424 = vector.broadcast %broadcast_in_dim3A_423 : f32 to vector<16xf32>
      %swap3A_425 = arith.constant 0 : i32
      %swap3A_426 = arith.index_cast %swap3A_425 : i32 to index
      %swap3A_427 = arith.index_cast %scan3A_421 : i32 to index
      %swap3A_428 = arith.constant 0 : index
      %swap3A_429 = tpu.vector_load %arg11[%swap3A_426, %swap3A_427, %swap3A_428] {strides = array<i32>} : memref<4x80x128xf32, #tpu.memory_space<vmem>>, vector<1x1x16xf32>,
      %swap3A_430 = vector.shape_cast %swap3A_429 : vector<1x1x16xf32> to vector<16xf32>
      %swap3A_431 = vector.shape_cast %broadcast_in_dim3A_424 : vector<16xf32> to vector<1x1x16xf32>
      tpu.vector_store %arg11[%swap3A_426, %swap3A_427, %swap3A_428], %swap3A_431 {strides = array<i32>} : memref<4x80x128xf32, #tpu.memory_space<vmem>>, vector<1x1x16xf32>,
      %broadcast_in_dim3A_432 = arith.constant 0.000000e+00 : f32
      %broadcast_in_dim3A_433 = vector.broadcast %broadcast_in_dim3A_432 : f32 to vector<16xf32>
      %swap3A_434 = arith.constant 0 : i32
      %swap3A_435 = arith.index_cast %swap3A_434 : i32 to index
      %swap3A_436 = arith.index_cast %scan3A_421 : i32 to index
      %swap3A_437 = arith.constant 16 : index
      %swap3A_438 = tpu.vector_load %arg11[%swap3A_435, %swap3A_436, %swap3A_437] {strides = array<i32>} : memref<4x80x128xf32, #tpu.memory_space<vmem>>, vector<1x1x16xf32>,
      %swap3A_439 = vector.shape_cast %swap3A_438 : vector<1x1x16xf32> to vector<16xf32>
      %swap3A_440 = vector.shape_cast %broadcast_in_dim3A_433 : vector<16xf32> to vector<1x1x16xf32>
      tpu.vector_store %arg11[%swap3A_435, %swap3A_436, %swap3A_437], %swap3A_440 {strides = array<i32>} : memref<4x80x128xf32, #tpu.memory_space<vmem>>, vector<1x1x16xf32>,
      %broadcast_in_dim3A_441 = arith.constant 0.000000e+00 : f32
      %broadcast_in_dim3A_442 = vector.broadcast %broadcast_in_dim3A_441 : f32 to vector<16xf32>
      %swap3A_443 = arith.constant 0 : i32
      %swap3A_444 = arith.index_cast %swap3A_443 : i32 to index
      %swap3A_445 = arith.index_cast %scan3A_421 : i32 to index
      %swap3A_446 = arith.constant 32 : index
      %swap3A_447 = tpu.vector_load %arg11[%swap3A_444, %swap3A_445, %swap3A_446] {strides = array<i32>} : memref<4x80x128xf32, #tpu.memory_space<vmem>>, vector<1x1x16xf32>,
      %swap3A_448 = vector.shape_cast %swap3A_447 : vector<1x1x16xf32> to vector<16xf32>
      %swap3A_449 = vector.shape_cast %broadcast_in_dim3A_442 : vector<16xf32> to vector<1x1x16xf32>
      tpu.vector_store %arg11[%swap3A_444, %swap3A_445, %swap3A_446], %swap3A_449 {strides = array<i32>} : memref<4x80x128xf32, #tpu.memory_space<vmem>>, vector<1x1x16xf32>,
      %broadcast_in_dim3A_450 = arith.constant 0.000000e+00 : f32
      %broadcast_in_dim3A_451 = vector.broadcast %broadcast_in_dim3A_450 : f32 to vector<16xf32>
      %swap3A_452 = arith.constant 0 : i32
      %swap3A_453 = arith.index_cast %swap3A_452 : i32 to index
      %swap3A_454 = arith.index_cast %scan3A_421 : i32 to index
      %swap3A_455 = arith.constant 48 : index
      %swap3A_456 = tpu.vector_load %arg11[%swap3A_453, %swap3A_454, %swap3A_455] {strides = array<i32>} : memref<4x80x128xf32, #tpu.memory_space<vmem>>, vector<1x1x16xf32>,
      %swap3A_457 = vector.shape_cast %swap3A_456 : vector<1x1x16xf32> to vector<16xf32>
      %swap3A_458 = vector.shape_cast %broadcast_in_dim3A_451 : vector<16xf32> to vector<1x1x16xf32>
      tpu.vector_store %arg11[%swap3A_453, %swap3A_454, %swap3A_455], %swap3A_458 {strides = array<i32>} : memref<4x80x128xf32, #tpu.memory_space<vmem>>, vector<1x1x16xf32>,
      %broadcast_in_dim3A_459 = arith.constant 0.000000e+00 : f32
      %broadcast_in_dim3A_460 = vector.broadcast %broadcast_in_dim3A_459 : f32 to vector<16xf32>
      %swap3A_461 = arith.constant 0 : i32
      %swap3A_462 = arith.index_cast %swap3A_461 : i32 to index
      %swap3A_463 = arith.index_cast %scan3A_421 : i32 to index
      %swap3A_464 = arith.constant 64 : index
      %swap3A_465 = tpu.vector_load %arg11[%swap3A_462, %swap3A_463, %swap3A_464] {strides = array<i32>} : memref<4x80x128xf32, #tpu.memory_space<vmem>>, vector<1x1x16xf32>,
      %swap3A_466 = vector.shape_cast %swap3A_465 : vector<1x1x16xf32> to vector<16xf32>
      %swap3A_467 = vector.shape_cast %broadcast_in_dim3A_460 : vector<16xf32> to vector<1x1x16xf32>
      tpu.vector_store %arg11[%swap3A_462, %swap3A_463, %swap3A_464], %swap3A_467 {strides = array<i32>} : memref<4x80x128xf32, #tpu.memory_space<vmem>>, vector<1x1x16xf32>,
      %broadcast_in_dim3A_468 = arith.constant 0.000000e+00 : f32
      %broadcast_in_dim3A_469 = vector.broadcast %broadcast_in_dim3A_468 : f32 to vector<16xf32>
      %swap3A_470 = arith.constant 0 : i32
      %swap3A_471 = arith.index_cast %swap3A_470 : i32 to index
      %swap3A_472 = arith.index_cast %scan3A_421 : i32 to index
      %swap3A_473 = arith.constant 80 : index
      %swap3A_474 = tpu.vector_load %arg11[%swap3A_471, %swap3A_472, %swap3A_473] {strides = array<i32>} : memref<4x80x128xf32, #tpu.memory_space<vmem>>, vector<1x1x16xf32>,
      %swap3A_475 = vector.shape_cast %swap3A_474 : vector<1x1x16xf32> to vector<16xf32>
      %swap3A_476 = vector.shape_cast %broadcast_in_dim3A_469 : vector<16xf32> to vector<1x1x16xf32>
      tpu.vector_store %arg11[%swap3A_471, %swap3A_472, %swap3A_473], %swap3A_476 {strides = array<i32>} : memref<4x80x128xf32, #tpu.memory_space<vmem>>, vector<1x1x16xf32>,
      %broadcast_in_dim3A_477 = arith.constant 0.000000e+00 : f32
      %broadcast_in_dim3A_478 = vector.broadcast %broadcast_in_dim3A_477 : f32 to vector<16xf32>
      %swap3A_479 = arith.constant 0 : i32
      %swap3A_480 = arith.index_cast %swap3A_479 : i32 to index
      %swap3A_481 = arith.index_cast %scan3A_421 : i32 to index
      %swap3A_482 = arith.constant 96 : index
      %swap3A_483 = tpu.vector_load %arg11[%swap3A_480, %swap3A_481, %swap3A_482] {strides = array<i32>} : memref<4x80x128xf32, #tpu.memory_space<vmem>>, vector<1x1x16xf32>,
      %swap3A_484 = vector.shape_cast %swap3A_483 : vector<1x1x16xf32> to vector<16xf32>
      %swap3A_485 = vector.shape_cast %broadcast_in_dim3A_478 : vector<16xf32> to vector<1x1x16xf32>
      tpu.vector_store %arg11[%swap3A_480, %swap3A_481, %swap3A_482], %swap3A_485 {strides = array<i32>} : memref<4x80x128xf32, #tpu.memory_space<vmem>>, vector<1x1x16xf32>,
      %broadcast_in_dim3A_486 = arith.constant 0.000000e+00 : f32
      %broadcast_in_dim3A_487 = vector.broadcast %broadcast_in_dim3A_486 : f32 to vector<16xf32>
      %swap3A_488 = arith.constant 0 : i32
      %swap3A_489 = arith.index_cast %swap3A_488 : i32 to index
      %swap3A_490 = arith.index_cast %scan3A_421 : i32 to index
      %swap3A_491 = arith.constant 112 : index
      %swap3A_492 = tpu.vector_load %arg11[%swap3A_489, %swap3A_490, %swap3A_491] {strides = array<i32>} : memref<4x80x128xf32, #tpu.memory_space<vmem>>, vector<1x1x16xf32>,
      %swap3A_493 = vector.shape_cast %swap3A_492 : vector<1x1x16xf32> to vector<16xf32>
      %swap3A_494 = vector.shape_cast %broadcast_in_dim3A_487 : vector<16xf32> to vector<1x1x16xf32>
      tpu.vector_store %arg11[%swap3A_489, %swap3A_490, %swap3A_491], %swap3A_494 {strides = array<i32>} : memref<4x80x128xf32, #tpu.memory_space<vmem>>, vector<1x1x16xf32>,
      %scan3A_495 = arith.constant 0 : i32
      scf.yield %scan3A_495 : i32
    }
    %scan3A_33 = arith.constant 80 : i32
    %scan3A_34 = arith.constant 0 : i32
    %scan3A_35 = arith.constant 0 : i32
    %scan3A_36 = arith.constant 40 : i32
    %scan3A_37 = arith.addi %scan3A_35, %scan3A_36 : i32
    %scan3A_38 = arith.constant 1 : i32
    %scan3A_39 = scf.for %scan3A_421 = %scan3A_35 to %scan3A_37 step %scan3A_38 iter_args(%scan3A_422 = %scan3A_34) -> (i32)  : i32 {
      %broadcast_in_dim3A_423 = arith.constant 0.000000e+00 : f32
      %broadcast_in_dim3A_424 = vector.broadcast %broadcast_in_dim3A_423 : f32 to vector<16xf32>
      %mul3A_425 = arith.constant 16 : i32
      %mul3A_426 = arith.muli %scan3A_421, %mul3A_425 : i32
      %swap3A_427 = arith.index_cast %mul3A_426 : i32 to index
      %swap3A_428 = tpu.vector_load %arg13[%swap3A_427] {strides = array<i32>} : memref<640xf32, #tpu.memory_space<vmem>>, vector<16xf32>,
      %swap3A_429 = vector.shape_cast %swap3A_428 : vector<16xf32> to vector<16xf32>
      %swap3A_430 = vector.shape_cast %broadcast_in_dim3A_424 : vector<16xf32> to vector<16xf32>
      tpu.vector_store %arg13[%swap3A_427], %swap3A_430 {strides = array<i32>} : memref<640xf32, #tpu.memory_space<vmem>>, vector<16xf32>,
      %scan3A_431 = arith.constant 0 : i32
      scf.yield %scan3A_431 : i32
    }
    %scan3A_40 = arith.constant 40 : i32
    %mul3A = arith.constant 625 : i32
    %mul3A_41 = arith.muli %arg1, %mul3A : i32
    %add3A = arith.constant 0 : i32
    %add3A_42 = arith.addi %mul3A_41, %add3A : i32
    %run_scoped3A = arith.constant 0 : i32
    "tpu.region"() ({
      %run_scoped3A_421 = tpu.sem_alloc : memref<!tpu.dma_semaphore, #tpu.memory_space<semaphore_mem>>
      %dma_start3A_422 = arith.constant 0 : i32
      %dma_start3A_423 = arith.constant 0 : i32
      %dma_start3A_424 = tpu.memref_slice %arg11[%run_scoped3A, %dma_start3A_422, %dma_start3A_423] : memref<4x80x128xf32, #tpu.memory_space<vmem>> -> memref<1x80x128xf32, #tpu.memory_space<vmem>>
      %dma_start3A_425 = tpu.memref_squeeze %dma_start3A_424 : memref<1x80x128xf32, #tpu.memory_space<vmem>> -> memref<80x128xf32, #tpu.memory_space<vmem>>
      %dma_start3A_426 = arith.constant 0 : i32
      %dma_start3A_427 = tpu.memref_slice %arg14[%add3A_42, %dma_start3A_426] : memref<10000x128xf32, #tpu.memory_space<vmem_shared>> -> memref<80x128xf32, #tpu.memory_space<vmem_shared>>
      %dma_start3A_428 = arith.constant 0 : i32
      %dma_start3A_429 = tpu.memref_slice %arg14[%add3A_42, %dma_start3A_428] : memref<10000x128xf32, #tpu.memory_space<vmem_shared>> -> memref<80x128xf32, #tpu.memory_space<vmem_shared>>
      %dma_start3A_430 = arith.constant 0 : i32
      %dma_start3A_431 = arith.constant 0 : i32
      %dma_start3A_432 = tpu.memref_slice %arg11[%run_scoped3A, %dma_start3A_430, %dma_start3A_431] : memref<4x80x128xf32, #tpu.memory_space<vmem>> -> memref<1x80x128xf32, #tpu.memory_space<vmem>>
      %dma_start3A_433 = tpu.memref_squeeze %dma_start3A_432 : memref<1x80x128xf32, #tpu.memory_space<vmem>> -> memref<80x128xf32, #tpu.memory_space<vmem>>
      tpu.enqueue_dma source(%dma_start3A_433 : memref<80x128xf32, #tpu.memory_space<vmem>>) target(%dma_start3A_429 : memref<80x128xf32, #tpu.memory_space<vmem_shared>>) target_semaphore(%run_scoped3A_421 : memref<!tpu.dma_semaphore, #tpu.memory_space<semaphore_mem>>)
      %dma_wait3A_434 = arith.constant 0 : i32
      %dma_wait3A_435 = arith.constant 0 : i32
      %dma_wait3A_436 = tpu.memref_slice %arg11[%run_scoped3A, %dma_wait3A_434, %dma_wait3A_435] : memref<4x80x128xf32, #tpu.memory_space<vmem>> -> memref<1x80x128xf32, #tpu.memory_space<vmem>>
      %dma_wait3A_437 = tpu.memref_squeeze %dma_wait3A_436 : memref<1x80x128xf32, #tpu.memory_space<vmem>> -> memref<80x128xf32, #tpu.memory_space<vmem>>
      %dma_wait3A_438 = arith.constant 0 : i32
      %dma_wait3A_439 = tpu.memref_slice %arg14[%add3A_42, %dma_wait3A_438] : memref<10000x128xf32, #tpu.memory_space<vmem_shared>> -> memref<80x128xf32, #tpu.memory_space<vmem_shared>>
      %dma_wait3A_440 = arith.constant 0 : i32
      %dma_wait3A_441 = tpu.memref_slice %arg14[%add3A_42, %dma_wait3A_440] : memref<10000x128xf32, #tpu.memory_space<vmem_shared>> -> memref<80x128xf32, #tpu.memory_space<vmem_shared>>
      %dma_wait3A_442 = arith.constant 0 : i32
      %dma_wait3A_443 = arith.constant 0 : i32
      %dma_wait3A_444 = tpu.memref_slice %arg11[%run_scoped3A, %dma_wait3A_442, %dma_wait3A_443] : memref<4x80x128xf32, #tpu.memory_space<vmem>> -> memref<1x80x128xf32, #tpu.memory_space<vmem>>
      %dma_wait3A_445 = tpu.memref_squeeze %dma_wait3A_444 : memref<1x80x128xf32, #tpu.memory_space<vmem>> -> memref<80x128xf32, #tpu.memory_space<vmem>>
      tpu.wait_dma2 semaphore(%run_scoped3A_421 : memref<!tpu.dma_semaphore, #tpu.memory_space<semaphore_mem>>) src(%dma_wait3A_445 : memref<80x128xf32, #tpu.memory_space<vmem>>) dst(%dma_wait3A_441 : memref<80x128xf32, #tpu.memory_space<vmem_shared>>)
      tpu.yield
    }) : () -> ()
    %add3A_43 = arith.constant 80 : i32
    %add3A_44 = arith.addi %mul3A_41, %add3A_43 : i32
    %run_scoped3A_45 = arith.constant 0 : i32
    "tpu.region"() ({
      %run_scoped3A_421 = tpu.sem_alloc : memref<!tpu.dma_semaphore, #tpu.memory_space<semaphore_mem>>
      %dma_start3A_422 = arith.constant 0 : i32
      %dma_start3A_423 = arith.constant 0 : i32
      %dma_start3A_424 = tpu.memref_slice %arg11[%run_scoped3A_45, %dma_start3A_422, %dma_start3A_423] : memref<4x80x128xf32, #tpu.memory_space<vmem>> -> memref<1x80x128xf32, #tpu.memory_space<vmem>>
      %dma_start3A_425 = tpu.memref_squeeze %dma_start3A_424 : memref<1x80x128xf32, #tpu.memory_space<vmem>> -> memref<80x128xf32, #tpu.memory_space<vmem>>
      %dma_start3A_426 = arith.constant 0 : i32
      %dma_start3A_427 = tpu.memref_slice %arg14[%add3A_44, %dma_start3A_426] : memref<10000x128xf32, #tpu.memory_space<vmem_shared>> -> memref<80x128xf32, #tpu.memory_space<vmem_shared>>
      %dma_start3A_428 = arith.constant 0 : i32
      %dma_start3A_429 = tpu.memref_slice %arg14[%add3A_44, %dma_start3A_428] : memref<10000x128xf32, #tpu.memory_space<vmem_shared>> -> memref<80x128xf32, #tpu.memory_space<vmem_shared>>
      %dma_start3A_430 = arith.constant 0 : i32
      %dma_start3A_431 = arith.constant 0 : i32
      %dma_start3A_432 = tpu.memref_slice %arg11[%run_scoped3A_45, %dma_start3A_430, %dma_start3A_431] : memref<4x80x128xf32, #tpu.memory_space<vmem>> -> memref<1x80x128xf32, #tpu.memory_space<vmem>>
      %dma_start3A_433 = tpu.memref_squeeze %dma_start3A_432 : memref<1x80x128xf32, #tpu.memory_space<vmem>> -> memref<80x128xf32, #tpu.memory_space<vmem>>
      tpu.enqueue_dma source(%dma_start3A_433 : memref<80x128xf32, #tpu.memory_space<vmem>>) target(%dma_start3A_429 : memref<80x128xf32, #tpu.memory_space<vmem_shared>>) target_semaphore(%run_scoped3A_421 : memref<!tpu.dma_semaphore, #tpu.memory_space<semaphore_mem>>)
      %dma_wait3A_434 = arith.constant 0 : i32
      %dma_wait3A_435 = arith.constant 0 : i32
      %dma_wait3A_436 = tpu.memref_slice %arg11[%run_scoped3A_45, %dma_wait3A_434, %dma_wait3A_435] : memref<4x80x128xf32, #tpu.memory_space<vmem>> -> memref<1x80x128xf32, #tpu.memory_space<vmem>>
      %dma_wait3A_437 = tpu.memref_squeeze %dma_wait3A_436 : memref<1x80x128xf32, #tpu.memory_space<vmem>> -> memref<80x128xf32, #tpu.memory_space<vmem>>
      %dma_wait3A_438 = arith.constant 0 : i32
      %dma_wait3A_439 = tpu.memref_slice %arg14[%add3A_44, %dma_wait3A_438] : memref<10000x128xf32, #tpu.memory_space<vmem_shared>> -> memref<80x128xf32, #tpu.memory_space<vmem_shared>>
      %dma_wait3A_440 = arith.constant 0 : i32
      %dma_wait3A_441 = tpu.memref_slice %arg14[%add3A_44, %dma_wait3A_440] : memref<10000x128xf32, #tpu.memory_space<vmem_shared>> -> memref<80x128xf32, #tpu.memory_space<vmem_shared>>
      %dma_wait3A_442 = arith.constant 0 : i32
      %dma_wait3A_443 = arith.constant 0 : i32
      %dma_wait3A_444 = tpu.memref_slice %arg11[%run_scoped3A_45, %dma_wait3A_442, %dma_wait3A_443] : memref<4x80x128xf32, #tpu.memory_space<vmem>> -> memref<1x80x128xf32, #tpu.memory_space<vmem>>
      %dma_wait3A_445 = tpu.memref_squeeze %dma_wait3A_444 : memref<1x80x128xf32, #tpu.memory_space<vmem>> -> memref<80x128xf32, #tpu.memory_space<vmem>>
      tpu.wait_dma2 semaphore(%run_scoped3A_421 : memref<!tpu.dma_semaphore, #tpu.memory_space<semaphore_mem>>) src(%dma_wait3A_445 : memref<80x128xf32, #tpu.memory_space<vmem>>) dst(%dma_wait3A_441 : memref<80x128xf32, #tpu.memory_space<vmem_shared>>)
      tpu.yield
    }) : () -> ()
    %add3A_46 = arith.constant 160 : i32
    %add3A_47 = arith.addi %mul3A_41, %add3A_46 : i32
    %run_scoped3A_48 = arith.constant 0 : i32
    "tpu.region"() ({
      %run_scoped3A_421 = tpu.sem_alloc : memref<!tpu.dma_semaphore, #tpu.memory_space<semaphore_mem>>
      %dma_start3A_422 = arith.constant 0 : i32
      %dma_start3A_423 = arith.constant 0 : i32
      %dma_start3A_424 = tpu.memref_slice %arg11[%run_scoped3A_48, %dma_start3A_422, %dma_start3A_423] : memref<4x80x128xf32, #tpu.memory_space<vmem>> -> memref<1x80x128xf32, #tpu.memory_space<vmem>>
      %dma_start3A_425 = tpu.memref_squeeze %dma_start3A_424 : memref<1x80x128xf32, #tpu.memory_space<vmem>> -> memref<80x128xf32, #tpu.memory_space<vmem>>
      %dma_start3A_426 = arith.constant 0 : i32
      %dma_start3A_427 = tpu.memref_slice %arg14[%add3A_47, %dma_start3A_426] : memref<10000x128xf32, #tpu.memory_space<vmem_shared>> -> memref<80x128xf32, #tpu.memory_space<vmem_shared>>
      %dma_start3A_428 = arith.constant 0 : i32
      %dma_start3A_429 = tpu.memref_slice %arg14[%add3A_47, %dma_start3A_428] : memref<10000x128xf32, #tpu.memory_space<vmem_shared>> -> memref<80x128xf32, #tpu.memory_space<vmem_shared>>
      %dma_start3A_430 = arith.constant 0 : i32
      %dma_start3A_431 = arith.constant 0 : i32
      %dma_start3A_432 = tpu.memref_slice %arg11[%run_scoped3A_48, %dma_start3A_430, %dma_start3A_431] : memref<4x80x128xf32, #tpu.memory_space<vmem>> -> memref<1x80x128xf32, #tpu.memory_space<vmem>>
      %dma_start3A_433 = tpu.memref_squeeze %dma_start3A_432 : memref<1x80x128xf32, #tpu.memory_space<vmem>> -> memref<80x128xf32, #tpu.memory_space<vmem>>
      tpu.enqueue_dma source(%dma_start3A_433 : memref<80x128xf32, #tpu.memory_space<vmem>>) target(%dma_start3A_429 : memref<80x128xf32, #tpu.memory_space<vmem_shared>>) target_semaphore(%run_scoped3A_421 : memref<!tpu.dma_semaphore, #tpu.memory_space<semaphore_mem>>)
      %dma_wait3A_434 = arith.constant 0 : i32
      %dma_wait3A_435 = arith.constant 0 : i32
      %dma_wait3A_436 = tpu.memref_slice %arg11[%run_scoped3A_48, %dma_wait3A_434, %dma_wait3A_435] : memref<4x80x128xf32, #tpu.memory_space<vmem>> -> memref<1x80x128xf32, #tpu.memory_space<vmem>>
      %dma_wait3A_437 = tpu.memref_squeeze %dma_wait3A_436 : memref<1x80x128xf32, #tpu.memory_space<vmem>> -> memref<80x128xf32, #tpu.memory_space<vmem>>
      %dma_wait3A_438 = arith.constant 0 : i32
      %dma_wait3A_439 = tpu.memref_slice %arg14[%add3A_47, %dma_wait3A_438] : memref<10000x128xf32, #tpu.memory_space<vmem_shared>> -> memref<80x128xf32, #tpu.memory_space<vmem_shared>>
      %dma_wait3A_440 = arith.constant 0 : i32
      %dma_wait3A_441 = tpu.memref_slice %arg14[%add3A_47, %dma_wait3A_440] : memref<10000x128xf32, #tpu.memory_space<vmem_shared>> -> memref<80x128xf32, #tpu.memory_space<vmem_shared>>
      %dma_wait3A_442 = arith.constant 0 : i32
      %dma_wait3A_443 = arith.constant 0 : i32
      %dma_wait3A_444 = tpu.memref_slice %arg11[%run_scoped3A_48, %dma_wait3A_442, %dma_wait3A_443] : memref<4x80x128xf32, #tpu.memory_space<vmem>> -> memref<1x80x128xf32, #tpu.memory_space<vmem>>
      %dma_wait3A_445 = tpu.memref_squeeze %dma_wait3A_444 : memref<1x80x128xf32, #tpu.memory_space<vmem>> -> memref<80x128xf32, #tpu.memory_space<vmem>>
      tpu.wait_dma2 semaphore(%run_scoped3A_421 : memref<!tpu.dma_semaphore, #tpu.memory_space<semaphore_mem>>) src(%dma_wait3A_445 : memref<80x128xf32, #tpu.memory_space<vmem>>) dst(%dma_wait3A_441 : memref<80x128xf32, #tpu.memory_space<vmem_shared>>)
      tpu.yield
    }) : () -> ()
    %add3A_49 = arith.constant 240 : i32
    %add3A_50 = arith.addi %mul3A_41, %add3A_49 : i32
    %run_scoped3A_51 = arith.constant 0 : i32
    "tpu.region"() ({
      %run_scoped3A_421 = tpu.sem_alloc : memref<!tpu.dma_semaphore, #tpu.memory_space<semaphore_mem>>
      %dma_start3A_422 = arith.constant 0 : i32
      %dma_start3A_423 = arith.constant 0 : i32
      %dma_start3A_424 = tpu.memref_slice %arg11[%run_scoped3A_51, %dma_start3A_422, %dma_start3A_423] : memref<4x80x128xf32, #tpu.memory_space<vmem>> -> memref<1x80x128xf32, #tpu.memory_space<vmem>>
      %dma_start3A_425 = tpu.memref_squeeze %dma_start3A_424 : memref<1x80x128xf32, #tpu.memory_space<vmem>> -> memref<80x128xf32, #tpu.memory_space<vmem>>
      %dma_start3A_426 = arith.constant 0 : i32
      %dma_start3A_427 = tpu.memref_slice %arg14[%add3A_50, %dma_start3A_426] : memref<10000x128xf32, #tpu.memory_space<vmem_shared>> -> memref<80x128xf32, #tpu.memory_space<vmem_shared>>
      %dma_start3A_428 = arith.constant 0 : i32
      %dma_start3A_429 = tpu.memref_slice %arg14[%add3A_50, %dma_start3A_428] : memref<10000x128xf32, #tpu.memory_space<vmem_shared>> -> memref<80x128xf32, #tpu.memory_space<vmem_shared>>
      %dma_start3A_430 = arith.constant 0 : i32
      %dma_start3A_431 = arith.constant 0 : i32
      %dma_start3A_432 = tpu.memref_slice %arg11[%run_scoped3A_51, %dma_start3A_430, %dma_start3A_431] : memref<4x80x128xf32, #tpu.memory_space<vmem>> -> memref<1x80x128xf32, #tpu.memory_space<vmem>>
      %dma_start3A_433 = tpu.memref_squeeze %dma_start3A_432 : memref<1x80x128xf32, #tpu.memory_space<vmem>> -> memref<80x128xf32, #tpu.memory_space<vmem>>
      tpu.enqueue_dma source(%dma_start3A_433 : memref<80x128xf32, #tpu.memory_space<vmem>>) target(%dma_start3A_429 : memref<80x128xf32, #tpu.memory_space<vmem_shared>>) target_semaphore(%run_scoped3A_421 : memref<!tpu.dma_semaphore, #tpu.memory_space<semaphore_mem>>)
      %dma_wait3A_434 = arith.constant 0 : i32
      %dma_wait3A_435 = arith.constant 0 : i32
      %dma_wait3A_436 = tpu.memref_slice %arg11[%run_scoped3A_51, %dma_wait3A_434, %dma_wait3A_435] : memref<4x80x128xf32, #tpu.memory_space<vmem>> -> memref<1x80x128xf32, #tpu.memory_space<vmem>>
      %dma_wait3A_437 = tpu.memref_squeeze %dma_wait3A_436 : memref<1x80x128xf32, #tpu.memory_space<vmem>> -> memref<80x128xf32, #tpu.memory_space<vmem>>
      %dma_wait3A_438 = arith.constant 0 : i32
      %dma_wait3A_439 = tpu.memref_slice %arg14[%add3A_50, %dma_wait3A_438] : memref<10000x128xf32, #tpu.memory_space<vmem_shared>> -> memref<80x128xf32, #tpu.memory_space<vmem_shared>>
      %dma_wait3A_440 = arith.constant 0 : i32
      %dma_wait3A_441 = tpu.memref_slice %arg14[%add3A_50, %dma_wait3A_440] : memref<10000x128xf32, #tpu.memory_space<vmem_shared>> -> memref<80x128xf32, #tpu.memory_space<vmem_shared>>
      %dma_wait3A_442 = arith.constant 0 : i32
      %dma_wait3A_443 = arith.constant 0 : i32
      %dma_wait3A_444 = tpu.memref_slice %arg11[%run_scoped3A_51, %dma_wait3A_442, %dma_wait3A_443] : memref<4x80x128xf32, #tpu.memory_space<vmem>> -> memref<1x80x128xf32, #tpu.memory_space<vmem>>
      %dma_wait3A_445 = tpu.memref_squeeze %dma_wait3A_444 : memref<1x80x128xf32, #tpu.memory_space<vmem>> -> memref<80x128xf32, #tpu.memory_space<vmem>>
      tpu.wait_dma2 semaphore(%run_scoped3A_421 : memref<!tpu.dma_semaphore, #tpu.memory_space<semaphore_mem>>) src(%dma_wait3A_445 : memref<80x128xf32, #tpu.memory_space<vmem>>) dst(%dma_wait3A_441 : memref<80x128xf32, #tpu.memory_space<vmem_shared>>)
      tpu.yield
    }) : () -> ()
    %add3A_52 = arith.constant 320 : i32
    %add3A_53 = arith.addi %mul3A_41, %add3A_52 : i32
    %run_scoped3A_54 = arith.constant 0 : i32
    "tpu.region"() ({
      %run_scoped3A_421 = tpu.sem_alloc : memref<!tpu.dma_semaphore, #tpu.memory_space<semaphore_mem>>
      %dma_start3A_422 = arith.constant 0 : i32
      %dma_start3A_423 = arith.constant 0 : i32
      %dma_start3A_424 = tpu.memref_slice %arg11[%run_scoped3A_54, %dma_start3A_422, %dma_start3A_423] : memref<4x80x128xf32, #tpu.memory_space<vmem>> -> memref<1x80x128xf32, #tpu.memory_space<vmem>>
      %dma_start3A_425 = tpu.memref_squeeze %dma_start3A_424 : memref<1x80x128xf32, #tpu.memory_space<vmem>> -> memref<80x128xf32, #tpu.memory_space<vmem>>
      %dma_start3A_426 = arith.constant 0 : i32
      %dma_start3A_427 = tpu.memref_slice %arg14[%add3A_53, %dma_start3A_426] : memref<10000x128xf32, #tpu.memory_space<vmem_shared>> -> memref<80x128xf32, #tpu.memory_space<vmem_shared>>
      %dma_start3A_428 = arith.constant 0 : i32
      %dma_start3A_429 = tpu.memref_slice %arg14[%add3A_53, %dma_start3A_428] : memref<10000x128xf32, #tpu.memory_space<vmem_shared>> -> memref<80x128xf32, #tpu.memory_space<vmem_shared>>
      %dma_start3A_430 = arith.constant 0 : i32
      %dma_start3A_431 = arith.constant 0 : i32
      %dma_start3A_432 = tpu.memref_slice %arg11[%run_scoped3A_54, %dma_start3A_430, %dma_start3A_431] : memref<4x80x128xf32, #tpu.memory_space<vmem>> -> memref<1x80x128xf32, #tpu.memory_space<vmem>>
      %dma_start3A_433 = tpu.memref_squeeze %dma_start3A_432 : memref<1x80x128xf32, #tpu.memory_space<vmem>> -> memref<80x128xf32, #tpu.memory_space<vmem>>
      tpu.enqueue_dma source(%dma_start3A_433 : memref<80x128xf32, #tpu.memory_space<vmem>>) target(%dma_start3A_429 : memref<80x128xf32, #tpu.memory_space<vmem_shared>>) target_semaphore(%run_scoped3A_421 : memref<!tpu.dma_semaphore, #tpu.memory_space<semaphore_mem>>)
      %dma_wait3A_434 = arith.constant 0 : i32
      %dma_wait3A_435 = arith.constant 0 : i32
      %dma_wait3A_436 = tpu.memref_slice %arg11[%run_scoped3A_54, %dma_wait3A_434, %dma_wait3A_435] : memref<4x80x128xf32, #tpu.memory_space<vmem>> -> memref<1x80x128xf32, #tpu.memory_space<vmem>>
      %dma_wait3A_437 = tpu.memref_squeeze %dma_wait3A_436 : memref<1x80x128xf32, #tpu.memory_space<vmem>> -> memref<80x128xf32, #tpu.memory_space<vmem>>
      %dma_wait3A_438 = arith.constant 0 : i32
      %dma_wait3A_439 = tpu.memref_slice %arg14[%add3A_53, %dma_wait3A_438] : memref<10000x128xf32, #tpu.memory_space<vmem_shared>> -> memref<80x128xf32, #tpu.memory_space<vmem_shared>>
      %dma_wait3A_440 = arith.constant 0 : i32
      %dma_wait3A_441 = tpu.memref_slice %arg14[%add3A_53, %dma_wait3A_440] : memref<10000x128xf32, #tpu.memory_space<vmem_shared>> -> memref<80x128xf32, #tpu.memory_space<vmem_shared>>
      %dma_wait3A_442 = arith.constant 0 : i32
      %dma_wait3A_443 = arith.constant 0 : i32
      %dma_wait3A_444 = tpu.memref_slice %arg11[%run_scoped3A_54, %dma_wait3A_442, %dma_wait3A_443] : memref<4x80x128xf32, #tpu.memory_space<vmem>> -> memref<1x80x128xf32, #tpu.memory_space<vmem>>
      %dma_wait3A_445 = tpu.memref_squeeze %dma_wait3A_444 : memref<1x80x128xf32, #tpu.memory_space<vmem>> -> memref<80x128xf32, #tpu.memory_space<vmem>>
      tpu.wait_dma2 semaphore(%run_scoped3A_421 : memref<!tpu.dma_semaphore, #tpu.memory_space<semaphore_mem>>) src(%dma_wait3A_445 : memref<80x128xf32, #tpu.memory_space<vmem>>) dst(%dma_wait3A_441 : memref<80x128xf32, #tpu.memory_space<vmem_shared>>)
      tpu.yield
    }) : () -> ()
    %add3A_55 = arith.constant 400 : i32
    %add3A_56 = arith.addi %mul3A_41, %add3A_55 : i32
    %run_scoped3A_57 = arith.constant 0 : i32
    "tpu.region"() ({
      %run_scoped3A_421 = tpu.sem_alloc : memref<!tpu.dma_semaphore, #tpu.memory_space<semaphore_mem>>
      %dma_start3A_422 = arith.constant 0 : i32
      %dma_start3A_423 = arith.constant 0 : i32
      %dma_start3A_424 = tpu.memref_slice %arg11[%run_scoped3A_57, %dma_start3A_422, %dma_start3A_423] : memref<4x80x128xf32, #tpu.memory_space<vmem>> -> memref<1x80x128xf32, #tpu.memory_space<vmem>>
      %dma_start3A_425 = tpu.memref_squeeze %dma_start3A_424 : memref<1x80x128xf32, #tpu.memory_space<vmem>> -> memref<80x128xf32, #tpu.memory_space<vmem>>
      %dma_start3A_426 = arith.constant 0 : i32
      %dma_start3A_427 = tpu.memref_slice %arg14[%add3A_56, %dma_start3A_426] : memref<10000x128xf32, #tpu.memory_space<vmem_shared>> -> memref<80x128xf32, #tpu.memory_space<vmem_shared>>
      %dma_start3A_428 = arith.constant 0 : i32
      %dma_start3A_429 = tpu.memref_slice %arg14[%add3A_56, %dma_start3A_428] : memref<10000x128xf32, #tpu.memory_space<vmem_shared>> -> memref<80x128xf32, #tpu.memory_space<vmem_shared>>
      %dma_start3A_430 = arith.constant 0 : i32
      %dma_start3A_431 = arith.constant 0 : i32
      %dma_start3A_432 = tpu.memref_slice %arg11[%run_scoped3A_57, %dma_start3A_430, %dma_start3A_431] : memref<4x80x128xf32, #tpu.memory_space<vmem>> -> memref<1x80x128xf32, #tpu.memory_space<vmem>>
      %dma_start3A_433 = tpu.memref_squeeze %dma_start3A_432 : memref<1x80x128xf32, #tpu.memory_space<vmem>> -> memref<80x128xf32, #tpu.memory_space<vmem>>
      tpu.enqueue_dma source(%dma_start3A_433 : memref<80x128xf32, #tpu.memory_space<vmem>>) target(%dma_start3A_429 : memref<80x128xf32, #tpu.memory_space<vmem_shared>>) target_semaphore(%run_scoped3A_421 : memref<!tpu.dma_semaphore, #tpu.memory_space<semaphore_mem>>)
      %dma_wait3A_434 = arith.constant 0 : i32
      %dma_wait3A_435 = arith.constant 0 : i32
      %dma_wait3A_436 = tpu.memref_slice %arg11[%run_scoped3A_57, %dma_wait3A_434, %dma_wait3A_435] : memref<4x80x128xf32, #tpu.memory_space<vmem>> -> memref<1x80x128xf32, #tpu.memory_space<vmem>>
      %dma_wait3A_437 = tpu.memref_squeeze %dma_wait3A_436 : memref<1x80x128xf32, #tpu.memory_space<vmem>> -> memref<80x128xf32, #tpu.memory_space<vmem>>
      %dma_wait3A_438 = arith.constant 0 : i32
      %dma_wait3A_439 = tpu.memref_slice %arg14[%add3A_56, %dma_wait3A_438] : memref<10000x128xf32, #tpu.memory_space<vmem_shared>> -> memref<80x128xf32, #tpu.memory_space<vmem_shared>>
      %dma_wait3A_440 = arith.constant 0 : i32
      %dma_wait3A_441 = tpu.memref_slice %arg14[%add3A_56, %dma_wait3A_440] : memref<10000x128xf32, #tpu.memory_space<vmem_shared>> -> memref<80x128xf32, #tpu.memory_space<vmem_shared>>
      %dma_wait3A_442 = arith.constant 0 : i32
      %dma_wait3A_443 = arith.constant 0 : i32
      %dma_wait3A_444 = tpu.memref_slice %arg11[%run_scoped3A_57, %dma_wait3A_442, %dma_wait3A_443] : memref<4x80x128xf32, #tpu.memory_space<vmem>> -> memref<1x80x128xf32, #tpu.memory_space<vmem>>
      %dma_wait3A_445 = tpu.memref_squeeze %dma_wait3A_444 : memref<1x80x128xf32, #tpu.memory_space<vmem>> -> memref<80x128xf32, #tpu.memory_space<vmem>>
      tpu.wait_dma2 semaphore(%run_scoped3A_421 : memref<!tpu.dma_semaphore, #tpu.memory_space<semaphore_mem>>) src(%dma_wait3A_445 : memref<80x128xf32, #tpu.memory_space<vmem>>) dst(%dma_wait3A_441 : memref<80x128xf32, #tpu.memory_space<vmem_shared>>)
      tpu.yield
    }) : () -> ()
    %add3A_58 = arith.constant 480 : i32
    %add3A_59 = arith.addi %mul3A_41, %add3A_58 : i32
    %run_scoped3A_60 = arith.constant 0 : i32
    "tpu.region"() ({
      %run_scoped3A_421 = tpu.sem_alloc : memref<!tpu.dma_semaphore, #tpu.memory_space<semaphore_mem>>
      %dma_start3A_422 = arith.constant 0 : i32
      %dma_start3A_423 = arith.constant 0 : i32
      %dma_start3A_424 = tpu.memref_slice %arg11[%run_scoped3A_60, %dma_start3A_422, %dma_start3A_423] : memref<4x80x128xf32, #tpu.memory_space<vmem>> -> memref<1x80x128xf32, #tpu.memory_space<vmem>>
      %dma_start3A_425 = tpu.memref_squeeze %dma_start3A_424 : memref<1x80x128xf32, #tpu.memory_space<vmem>> -> memref<80x128xf32, #tpu.memory_space<vmem>>
      %dma_start3A_426 = arith.constant 0 : i32
      %dma_start3A_427 = tpu.memref_slice %arg14[%add3A_59, %dma_start3A_426] : memref<10000x128xf32, #tpu.memory_space<vmem_shared>> -> memref<80x128xf32, #tpu.memory_space<vmem_shared>>
      %dma_start3A_428 = arith.constant 0 : i32
      %dma_start3A_429 = tpu.memref_slice %arg14[%add3A_59, %dma_start3A_428] : memref<10000x128xf32, #tpu.memory_space<vmem_shared>> -> memref<80x128xf32, #tpu.memory_space<vmem_shared>>
      %dma_start3A_430 = arith.constant 0 : i32
      %dma_start3A_431 = arith.constant 0 : i32
      %dma_start3A_432 = tpu.memref_slice %arg11[%run_scoped3A_60, %dma_start3A_430, %dma_start3A_431] : memref<4x80x128xf32, #tpu.memory_space<vmem>> -> memref<1x80x128xf32, #tpu.memory_space<vmem>>
      %dma_start3A_433 = tpu.memref_squeeze %dma_start3A_432 : memref<1x80x128xf32, #tpu.memory_space<vmem>> -> memref<80x128xf32, #tpu.memory_space<vmem>>
      tpu.enqueue_dma source(%dma_start3A_433 : memref<80x128xf32, #tpu.memory_space<vmem>>) target(%dma_start3A_429 : memref<80x128xf32, #tpu.memory_space<vmem_shared>>) target_semaphore(%run_scoped3A_421 : memref<!tpu.dma_semaphore, #tpu.memory_space<semaphore_mem>>)
      %dma_wait3A_434 = arith.constant 0 : i32
      %dma_wait3A_435 = arith.constant 0 : i32
      %dma_wait3A_436 = tpu.memref_slice %arg11[%run_scoped3A_60, %dma_wait3A_434, %dma_wait3A_435] : memref<4x80x128xf32, #tpu.memory_space<vmem>> -> memref<1x80x128xf32, #tpu.memory_space<vmem>>
      %dma_wait3A_437 = tpu.memref_squeeze %dma_wait3A_436 : memref<1x80x128xf32, #tpu.memory_space<vmem>> -> memref<80x128xf32, #tpu.memory_space<vmem>>
      %dma_wait3A_438 = arith.constant 0 : i32
      %dma_wait3A_439 = tpu.memref_slice %arg14[%add3A_59, %dma_wait3A_438] : memref<10000x128xf32, #tpu.memory_space<vmem_shared>> -> memref<80x128xf32, #tpu.memory_space<vmem_shared>>
      %dma_wait3A_440 = arith.constant 0 : i32
      %dma_wait3A_441 = tpu.memref_slice %arg14[%add3A_59, %dma_wait3A_440] : memref<10000x128xf32, #tpu.memory_space<vmem_shared>> -> memref<80x128xf32, #tpu.memory_space<vmem_shared>>
      %dma_wait3A_442 = arith.constant 0 : i32
      %dma_wait3A_443 = arith.constant 0 : i32
      %dma_wait3A_444 = tpu.memref_slice %arg11[%run_scoped3A_60, %dma_wait3A_442, %dma_wait3A_443] : memref<4x80x128xf32, #tpu.memory_space<vmem>> -> memref<1x80x128xf32, #tpu.memory_space<vmem>>
      %dma_wait3A_445 = tpu.memref_squeeze %dma_wait3A_444 : memref<1x80x128xf32, #tpu.memory_space<vmem>> -> memref<80x128xf32, #tpu.memory_space<vmem>>
      tpu.wait_dma2 semaphore(%run_scoped3A_421 : memref<!tpu.dma_semaphore, #tpu.memory_space<semaphore_mem>>) src(%dma_wait3A_445 : memref<80x128xf32, #tpu.memory_space<vmem>>) dst(%dma_wait3A_441 : memref<80x128xf32, #tpu.memory_space<vmem_shared>>)
      tpu.yield
    }) : () -> ()
    %add3A_61 = arith.constant 625 : i32
    %add3A_62 = arith.addi %mul3A_41, %add3A_61 : i32
    %sub3A = arith.constant 65 : i32
    %sub3A_63 = arith.subi %add3A_62, %sub3A : i32
    %run_scoped3A_64 = arith.constant 0 : i32
    "tpu.region"() ({
      %run_scoped3A_421 = tpu.sem_alloc : memref<!tpu.dma_semaphore, #tpu.memory_space<semaphore_mem>>
      %dma_start3A_422 = arith.constant 0 : i32
      %dma_start3A_423 = arith.constant 0 : i32
      %dma_start3A_424 = tpu.memref_slice %arg11[%run_scoped3A_64, %dma_start3A_422, %dma_start3A_423] : memref<4x80x128xf32, #tpu.memory_space<vmem>> -> memref<1x80x128xf32, #tpu.memory_space<vmem>>
      %dma_start3A_425 = tpu.memref_squeeze %dma_start3A_424 : memref<1x80x128xf32, #tpu.memory_space<vmem>> -> memref<80x128xf32, #tpu.memory_space<vmem>>
      %dma_start3A_426 = arith.constant 0 : i32
      %dma_start3A_427 = arith.constant 0 : i32
      %dma_start3A_428 = tpu.memref_slice %dma_start3A_425[%dma_start3A_426, %dma_start3A_427] : memref<80x128xf32, #tpu.memory_space<vmem>> -> memref<65x128xf32, #tpu.memory_space<vmem>>
      %dma_start3A_429 = arith.constant 0 : i32
      %dma_start3A_430 = tpu.memref_slice %arg14[%sub3A_63, %dma_start3A_429] : memref<10000x128xf32, #tpu.memory_space<vmem_shared>> -> memref<65x128xf32, #tpu.memory_space<vmem_shared>>
      %dma_start3A_431 = arith.constant 0 : i32
      %dma_start3A_432 = tpu.memref_slice %arg14[%sub3A_63, %dma_start3A_431] : memref<10000x128xf32, #tpu.memory_space<vmem_shared>> -> memref<65x128xf32, #tpu.memory_space<vmem_shared>>
      %dma_start3A_433 = arith.constant 0 : i32
      %dma_start3A_434 = arith.constant 0 : i32
      %dma_start3A_435 = tpu.memref_slice %arg11[%run_scoped3A_64, %dma_start3A_433, %dma_start3A_434] : memref<4x80x128xf32, #tpu.memory_space<vmem>> -> memref<1x80x128xf32, #tpu.memory_space<vmem>>
      %dma_start3A_436 = tpu.memref_squeeze %dma_start3A_435 : memref<1x80x128xf32, #tpu.memory_space<vmem>> -> memref<80x128xf32, #tpu.memory_space<vmem>>
      %dma_start3A_437 = arith.constant 0 : i32
      %dma_start3A_438 = arith.constant 0 : i32
      %dma_start3A_439 = tpu.memref_slice %dma_start3A_436[%dma_start3A_437, %dma_start3A_438] : memref<80x128xf32, #tpu.memory_space<vmem>> -> memref<65x128xf32, #tpu.memory_space<vmem>>
      tpu.enqueue_dma source(%dma_start3A_439 : memref<65x128xf32, #tpu.memory_space<vmem>>) target(%dma_start3A_432 : memref<65x128xf32, #tpu.memory_space<vmem_shared>>) target_semaphore(%run_scoped3A_421 : memref<!tpu.dma_semaphore, #tpu.memory_space<semaphore_mem>>)
      %dma_wait3A_440 = arith.constant 0 : i32
      %dma_wait3A_441 = arith.constant 0 : i32
      %dma_wait3A_442 = tpu.memref_slice %arg11[%run_scoped3A_64, %dma_wait3A_440, %dma_wait3A_441] : memref<4x80x128xf32, #tpu.memory_space<vmem>> -> memref<1x80x128xf32, #tpu.memory_space<vmem>>
      %dma_wait3A_443 = tpu.memref_squeeze %dma_wait3A_442 : memref<1x80x128xf32, #tpu.memory_space<vmem>> -> memref<80x128xf32, #tpu.memory_space<vmem>>
      %dma_wait3A_444 = arith.constant 0 : i32
      %dma_wait3A_445 = arith.constant 0 : i32
      %dma_wait3A_446 = tpu.memref_slice %dma_wait3A_443[%dma_wait3A_444, %dma_wait3A_445] : memref<80x128xf32, #tpu.memory_space<vmem>> -> memref<65x128xf32, #tpu.memory_space<vmem>>
      %dma_wait3A_447 = arith.constant 0 : i32
      %dma_wait3A_448 = tpu.memref_slice %arg14[%sub3A_63, %dma_wait3A_447] : memref<10000x128xf32, #tpu.memory_space<vmem_shared>> -> memref<65x128xf32, #tpu.memory_space<vmem_shared>>
      %dma_wait3A_449 = arith.constant 0 : i32
      %dma_wait3A_450 = tpu.memref_slice %arg14[%sub3A_63, %dma_wait3A_449] : memref<10000x128xf32, #tpu.memory_space<vmem_shared>> -> memref<65x128xf32, #tpu.memory_space<vmem_shared>>
      %dma_wait3A_451 = arith.constant 0 : i32
      %dma_wait3A_452 = arith.constant 0 : i32
      %dma_wait3A_453 = tpu.memref_slice %arg11[%run_scoped3A_64, %dma_wait3A_451, %dma_wait3A_452] : memref<4x80x128xf32, #tpu.memory_space<vmem>> -> memref<1x80x128xf32, #tpu.memory_space<vmem>>
      %dma_wait3A_454 = tpu.memref_squeeze %dma_wait3A_453 : memref<1x80x128xf32, #tpu.memory_space<vmem>> -> memref<80x128xf32, #tpu.memory_space<vmem>>
      %dma_wait3A_455 = arith.constant 0 : i32
      %dma_wait3A_456 = arith.constant 0 : i32
      %dma_wait3A_457 = tpu.memref_slice %dma_wait3A_454[%dma_wait3A_455, %dma_wait3A_456] : memref<80x128xf32, #tpu.memory_space<vmem>> -> memref<65x128xf32, #tpu.memory_space<vmem>>
      tpu.wait_dma2 semaphore(%run_scoped3A_421 : memref<!tpu.dma_semaphore, #tpu.memory_space<semaphore_mem>>) src(%dma_wait3A_457 : memref<65x128xf32, #tpu.memory_space<vmem>>) dst(%dma_wait3A_450 : memref<65x128xf32, #tpu.memory_space<vmem_shared>>)
      tpu.yield
    }) : () -> ()
    %eq3A = arith.constant 1 : i32
    %eq3A_65 = arith.cmpi eq, %arg0, %eq3A : i32
    %convert_element_type3A = arith.extui %eq3A_65 : i1 to i32
    %cond3A = arith.constant 0 : i32
    %cond3A_66 = arith.cmpi ne, %convert_element_type3A, %cond3A : i32
    scf.if %cond3A_66 {
      %mul3A_421 = arith.constant 640 : i32
      %mul3A_422 = arith.muli %arg1, %mul3A_421 : i32
      "tpu.region"() ({
        %run_scoped3A_423 = tpu.sem_alloc : memref<!tpu.dma_semaphore, #tpu.memory_space<semaphore_mem>>
        %dma_start3A_424 = tpu.memref_slice %arg15[%mul3A_422] : memref<10240xf32, #tpu.memory_space<vmem_shared>> -> memref<640xf32, #tpu.memory_space<vmem_shared>>
        %dma_start3A_425 = tpu.memref_slice %arg15[%mul3A_422] : memref<10240xf32, #tpu.memory_space<vmem_shared>> -> memref<640xf32, #tpu.memory_space<vmem_shared>>
        tpu.enqueue_dma source(%arg13 : memref<640xf32, #tpu.memory_space<vmem>>) target(%dma_start3A_425 : memref<640xf32, #tpu.memory_space<vmem_shared>>) target_semaphore(%run_scoped3A_423 : memref<!tpu.dma_semaphore, #tpu.memory_space<semaphore_mem>>)
        %dma_wait3A_426 = tpu.memref_slice %arg15[%mul3A_422] : memref<10240xf32, #tpu.memory_space<vmem_shared>> -> memref<640xf32, #tpu.memory_space<vmem_shared>>
        %dma_wait3A_427 = tpu.memref_slice %arg15[%mul3A_422] : memref<10240xf32, #tpu.memory_space<vmem_shared>> -> memref<640xf32, #tpu.memory_space<vmem_shared>>
        tpu.wait_dma2 semaphore(%run_scoped3A_423 : memref<!tpu.dma_semaphore, #tpu.memory_space<semaphore_mem>>) src(%arg13 : memref<640xf32, #tpu.memory_space<vmem>>) dst(%dma_wait3A_427 : memref<640xf32, #tpu.memory_space<vmem_shared>>)
        tpu.yield
      }) : () -> ()
    } else {
    }
    %barrier3A = arith.constant 0 : index
    tpu.barrier barrier_id(%barrier3A)
    %mul3A_67 = arith.constant 10000 : i32
    %mul3A_68 = arith.muli %arg1, %mul3A_67 : i32
    %add3A_69 = arith.constant 0 : i32
    %add3A_70 = arith.addi %mul3A_68, %add3A_69 : i32
    %dma_start3A = arith.constant 0 : i32
    %dma_start3A_71 = arith.constant 0 : i32
    %dma_start3A_72 = arith.constant 0 : i32
    %dma_start3A_73 = tpu.memref_slice %arg9[%dma_start3A, %dma_start3A_72] : memref<8x80xi32, #tpu.memory_space<vmem>> -> memref<1x80xi32, #tpu.memory_space<vmem>>
    %dma_start3A_74 = tpu.memref_squeeze %dma_start3A_73 : memref<1x80xi32, #tpu.memory_space<vmem>> -> memref<80xi32, #tpu.memory_space<vmem>>
    %dma_start3A_75 = tpu.memref_slice %arg4[%add3A_70] : memref<160000xi32, #tpu.memory_space<hbm>> -> memref<80xi32, #tpu.memory_space<hbm>>
    %dma_start3A_76 = tpu.memref_slice %arg16[%dma_start3A_71] : memref<8x!tpu.dma_semaphore, #tpu.memory_space<semaphore_mem>> -> memref<1x!tpu.dma_semaphore, #tpu.memory_space<semaphore_mem>>
    %dma_start3A_77 = tpu.memref_squeeze %dma_start3A_76 : memref<1x!tpu.dma_semaphore, #tpu.memory_space<semaphore_mem>> -> memref<!tpu.dma_semaphore, #tpu.memory_space<semaphore_mem>>
    %dma_start3A_78 = arith.constant 0 : i32
    %dma_start3A_79 = tpu.memref_slice %arg9[%dma_start3A, %dma_start3A_78] : memref<8x80xi32, #tpu.memory_space<vmem>> -> memref<1x80xi32, #tpu.memory_space<vmem>>
    %dma_start3A_80 = tpu.memref_squeeze %dma_start3A_79 : memref<1x80xi32, #tpu.memory_space<vmem>> -> memref<80xi32, #tpu.memory_space<vmem>>
    %dma_start3A_81 = tpu.memref_slice %arg4[%add3A_70] : memref<160000xi32, #tpu.memory_space<hbm>> -> memref<80xi32, #tpu.memory_space<hbm>>
    tpu.enqueue_dma source(%dma_start3A_81 : memref<80xi32, #tpu.memory_space<hbm>>) target(%dma_start3A_80 : memref<80xi32, #tpu.memory_space<vmem>>) target_semaphore(%dma_start3A_77 : memref<!tpu.dma_semaphore, #tpu.memory_space<semaphore_mem>>)
    %dma_start3A_82 = arith.constant 0 : i32
    %dma_start3A_83 = arith.constant 0 : i32
    %dma_start3A_84 = arith.constant 0 : i32
    %dma_start3A_85 = tpu.memref_slice %arg10[%dma_start3A_82, %dma_start3A_84] : memref<8x80xi32, #tpu.memory_space<vmem>> -> memref<1x80xi32, #tpu.memory_space<vmem>>
    %dma_start3A_86 = tpu.memref_squeeze %dma_start3A_85 : memref<1x80xi32, #tpu.memory_space<vmem>> -> memref<80xi32, #tpu.memory_space<vmem>>
    %dma_start3A_87 = tpu.memref_slice %arg5[%add3A_70] : memref<160000xi32, #tpu.memory_space<hbm>> -> memref<80xi32, #tpu.memory_space<hbm>>
    %dma_start3A_88 = tpu.memref_slice %arg16[%dma_start3A_83] : memref<8x!tpu.dma_semaphore, #tpu.memory_space<semaphore_mem>> -> memref<1x!tpu.dma_semaphore, #tpu.memory_space<semaphore_mem>>
    %dma_start3A_89 = tpu.memref_squeeze %dma_start3A_88 : memref<1x!tpu.dma_semaphore, #tpu.memory_space<semaphore_mem>> -> memref<!tpu.dma_semaphore, #tpu.memory_space<semaphore_mem>>
    %dma_start3A_90 = arith.constant 0 : i32
    %dma_start3A_91 = tpu.memref_slice %arg10[%dma_start3A_82, %dma_start3A_90] : memref<8x80xi32, #tpu.memory_space<vmem>> -> memref<1x80xi32, #tpu.memory_space<vmem>>
    %dma_start3A_92 = tpu.memref_squeeze %dma_start3A_91 : memref<1x80xi32, #tpu.memory_space<vmem>> -> memref<80xi32, #tpu.memory_space<vmem>>
    %dma_start3A_93 = tpu.memref_slice %arg5[%add3A_70] : memref<160000xi32, #tpu.memory_space<hbm>> -> memref<80xi32, #tpu.memory_space<hbm>>
    tpu.enqueue_dma source(%dma_start3A_93 : memref<80xi32, #tpu.memory_space<hbm>>) target(%dma_start3A_92 : memref<80xi32, #tpu.memory_space<vmem>>) target_semaphore(%dma_start3A_89 : memref<!tpu.dma_semaphore, #tpu.memory_space<semaphore_mem>>)
    %mul3A_94 = arith.constant 10000 : i32
    %mul3A_95 = arith.muli %arg1, %mul3A_94 : i32
    %add3A_96 = arith.constant 80 : i32
    %add3A_97 = arith.addi %mul3A_95, %add3A_96 : i32
    %dma_start3A_98 = arith.constant 1 : i32
    %dma_start3A_99 = arith.constant 1 : i32
    %dma_start3A_100 = arith.constant 0 : i32
    %dma_start3A_101 = tpu.memref_slice %arg9[%dma_start3A_98, %dma_start3A_100] : memref<8x80xi32, #tpu.memory_space<vmem>> -> memref<1x80xi32, #tpu.memory_space<vmem>>
    %dma_start3A_102 = tpu.memref_squeeze %dma_start3A_101 : memref<1x80xi32, #tpu.memory_space<vmem>> -> memref<80xi32, #tpu.memory_space<vmem>>
    %dma_start3A_103 = tpu.memref_slice %arg4[%add3A_97] : memref<160000xi32, #tpu.memory_space<hbm>> -> memref<80xi32, #tpu.memory_space<hbm>>
    %dma_start3A_104 = tpu.memref_slice %arg16[%dma_start3A_99] : memref<8x!tpu.dma_semaphore, #tpu.memory_space<semaphore_mem>> -> memref<1x!tpu.dma_semaphore, #tpu.memory_space<semaphore_mem>>
    %dma_start3A_105 = tpu.memref_squeeze %dma_start3A_104 : memref<1x!tpu.dma_semaphore, #tpu.memory_space<semaphore_mem>> -> memref<!tpu.dma_semaphore, #tpu.memory_space<semaphore_mem>>
    %dma_start3A_106 = arith.constant 0 : i32
    %dma_start3A_107 = tpu.memref_slice %arg9[%dma_start3A_98, %dma_start3A_106] : memref<8x80xi32, #tpu.memory_space<vmem>> -> memref<1x80xi32, #tpu.memory_space<vmem>>
    %dma_start3A_108 = tpu.memref_squeeze %dma_start3A_107 : memref<1x80xi32, #tpu.memory_space<vmem>> -> memref<80xi32, #tpu.memory_space<vmem>>
    %dma_start3A_109 = tpu.memref_slice %arg4[%add3A_97] : memref<160000xi32, #tpu.memory_space<hbm>> -> memref<80xi32, #tpu.memory_space<hbm>>
    tpu.enqueue_dma source(%dma_start3A_109 : memref<80xi32, #tpu.memory_space<hbm>>) target(%dma_start3A_108 : memref<80xi32, #tpu.memory_space<vmem>>) target_semaphore(%dma_start3A_105 : memref<!tpu.dma_semaphore, #tpu.memory_space<semaphore_mem>>)
    %dma_start3A_110 = arith.constant 1 : i32
    %dma_start3A_111 = arith.constant 1 : i32
    %dma_start3A_112 = arith.constant 0 : i32
    %dma_start3A_113 = tpu.memref_slice %arg10[%dma_start3A_110, %dma_start3A_112] : memref<8x80xi32, #tpu.memory_space<vmem>> -> memref<1x80xi32, #tpu.memory_space<vmem>>
    %dma_start3A_114 = tpu.memref_squeeze %dma_start3A_113 : memref<1x80xi32, #tpu.memory_space<vmem>> -> memref<80xi32, #tpu.memory_space<vmem>>
    %dma_start3A_115 = tpu.memref_slice %arg5[%add3A_97] : memref<160000xi32, #tpu.memory_space<hbm>> -> memref<80xi32, #tpu.memory_space<hbm>>
    %dma_start3A_116 = tpu.memref_slice %arg16[%dma_start3A_111] : memref<8x!tpu.dma_semaphore, #tpu.memory_space<semaphore_mem>> -> memref<1x!tpu.dma_semaphore, #tpu.memory_space<semaphore_mem>>
    %dma_start3A_117 = tpu.memref_squeeze %dma_start3A_116 : memref<1x!tpu.dma_semaphore, #tpu.memory_space<semaphore_mem>> -> memref<!tpu.dma_semaphore, #tpu.memory_space<semaphore_mem>>
    %dma_start3A_118 = arith.constant 0 : i32
    %dma_start3A_119 = tpu.memref_slice %arg10[%dma_start3A_110, %dma_start3A_118] : memref<8x80xi32, #tpu.memory_space<vmem>> -> memref<1x80xi32, #tpu.memory_space<vmem>>
    %dma_start3A_120 = tpu.memref_squeeze %dma_start3A_119 : memref<1x80xi32, #tpu.memory_space<vmem>> -> memref<80xi32, #tpu.memory_space<vmem>>
    %dma_start3A_121 = tpu.memref_slice %arg5[%add3A_97] : memref<160000xi32, #tpu.memory_space<hbm>> -> memref<80xi32, #tpu.memory_space<hbm>>
    tpu.enqueue_dma source(%dma_start3A_121 : memref<80xi32, #tpu.memory_space<hbm>>) target(%dma_start3A_120 : memref<80xi32, #tpu.memory_space<vmem>>) target_semaphore(%dma_start3A_117 : memref<!tpu.dma_semaphore, #tpu.memory_space<semaphore_mem>>)
    %mul3A_122 = arith.constant 10000 : i32
    %mul3A_123 = arith.muli %arg1, %mul3A_122 : i32
    %add3A_124 = arith.constant 160 : i32
    %add3A_125 = arith.addi %mul3A_123, %add3A_124 : i32
    %dma_start3A_126 = arith.constant 2 : i32
    %dma_start3A_127 = arith.constant 2 : i32
    %dma_start3A_128 = arith.constant 0 : i32
    %dma_start3A_129 = tpu.memref_slice %arg9[%dma_start3A_126, %dma_start3A_128] : memref<8x80xi32, #tpu.memory_space<vmem>> -> memref<1x80xi32, #tpu.memory_space<vmem>>
    %dma_start3A_130 = tpu.memref_squeeze %dma_start3A_129 : memref<1x80xi32, #tpu.memory_space<vmem>> -> memref<80xi32, #tpu.memory_space<vmem>>
    %dma_start3A_131 = tpu.memref_slice %arg4[%add3A_125] : memref<160000xi32, #tpu.memory_space<hbm>> -> memref<80xi32, #tpu.memory_space<hbm>>
    %dma_start3A_132 = tpu.memref_slice %arg16[%dma_start3A_127] : memref<8x!tpu.dma_semaphore, #tpu.memory_space<semaphore_mem>> -> memref<1x!tpu.dma_semaphore, #tpu.memory_space<semaphore_mem>>
    %dma_start3A_133 = tpu.memref_squeeze %dma_start3A_132 : memref<1x!tpu.dma_semaphore, #tpu.memory_space<semaphore_mem>> -> memref<!tpu.dma_semaphore, #tpu.memory_space<semaphore_mem>>
    %dma_start3A_134 = arith.constant 0 : i32
    %dma_start3A_135 = tpu.memref_slice %arg9[%dma_start3A_126, %dma_start3A_134] : memref<8x80xi32, #tpu.memory_space<vmem>> -> memref<1x80xi32, #tpu.memory_space<vmem>>
    %dma_start3A_136 = tpu.memref_squeeze %dma_start3A_135 : memref<1x80xi32, #tpu.memory_space<vmem>> -> memref<80xi32, #tpu.memory_space<vmem>>
    %dma_start3A_137 = tpu.memref_slice %arg4[%add3A_125] : memref<160000xi32, #tpu.memory_space<hbm>> -> memref<80xi32, #tpu.memory_space<hbm>>
    tpu.enqueue_dma source(%dma_start3A_137 : memref<80xi32, #tpu.memory_space<hbm>>) target(%dma_start3A_136 : memref<80xi32, #tpu.memory_space<vmem>>) target_semaphore(%dma_start3A_133 : memref<!tpu.dma_semaphore, #tpu.memory_space<semaphore_mem>>)
    %dma_start3A_138 = arith.constant 2 : i32
    %dma_start3A_139 = arith.constant 2 : i32
    %dma_start3A_140 = arith.constant 0 : i32
    %dma_start3A_141 = tpu.memref_slice %arg10[%dma_start3A_138, %dma_start3A_140] : memref<8x80xi32, #tpu.memory_space<vmem>> -> memref<1x80xi32, #tpu.memory_space<vmem>>
    %dma_start3A_142 = tpu.memref_squeeze %dma_start3A_141 : memref<1x80xi32, #tpu.memory_space<vmem>> -> memref<80xi32, #tpu.memory_space<vmem>>
    %dma_start3A_143 = tpu.memref_slice %arg5[%add3A_125] : memref<160000xi32, #tpu.memory_space<hbm>> -> memref<80xi32, #tpu.memory_space<hbm>>
    %dma_start3A_144 = tpu.memref_slice %arg16[%dma_start3A_139] : memref<8x!tpu.dma_semaphore, #tpu.memory_space<semaphore_mem>> -> memref<1x!tpu.dma_semaphore, #tpu.memory_space<semaphore_mem>>
    %dma_start3A_145 = tpu.memref_squeeze %dma_start3A_144 : memref<1x!tpu.dma_semaphore, #tpu.memory_space<semaphore_mem>> -> memref<!tpu.dma_semaphore, #tpu.memory_space<semaphore_mem>>
    %dma_start3A_146 = arith.constant 0 : i32
    %dma_start3A_147 = tpu.memref_slice %arg10[%dma_start3A_138, %dma_start3A_146] : memref<8x80xi32, #tpu.memory_space<vmem>> -> memref<1x80xi32, #tpu.memory_space<vmem>>
    %dma_start3A_148 = tpu.memref_squeeze %dma_start3A_147 : memref<1x80xi32, #tpu.memory_space<vmem>> -> memref<80xi32, #tpu.memory_space<vmem>>
    %dma_start3A_149 = tpu.memref_slice %arg5[%add3A_125] : memref<160000xi32, #tpu.memory_space<hbm>> -> memref<80xi32, #tpu.memory_space<hbm>>
    tpu.enqueue_dma source(%dma_start3A_149 : memref<80xi32, #tpu.memory_space<hbm>>) target(%dma_start3A_148 : memref<80xi32, #tpu.memory_space<vmem>>) target_semaphore(%dma_start3A_145 : memref<!tpu.dma_semaphore, #tpu.memory_space<semaphore_mem>>)
    %mul3A_150 = arith.constant 10000 : i32
    %mul3A_151 = arith.muli %arg1, %mul3A_150 : i32
    %add3A_152 = arith.constant 240 : i32
    %add3A_153 = arith.addi %mul3A_151, %add3A_152 : i32
    %dma_start3A_154 = arith.constant 3 : i32
    %dma_start3A_155 = arith.constant 3 : i32
    %dma_start3A_156 = arith.constant 0 : i32
    %dma_start3A_157 = tpu.memref_slice %arg9[%dma_start3A_154, %dma_start3A_156] : memref<8x80xi32, #tpu.memory_space<vmem>> -> memref<1x80xi32, #tpu.memory_space<vmem>>
    %dma_start3A_158 = tpu.memref_squeeze %dma_start3A_157 : memref<1x80xi32, #tpu.memory_space<vmem>> -> memref<80xi32, #tpu.memory_space<vmem>>
    %dma_start3A_159 = tpu.memref_slice %arg4[%add3A_153] : memref<160000xi32, #tpu.memory_space<hbm>> -> memref<80xi32, #tpu.memory_space<hbm>>
    %dma_start3A_160 = tpu.memref_slice %arg16[%dma_start3A_155] : memref<8x!tpu.dma_semaphore, #tpu.memory_space<semaphore_mem>> -> memref<1x!tpu.dma_semaphore, #tpu.memory_space<semaphore_mem>>
    %dma_start3A_161 = tpu.memref_squeeze %dma_start3A_160 : memref<1x!tpu.dma_semaphore, #tpu.memory_space<semaphore_mem>> -> memref<!tpu.dma_semaphore, #tpu.memory_space<semaphore_mem>>
    %dma_start3A_162 = arith.constant 0 : i32
    %dma_start3A_163 = tpu.memref_slice %arg9[%dma_start3A_154, %dma_start3A_162] : memref<8x80xi32, #tpu.memory_space<vmem>> -> memref<1x80xi32, #tpu.memory_space<vmem>>
    %dma_start3A_164 = tpu.memref_squeeze %dma_start3A_163 : memref<1x80xi32, #tpu.memory_space<vmem>> -> memref<80xi32, #tpu.memory_space<vmem>>
    %dma_start3A_165 = tpu.memref_slice %arg4[%add3A_153] : memref<160000xi32, #tpu.memory_space<hbm>> -> memref<80xi32, #tpu.memory_space<hbm>>
    tpu.enqueue_dma source(%dma_start3A_165 : memref<80xi32, #tpu.memory_space<hbm>>) target(%dma_start3A_164 : memref<80xi32, #tpu.memory_space<vmem>>) target_semaphore(%dma_start3A_161 : memref<!tpu.dma_semaphore, #tpu.memory_space<semaphore_mem>>)
    %dma_start3A_166 = arith.constant 3 : i32
    %dma_start3A_167 = arith.constant 3 : i32
    %dma_start3A_168 = arith.constant 0 : i32
    %dma_start3A_169 = tpu.memref_slice %arg10[%dma_start3A_166, %dma_start3A_168] : memref<8x80xi32, #tpu.memory_space<vmem>> -> memref<1x80xi32, #tpu.memory_space<vmem>>
    %dma_start3A_170 = tpu.memref_squeeze %dma_start3A_169 : memref<1x80xi32, #tpu.memory_space<vmem>> -> memref<80xi32, #tpu.memory_space<vmem>>
    %dma_start3A_171 = tpu.memref_slice %arg5[%add3A_153] : memref<160000xi32, #tpu.memory_space<hbm>> -> memref<80xi32, #tpu.memory_space<hbm>>
    %dma_start3A_172 = tpu.memref_slice %arg16[%dma_start3A_167] : memref<8x!tpu.dma_semaphore, #tpu.memory_space<semaphore_mem>> -> memref<1x!tpu.dma_semaphore, #tpu.memory_space<semaphore_mem>>
    %dma_start3A_173 = tpu.memref_squeeze %dma_start3A_172 : memref<1x!tpu.dma_semaphore, #tpu.memory_space<semaphore_mem>> -> memref<!tpu.dma_semaphore, #tpu.memory_space<semaphore_mem>>
    %dma_start3A_174 = arith.constant 0 : i32
    %dma_start3A_175 = tpu.memref_slice %arg10[%dma_start3A_166, %dma_start3A_174] : memref<8x80xi32, #tpu.memory_space<vmem>> -> memref<1x80xi32, #tpu.memory_space<vmem>>
    %dma_start3A_176 = tpu.memref_squeeze %dma_start3A_175 : memref<1x80xi32, #tpu.memory_space<vmem>> -> memref<80xi32, #tpu.memory_space<vmem>>
    %dma_start3A_177 = tpu.memref_slice %arg5[%add3A_153] : memref<160000xi32, #tpu.memory_space<hbm>> -> memref<80xi32, #tpu.memory_space<hbm>>
    tpu.enqueue_dma source(%dma_start3A_177 : memref<80xi32, #tpu.memory_space<hbm>>) target(%dma_start3A_176 : memref<80xi32, #tpu.memory_space<vmem>>) target_semaphore(%dma_start3A_173 : memref<!tpu.dma_semaphore, #tpu.memory_space<semaphore_mem>>)
    %mul3A_178 = arith.constant 10000 : i32
    %mul3A_179 = arith.muli %arg1, %mul3A_178 : i32
    %add3A_180 = arith.constant 320 : i32
    %add3A_181 = arith.addi %mul3A_179, %add3A_180 : i32
    %dma_start3A_182 = arith.constant 4 : i32
    %dma_start3A_183 = arith.constant 4 : i32
    %dma_start3A_184 = arith.constant 0 : i32
    %dma_start3A_185 = tpu.memref_slice %arg9[%dma_start3A_182, %dma_start3A_184] : memref<8x80xi32, #tpu.memory_space<vmem>> -> memref<1x80xi32, #tpu.memory_space<vmem>>
    %dma_start3A_186 = tpu.memref_squeeze %dma_start3A_185 : memref<1x80xi32, #tpu.memory_space<vmem>> -> memref<80xi32, #tpu.memory_space<vmem>>
    %dma_start3A_187 = tpu.memref_slice %arg4[%add3A_181] : memref<160000xi32, #tpu.memory_space<hbm>> -> memref<80xi32, #tpu.memory_space<hbm>>
    %dma_start3A_188 = tpu.memref_slice %arg16[%dma_start3A_183] : memref<8x!tpu.dma_semaphore, #tpu.memory_space<semaphore_mem>> -> memref<1x!tpu.dma_semaphore, #tpu.memory_space<semaphore_mem>>
    %dma_start3A_189 = tpu.memref_squeeze %dma_start3A_188 : memref<1x!tpu.dma_semaphore, #tpu.memory_space<semaphore_mem>> -> memref<!tpu.dma_semaphore, #tpu.memory_space<semaphore_mem>>
    %dma_start3A_190 = arith.constant 0 : i32
    %dma_start3A_191 = tpu.memref_slice %arg9[%dma_start3A_182, %dma_start3A_190] : memref<8x80xi32, #tpu.memory_space<vmem>> -> memref<1x80xi32, #tpu.memory_space<vmem>>
    %dma_start3A_192 = tpu.memref_squeeze %dma_start3A_191 : memref<1x80xi32, #tpu.memory_space<vmem>> -> memref<80xi32, #tpu.memory_space<vmem>>
    %dma_start3A_193 = tpu.memref_slice %arg4[%add3A_181] : memref<160000xi32, #tpu.memory_space<hbm>> -> memref<80xi32, #tpu.memory_space<hbm>>
    tpu.enqueue_dma source(%dma_start3A_193 : memref<80xi32, #tpu.memory_space<hbm>>) target(%dma_start3A_192 : memref<80xi32, #tpu.memory_space<vmem>>) target_semaphore(%dma_start3A_189 : memref<!tpu.dma_semaphore, #tpu.memory_space<semaphore_mem>>)
    %dma_start3A_194 = arith.constant 4 : i32
    %dma_start3A_195 = arith.constant 4 : i32
    %dma_start3A_196 = arith.constant 0 : i32
    %dma_start3A_197 = tpu.memref_slice %arg10[%dma_start3A_194, %dma_start3A_196] : memref<8x80xi32, #tpu.memory_space<vmem>> -> memref<1x80xi32, #tpu.memory_space<vmem>>
    %dma_start3A_198 = tpu.memref_squeeze %dma_start3A_197 : memref<1x80xi32, #tpu.memory_space<vmem>> -> memref<80xi32, #tpu.memory_space<vmem>>
    %dma_start3A_199 = tpu.memref_slice %arg5[%add3A_181] : memref<160000xi32, #tpu.memory_space<hbm>> -> memref<80xi32, #tpu.memory_space<hbm>>
    %dma_start3A_200 = tpu.memref_slice %arg16[%dma_start3A_195] : memref<8x!tpu.dma_semaphore, #tpu.memory_space<semaphore_mem>> -> memref<1x!tpu.dma_semaphore, #tpu.memory_space<semaphore_mem>>
    %dma_start3A_201 = tpu.memref_squeeze %dma_start3A_200 : memref<1x!tpu.dma_semaphore, #tpu.memory_space<semaphore_mem>> -> memref<!tpu.dma_semaphore, #tpu.memory_space<semaphore_mem>>
    %dma_start3A_202 = arith.constant 0 : i32
    %dma_start3A_203 = tpu.memref_slice %arg10[%dma_start3A_194, %dma_start3A_202] : memref<8x80xi32, #tpu.memory_space<vmem>> -> memref<1x80xi32, #tpu.memory_space<vmem>>
    %dma_start3A_204 = tpu.memref_squeeze %dma_start3A_203 : memref<1x80xi32, #tpu.memory_space<vmem>> -> memref<80xi32, #tpu.memory_space<vmem>>
    %dma_start3A_205 = tpu.memref_slice %arg5[%add3A_181] : memref<160000xi32, #tpu.memory_space<hbm>> -> memref<80xi32, #tpu.memory_space<hbm>>
    tpu.enqueue_dma source(%dma_start3A_205 : memref<80xi32, #tpu.memory_space<hbm>>) target(%dma_start3A_204 : memref<80xi32, #tpu.memory_space<vmem>>) target_semaphore(%dma_start3A_201 : memref<!tpu.dma_semaphore, #tpu.memory_space<semaphore_mem>>)
    %mul3A_206 = arith.constant 10000 : i32
    %mul3A_207 = arith.muli %arg1, %mul3A_206 : i32
    %add3A_208 = arith.constant 400 : i32
    %add3A_209 = arith.addi %mul3A_207, %add3A_208 : i32
    %dma_start3A_210 = arith.constant 5 : i32
    %dma_start3A_211 = arith.constant 5 : i32
    %dma_start3A_212 = arith.constant 0 : i32
    %dma_start3A_213 = tpu.memref_slice %arg9[%dma_start3A_210, %dma_start3A_212] : memref<8x80xi32, #tpu.memory_space<vmem>> -> memref<1x80xi32, #tpu.memory_space<vmem>>
    %dma_start3A_214 = tpu.memref_squeeze %dma_start3A_213 : memref<1x80xi32, #tpu.memory_space<vmem>> -> memref<80xi32, #tpu.memory_space<vmem>>
    %dma_start3A_215 = tpu.memref_slice %arg4[%add3A_209] : memref<160000xi32, #tpu.memory_space<hbm>> -> memref<80xi32, #tpu.memory_space<hbm>>
    %dma_start3A_216 = tpu.memref_slice %arg16[%dma_start3A_211] : memref<8x!tpu.dma_semaphore, #tpu.memory_space<semaphore_mem>> -> memref<1x!tpu.dma_semaphore, #tpu.memory_space<semaphore_mem>>
    %dma_start3A_217 = tpu.memref_squeeze %dma_start3A_216 : memref<1x!tpu.dma_semaphore, #tpu.memory_space<semaphore_mem>> -> memref<!tpu.dma_semaphore, #tpu.memory_space<semaphore_mem>>
    %dma_start3A_218 = arith.constant 0 : i32
    %dma_start3A_219 = tpu.memref_slice %arg9[%dma_start3A_210, %dma_start3A_218] : memref<8x80xi32, #tpu.memory_space<vmem>> -> memref<1x80xi32, #tpu.memory_space<vmem>>
    %dma_start3A_220 = tpu.memref_squeeze %dma_start3A_219 : memref<1x80xi32, #tpu.memory_space<vmem>> -> memref<80xi32, #tpu.memory_space<vmem>>
    %dma_start3A_221 = tpu.memref_slice %arg4[%add3A_209] : memref<160000xi32, #tpu.memory_space<hbm>> -> memref<80xi32, #tpu.memory_space<hbm>>
    tpu.enqueue_dma source(%dma_start3A_221 : memref<80xi32, #tpu.memory_space<hbm>>) target(%dma_start3A_220 : memref<80xi32, #tpu.memory_space<vmem>>) target_semaphore(%dma_start3A_217 : memref<!tpu.dma_semaphore, #tpu.memory_space<semaphore_mem>>)
    %dma_start3A_222 = arith.constant 5 : i32
    %dma_start3A_223 = arith.constant 5 : i32
    %dma_start3A_224 = arith.constant 0 : i32
    %dma_start3A_225 = tpu.memref_slice %arg10[%dma_start3A_222, %dma_start3A_224] : memref<8x80xi32, #tpu.memory_space<vmem>> -> memref<1x80xi32, #tpu.memory_space<vmem>>
    %dma_start3A_226 = tpu.memref_squeeze %dma_start3A_225 : memref<1x80xi32, #tpu.memory_space<vmem>> -> memref<80xi32, #tpu.memory_space<vmem>>
    %dma_start3A_227 = tpu.memref_slice %arg5[%add3A_209] : memref<160000xi32, #tpu.memory_space<hbm>> -> memref<80xi32, #tpu.memory_space<hbm>>
    %dma_start3A_228 = tpu.memref_slice %arg16[%dma_start3A_223] : memref<8x!tpu.dma_semaphore, #tpu.memory_space<semaphore_mem>> -> memref<1x!tpu.dma_semaphore, #tpu.memory_space<semaphore_mem>>
    %dma_start3A_229 = tpu.memref_squeeze %dma_start3A_228 : memref<1x!tpu.dma_semaphore, #tpu.memory_space<semaphore_mem>> -> memref<!tpu.dma_semaphore, #tpu.memory_space<semaphore_mem>>
    %dma_start3A_230 = arith.constant 0 : i32
    %dma_start3A_231 = tpu.memref_slice %arg10[%dma_start3A_222, %dma_start3A_230] : memref<8x80xi32, #tpu.memory_space<vmem>> -> memref<1x80xi32, #tpu.memory_space<vmem>>
    %dma_start3A_232 = tpu.memref_squeeze %dma_start3A_231 : memref<1x80xi32, #tpu.memory_space<vmem>> -> memref<80xi32, #tpu.memory_space<vmem>>
    %dma_start3A_233 = tpu.memref_slice %arg5[%add3A_209] : memref<160000xi32, #tpu.memory_space<hbm>> -> memref<80xi32, #tpu.memory_space<hbm>>
    tpu.enqueue_dma source(%dma_start3A_233 : memref<80xi32, #tpu.memory_space<hbm>>) target(%dma_start3A_232 : memref<80xi32, #tpu.memory_space<vmem>>) target_semaphore(%dma_start3A_229 : memref<!tpu.dma_semaphore, #tpu.memory_space<semaphore_mem>>)
    %mul3A_234 = arith.constant 10000 : i32
    %mul3A_235 = arith.muli %arg1, %mul3A_234 : i32
    %add3A_236 = arith.constant 480 : i32
    %add3A_237 = arith.addi %mul3A_235, %add3A_236 : i32
    %dma_start3A_238 = arith.constant 6 : i32
    %dma_start3A_239 = arith.constant 6 : i32
    %dma_start3A_240 = arith.constant 0 : i32
    %dma_start3A_241 = tpu.memref_slice %arg9[%dma_start3A_238, %dma_start3A_240] : memref<8x80xi32, #tpu.memory_space<vmem>> -> memref<1x80xi32, #tpu.memory_space<vmem>>
    %dma_start3A_242 = tpu.memref_squeeze %dma_start3A_241 : memref<1x80xi32, #tpu.memory_space<vmem>> -> memref<80xi32, #tpu.memory_space<vmem>>
    %dma_start3A_243 = tpu.memref_slice %arg4[%add3A_237] : memref<160000xi32, #tpu.memory_space<hbm>> -> memref<80xi32, #tpu.memory_space<hbm>>
    %dma_start3A_244 = tpu.memref_slice %arg16[%dma_start3A_239] : memref<8x!tpu.dma_semaphore, #tpu.memory_space<semaphore_mem>> -> memref<1x!tpu.dma_semaphore, #tpu.memory_space<semaphore_mem>>
    %dma_start3A_245 = tpu.memref_squeeze %dma_start3A_244 : memref<1x!tpu.dma_semaphore, #tpu.memory_space<semaphore_mem>> -> memref<!tpu.dma_semaphore, #tpu.memory_space<semaphore_mem>>
    %dma_start3A_246 = arith.constant 0 : i32
    %dma_start3A_247 = tpu.memref_slice %arg9[%dma_start3A_238, %dma_start3A_246] : memref<8x80xi32, #tpu.memory_space<vmem>> -> memref<1x80xi32, #tpu.memory_space<vmem>>
    %dma_start3A_248 = tpu.memref_squeeze %dma_start3A_247 : memref<1x80xi32, #tpu.memory_space<vmem>> -> memref<80xi32, #tpu.memory_space<vmem>>
    %dma_start3A_249 = tpu.memref_slice %arg4[%add3A_237] : memref<160000xi32, #tpu.memory_space<hbm>> -> memref<80xi32, #tpu.memory_space<hbm>>
    tpu.enqueue_dma source(%dma_start3A_249 : memref<80xi32, #tpu.memory_space<hbm>>) target(%dma_start3A_248 : memref<80xi32, #tpu.memory_space<vmem>>) target_semaphore(%dma_start3A_245 : memref<!tpu.dma_semaphore, #tpu.memory_space<semaphore_mem>>)
    %dma_start3A_250 = arith.constant 6 : i32
    %dma_start3A_251 = arith.constant 6 : i32
    %dma_start3A_252 = arith.constant 0 : i32
    %dma_start3A_253 = tpu.memref_slice %arg10[%dma_start3A_250, %dma_start3A_252] : memref<8x80xi32, #tpu.memory_space<vmem>> -> memref<1x80xi32, #tpu.memory_space<vmem>>
    %dma_start3A_254 = tpu.memref_squeeze %dma_start3A_253 : memref<1x80xi32, #tpu.memory_space<vmem>> -> memref<80xi32, #tpu.memory_space<vmem>>
    %dma_start3A_255 = tpu.memref_slice %arg5[%add3A_237] : memref<160000xi32, #tpu.memory_space<hbm>> -> memref<80xi32, #tpu.memory_space<hbm>>
    %dma_start3A_256 = tpu.memref_slice %arg16[%dma_start3A_251] : memref<8x!tpu.dma_semaphore, #tpu.memory_space<semaphore_mem>> -> memref<1x!tpu.dma_semaphore, #tpu.memory_space<semaphore_mem>>
    %dma_start3A_257 = tpu.memref_squeeze %dma_start3A_256 : memref<1x!tpu.dma_semaphore, #tpu.memory_space<semaphore_mem>> -> memref<!tpu.dma_semaphore, #tpu.memory_space<semaphore_mem>>
    %dma_start3A_258 = arith.constant 0 : i32
    %dma_start3A_259 = tpu.memref_slice %arg10[%dma_start3A_250, %dma_start3A_258] : memref<8x80xi32, #tpu.memory_space<vmem>> -> memref<1x80xi32, #tpu.memory_space<vmem>>
    %dma_start3A_260 = tpu.memref_squeeze %dma_start3A_259 : memref<1x80xi32, #tpu.memory_space<vmem>> -> memref<80xi32, #tpu.memory_space<vmem>>
    %dma_start3A_261 = tpu.memref_slice %arg5[%add3A_237] : memref<160000xi32, #tpu.memory_space<hbm>> -> memref<80xi32, #tpu.memory_space<hbm>>
    tpu.enqueue_dma source(%dma_start3A_261 : memref<80xi32, #tpu.memory_space<hbm>>) target(%dma_start3A_260 : memref<80xi32, #tpu.memory_space<vmem>>) target_semaphore(%dma_start3A_257 : memref<!tpu.dma_semaphore, #tpu.memory_space<semaphore_mem>>)
    %mul3A_262 = arith.constant 10000 : i32
    %mul3A_263 = arith.muli %arg1, %mul3A_262 : i32
    %add3A_264 = arith.constant 560 : i32
    %add3A_265 = arith.addi %mul3A_263, %add3A_264 : i32
    %dma_start3A_266 = arith.constant 7 : i32
    %dma_start3A_267 = arith.constant 7 : i32
    %dma_start3A_268 = arith.constant 0 : i32
    %dma_start3A_269 = tpu.memref_slice %arg9[%dma_start3A_266, %dma_start3A_268] : memref<8x80xi32, #tpu.memory_space<vmem>> -> memref<1x80xi32, #tpu.memory_space<vmem>>
    %dma_start3A_270 = tpu.memref_squeeze %dma_start3A_269 : memref<1x80xi32, #tpu.memory_space<vmem>> -> memref<80xi32, #tpu.memory_space<vmem>>
    %dma_start3A_271 = tpu.memref_slice %arg4[%add3A_265] : memref<160000xi32, #tpu.memory_space<hbm>> -> memref<80xi32, #tpu.memory_space<hbm>>
    %dma_start3A_272 = tpu.memref_slice %arg16[%dma_start3A_267] : memref<8x!tpu.dma_semaphore, #tpu.memory_space<semaphore_mem>> -> memref<1x!tpu.dma_semaphore, #tpu.memory_space<semaphore_mem>>
    %dma_start3A_273 = tpu.memref_squeeze %dma_start3A_272 : memref<1x!tpu.dma_semaphore, #tpu.memory_space<semaphore_mem>> -> memref<!tpu.dma_semaphore, #tpu.memory_space<semaphore_mem>>
    %dma_start3A_274 = arith.constant 0 : i32
    %dma_start3A_275 = tpu.memref_slice %arg9[%dma_start3A_266, %dma_start3A_274] : memref<8x80xi32, #tpu.memory_space<vmem>> -> memref<1x80xi32, #tpu.memory_space<vmem>>
    %dma_start3A_276 = tpu.memref_squeeze %dma_start3A_275 : memref<1x80xi32, #tpu.memory_space<vmem>> -> memref<80xi32, #tpu.memory_space<vmem>>
    %dma_start3A_277 = tpu.memref_slice %arg4[%add3A_265] : memref<160000xi32, #tpu.memory_space<hbm>> -> memref<80xi32, #tpu.memory_space<hbm>>
    tpu.enqueue_dma source(%dma_start3A_277 : memref<80xi32, #tpu.memory_space<hbm>>) target(%dma_start3A_276 : memref<80xi32, #tpu.memory_space<vmem>>) target_semaphore(%dma_start3A_273 : memref<!tpu.dma_semaphore, #tpu.memory_space<semaphore_mem>>)
    %dma_start3A_278 = arith.constant 7 : i32
    %dma_start3A_279 = arith.constant 7 : i32
    %dma_start3A_280 = arith.constant 0 : i32
    %dma_start3A_281 = tpu.memref_slice %arg10[%dma_start3A_278, %dma_start3A_280] : memref<8x80xi32, #tpu.memory_space<vmem>> -> memref<1x80xi32, #tpu.memory_space<vmem>>
    %dma_start3A_282 = tpu.memref_squeeze %dma_start3A_281 : memref<1x80xi32, #tpu.memory_space<vmem>> -> memref<80xi32, #tpu.memory_space<vmem>>
    %dma_start3A_283 = tpu.memref_slice %arg5[%add3A_265] : memref<160000xi32, #tpu.memory_space<hbm>> -> memref<80xi32, #tpu.memory_space<hbm>>
    %dma_start3A_284 = tpu.memref_slice %arg16[%dma_start3A_279] : memref<8x!tpu.dma_semaphore, #tpu.memory_space<semaphore_mem>> -> memref<1x!tpu.dma_semaphore, #tpu.memory_space<semaphore_mem>>
    %dma_start3A_285 = tpu.memref_squeeze %dma_start3A_284 : memref<1x!tpu.dma_semaphore, #tpu.memory_space<semaphore_mem>> -> memref<!tpu.dma_semaphore, #tpu.memory_space<semaphore_mem>>
    %dma_start3A_286 = arith.constant 0 : i32
    %dma_start3A_287 = tpu.memref_slice %arg10[%dma_start3A_278, %dma_start3A_286] : memref<8x80xi32, #tpu.memory_space<vmem>> -> memref<1x80xi32, #tpu.memory_space<vmem>>
    %dma_start3A_288 = tpu.memref_squeeze %dma_start3A_287 : memref<1x80xi32, #tpu.memory_space<vmem>> -> memref<80xi32, #tpu.memory_space<vmem>>
    %dma_start3A_289 = tpu.memref_slice %arg5[%add3A_265] : memref<160000xi32, #tpu.memory_space<hbm>> -> memref<80xi32, #tpu.memory_space<hbm>>
    tpu.enqueue_dma source(%dma_start3A_289 : memref<80xi32, #tpu.memory_space<hbm>>) target(%dma_start3A_288 : memref<80xi32, #tpu.memory_space<vmem>>) target_semaphore(%dma_start3A_285 : memref<!tpu.dma_semaphore, #tpu.memory_space<semaphore_mem>>)
    %dma_wait3A = arith.constant 0 : i32
    %dma_wait3A_290 = arith.constant 0 : i32
    %dma_wait3A_291 = arith.constant 0 : i32
    %dma_wait3A_292 = tpu.memref_slice %arg9[%dma_wait3A, %dma_wait3A_291] : memref<8x80xi32, #tpu.memory_space<vmem>> -> memref<1x80xi32, #tpu.memory_space<vmem>>
    %dma_wait3A_293 = tpu.memref_squeeze %dma_wait3A_292 : memref<1x80xi32, #tpu.memory_space<vmem>> -> memref<80xi32, #tpu.memory_space<vmem>>
    %dma_wait3A_294 = arith.constant 0 : i32
    %dma_wait3A_295 = tpu.memref_slice %arg4[%dma_wait3A_294] : memref<160000xi32, #tpu.memory_space<hbm>> -> memref<80xi32, #tpu.memory_space<hbm>>
    %dma_wait3A_296 = tpu.memref_slice %arg16[%dma_wait3A_290] : memref<8x!tpu.dma_semaphore, #tpu.memory_space<semaphore_mem>> -> memref<1x!tpu.dma_semaphore, #tpu.memory_space<semaphore_mem>>
    %dma_wait3A_297 = tpu.memref_squeeze %dma_wait3A_296 : memref<1x!tpu.dma_semaphore, #tpu.memory_space<semaphore_mem>> -> memref<!tpu.dma_semaphore, #tpu.memory_space<semaphore_mem>>
    %dma_wait3A_298 = arith.constant 0 : i32
    %dma_wait3A_299 = tpu.memref_slice %arg9[%dma_wait3A, %dma_wait3A_298] : memref<8x80xi32, #tpu.memory_space<vmem>> -> memref<1x80xi32, #tpu.memory_space<vmem>>
    %dma_wait3A_300 = tpu.memref_squeeze %dma_wait3A_299 : memref<1x80xi32, #tpu.memory_space<vmem>> -> memref<80xi32, #tpu.memory_space<vmem>>
    %dma_wait3A_301 = arith.constant 0 : i32
    %dma_wait3A_302 = tpu.memref_slice %arg4[%dma_wait3A_301] : memref<160000xi32, #tpu.memory_space<hbm>> -> memref<80xi32, #tpu.memory_space<hbm>>
    tpu.wait_dma2 semaphore(%dma_wait3A_297 : memref<!tpu.dma_semaphore, #tpu.memory_space<semaphore_mem>>) src(%dma_wait3A_302 : memref<80xi32, #tpu.memory_space<hbm>>) dst(%dma_wait3A_300 : memref<80xi32, #tpu.memory_space<vmem>>)
    %dma_wait3A_303 = arith.constant 0 : i32
    %dma_wait3A_304 = arith.constant 0 : i32
    %dma_wait3A_305 = arith.constant 0 : i32
    %dma_wait3A_306 = tpu.memref_slice %arg10[%dma_wait3A_303, %dma_wait3A_305] : memref<8x80xi32, #tpu.memory_space<vmem>> -> memref<1x80xi32, #tpu.memory_space<vmem>>
    %dma_wait3A_307 = tpu.memref_squeeze %dma_wait3A_306 : memref<1x80xi32, #tpu.memory_space<vmem>> -> memref<80xi32, #tpu.memory_space<vmem>>
    %dma_wait3A_308 = arith.constant 0 : i32
    %dma_wait3A_309 = tpu.memref_slice %arg5[%dma_wait3A_308] : memref<160000xi32, #tpu.memory_space<hbm>> -> memref<80xi32, #tpu.memory_space<hbm>>
    %dma_wait3A_310 = tpu.memref_slice %arg16[%dma_wait3A_304] : memref<8x!tpu.dma_semaphore, #tpu.memory_space<semaphore_mem>> -> memref<1x!tpu.dma_semaphore, #tpu.memory_space<semaphore_mem>>
    %dma_wait3A_311 = tpu.memref_squeeze %dma_wait3A_310 : memref<1x!tpu.dma_semaphore, #tpu.memory_space<semaphore_mem>> -> memref<!tpu.dma_semaphore, #tpu.memory_space<semaphore_mem>>
    %dma_wait3A_312 = arith.constant 0 : i32
    %dma_wait3A_313 = tpu.memref_slice %arg10[%dma_wait3A_303, %dma_wait3A_312] : memref<8x80xi32, #tpu.memory_space<vmem>> -> memref<1x80xi32, #tpu.memory_space<vmem>>
    %dma_wait3A_314 = tpu.memref_squeeze %dma_wait3A_313 : memref<1x80xi32, #tpu.memory_space<vmem>> -> memref<80xi32, #tpu.memory_space<vmem>>
    %dma_wait3A_315 = arith.constant 0 : i32
    %dma_wait3A_316 = tpu.memref_slice %arg5[%dma_wait3A_315] : memref<160000xi32, #tpu.memory_space<hbm>> -> memref<80xi32, #tpu.memory_space<hbm>>
    tpu.wait_dma2 semaphore(%dma_wait3A_311 : memref<!tpu.dma_semaphore, #tpu.memory_space<semaphore_mem>>) src(%dma_wait3A_316 : memref<80xi32, #tpu.memory_space<hbm>>) dst(%dma_wait3A_314 : memref<80xi32, #tpu.memory_space<vmem>>)
    %eq3A_317 = arith.constant 0 : i32
    %eq3A_318 = arith.cmpi eq, %arg0, %eq3A_317 : i32
    %convert_element_type3A_319 = arith.extui %eq3A_318 : i1 to i32
    %cond3A_320 = arith.constant 0 : i32
    %cond3A_321 = arith.cmpi ne, %convert_element_type3A_319, %cond3A_320 : i32
    scf.if %cond3A_321 {
      %dma_start3A_421 = arith.constant 0 : i32
      %dma_start3A_422 = arith.constant 0 : i32
      %dma_start3A_423 = arith.constant 0 : i32
      %dma_start3A_424 = arith.constant 0 : i32
      %dma_start3A_425 = arith.constant 0 : i32
      %dma_start3A_426 = tpu.memref_slice %arg11[%dma_start3A_422, %dma_start3A_424, %dma_start3A_425] : memref<4x80x128xf32, #tpu.memory_space<vmem>> -> memref<1x80x128xf32, #tpu.memory_space<vmem>>
      %dma_start3A_427 = tpu.memref_squeeze %dma_start3A_426 : memref<1x80x128xf32, #tpu.memory_space<vmem>> -> memref<80x128xf32, #tpu.memory_space<vmem>>
      %dma_start3A_428 = arith.constant 0 : i32
      %dma_start3A_429 = tpu.memref_slice %arg9[%dma_start3A_421, %dma_start3A_428] : memref<8x80xi32, #tpu.memory_space<vmem>> -> memref<1x80xi32, #tpu.memory_space<vmem>>
      %dma_start3A_430 = tpu.memref_squeeze %dma_start3A_429 : memref<1x80xi32, #tpu.memory_space<vmem>> -> memref<80xi32, #tpu.memory_space<vmem>>
      %dma_start3A_431 = arith.constant 0 : i32
      %dma_start3A_432 = arith.constant 0 : i32
      %dma_start3A_433 = tpu.memref_slice %arg2[%dma_start3A_431, %dma_start3A_432] : memref<10000x128xf32, #tpu.memory_space<hbm>> -> memref<10000x128xf32, #tpu.memory_space<hbm>>
      %dma_start3A_434 = tpu.memref_slice %arg17[%dma_start3A_423] : memref<4x!tpu.dma_semaphore, #tpu.memory_space<semaphore_mem>> -> memref<1x!tpu.dma_semaphore, #tpu.memory_space<semaphore_mem>>
      %dma_start3A_435 = tpu.memref_squeeze %dma_start3A_434 : memref<1x!tpu.dma_semaphore, #tpu.memory_space<semaphore_mem>> -> memref<!tpu.dma_semaphore, #tpu.memory_space<semaphore_mem>>
      tpu.enqueue_indirect_dma source(%dma_start3A_433 : memref<10000x128xf32, #tpu.memory_space<hbm>>) target(%dma_start3A_427 : memref<80x128xf32, #tpu.memory_space<vmem>>) offsets(%dma_start3A_430 : memref<80xi32, #tpu.memory_space<vmem>>) semaphore(%dma_start3A_435 : memref<!tpu.dma_semaphore, #tpu.memory_space<semaphore_mem>>)
    } else {
    }
    %eq3A_322 = arith.constant 1 : i32
    %eq3A_323 = arith.cmpi eq, %arg0, %eq3A_322 : i32
    %convert_element_type3A_324 = arith.extui %eq3A_323 : i1 to i32
    %cond3A_325 = arith.constant 0 : i32
    %cond3A_326 = arith.cmpi ne, %convert_element_type3A_324, %cond3A_325 : i32
    scf.if %cond3A_326 {
      %dma_start3A_421 = arith.constant 0 : i32
      %dma_start3A_422 = arith.constant 0 : i32
      %dma_start3A_423 = arith.constant 0 : i32
      %dma_start3A_424 = arith.constant 0 : i32
      %dma_start3A_425 = arith.constant 0 : i32
      %dma_start3A_426 = tpu.memref_slice %arg11[%dma_start3A_422, %dma_start3A_424, %dma_start3A_425] : memref<4x80x128xf32, #tpu.memory_space<vmem>> -> memref<1x80x128xf32, #tpu.memory_space<vmem>>
      %dma_start3A_427 = tpu.memref_squeeze %dma_start3A_426 : memref<1x80x128xf32, #tpu.memory_space<vmem>> -> memref<80x128xf32, #tpu.memory_space<vmem>>
      %dma_start3A_428 = arith.constant 0 : i32
      %dma_start3A_429 = tpu.memref_slice %arg9[%dma_start3A_421, %dma_start3A_428] : memref<8x80xi32, #tpu.memory_space<vmem>> -> memref<1x80xi32, #tpu.memory_space<vmem>>
      %dma_start3A_430 = tpu.memref_squeeze %dma_start3A_429 : memref<1x80xi32, #tpu.memory_space<vmem>> -> memref<80xi32, #tpu.memory_space<vmem>>
      %dma_start3A_431 = arith.constant 0 : i32
      %dma_start3A_432 = arith.constant 0 : i32
      %dma_start3A_433 = tpu.memref_slice %arg3[%dma_start3A_431, %dma_start3A_432] : memref<10000x128xf32, #tpu.memory_space<hbm>> -> memref<10000x128xf32, #tpu.memory_space<hbm>>
      %dma_start3A_434 = tpu.memref_slice %arg17[%dma_start3A_423] : memref<4x!tpu.dma_semaphore, #tpu.memory_space<semaphore_mem>> -> memref<1x!tpu.dma_semaphore, #tpu.memory_space<semaphore_mem>>
      %dma_start3A_435 = tpu.memref_squeeze %dma_start3A_434 : memref<1x!tpu.dma_semaphore, #tpu.memory_space<semaphore_mem>> -> memref<!tpu.dma_semaphore, #tpu.memory_space<semaphore_mem>>
      tpu.enqueue_indirect_dma source(%dma_start3A_433 : memref<10000x128xf32, #tpu.memory_space<hbm>>) target(%dma_start3A_427 : memref<80x128xf32, #tpu.memory_space<vmem>>) offsets(%dma_start3A_430 : memref<80xi32, #tpu.memory_space<vmem>>) semaphore(%dma_start3A_435 : memref<!tpu.dma_semaphore, #tpu.memory_space<semaphore_mem>>)
    } else {
    }
    %dma_wait3A_327 = arith.constant 1 : i32
    %dma_wait3A_328 = arith.constant 1 : i32
    %dma_wait3A_329 = arith.constant 0 : i32
    %dma_wait3A_330 = tpu.memref_slice %arg9[%dma_wait3A_327, %dma_wait3A_329] : memref<8x80xi32, #tpu.memory_space<vmem>> -> memref<1x80xi32, #tpu.memory_space<vmem>>
    %dma_wait3A_331 = tpu.memref_squeeze %dma_wait3A_330 : memref<1x80xi32, #tpu.memory_space<vmem>> -> memref<80xi32, #tpu.memory_space<vmem>>
    %dma_wait3A_332 = arith.constant 0 : i32
    %dma_wait3A_333 = tpu.memref_slice %arg4[%dma_wait3A_332] : memref<160000xi32, #tpu.memory_space<hbm>> -> memref<80xi32, #tpu.memory_space<hbm>>
    %dma_wait3A_334 = tpu.memref_slice %arg16[%dma_wait3A_328] : memref<8x!tpu.dma_semaphore, #tpu.memory_space<semaphore_mem>> -> memref<1x!tpu.dma_semaphore, #tpu.memory_space<semaphore_mem>>
    %dma_wait3A_335 = tpu.memref_squeeze %dma_wait3A_334 : memref<1x!tpu.dma_semaphore, #tpu.memory_space<semaphore_mem>> -> memref<!tpu.dma_semaphore, #tpu.memory_space<semaphore_mem>>
    %dma_wait3A_336 = arith.constant 0 : i32
    %dma_wait3A_337 = tpu.memref_slice %arg9[%dma_wait3A_327, %dma_wait3A_336] : memref<8x80xi32, #tpu.memory_space<vmem>> -> memref<1x80xi32, #tpu.memory_space<vmem>>
    %dma_wait3A_338 = tpu.memref_squeeze %dma_wait3A_337 : memref<1x80xi32, #tpu.memory_space<vmem>> -> memref<80xi32, #tpu.memory_space<vmem>>
    %dma_wait3A_339 = arith.constant 0 : i32
    %dma_wait3A_340 = tpu.memref_slice %arg4[%dma_wait3A_339] : memref<160000xi32, #tpu.memory_space<hbm>> -> memref<80xi32, #tpu.memory_space<hbm>>
    tpu.wait_dma2 semaphore(%dma_wait3A_335 : memref<!tpu.dma_semaphore, #tpu.memory_space<semaphore_mem>>) src(%dma_wait3A_340 : memref<80xi32, #tpu.memory_space<hbm>>) dst(%dma_wait3A_338 : memref<80xi32, #tpu.memory_space<vmem>>)
    %dma_wait3A_341 = arith.constant 1 : i32
    %dma_wait3A_342 = arith.constant 1 : i32
    %dma_wait3A_343 = arith.constant 0 : i32
    %dma_wait3A_344 = tpu.memref_slice %arg10[%dma_wait3A_341, %dma_wait3A_343] : memref<8x80xi32, #tpu.memory_space<vmem>> -> memref<1x80xi32, #tpu.memory_space<vmem>>
    %dma_wait3A_345 = tpu.memref_squeeze %dma_wait3A_344 : memref<1x80xi32, #tpu.memory_space<vmem>> -> memref<80xi32, #tpu.memory_space<vmem>>
    %dma_wait3A_346 = arith.constant 0 : i32
    %dma_wait3A_347 = tpu.memref_slice %arg5[%dma_wait3A_346] : memref<160000xi32, #tpu.memory_space<hbm>> -> memref<80xi32, #tpu.memory_space<hbm>>
    %dma_wait3A_348 = tpu.memref_slice %arg16[%dma_wait3A_342] : memref<8x!tpu.dma_semaphore, #tpu.memory_space<semaphore_mem>> -> memref<1x!tpu.dma_semaphore, #tpu.memory_space<semaphore_mem>>
    %dma_wait3A_349 = tpu.memref_squeeze %dma_wait3A_348 : memref<1x!tpu.dma_semaphore, #tpu.memory_space<semaphore_mem>> -> memref<!tpu.dma_semaphore, #tpu.memory_space<semaphore_mem>>
    %dma_wait3A_350 = arith.constant 0 : i32
    %dma_wait3A_351 = tpu.memref_slice %arg10[%dma_wait3A_341, %dma_wait3A_350] : memref<8x80xi32, #tpu.memory_space<vmem>> -> memref<1x80xi32, #tpu.memory_space<vmem>>
    %dma_wait3A_352 = tpu.memref_squeeze %dma_wait3A_351 : memref<1x80xi32, #tpu.memory_space<vmem>> -> memref<80xi32, #tpu.memory_space<vmem>>
    %dma_wait3A_353 = arith.constant 0 : i32
    %dma_wait3A_354 = tpu.memref_slice %arg5[%dma_wait3A_353] : memref<160000xi32, #tpu.memory_space<hbm>> -> memref<80xi32, #tpu.memory_space<hbm>>
    tpu.wait_dma2 semaphore(%dma_wait3A_349 : memref<!tpu.dma_semaphore, #tpu.memory_space<semaphore_mem>>) src(%dma_wait3A_354 : memref<80xi32, #tpu.memory_space<hbm>>) dst(%dma_wait3A_352 : memref<80xi32, #tpu.memory_space<vmem>>)
    %eq3A_355 = arith.constant 0 : i32
    %eq3A_356 = arith.cmpi eq, %arg0, %eq3A_355 : i32
    %convert_element_type3A_357 = arith.extui %eq3A_356 : i1 to i32
    %cond3A_358 = arith.constant 0 : i32
    %cond3A_359 = arith.cmpi ne, %convert_element_type3A_357, %cond3A_358 : i32
    scf.if %cond3A_359 {
      %dma_start3A_421 = arith.constant 1 : i32
      %dma_start3A_422 = arith.constant 1 : i32
      %dma_start3A_423 = arith.constant 1 : i32
      %dma_start3A_424 = arith.constant 0 : i32
      %dma_start3A_425 = arith.constant 0 : i32
      %dma_start3A_426 = tpu.memref_slice %arg11[%dma_start3A_422, %dma_start3A_424, %dma_start3A_425] : memref<4x80x128xf32, #tpu.memory_space<vmem>> -> memref<1x80x128xf32, #tpu.memory_space<vmem>>
      %dma_start3A_427 = tpu.memref_squeeze %dma_start3A_426 : memref<1x80x128xf32, #tpu.memory_space<vmem>> -> memref<80x128xf32, #tpu.memory_space<vmem>>
      %dma_start3A_428 = arith.constant 0 : i32
      %dma_start3A_429 = tpu.memref_slice %arg9[%dma_start3A_421, %dma_start3A_428] : memref<8x80xi32, #tpu.memory_space<vmem>> -> memref<1x80xi32, #tpu.memory_space<vmem>>
      %dma_start3A_430 = tpu.memref_squeeze %dma_start3A_429 : memref<1x80xi32, #tpu.memory_space<vmem>> -> memref<80xi32, #tpu.memory_space<vmem>>
      %dma_start3A_431 = arith.constant 0 : i32
      %dma_start3A_432 = arith.constant 0 : i32
      %dma_start3A_433 = tpu.memref_slice %arg2[%dma_start3A_431, %dma_start3A_432] : memref<10000x128xf32, #tpu.memory_space<hbm>> -> memref<10000x128xf32, #tpu.memory_space<hbm>>
      %dma_start3A_434 = tpu.memref_slice %arg17[%dma_start3A_423] : memref<4x!tpu.dma_semaphore, #tpu.memory_space<semaphore_mem>> -> memref<1x!tpu.dma_semaphore, #tpu.memory_space<semaphore_mem>>
      %dma_start3A_435 = tpu.memref_squeeze %dma_start3A_434 : memref<1x!tpu.dma_semaphore, #tpu.memory_space<semaphore_mem>> -> memref<!tpu.dma_semaphore, #tpu.memory_space<semaphore_mem>>
      tpu.enqueue_indirect_dma source(%dma_start3A_433 : memref<10000x128xf32, #tpu.memory_space<hbm>>) target(%dma_start3A_427 : memref<80x128xf32, #tpu.memory_space<vmem>>) offsets(%dma_start3A_430 : memref<80xi32, #tpu.memory_space<vmem>>) semaphore(%dma_start3A_435 : memref<!tpu.dma_semaphore, #tpu.memory_space<semaphore_mem>>)
    } else {
    }
    %eq3A_360 = arith.constant 1 : i32
    %eq3A_361 = arith.cmpi eq, %arg0, %eq3A_360 : i32
    %convert_element_type3A_362 = arith.extui %eq3A_361 : i1 to i32
    %cond3A_363 = arith.constant 0 : i32
    %cond3A_364 = arith.cmpi ne, %convert_element_type3A_362, %cond3A_363 : i32
    scf.if %cond3A_364 {
      %dma_start3A_421 = arith.constant 1 : i32
      %dma_start3A_422 = arith.constant 1 : i32
      %dma_start3A_423 = arith.constant 1 : i32
      %dma_start3A_424 = arith.constant 0 : i32
      %dma_start3A_425 = arith.constant 0 : i32
      %dma_start3A_426 = tpu.memref_slice %arg11[%dma_start3A_422, %dma_start3A_424, %dma_start3A_425] : memref<4x80x128xf32, #tpu.memory_space<vmem>> -> memref<1x80x128xf32, #tpu.memory_space<vmem>>
      %dma_start3A_427 = tpu.memref_squeeze %dma_start3A_426 : memref<1x80x128xf32, #tpu.memory_space<vmem>> -> memref<80x128xf32, #tpu.memory_space<vmem>>
      %dma_start3A_428 = arith.constant 0 : i32
      %dma_start3A_429 = tpu.memref_slice %arg9[%dma_start3A_421, %dma_start3A_428] : memref<8x80xi32, #tpu.memory_space<vmem>> -> memref<1x80xi32, #tpu.memory_space<vmem>>
      %dma_start3A_430 = tpu.memref_squeeze %dma_start3A_429 : memref<1x80xi32, #tpu.memory_space<vmem>> -> memref<80xi32, #tpu.memory_space<vmem>>
      %dma_start3A_431 = arith.constant 0 : i32
      %dma_start3A_432 = arith.constant 0 : i32
      %dma_start3A_433 = tpu.memref_slice %arg3[%dma_start3A_431, %dma_start3A_432] : memref<10000x128xf32, #tpu.memory_space<hbm>> -> memref<10000x128xf32, #tpu.memory_space<hbm>>
      %dma_start3A_434 = tpu.memref_slice %arg17[%dma_start3A_423] : memref<4x!tpu.dma_semaphore, #tpu.memory_space<semaphore_mem>> -> memref<1x!tpu.dma_semaphore, #tpu.memory_space<semaphore_mem>>
      %dma_start3A_435 = tpu.memref_squeeze %dma_start3A_434 : memref<1x!tpu.dma_semaphore, #tpu.memory_space<semaphore_mem>> -> memref<!tpu.dma_semaphore, #tpu.memory_space<semaphore_mem>>
      tpu.enqueue_indirect_dma source(%dma_start3A_433 : memref<10000x128xf32, #tpu.memory_space<hbm>>) target(%dma_start3A_427 : memref<80x128xf32, #tpu.memory_space<vmem>>) offsets(%dma_start3A_430 : memref<80xi32, #tpu.memory_space<vmem>>) semaphore(%dma_start3A_435 : memref<!tpu.dma_semaphore, #tpu.memory_space<semaphore_mem>>)
    } else {
    }
    %dma_wait3A_365 = arith.constant 2 : i32
    %dma_wait3A_366 = arith.constant 2 : i32
    %dma_wait3A_367 = arith.constant 0 : i32
    %dma_wait3A_368 = tpu.memref_slice %arg9[%dma_wait3A_365, %dma_wait3A_367] : memref<8x80xi32, #tpu.memory_space<vmem>> -> memref<1x80xi32, #tpu.memory_space<vmem>>
    %dma_wait3A_369 = tpu.memref_squeeze %dma_wait3A_368 : memref<1x80xi32, #tpu.memory_space<vmem>> -> memref<80xi32, #tpu.memory_space<vmem>>
    %dma_wait3A_370 = arith.constant 0 : i32
    %dma_wait3A_371 = tpu.memref_slice %arg4[%dma_wait3A_370] : memref<160000xi32, #tpu.memory_space<hbm>> -> memref<80xi32, #tpu.memory_space<hbm>>
    %dma_wait3A_372 = tpu.memref_slice %arg16[%dma_wait3A_366] : memref<8x!tpu.dma_semaphore, #tpu.memory_space<semaphore_mem>> -> memref<1x!tpu.dma_semaphore, #tpu.memory_space<semaphore_mem>>
    %dma_wait3A_373 = tpu.memref_squeeze %dma_wait3A_372 : memref<1x!tpu.dma_semaphore, #tpu.memory_space<semaphore_mem>> -> memref<!tpu.dma_semaphore, #tpu.memory_space<semaphore_mem>>
    %dma_wait3A_374 = arith.constant 0 : i32
    %dma_wait3A_375 = tpu.memref_slice %arg9[%dma_wait3A_365, %dma_wait3A_374] : memref<8x80xi32, #tpu.memory_space<vmem>> -> memref<1x80xi32, #tpu.memory_space<vmem>>
    %dma_wait3A_376 = tpu.memref_squeeze %dma_wait3A_375 : memref<1x80xi32, #tpu.memory_space<vmem>> -> memref<80xi32, #tpu.memory_space<vmem>>
    %dma_wait3A_377 = arith.constant 0 : i32
    %dma_wait3A_378 = tpu.memref_slice %arg4[%dma_wait3A_377] : memref<160000xi32, #tpu.memory_space<hbm>> -> memref<80xi32, #tpu.memory_space<hbm>>
    tpu.wait_dma2 semaphore(%dma_wait3A_373 : memref<!tpu.dma_semaphore, #tpu.memory_space<semaphore_mem>>) src(%dma_wait3A_378 : memref<80xi32, #tpu.memory_space<hbm>>) dst(%dma_wait3A_376 : memref<80xi32, #tpu.memory_space<vmem>>)
    %dma_wait3A_379 = arith.constant 2 : i32
    %dma_wait3A_380 = arith.constant 2 : i32
    %dma_wait3A_381 = arith.constant 0 : i32
    %dma_wait3A_382 = tpu.memref_slice %arg10[%dma_wait3A_379, %dma_wait3A_381] : memref<8x80xi32, #tpu.memory_space<vmem>> -> memref<1x80xi32, #tpu.memory_space<vmem>>
    %dma_wait3A_383 = tpu.memref_squeeze %dma_wait3A_382 : memref<1x80xi32, #tpu.memory_space<vmem>> -> memref<80xi32, #tpu.memory_space<vmem>>
    %dma_wait3A_384 = arith.constant 0 : i32
    %dma_wait3A_385 = tpu.memref_slice %arg5[%dma_wait3A_384] : memref<160000xi32, #tpu.memory_space<hbm>> -> memref<80xi32, #tpu.memory_space<hbm>>
    %dma_wait3A_386 = tpu.memref_slice %arg16[%dma_wait3A_380] : memref<8x!tpu.dma_semaphore, #tpu.memory_space<semaphore_mem>> -> memref<1x!tpu.dma_semaphore, #tpu.memory_space<semaphore_mem>>
    %dma_wait3A_387 = tpu.memref_squeeze %dma_wait3A_386 : memref<1x!tpu.dma_semaphore, #tpu.memory_space<semaphore_mem>> -> memref<!tpu.dma_semaphore, #tpu.memory_space<semaphore_mem>>
    %dma_wait3A_388 = arith.constant 0 : i32
    %dma_wait3A_389 = tpu.memref_slice %arg10[%dma_wait3A_379, %dma_wait3A_388] : memref<8x80xi32, #tpu.memory_space<vmem>> -> memref<1x80xi32, #tpu.memory_space<vmem>>
    %dma_wait3A_390 = tpu.memref_squeeze %dma_wait3A_389 : memref<1x80xi32, #tpu.memory_space<vmem>> -> memref<80xi32, #tpu.memory_space<vmem>>
    %dma_wait3A_391 = arith.constant 0 : i32
    %dma_wait3A_392 = tpu.memref_slice %arg5[%dma_wait3A_391] : memref<160000xi32, #tpu.memory_space<hbm>> -> memref<80xi32, #tpu.memory_space<hbm>>
    tpu.wait_dma2 semaphore(%dma_wait3A_387 : memref<!tpu.dma_semaphore, #tpu.memory_space<semaphore_mem>>) src(%dma_wait3A_392 : memref<80xi32, #tpu.memory_space<hbm>>) dst(%dma_wait3A_390 : memref<80xi32, #tpu.memory_space<vmem>>)
    %eq3A_393 = arith.constant 0 : i32
    %eq3A_394 = arith.cmpi eq, %arg0, %eq3A_393 : i32
    %convert_element_type3A_395 = arith.extui %eq3A_394 : i1 to i32
    %cond3A_396 = arith.constant 0 : i32
    %cond3A_397 = arith.cmpi ne, %convert_element_type3A_395, %cond3A_396 : i32
    scf.if %cond3A_397 {
      %dma_start3A_421 = arith.constant 2 : i32
      %dma_start3A_422 = arith.constant 2 : i32
      %dma_start3A_423 = arith.constant 2 : i32
      %dma_start3A_424 = arith.constant 0 : i32
      %dma_start3A_425 = arith.constant 0 : i32
      %dma_start3A_426 = tpu.memref_slice %arg11[%dma_start3A_422, %dma_start3A_424, %dma_start3A_425] : memref<4x80x128xf32, #tpu.memory_space<vmem>> -> memref<1x80x128xf32, #tpu.memory_space<vmem>>
      %dma_start3A_427 = tpu.memref_squeeze %dma_start3A_426 : memref<1x80x128xf32, #tpu.memory_space<vmem>> -> memref<80x128xf32, #tpu.memory_space<vmem>>
      %dma_start3A_428 = arith.constant 0 : i32
      %dma_start3A_429 = tpu.memref_slice %arg9[%dma_start3A_421, %dma_start3A_428] : memref<8x80xi32, #tpu.memory_space<vmem>> -> memref<1x80xi32, #tpu.memory_space<vmem>>
      %dma_start3A_430 = tpu.memref_squeeze %dma_start3A_429 : memref<1x80xi32, #tpu.memory_space<vmem>> -> memref<80xi32, #tpu.memory_space<vmem>>
      %dma_start3A_431 = arith.constant 0 : i32
      %dma_start3A_432 = arith.constant 0 : i32
      %dma_start3A_433 = tpu.memref_slice %arg2[%dma_start3A_431, %dma_start3A_432] : memref<10000x128xf32, #tpu.memory_space<hbm>> -> memref<10000x128xf32, #tpu.memory_space<hbm>>
      %dma_start3A_434 = tpu.memref_slice %arg17[%dma_start3A_423] : memref<4x!tpu.dma_semaphore, #tpu.memory_space<semaphore_mem>> -> memref<1x!tpu.dma_semaphore, #tpu.memory_space<semaphore_mem>>
      %dma_start3A_435 = tpu.memref_squeeze %dma_start3A_434 : memref<1x!tpu.dma_semaphore, #tpu.memory_space<semaphore_mem>> -> memref<!tpu.dma_semaphore, #tpu.memory_space<semaphore_mem>>
      tpu.enqueue_indirect_dma source(%dma_start3A_433 : memref<10000x128xf32, #tpu.memory_space<hbm>>) target(%dma_start3A_427 : memref<80x128xf32, #tpu.memory_space<vmem>>) offsets(%dma_start3A_430 : memref<80xi32, #tpu.memory_space<vmem>>) semaphore(%dma_start3A_435 : memref<!tpu.dma_semaphore, #tpu.memory_space<semaphore_mem>>)
    } else {
    }
    %eq3A_398 = arith.constant 1 : i32
    %eq3A_399 = arith.cmpi eq, %arg0, %eq3A_398 : i32
    %convert_element_type3A_400 = arith.extui %eq3A_399 : i1 to i32
    %cond3A_401 = arith.constant 0 : i32
    %cond3A_402 = arith.cmpi ne, %convert_element_type3A_400, %cond3A_401 : i32
    scf.if %cond3A_402 {
      %dma_start3A_421 = arith.constant 2 : i32
      %dma_start3A_422 = arith.constant 2 : i32
      %dma_start3A_423 = arith.constant 2 : i32
      %dma_start3A_424 = arith.constant 0 : i32
      %dma_start3A_425 = arith.constant 0 : i32
      %dma_start3A_426 = tpu.memref_slice %arg11[%dma_start3A_422, %dma_start3A_424, %dma_start3A_425] : memref<4x80x128xf32, #tpu.memory_space<vmem>> -> memref<1x80x128xf32, #tpu.memory_space<vmem>>
      %dma_start3A_427 = tpu.memref_squeeze %dma_start3A_426 : memref<1x80x128xf32, #tpu.memory_space<vmem>> -> memref<80x128xf32, #tpu.memory_space<vmem>>
      %dma_start3A_428 = arith.constant 0 : i32
      %dma_start3A_429 = tpu.memref_slice %arg9[%dma_start3A_421, %dma_start3A_428] : memref<8x80xi32, #tpu.memory_space<vmem>> -> memref<1x80xi32, #tpu.memory_space<vmem>>
      %dma_start3A_430 = tpu.memref_squeeze %dma_start3A_429 : memref<1x80xi32, #tpu.memory_space<vmem>> -> memref<80xi32, #tpu.memory_space<vmem>>
      %dma_start3A_431 = arith.constant 0 : i32
      %dma_start3A_432 = arith.constant 0 : i32
      %dma_start3A_433 = tpu.memref_slice %arg3[%dma_start3A_431, %dma_start3A_432] : memref<10000x128xf32, #tpu.memory_space<hbm>> -> memref<10000x128xf32, #tpu.memory_space<hbm>>
      %dma_start3A_434 = tpu.memref_slice %arg17[%dma_start3A_423] : memref<4x!tpu.dma_semaphore, #tpu.memory_space<semaphore_mem>> -> memref<1x!tpu.dma_semaphore, #tpu.memory_space<semaphore_mem>>
      %dma_start3A_435 = tpu.memref_squeeze %dma_start3A_434 : memref<1x!tpu.dma_semaphore, #tpu.memory_space<semaphore_mem>> -> memref<!tpu.dma_semaphore, #tpu.memory_space<semaphore_mem>>
      tpu.enqueue_indirect_dma source(%dma_start3A_433 : memref<10000x128xf32, #tpu.memory_space<hbm>>) target(%dma_start3A_427 : memref<80x128xf32, #tpu.memory_space<vmem>>) offsets(%dma_start3A_430 : memref<80xi32, #tpu.memory_space<vmem>>) semaphore(%dma_start3A_435 : memref<!tpu.dma_semaphore, #tpu.memory_space<semaphore_mem>>)
    } else {
    }
    %scan3A_403 = arith.constant 0 : i32
    %scan3A_404 = arith.constant 0 : i32
    %scan3A_405 = arith.constant 125 : i32
    %scan3A_406 = arith.addi %scan3A_404, %scan3A_405 : i32
    %scan3A_407 = arith.constant 1 : i32
    %scan3A_408 = scf.for %scan3A_421 = %scan3A_404 to %scan3A_406 step %scan3A_407 iter_args(%scan3A_422 = %scan3A_403) -> (i32)  : i32 {
      %rem3A = arith.constant 4 : i32
      %rem3A_423 = arith.remsi %scan3A_421, %rem3A : i32
      %rem3A_424 = arith.constant 8 : i32
      %rem3A_425 = arith.remsi %scan3A_421, %rem3A_424 : i32
      %dma_wait3A_426 = arith.constant 0 : i32
      %dma_wait3A_427 = arith.constant 0 : i32
      %dma_wait3A_428 = arith.constant 0 : i32
      %dma_wait3A_429 = tpu.memref_slice %arg11[%rem3A_423, %dma_wait3A_427, %dma_wait3A_428] : memref<4x80x128xf32, #tpu.memory_space<vmem>> -> memref<1x80x128xf32, #tpu.memory_space<vmem>>
      %dma_wait3A_430 = tpu.memref_squeeze %dma_wait3A_429 : memref<1x80x128xf32, #tpu.memory_space<vmem>> -> memref<80x128xf32, #tpu.memory_space<vmem>>
      %dma_wait3A_431 = arith.constant 0 : i32
      %dma_wait3A_432 = tpu.memref_slice %arg9[%dma_wait3A_426, %dma_wait3A_431] : memref<8x80xi32, #tpu.memory_space<vmem>> -> memref<1x80xi32, #tpu.memory_space<vmem>>
      %dma_wait3A_433 = tpu.memref_squeeze %dma_wait3A_432 : memref<1x80xi32, #tpu.memory_space<vmem>> -> memref<80xi32, #tpu.memory_space<vmem>>
      %dma_wait3A_434 = arith.constant 0 : i32
      %dma_wait3A_435 = arith.constant 0 : i32
      %dma_wait3A_436 = tpu.memref_slice %arg2[%dma_wait3A_434, %dma_wait3A_435] : memref<10000x128xf32, #tpu.memory_space<hbm>> -> memref<10000x128xf32, #tpu.memory_space<hbm>>
      %dma_wait3A_437 = tpu.memref_slice %arg17[%rem3A_423] : memref<4x!tpu.dma_semaphore, #tpu.memory_space<semaphore_mem>> -> memref<1x!tpu.dma_semaphore, #tpu.memory_space<semaphore_mem>>
      %dma_wait3A_438 = tpu.memref_squeeze %dma_wait3A_437 : memref<1x!tpu.dma_semaphore, #tpu.memory_space<semaphore_mem>> -> memref<!tpu.dma_semaphore, #tpu.memory_space<semaphore_mem>>
      tpu.wait_indirect_dma semaphore(%dma_wait3A_438 : memref<!tpu.dma_semaphore, #tpu.memory_space<semaphore_mem>>) src(%dma_wait3A_436 : memref<10000x128xf32, #tpu.memory_space<hbm>>) dst(%dma_wait3A_430 : memref<80x128xf32, #tpu.memory_space<vmem>>)
      "tpu.region"() ({
        %run_scoped3A_458 = tpu.sem_alloc : memref<!tpu.dma_semaphore, #tpu.memory_space<semaphore_mem>>
        %dma_start3A_459 = arith.constant 0 : i32
        %dma_start3A_460 = arith.constant 0 : i32
        %dma_start3A_461 = tpu.memref_slice %arg11[%rem3A_423, %dma_start3A_459, %dma_start3A_460] : memref<4x80x128xf32, #tpu.memory_space<vmem>> -> memref<1x80x128xf32, #tpu.memory_space<vmem>>
        %dma_start3A_462 = tpu.memref_squeeze %dma_start3A_461 : memref<1x80x128xf32, #tpu.memory_space<vmem>> -> memref<80x128xf32, #tpu.memory_space<vmem>>
        %dma_start3A_463 = arith.constant 0 : i32
        %dma_start3A_464 = tpu.memref_slice %arg10[%rem3A_425, %dma_start3A_463] : memref<8x80xi32, #tpu.memory_space<vmem>> -> memref<1x80xi32, #tpu.memory_space<vmem>>
        %dma_start3A_465 = tpu.memref_squeeze %dma_start3A_464 : memref<1x80xi32, #tpu.memory_space<vmem>> -> memref<80xi32, #tpu.memory_space<vmem>>
        %dma_start3A_466 = arith.constant 0 : i32
        %dma_start3A_467 = arith.constant 0 : i32
        %dma_start3A_468 = tpu.memref_slice %arg14[%dma_start3A_466, %dma_start3A_467] : memref<10000x128xf32, #tpu.memory_space<vmem_shared>> -> memref<10000x128xf32, #tpu.memory_space<vmem_shared>>
        tpu.enqueue_indirect_dma source(%dma_start3A_462 : memref<80x128xf32, #tpu.memory_space<vmem>>) target(%dma_start3A_468 : memref<10000x128xf32, #tpu.memory_space<vmem_shared>>) offsets(%dma_start3A_465 : memref<80xi32, #tpu.memory_space<vmem>>) semaphore(%run_scoped3A_458 : memref<!tpu.dma_semaphore, #tpu.memory_space<semaphore_mem>>) {add = true}
        %dma_wait3A_469 = arith.constant 0 : i32
        %dma_wait3A_470 = arith.constant 0 : i32
        %dma_wait3A_471 = tpu.memref_slice %arg11[%rem3A_423, %dma_wait3A_469, %dma_wait3A_470] : memref<4x80x128xf32, #tpu.memory_space<vmem>> -> memref<1x80x128xf32, #tpu.memory_space<vmem>>
        %dma_wait3A_472 = tpu.memref_squeeze %dma_wait3A_471 : memref<1x80x128xf32, #tpu.memory_space<vmem>> -> memref<80x128xf32, #tpu.memory_space<vmem>>
        %dma_wait3A_473 = arith.constant 0 : i32
        %dma_wait3A_474 = tpu.memref_slice %arg10[%rem3A_425, %dma_wait3A_473] : memref<8x80xi32, #tpu.memory_space<vmem>> -> memref<1x80xi32, #tpu.memory_space<vmem>>
        %dma_wait3A_475 = tpu.memref_squeeze %dma_wait3A_474 : memref<1x80xi32, #tpu.memory_space<vmem>> -> memref<80xi32, #tpu.memory_space<vmem>>
        %dma_wait3A_476 = arith.constant 0 : i32
        %dma_wait3A_477 = arith.constant 0 : i32
        %dma_wait3A_478 = tpu.memref_slice %arg14[%dma_wait3A_476, %dma_wait3A_477] : memref<10000x128xf32, #tpu.memory_space<vmem_shared>> -> memref<10000x128xf32, #tpu.memory_space<vmem_shared>>
        tpu.wait_indirect_dma semaphore(%run_scoped3A_458 : memref<!tpu.dma_semaphore, #tpu.memory_space<semaphore_mem>>) src(%dma_wait3A_472 : memref<80x128xf32, #tpu.memory_space<vmem>>) dst(%dma_wait3A_478 : memref<10000x128xf32, #tpu.memory_space<vmem_shared>>)
        tpu.yield
      }) : () -> ()
      %eq3A_439 = arith.constant 1 : i32
      %eq3A_440 = arith.cmpi eq, %arg0, %eq3A_439 : i32
      %convert_element_type3A_441 = arith.extui %eq3A_440 : i1 to i32
      %cond3A_442 = arith.constant 0 : i32
      %cond3A_443 = arith.cmpi ne, %convert_element_type3A_441, %cond3A_442 : i32
      scf.if %cond3A_443 {
        "tpu.region"() ({
          %run_scoped3A_458 = tpu.sem_alloc : memref<!tpu.dma_semaphore, #tpu.memory_space<semaphore_mem>>
          %dma_start3A_459 = arith.constant 0 : i32
          %dma_start3A_460 = tpu.memref_slice %arg10[%rem3A_425, %dma_start3A_459] : memref<8x80xi32, #tpu.memory_space<vmem>> -> memref<1x80xi32, #tpu.memory_space<vmem>>
          %dma_start3A_461 = tpu.memref_squeeze %dma_start3A_460 : memref<1x80xi32, #tpu.memory_space<vmem>> -> memref<80xi32, #tpu.memory_space<vmem>>
          %dma_start3A_462 = arith.constant 0 : i32
          %dma_start3A_463 = tpu.memref_slice %arg15[%dma_start3A_462] : memref<10240xf32, #tpu.memory_space<vmem_shared>> -> memref<10240xf32, #tpu.memory_space<vmem_shared>>
          tpu.enqueue_indirect_dma source(%arg12 : memref<80xf32, #tpu.memory_space<vmem>>) target(%dma_start3A_463 : memref<10240xf32, #tpu.memory_space<vmem_shared>>) offsets(%dma_start3A_461 : memref<80xi32, #tpu.memory_space<vmem>>) semaphore(%run_scoped3A_458 : memref<!tpu.dma_semaphore, #tpu.memory_space<semaphore_mem>>) {add = true}
          %dma_wait3A_464 = arith.constant 0 : i32
          %dma_wait3A_465 = tpu.memref_slice %arg10[%rem3A_425, %dma_wait3A_464] : memref<8x80xi32, #tpu.memory_space<vmem>> -> memref<1x80xi32, #tpu.memory_space<vmem>>
          %dma_wait3A_466 = tpu.memref_squeeze %dma_wait3A_465 : memref<1x80xi32, #tpu.memory_space<vmem>> -> memref<80xi32, #tpu.memory_space<vmem>>
          %dma_wait3A_467 = arith.constant 0 : i32
          %dma_wait3A_468 = tpu.memref_slice %arg15[%dma_wait3A_467] : memref<10240xf32, #tpu.memory_space<vmem_shared>> -> memref<10240xf32, #tpu.memory_space<vmem_shared>>
          tpu.wait_indirect_dma semaphore(%run_scoped3A_458 : memref<!tpu.dma_semaphore, #tpu.memory_space<semaphore_mem>>) src(%arg12 : memref<80xf32, #tpu.memory_space<vmem>>) dst(%dma_wait3A_468 : memref<10240xf32, #tpu.memory_space<vmem_shared>>)
          tpu.yield
        }) : () -> ()
      } else {
      }
      %add3A_444 = arith.constant 8 : i32
      %add3A_445 = arith.addi %scan3A_421, %add3A_444 : i32
      %lt3A = arith.constant 125 : i32
      %lt3A_446 = arith.cmpi slt, %add3A_445, %lt3A : i32
      %convert_element_type3A_447 = arith.extui %lt3A_446 : i1 to i32
      %cond3A_448 = arith.constant 0 : i32
      %cond3A_449 = arith.cmpi ne, %convert_element_type3A_447, %cond3A_448 : i32
      scf.if %cond3A_449 {
        %add3A_458 = arith.constant 8 : i32
        %add3A_459 = arith.addi %scan3A_421, %add3A_458 : i32
        %mul3A_460 = arith.constant 10000 : i32
        %mul3A_461 = arith.muli %arg1, %mul3A_460 : i32
        %mul3A_462 = arith.constant 80 : i32
        %mul3A_463 = arith.muli %add3A_459, %mul3A_462 : i32
        %add3A_464 = arith.addi %mul3A_461, %mul3A_463 : i32
        %dma_start3A_465 = arith.constant 0 : i32
        %dma_start3A_466 = tpu.memref_slice %arg9[%rem3A_425, %dma_start3A_465] : memref<8x80xi32, #tpu.memory_space<vmem>> -> memref<1x80xi32, #tpu.memory_space<vmem>>
        %dma_start3A_467 = tpu.memref_squeeze %dma_start3A_466 : memref<1x80xi32, #tpu.memory_space<vmem>> -> memref<80xi32, #tpu.memory_space<vmem>>
        %dma_start3A_468 = tpu.memref_slice %arg4[%add3A_464] : memref<160000xi32, #tpu.memory_space<hbm>> -> memref<80xi32, #tpu.memory_space<hbm>>
        %dma_start3A_469 = tpu.memref_slice %arg16[%rem3A_425] : memref<8x!tpu.dma_semaphore, #tpu.memory_space<semaphore_mem>> -> memref<1x!tpu.dma_semaphore, #tpu.memory_space<semaphore_mem>>
        %dma_start3A_470 = tpu.memref_squeeze %dma_start3A_469 : memref<1x!tpu.dma_semaphore, #tpu.memory_space<semaphore_mem>> -> memref<!tpu.dma_semaphore, #tpu.memory_space<semaphore_mem>>
        %dma_start3A_471 = arith.constant 0 : i32
        %dma_start3A_472 = tpu.memref_slice %arg9[%rem3A_425, %dma_start3A_471] : memref<8x80xi32, #tpu.memory_space<vmem>> -> memref<1x80xi32, #tpu.memory_space<vmem>>
        %dma_start3A_473 = tpu.memref_squeeze %dma_start3A_472 : memref<1x80xi32, #tpu.memory_space<vmem>> -> memref<80xi32, #tpu.memory_space<vmem>>
        %dma_start3A_474 = tpu.memref_slice %arg4[%add3A_464] : memref<160000xi32, #tpu.memory_space<hbm>> -> memref<80xi32, #tpu.memory_space<hbm>>
        tpu.enqueue_dma source(%dma_start3A_474 : memref<80xi32, #tpu.memory_space<hbm>>) target(%dma_start3A_473 : memref<80xi32, #tpu.memory_space<vmem>>) target_semaphore(%dma_start3A_470 : memref<!tpu.dma_semaphore, #tpu.memory_space<semaphore_mem>>)
        %dma_start3A_475 = arith.constant 0 : i32
        %dma_start3A_476 = tpu.memref_slice %arg10[%rem3A_425, %dma_start3A_475] : memref<8x80xi32, #tpu.memory_space<vmem>> -> memref<1x80xi32, #tpu.memory_space<vmem>>
        %dma_start3A_477 = tpu.memref_squeeze %dma_start3A_476 : memref<1x80xi32, #tpu.memory_space<vmem>> -> memref<80xi32, #tpu.memory_space<vmem>>
        %dma_start3A_478 = tpu.memref_slice %arg5[%add3A_464] : memref<160000xi32, #tpu.memory_space<hbm>> -> memref<80xi32, #tpu.memory_space<hbm>>
        %dma_start3A_479 = tpu.memref_slice %arg16[%rem3A_425] : memref<8x!tpu.dma_semaphore, #tpu.memory_space<semaphore_mem>> -> memref<1x!tpu.dma_semaphore, #tpu.memory_space<semaphore_mem>>
        %dma_start3A_480 = tpu.memref_squeeze %dma_start3A_479 : memref<1x!tpu.dma_semaphore, #tpu.memory_space<semaphore_mem>> -> memref<!tpu.dma_semaphore, #tpu.memory_space<semaphore_mem>>
        %dma_start3A_481 = arith.constant 0 : i32
        %dma_start3A_482 = tpu.memref_slice %arg10[%rem3A_425, %dma_start3A_481] : memref<8x80xi32, #tpu.memory_space<vmem>> -> memref<1x80xi32, #tpu.memory_space<vmem>>
        %dma_start3A_483 = tpu.memref_squeeze %dma_start3A_482 : memref<1x80xi32, #tpu.memory_space<vmem>> -> memref<80xi32, #tpu.memory_space<vmem>>
        %dma_start3A_484 = tpu.memref_slice %arg5[%add3A_464] : memref<160000xi32, #tpu.memory_space<hbm>> -> memref<80xi32, #tpu.memory_space<hbm>>
        tpu.enqueue_dma source(%dma_start3A_484 : memref<80xi32, #tpu.memory_space<hbm>>) target(%dma_start3A_483 : memref<80xi32, #tpu.memory_space<vmem>>) target_semaphore(%dma_start3A_480 : memref<!tpu.dma_semaphore, #tpu.memory_space<semaphore_mem>>)
      } else {
      }
      %add3A_450 = arith.constant 3 : i32
      %add3A_451 = arith.addi %scan3A_421, %add3A_450 : i32
      %lt3A_452 = arith.constant 125 : i32
      %lt3A_453 = arith.cmpi slt, %add3A_451, %lt3A_452 : i32
      %convert_element_type3A_454 = arith.extui %lt3A_453 : i1 to i32
      %cond3A_455 = arith.constant 0 : i32
      %cond3A_456 = arith.cmpi ne, %convert_element_type3A_454, %cond3A_455 : i32
      scf.if %cond3A_456 {
        %add3A_458 = arith.constant 3 : i32
        %add3A_459 = arith.addi %scan3A_421, %add3A_458 : i32
        %rem3A_460 = arith.constant 8 : i32
        %rem3A_461 = arith.remsi %add3A_459, %rem3A_460 : i32
        %rem3A_462 = arith.constant 4 : i32
        %rem3A_463 = arith.remsi %add3A_459, %rem3A_462 : i32
        %dma_wait3A_464 = arith.constant 0 : i32
        %dma_wait3A_465 = tpu.memref_slice %arg9[%rem3A_461, %dma_wait3A_464] : memref<8x80xi32, #tpu.memory_space<vmem>> -> memref<1x80xi32, #tpu.memory_space<vmem>>
        %dma_wait3A_466 = tpu.memref_squeeze %dma_wait3A_465 : memref<1x80xi32, #tpu.memory_space<vmem>> -> memref<80xi32, #tpu.memory_space<vmem>>
        %dma_wait3A_467 = arith.constant 0 : i32
        %dma_wait3A_468 = tpu.memref_slice %arg4[%dma_wait3A_467] : memref<160000xi32, #tpu.memory_space<hbm>> -> memref<80xi32, #tpu.memory_space<hbm>>
        %dma_wait3A_469 = tpu.memref_slice %arg16[%rem3A_461] : memref<8x!tpu.dma_semaphore, #tpu.memory_space<semaphore_mem>> -> memref<1x!tpu.dma_semaphore, #tpu.memory_space<semaphore_mem>>
        %dma_wait3A_470 = tpu.memref_squeeze %dma_wait3A_469 : memref<1x!tpu.dma_semaphore, #tpu.memory_space<semaphore_mem>> -> memref<!tpu.dma_semaphore, #tpu.memory_space<semaphore_mem>>
        %dma_wait3A_471 = arith.constant 0 : i32
        %dma_wait3A_472 = tpu.memref_slice %arg9[%rem3A_461, %dma_wait3A_471] : memref<8x80xi32, #tpu.memory_space<vmem>> -> memref<1x80xi32, #tpu.memory_space<vmem>>
        %dma_wait3A_473 = tpu.memref_squeeze %dma_wait3A_472 : memref<1x80xi32, #tpu.memory_space<vmem>> -> memref<80xi32, #tpu.memory_space<vmem>>
        %dma_wait3A_474 = arith.constant 0 : i32
        %dma_wait3A_475 = tpu.memref_slice %arg4[%dma_wait3A_474] : memref<160000xi32, #tpu.memory_space<hbm>> -> memref<80xi32, #tpu.memory_space<hbm>>
        tpu.wait_dma2 semaphore(%dma_wait3A_470 : memref<!tpu.dma_semaphore, #tpu.memory_space<semaphore_mem>>) src(%dma_wait3A_475 : memref<80xi32, #tpu.memory_space<hbm>>) dst(%dma_wait3A_473 : memref<80xi32, #tpu.memory_space<vmem>>)
        %dma_wait3A_476 = arith.constant 0 : i32
        %dma_wait3A_477 = tpu.memref_slice %arg10[%rem3A_461, %dma_wait3A_476] : memref<8x80xi32, #tpu.memory_space<vmem>> -> memref<1x80xi32, #tpu.memory_space<vmem>>
        %dma_wait3A_478 = tpu.memref_squeeze %dma_wait3A_477 : memref<1x80xi32, #tpu.memory_space<vmem>> -> memref<80xi32, #tpu.memory_space<vmem>>
        %dma_wait3A_479 = arith.constant 0 : i32
        %dma_wait3A_480 = tpu.memref_slice %arg5[%dma_wait3A_479] : memref<160000xi32, #tpu.memory_space<hbm>> -> memref<80xi32, #tpu.memory_space<hbm>>
        %dma_wait3A_481 = tpu.memref_slice %arg16[%rem3A_461] : memref<8x!tpu.dma_semaphore, #tpu.memory_space<semaphore_mem>> -> memref<1x!tpu.dma_semaphore, #tpu.memory_space<semaphore_mem>>
        %dma_wait3A_482 = tpu.memref_squeeze %dma_wait3A_481 : memref<1x!tpu.dma_semaphore, #tpu.memory_space<semaphore_mem>> -> memref<!tpu.dma_semaphore, #tpu.memory_space<semaphore_mem>>
        %dma_wait3A_483 = arith.constant 0 : i32
        %dma_wait3A_484 = tpu.memref_slice %arg10[%rem3A_461, %dma_wait3A_483] : memref<8x80xi32, #tpu.memory_space<vmem>> -> memref<1x80xi32, #tpu.memory_space<vmem>>
        %dma_wait3A_485 = tpu.memref_squeeze %dma_wait3A_484 : memref<1x80xi32, #tpu.memory_space<vmem>> -> memref<80xi32, #tpu.memory_space<vmem>>
        %dma_wait3A_486 = arith.constant 0 : i32
        %dma_wait3A_487 = tpu.memref_slice %arg5[%dma_wait3A_486] : memref<160000xi32, #tpu.memory_space<hbm>> -> memref<80xi32, #tpu.memory_space<hbm>>
        tpu.wait_dma2 semaphore(%dma_wait3A_482 : memref<!tpu.dma_semaphore, #tpu.memory_space<semaphore_mem>>) src(%dma_wait3A_487 : memref<80xi32, #tpu.memory_space<hbm>>) dst(%dma_wait3A_485 : memref<80xi32, #tpu.memory_space<vmem>>)
        %eq3A_488 = arith.constant 0 : i32
        %eq3A_489 = arith.cmpi eq, %arg0, %eq3A_488 : i32
        %convert_element_type3A_490 = arith.extui %eq3A_489 : i1 to i32
        %cond3A_491 = arith.constant 0 : i32
        %cond3A_492 = arith.cmpi ne, %convert_element_type3A_490, %cond3A_491 : i32
        scf.if %cond3A_492 {
          %dma_start3A_498 = arith.constant 0 : i32
          %dma_start3A_499 = arith.constant 0 : i32
          %dma_start3A_500 = tpu.memref_slice %arg11[%rem3A_463, %dma_start3A_498, %dma_start3A_499] : memref<4x80x128xf32, #tpu.memory_space<vmem>> -> memref<1x80x128xf32, #tpu.memory_space<vmem>>
          %dma_start3A_501 = tpu.memref_squeeze %dma_start3A_500 : memref<1x80x128xf32, #tpu.memory_space<vmem>> -> memref<80x128xf32, #tpu.memory_space<vmem>>
          %dma_start3A_502 = arith.constant 0 : i32
          %dma_start3A_503 = tpu.memref_slice %arg9[%rem3A_461, %dma_start3A_502] : memref<8x80xi32, #tpu.memory_space<vmem>> -> memref<1x80xi32, #tpu.memory_space<vmem>>
          %dma_start3A_504 = tpu.memref_squeeze %dma_start3A_503 : memref<1x80xi32, #tpu.memory_space<vmem>> -> memref<80xi32, #tpu.memory_space<vmem>>
          %dma_start3A_505 = arith.constant 0 : i32
          %dma_start3A_506 = arith.constant 0 : i32
          %dma_start3A_507 = tpu.memref_slice %arg2[%dma_start3A_505, %dma_start3A_506] : memref<10000x128xf32, #tpu.memory_space<hbm>> -> memref<10000x128xf32, #tpu.memory_space<hbm>>
          %dma_start3A_508 = tpu.memref_slice %arg17[%rem3A_463] : memref<4x!tpu.dma_semaphore, #tpu.memory_space<semaphore_mem>> -> memref<1x!tpu.dma_semaphore, #tpu.memory_space<semaphore_mem>>
          %dma_start3A_509 = tpu.memref_squeeze %dma_start3A_508 : memref<1x!tpu.dma_semaphore, #tpu.memory_space<semaphore_mem>> -> memref<!tpu.dma_semaphore, #tpu.memory_space<semaphore_mem>>
          tpu.enqueue_indirect_dma source(%dma_start3A_507 : memref<10000x128xf32, #tpu.memory_space<hbm>>) target(%dma_start3A_501 : memref<80x128xf32, #tpu.memory_space<vmem>>) offsets(%dma_start3A_504 : memref<80xi32, #tpu.memory_space<vmem>>) semaphore(%dma_start3A_509 : memref<!tpu.dma_semaphore, #tpu.memory_space<semaphore_mem>>)
        } else {
        }
        %eq3A_493 = arith.constant 1 : i32
        %eq3A_494 = arith.cmpi eq, %arg0, %eq3A_493 : i32
        %convert_element_type3A_495 = arith.extui %eq3A_494 : i1 to i32
        %cond3A_496 = arith.constant 0 : i32
        %cond3A_497 = arith.cmpi ne, %convert_element_type3A_495, %cond3A_496 : i32
        scf.if %cond3A_497 {
          %dma_start3A_498 = arith.constant 0 : i32
          %dma_start3A_499 = arith.constant 0 : i32
          %dma_start3A_500 = tpu.memref_slice %arg11[%rem3A_463, %dma_start3A_498, %dma_start3A_499] : memref<4x80x128xf32, #tpu.memory_space<vmem>> -> memref<1x80x128xf32, #tpu.memory_space<vmem>>
          %dma_start3A_501 = tpu.memref_squeeze %dma_start3A_500 : memref<1x80x128xf32, #tpu.memory_space<vmem>> -> memref<80x128xf32, #tpu.memory_space<vmem>>
          %dma_start3A_502 = arith.constant 0 : i32
          %dma_start3A_503 = tpu.memref_slice %arg9[%rem3A_461, %dma_start3A_502] : memref<8x80xi32, #tpu.memory_space<vmem>> -> memref<1x80xi32, #tpu.memory_space<vmem>>
          %dma_start3A_504 = tpu.memref_squeeze %dma_start3A_503 : memref<1x80xi32, #tpu.memory_space<vmem>> -> memref<80xi32, #tpu.memory_space<vmem>>
          %dma_start3A_505 = arith.constant 0 : i32
          %dma_start3A_506 = arith.constant 0 : i32
          %dma_start3A_507 = tpu.memref_slice %arg3[%dma_start3A_505, %dma_start3A_506] : memref<10000x128xf32, #tpu.memory_space<hbm>> -> memref<10000x128xf32, #tpu.memory_space<hbm>>
          %dma_start3A_508 = tpu.memref_slice %arg17[%rem3A_463] : memref<4x!tpu.dma_semaphore, #tpu.memory_space<semaphore_mem>> -> memref<1x!tpu.dma_semaphore, #tpu.memory_space<semaphore_mem>>
          %dma_start3A_509 = tpu.memref_squeeze %dma_start3A_508 : memref<1x!tpu.dma_semaphore, #tpu.memory_space<semaphore_mem>> -> memref<!tpu.dma_semaphore, #tpu.memory_space<semaphore_mem>>
          tpu.enqueue_indirect_dma source(%dma_start3A_507 : memref<10000x128xf32, #tpu.memory_space<hbm>>) target(%dma_start3A_501 : memref<80x128xf32, #tpu.memory_space<vmem>>) offsets(%dma_start3A_504 : memref<80xi32, #tpu.memory_space<vmem>>) semaphore(%dma_start3A_509 : memref<!tpu.dma_semaphore, #tpu.memory_space<semaphore_mem>>)
        } else {
        }
      } else {
      }
      %scan3A_457 = arith.constant 0 : i32
      scf.yield %scan3A_457 : i32
    }
    %scan3A_409 = arith.constant 125 : i32
    %barrier3A_410 = arith.constant 0 : index
    tpu.barrier barrier_id(%barrier3A_410)
    %eq3A_411 = arith.constant 0 : i32
    %eq3A_412 = arith.cmpi eq, %arg0, %eq3A_411 : i32
    %convert_element_type3A_413 = arith.extui %eq3A_412 : i1 to i32
    %cond3A_414 = arith.constant 0 : i32
    %cond3A_415 = arith.cmpi ne, %convert_element_type3A_413, %cond3A_414 : i32
    scf.if %cond3A_415 {
      %mul3A_421 = arith.constant 625 : i32
      %mul3A_422 = arith.muli %arg1, %mul3A_421 : i32
      %mul3A_423 = arith.constant 625 : i32
      %mul3A_424 = arith.muli %arg1, %mul3A_423 : i32
      "tpu.region"() ({
        %run_scoped3A_425 = tpu.sem_alloc : memref<!tpu.dma_semaphore, #tpu.memory_space<semaphore_mem>>
        %dma_start3A_426 = arith.constant 0 : i32
        %dma_start3A_427 = tpu.memref_slice %arg6[%mul3A_424, %dma_start3A_426] : memref<10000x128xf32, #tpu.memory_space<hbm>> -> memref<625x128xf32, #tpu.memory_space<hbm>>
        %dma_start3A_428 = arith.constant 0 : i32
        %dma_start3A_429 = tpu.memref_slice %arg14[%mul3A_422, %dma_start3A_428] : memref<10000x128xf32, #tpu.memory_space<vmem_shared>> -> memref<625x128xf32, #tpu.memory_space<vmem_shared>>
        tpu.enqueue_dma source(%dma_start3A_429 : memref<625x128xf32, #tpu.memory_space<vmem_shared>>) target(%dma_start3A_427 : memref<625x128xf32, #tpu.memory_space<hbm>>) target_semaphore(%run_scoped3A_425 : memref<!tpu.dma_semaphore, #tpu.memory_space<semaphore_mem>>)
        %dma_wait3A_430 = arith.constant 0 : i32
        %dma_wait3A_431 = tpu.memref_slice %arg6[%mul3A_424, %dma_wait3A_430] : memref<10000x128xf32, #tpu.memory_space<hbm>> -> memref<625x128xf32, #tpu.memory_space<hbm>>
        %dma_wait3A_432 = arith.constant 0 : i32
        %dma_wait3A_433 = tpu.memref_slice %arg14[%mul3A_422, %dma_wait3A_432] : memref<10000x128xf32, #tpu.memory_space<vmem_shared>> -> memref<625x128xf32, #tpu.memory_space<vmem_shared>>
        tpu.wait_dma2 semaphore(%run_scoped3A_425 : memref<!tpu.dma_semaphore, #tpu.memory_space<semaphore_mem>>) src(%dma_wait3A_433 : memref<625x128xf32, #tpu.memory_space<vmem_shared>>) dst(%dma_wait3A_431 : memref<625x128xf32, #tpu.memory_space<hbm>>)
        tpu.yield
      }) : () -> ()
    } else {
    }
    %eq3A_416 = arith.constant 1 : i32
    %eq3A_417 = arith.cmpi eq, %arg0, %eq3A_416 : i32
    %convert_element_type3A_418 = arith.extui %eq3A_417 : i1 to i32
    %cond3A_419 = arith.constant 0 : i32
    %cond3A_420 = arith.cmpi ne, %convert_element_type3A_418, %cond3A_419 : i32
    scf.if %cond3A_420 {
      %mul3A_421 = arith.constant 625 : i32
      %mul3A_422 = arith.muli %arg1, %mul3A_421 : i32
      %mul3A_423 = arith.constant 625 : i32
      %mul3A_424 = arith.muli %arg1, %mul3A_423 : i32
      "tpu.region"() ({
        %run_scoped3A_429 = tpu.sem_alloc : memref<!tpu.dma_semaphore, #tpu.memory_space<semaphore_mem>>
        %dma_start3A_430 = arith.constant 0 : i32
        %dma_start3A_431 = tpu.memref_slice %arg7[%mul3A_424, %dma_start3A_430] : memref<10000x128xf32, #tpu.memory_space<hbm>> -> memref<625x128xf32, #tpu.memory_space<hbm>>
        %dma_start3A_432 = arith.constant 0 : i32
        %dma_start3A_433 = tpu.memref_slice %arg14[%mul3A_422, %dma_start3A_432] : memref<10000x128xf32, #tpu.memory_space<vmem_shared>> -> memref<625x128xf32, #tpu.memory_space<vmem_shared>>
        tpu.enqueue_dma source(%dma_start3A_433 : memref<625x128xf32, #tpu.memory_space<vmem_shared>>) target(%dma_start3A_431 : memref<625x128xf32, #tpu.memory_space<hbm>>) target_semaphore(%run_scoped3A_429 : memref<!tpu.dma_semaphore, #tpu.memory_space<semaphore_mem>>)
        %dma_wait3A_434 = arith.constant 0 : i32
        %dma_wait3A_435 = tpu.memref_slice %arg7[%mul3A_424, %dma_wait3A_434] : memref<10000x128xf32, #tpu.memory_space<hbm>> -> memref<625x128xf32, #tpu.memory_space<hbm>>
        %dma_wait3A_436 = arith.constant 0 : i32
        %dma_wait3A_437 = tpu.memref_slice %arg14[%mul3A_422, %dma_wait3A_436] : memref<10000x128xf32, #tpu.memory_space<vmem_shared>> -> memref<625x128xf32, #tpu.memory_space<vmem_shared>>
        tpu.wait_dma2 semaphore(%run_scoped3A_429 : memref<!tpu.dma_semaphore, #tpu.memory_space<semaphore_mem>>) src(%dma_wait3A_437 : memref<625x128xf32, #tpu.memory_space<vmem_shared>>) dst(%dma_wait3A_435 : memref<625x128xf32, #tpu.memory_space<hbm>>)
        tpu.yield
      }) : () -> ()
      %mul3A_425 = arith.constant 640 : i32
      %mul3A_426 = arith.muli %arg1, %mul3A_425 : i32
      %mul3A_427 = arith.constant 640 : i32
      %mul3A_428 = arith.muli %arg1, %mul3A_427 : i32
      "tpu.region"() ({
        %run_scoped3A_429 = tpu.sem_alloc : memref<!tpu.dma_semaphore, #tpu.memory_space<semaphore_mem>>
        %dma_start3A_430 = tpu.memref_slice %arg8[%mul3A_428] : memref<10240xf32, #tpu.memory_space<hbm>> -> memref<640xf32, #tpu.memory_space<hbm>>
        %dma_start3A_431 = tpu.memref_slice %arg15[%mul3A_426] : memref<10240xf32, #tpu.memory_space<vmem_shared>> -> memref<640xf32, #tpu.memory_space<vmem_shared>>
        tpu.enqueue_dma source(%dma_start3A_431 : memref<640xf32, #tpu.memory_space<vmem_shared>>) target(%dma_start3A_430 : memref<640xf32, #tpu.memory_space<hbm>>) target_semaphore(%run_scoped3A_429 : memref<!tpu.dma_semaphore, #tpu.memory_space<semaphore_mem>>)
        %dma_wait3A_432 = tpu.memref_slice %arg8[%mul3A_428] : memref<10240xf32, #tpu.memory_space<hbm>> -> memref<640xf32, #tpu.memory_space<hbm>>
        %dma_wait3A_433 = tpu.memref_slice %arg15[%mul3A_426] : memref<10240xf32, #tpu.memory_space<vmem_shared>> -> memref<640xf32, #tpu.memory_space<vmem_shared>>
        tpu.wait_dma2 semaphore(%run_scoped3A_429 : memref<!tpu.dma_semaphore, #tpu.memory_space<semaphore_mem>>) src(%dma_wait3A_433 : memref<640xf32, #tpu.memory_space<vmem_shared>>) dst(%dma_wait3A_432 : memref<640xf32, #tpu.memory_space<hbm>>)
        tpu.yield
      }) : () -> ()
    } else {
    }
    return
  }
}

#map = affine_map<(d0, d1) -> (0, 0)>
#map1 = affine_map<(d0, d1) -> (0)>
module attributes {stable_mosaic.version = 14 : i64} {
  func.func @_sc_agg_body(%arg0: i32, %arg1: i32, %arg2: memref<10000x128xf32, #tpu.memory_space<hbm>>, %arg3: memref<10000x128xf32, #tpu.memory_space<hbm>>, %arg4: memref<160000xi32, #tpu.memory_space<hbm>>, %arg5: memref<160000xi32, #tpu.memory_space<hbm>>, %arg6: memref<10000x128xf32, #tpu.memory_space<hbm>>, %arg7: memref<10000x128xf32, #tpu.memory_space<hbm>>, %arg8: memref<10240xf32, #tpu.memory_space<hbm>>, %arg9: memref<8x80xi32, #tpu.memory_space<vmem>>, %arg10: memref<8x80xi32, #tpu.memory_space<vmem>>, %arg11: memref<4x80x128xf32, #tpu.memory_space<vmem>>, %arg12: memref<80xf32, #tpu.memory_space<vmem>>, %arg13: memref<640xf32, #tpu.memory_space<vmem>>, %arg14: memref<10000x128xf32, #tpu.memory_space<vmem_shared>>, %arg15: memref<10240xf32, #tpu.memory_space<vmem_shared>>, %arg16: memref<8x!tpu.dma_semaphore, #tpu.memory_space<semaphore_mem>>, %arg17: memref<4x!tpu.dma_semaphore, #tpu.memory_space<semaphore_mem>>) attributes {dimension_semantics = [#tpu.dimension_semantics<core_parallel>, #tpu.dimension_semantics<subcore_parallel>], iteration_bounds = array<i64: 2, 16>, scalar_prefetch = 0 : i64, scratch_operands = 9 : i64, tpu.core_type = #tpu.core_type<sc_vector_subcore>, window_params = [{transform_indices = #map}, {transform_indices = #map}, {transform_indices = #map1}, {transform_indices = #map1}, {transform_indices = #map}, {transform_indices = #map}, {transform_indices = #map1}]} {
    %broadcast_in_dim3A = arith.constant 1.000000e+00 : f32
    %broadcast_in_dim3A_0 = vector.broadcast %broadcast_in_dim3A : f32 to vector<16xf32>
    %swap3A = arith.constant 0 : index
    %swap3A_1 = tpu.vector_load %arg12[%swap3A] {strides = array<i32>} : memref<80xf32, #tpu.memory_space<vmem>>, vector<16xf32>,
    %swap3A_2 = vector.shape_cast %swap3A_1 : vector<16xf32> to vector<16xf32>
    %swap3A_3 = vector.shape_cast %broadcast_in_dim3A_0 : vector<16xf32> to vector<16xf32>
    tpu.vector_store %arg12[%swap3A], %swap3A_3 {strides = array<i32>} : memref<80xf32, #tpu.memory_space<vmem>>, vector<16xf32>,
    %broadcast_in_dim3A_4 = arith.constant 1.000000e+00 : f32
    %broadcast_in_dim3A_5 = vector.broadcast %broadcast_in_dim3A_4 : f32 to vector<16xf32>
    %swap3A_6 = arith.constant 16 : index
    %swap3A_7 = tpu.vector_load %arg12[%swap3A_6] {strides = array<i32>} : memref<80xf32, #tpu.memory_space<vmem>>, vector<16xf32>,
    %swap3A_8 = vector.shape_cast %swap3A_7 : vector<16xf32> to vector<16xf32>
    %swap3A_9 = vector.shape_cast %broadcast_in_dim3A_5 : vector<16xf32> to vector<16xf32>
    tpu.vector_store %arg12[%swap3A_6], %swap3A_9 {strides = array<i32>} : memref<80xf32, #tpu.memory_space<vmem>>, vector<16xf32>,
    %broadcast_in_dim3A_10 = arith.constant 1.000000e+00 : f32
    %broadcast_in_dim3A_11 = vector.broadcast %broadcast_in_dim3A_10 : f32 to vector<16xf32>
    %swap3A_12 = arith.constant 32 : index
    %swap3A_13 = tpu.vector_load %arg12[%swap3A_12] {strides = array<i32>} : memref<80xf32, #tpu.memory_space<vmem>>, vector<16xf32>,
    %swap3A_14 = vector.shape_cast %swap3A_13 : vector<16xf32> to vector<16xf32>
    %swap3A_15 = vector.shape_cast %broadcast_in_dim3A_11 : vector<16xf32> to vector<16xf32>
    tpu.vector_store %arg12[%swap3A_12], %swap3A_15 {strides = array<i32>} : memref<80xf32, #tpu.memory_space<vmem>>, vector<16xf32>,
    %broadcast_in_dim3A_16 = arith.constant 1.000000e+00 : f32
    %broadcast_in_dim3A_17 = vector.broadcast %broadcast_in_dim3A_16 : f32 to vector<16xf32>
    %swap3A_18 = arith.constant 48 : index
    %swap3A_19 = tpu.vector_load %arg12[%swap3A_18] {strides = array<i32>} : memref<80xf32, #tpu.memory_space<vmem>>, vector<16xf32>,
    %swap3A_20 = vector.shape_cast %swap3A_19 : vector<16xf32> to vector<16xf32>
    %swap3A_21 = vector.shape_cast %broadcast_in_dim3A_17 : vector<16xf32> to vector<16xf32>
    tpu.vector_store %arg12[%swap3A_18], %swap3A_21 {strides = array<i32>} : memref<80xf32, #tpu.memory_space<vmem>>, vector<16xf32>,
    %broadcast_in_dim3A_22 = arith.constant 1.000000e+00 : f32
    %broadcast_in_dim3A_23 = vector.broadcast %broadcast_in_dim3A_22 : f32 to vector<16xf32>
    %swap3A_24 = arith.constant 64 : index
    %swap3A_25 = tpu.vector_load %arg12[%swap3A_24] {strides = array<i32>} : memref<80xf32, #tpu.memory_space<vmem>>, vector<16xf32>,
    %swap3A_26 = vector.shape_cast %swap3A_25 : vector<16xf32> to vector<16xf32>
    %swap3A_27 = vector.shape_cast %broadcast_in_dim3A_23 : vector<16xf32> to vector<16xf32>
    tpu.vector_store %arg12[%swap3A_24], %swap3A_27 {strides = array<i32>} : memref<80xf32, #tpu.memory_space<vmem>>, vector<16xf32>,
    %scan3A = arith.constant 0 : i32
    %scan3A_28 = arith.constant 0 : i32
    %scan3A_29 = arith.constant 80 : i32
    %scan3A_30 = arith.addi %scan3A_28, %scan3A_29 : i32
    %scan3A_31 = arith.constant 1 : i32
    %scan3A_32 = scf.for %scan3A_421 = %scan3A_28 to %scan3A_30 step %scan3A_31 iter_args(%scan3A_422 = %scan3A) -> (i32)  : i32 {
      %broadcast_in_dim3A_423 = arith.constant 0.000000e+00 : f32
      %broadcast_in_dim3A_424 = vector.broadcast %broadcast_in_dim3A_423 : f32 to vector<16xf32>
      %swap3A_425 = arith.constant 0 : i32
      %swap3A_426 = arith.index_cast %swap3A_425 : i32 to index
      %swap3A_427 = arith.index_cast %scan3A_421 : i32 to index
      %swap3A_428 = arith.constant 0 : index
      %swap3A_429 = tpu.vector_load %arg11[%swap3A_426, %swap3A_427, %swap3A_428] {strides = array<i32>} : memref<4x80x128xf32, #tpu.memory_space<vmem>>, vector<1x1x16xf32>,
      %swap3A_430 = vector.shape_cast %swap3A_429 : vector<1x1x16xf32> to vector<16xf32>
      %swap3A_431 = vector.shape_cast %broadcast_in_dim3A_424 : vector<16xf32> to vector<1x1x16xf32>
      tpu.vector_store %arg11[%swap3A_426, %swap3A_427, %swap3A_428], %swap3A_431 {strides = array<i32>} : memref<4x80x128xf32, #tpu.memory_space<vmem>>, vector<1x1x16xf32>,
      %broadcast_in_dim3A_432 = arith.constant 0.000000e+00 : f32
      %broadcast_in_dim3A_433 = vector.broadcast %broadcast_in_dim3A_432 : f32 to vector<16xf32>
      %swap3A_434 = arith.constant 0 : i32
      %swap3A_435 = arith.index_cast %swap3A_434 : i32 to index
      %swap3A_436 = arith.index_cast %scan3A_421 : i32 to index
      %swap3A_437 = arith.constant 16 : index
      %swap3A_438 = tpu.vector_load %arg11[%swap3A_435, %swap3A_436, %swap3A_437] {strides = array<i32>} : memref<4x80x128xf32, #tpu.memory_space<vmem>>, vector<1x1x16xf32>,
      %swap3A_439 = vector.shape_cast %swap3A_438 : vector<1x1x16xf32> to vector<16xf32>
      %swap3A_440 = vector.shape_cast %broadcast_in_dim3A_433 : vector<16xf32> to vector<1x1x16xf32>
      tpu.vector_store %arg11[%swap3A_435, %swap3A_436, %swap3A_437], %swap3A_440 {strides = array<i32>} : memref<4x80x128xf32, #tpu.memory_space<vmem>>, vector<1x1x16xf32>,
      %broadcast_in_dim3A_441 = arith.constant 0.000000e+00 : f32
      %broadcast_in_dim3A_442 = vector.broadcast %broadcast_in_dim3A_441 : f32 to vector<16xf32>
      %swap3A_443 = arith.constant 0 : i32
      %swap3A_444 = arith.index_cast %swap3A_443 : i32 to index
      %swap3A_445 = arith.index_cast %scan3A_421 : i32 to index
      %swap3A_446 = arith.constant 32 : index
      %swap3A_447 = tpu.vector_load %arg11[%swap3A_444, %swap3A_445, %swap3A_446] {strides = array<i32>} : memref<4x80x128xf32, #tpu.memory_space<vmem>>, vector<1x1x16xf32>,
      %swap3A_448 = vector.shape_cast %swap3A_447 : vector<1x1x16xf32> to vector<16xf32>
      %swap3A_449 = vector.shape_cast %broadcast_in_dim3A_442 : vector<16xf32> to vector<1x1x16xf32>
      tpu.vector_store %arg11[%swap3A_444, %swap3A_445, %swap3A_446], %swap3A_449 {strides = array<i32>} : memref<4x80x128xf32, #tpu.memory_space<vmem>>, vector<1x1x16xf32>,
      %broadcast_in_dim3A_450 = arith.constant 0.000000e+00 : f32
      %broadcast_in_dim3A_451 = vector.broadcast %broadcast_in_dim3A_450 : f32 to vector<16xf32>
      %swap3A_452 = arith.constant 0 : i32
      %swap3A_453 = arith.index_cast %swap3A_452 : i32 to index
      %swap3A_454 = arith.index_cast %scan3A_421 : i32 to index
      %swap3A_455 = arith.constant 48 : index
      %swap3A_456 = tpu.vector_load %arg11[%swap3A_453, %swap3A_454, %swap3A_455] {strides = array<i32>} : memref<4x80x128xf32, #tpu.memory_space<vmem>>, vector<1x1x16xf32>,
      %swap3A_457 = vector.shape_cast %swap3A_456 : vector<1x1x16xf32> to vector<16xf32>
      %swap3A_458 = vector.shape_cast %broadcast_in_dim3A_451 : vector<16xf32> to vector<1x1x16xf32>
      tpu.vector_store %arg11[%swap3A_453, %swap3A_454, %swap3A_455], %swap3A_458 {strides = array<i32>} : memref<4x80x128xf32, #tpu.memory_space<vmem>>, vector<1x1x16xf32>,
      %broadcast_in_dim3A_459 = arith.constant 0.000000e+00 : f32
      %broadcast_in_dim3A_460 = vector.broadcast %broadcast_in_dim3A_459 : f32 to vector<16xf32>
      %swap3A_461 = arith.constant 0 : i32
      %swap3A_462 = arith.index_cast %swap3A_461 : i32 to index
      %swap3A_463 = arith.index_cast %scan3A_421 : i32 to index
      %swap3A_464 = arith.constant 64 : index
      %swap3A_465 = tpu.vector_load %arg11[%swap3A_462, %swap3A_463, %swap3A_464] {strides = array<i32>} : memref<4x80x128xf32, #tpu.memory_space<vmem>>, vector<1x1x16xf32>,
      %swap3A_466 = vector.shape_cast %swap3A_465 : vector<1x1x16xf32> to vector<16xf32>
      %swap3A_467 = vector.shape_cast %broadcast_in_dim3A_460 : vector<16xf32> to vector<1x1x16xf32>
      tpu.vector_store %arg11[%swap3A_462, %swap3A_463, %swap3A_464], %swap3A_467 {strides = array<i32>} : memref<4x80x128xf32, #tpu.memory_space<vmem>>, vector<1x1x16xf32>,
      %broadcast_in_dim3A_468 = arith.constant 0.000000e+00 : f32
      %broadcast_in_dim3A_469 = vector.broadcast %broadcast_in_dim3A_468 : f32 to vector<16xf32>
      %swap3A_470 = arith.constant 0 : i32
      %swap3A_471 = arith.index_cast %swap3A_470 : i32 to index
      %swap3A_472 = arith.index_cast %scan3A_421 : i32 to index
      %swap3A_473 = arith.constant 80 : index
      %swap3A_474 = tpu.vector_load %arg11[%swap3A_471, %swap3A_472, %swap3A_473] {strides = array<i32>} : memref<4x80x128xf32, #tpu.memory_space<vmem>>, vector<1x1x16xf32>,
      %swap3A_475 = vector.shape_cast %swap3A_474 : vector<1x1x16xf32> to vector<16xf32>
      %swap3A_476 = vector.shape_cast %broadcast_in_dim3A_469 : vector<16xf32> to vector<1x1x16xf32>
      tpu.vector_store %arg11[%swap3A_471, %swap3A_472, %swap3A_473], %swap3A_476 {strides = array<i32>} : memref<4x80x128xf32, #tpu.memory_space<vmem>>, vector<1x1x16xf32>,
      %broadcast_in_dim3A_477 = arith.constant 0.000000e+00 : f32
      %broadcast_in_dim3A_478 = vector.broadcast %broadcast_in_dim3A_477 : f32 to vector<16xf32>
      %swap3A_479 = arith.constant 0 : i32
      %swap3A_480 = arith.index_cast %swap3A_479 : i32 to index
      %swap3A_481 = arith.index_cast %scan3A_421 : i32 to index
      %swap3A_482 = arith.constant 96 : index
      %swap3A_483 = tpu.vector_load %arg11[%swap3A_480, %swap3A_481, %swap3A_482] {strides = array<i32>} : memref<4x80x128xf32, #tpu.memory_space<vmem>>, vector<1x1x16xf32>,
      %swap3A_484 = vector.shape_cast %swap3A_483 : vector<1x1x16xf32> to vector<16xf32>
      %swap3A_485 = vector.shape_cast %broadcast_in_dim3A_478 : vector<16xf32> to vector<1x1x16xf32>
      tpu.vector_store %arg11[%swap3A_480, %swap3A_481, %swap3A_482], %swap3A_485 {strides = array<i32>} : memref<4x80x128xf32, #tpu.memory_space<vmem>>, vector<1x1x16xf32>,
      %broadcast_in_dim3A_486 = arith.constant 0.000000e+00 : f32
      %broadcast_in_dim3A_487 = vector.broadcast %broadcast_in_dim3A_486 : f32 to vector<16xf32>
      %swap3A_488 = arith.constant 0 : i32
      %swap3A_489 = arith.index_cast %swap3A_488 : i32 to index
      %swap3A_490 = arith.index_cast %scan3A_421 : i32 to index
      %swap3A_491 = arith.constant 112 : index
      %swap3A_492 = tpu.vector_load %arg11[%swap3A_489, %swap3A_490, %swap3A_491] {strides = array<i32>} : memref<4x80x128xf32, #tpu.memory_space<vmem>>, vector<1x1x16xf32>,
      %swap3A_493 = vector.shape_cast %swap3A_492 : vector<1x1x16xf32> to vector<16xf32>
      %swap3A_494 = vector.shape_cast %broadcast_in_dim3A_487 : vector<16xf32> to vector<1x1x16xf32>
      tpu.vector_store %arg11[%swap3A_489, %swap3A_490, %swap3A_491], %swap3A_494 {strides = array<i32>} : memref<4x80x128xf32, #tpu.memory_space<vmem>>, vector<1x1x16xf32>,
      %scan3A_495 = arith.constant 0 : i32
      scf.yield %scan3A_495 : i32
    }
    %scan3A_33 = arith.constant 80 : i32
    %scan3A_34 = arith.constant 0 : i32
    %scan3A_35 = arith.constant 0 : i32
    %scan3A_36 = arith.constant 40 : i32
    %scan3A_37 = arith.addi %scan3A_35, %scan3A_36 : i32
    %scan3A_38 = arith.constant 1 : i32
    %scan3A_39 = scf.for %scan3A_421 = %scan3A_35 to %scan3A_37 step %scan3A_38 iter_args(%scan3A_422 = %scan3A_34) -> (i32)  : i32 {
      %broadcast_in_dim3A_423 = arith.constant 0.000000e+00 : f32
      %broadcast_in_dim3A_424 = vector.broadcast %broadcast_in_dim3A_423 : f32 to vector<16xf32>
      %mul3A_425 = arith.constant 16 : i32
      %mul3A_426 = arith.muli %scan3A_421, %mul3A_425 : i32
      %swap3A_427 = arith.index_cast %mul3A_426 : i32 to index
      %swap3A_428 = tpu.vector_load %arg13[%swap3A_427] {strides = array<i32>} : memref<640xf32, #tpu.memory_space<vmem>>, vector<16xf32>,
      %swap3A_429 = vector.shape_cast %swap3A_428 : vector<16xf32> to vector<16xf32>
      %swap3A_430 = vector.shape_cast %broadcast_in_dim3A_424 : vector<16xf32> to vector<16xf32>
      tpu.vector_store %arg13[%swap3A_427], %swap3A_430 {strides = array<i32>} : memref<640xf32, #tpu.memory_space<vmem>>, vector<16xf32>,
      %scan3A_431 = arith.constant 0 : i32
      scf.yield %scan3A_431 : i32
    }
    %scan3A_40 = arith.constant 40 : i32
    %mul3A = arith.constant 625 : i32
    %mul3A_41 = arith.muli %arg1, %mul3A : i32
    %add3A = arith.constant 0 : i32
    %add3A_42 = arith.addi %mul3A_41, %add3A : i32
    %run_scoped3A = arith.constant 0 : i32
    "tpu.region"() ({
      %run_scoped3A_421 = tpu.sem_alloc : memref<!tpu.dma_semaphore, #tpu.memory_space<semaphore_mem>>
      %dma_start3A_422 = arith.constant 0 : i32
      %dma_start3A_423 = arith.constant 0 : i32
      %dma_start3A_424 = tpu.memref_slice %arg11[%run_scoped3A, %dma_start3A_422, %dma_start3A_423] : memref<4x80x128xf32, #tpu.memory_space<vmem>> -> memref<1x80x128xf32, #tpu.memory_space<vmem>>
      %dma_start3A_425 = tpu.memref_squeeze %dma_start3A_424 : memref<1x80x128xf32, #tpu.memory_space<vmem>> -> memref<80x128xf32, #tpu.memory_space<vmem>>
      %dma_start3A_426 = arith.constant 0 : i32
      %dma_start3A_427 = tpu.memref_slice %arg14[%add3A_42, %dma_start3A_426] : memref<10000x128xf32, #tpu.memory_space<vmem_shared>> -> memref<80x128xf32, #tpu.memory_space<vmem_shared>>
      %dma_start3A_428 = arith.constant 0 : i32
      %dma_start3A_429 = tpu.memref_slice %arg14[%add3A_42, %dma_start3A_428] : memref<10000x128xf32, #tpu.memory_space<vmem_shared>> -> memref<80x128xf32, #tpu.memory_space<vmem_shared>>
      %dma_start3A_430 = arith.constant 0 : i32
      %dma_start3A_431 = arith.constant 0 : i32
      %dma_start3A_432 = tpu.memref_slice %arg11[%run_scoped3A, %dma_start3A_430, %dma_start3A_431] : memref<4x80x128xf32, #tpu.memory_space<vmem>> -> memref<1x80x128xf32, #tpu.memory_space<vmem>>
      %dma_start3A_433 = tpu.memref_squeeze %dma_start3A_432 : memref<1x80x128xf32, #tpu.memory_space<vmem>> -> memref<80x128xf32, #tpu.memory_space<vmem>>
      tpu.enqueue_dma source(%dma_start3A_433 : memref<80x128xf32, #tpu.memory_space<vmem>>) target(%dma_start3A_429 : memref<80x128xf32, #tpu.memory_space<vmem_shared>>) target_semaphore(%run_scoped3A_421 : memref<!tpu.dma_semaphore, #tpu.memory_space<semaphore_mem>>)
      %dma_wait3A_434 = arith.constant 0 : i32
      %dma_wait3A_435 = arith.constant 0 : i32
      %dma_wait3A_436 = tpu.memref_slice %arg11[%run_scoped3A, %dma_wait3A_434, %dma_wait3A_435] : memref<4x80x128xf32, #tpu.memory_space<vmem>> -> memref<1x80x128xf32, #tpu.memory_space<vmem>>
      %dma_wait3A_437 = tpu.memref_squeeze %dma_wait3A_436 : memref<1x80x128xf32, #tpu.memory_space<vmem>> -> memref<80x128xf32, #tpu.memory_space<vmem>>
      %dma_wait3A_438 = arith.constant 0 : i32
      %dma_wait3A_439 = tpu.memref_slice %arg14[%add3A_42, %dma_wait3A_438] : memref<10000x128xf32, #tpu.memory_space<vmem_shared>> -> memref<80x128xf32, #tpu.memory_space<vmem_shared>>
      %dma_wait3A_440 = arith.constant 0 : i32
      %dma_wait3A_441 = tpu.memref_slice %arg14[%add3A_42, %dma_wait3A_440] : memref<10000x128xf32, #tpu.memory_space<vmem_shared>> -> memref<80x128xf32, #tpu.memory_space<vmem_shared>>
      %dma_wait3A_442 = arith.constant 0 : i32
      %dma_wait3A_443 = arith.constant 0 : i32
      %dma_wait3A_444 = tpu.memref_slice %arg11[%run_scoped3A, %dma_wait3A_442, %dma_wait3A_443] : memref<4x80x128xf32, #tpu.memory_space<vmem>> -> memref<1x80x128xf32, #tpu.memory_space<vmem>>
      %dma_wait3A_445 = tpu.memref_squeeze %dma_wait3A_444 : memref<1x80x128xf32, #tpu.memory_space<vmem>> -> memref<80x128xf32, #tpu.memory_space<vmem>>
      tpu.wait_dma2 semaphore(%run_scoped3A_421 : memref<!tpu.dma_semaphore, #tpu.memory_space<semaphore_mem>>) src(%dma_wait3A_445 : memref<80x128xf32, #tpu.memory_space<vmem>>) dst(%dma_wait3A_441 : memref<80x128xf32, #tpu.memory_space<vmem_shared>>)
      tpu.yield
    }) : () -> ()
    %add3A_43 = arith.constant 80 : i32
    %add3A_44 = arith.addi %mul3A_41, %add3A_43 : i32
    %run_scoped3A_45 = arith.constant 0 : i32
    "tpu.region"() ({
      %run_scoped3A_421 = tpu.sem_alloc : memref<!tpu.dma_semaphore, #tpu.memory_space<semaphore_mem>>
      %dma_start3A_422 = arith.constant 0 : i32
      %dma_start3A_423 = arith.constant 0 : i32
      %dma_start3A_424 = tpu.memref_slice %arg11[%run_scoped3A_45, %dma_start3A_422, %dma_start3A_423] : memref<4x80x128xf32, #tpu.memory_space<vmem>> -> memref<1x80x128xf32, #tpu.memory_space<vmem>>
      %dma_start3A_425 = tpu.memref_squeeze %dma_start3A_424 : memref<1x80x128xf32, #tpu.memory_space<vmem>> -> memref<80x128xf32, #tpu.memory_space<vmem>>
      %dma_start3A_426 = arith.constant 0 : i32
      %dma_start3A_427 = tpu.memref_slice %arg14[%add3A_44, %dma_start3A_426] : memref<10000x128xf32, #tpu.memory_space<vmem_shared>> -> memref<80x128xf32, #tpu.memory_space<vmem_shared>>
      %dma_start3A_428 = arith.constant 0 : i32
      %dma_start3A_429 = tpu.memref_slice %arg14[%add3A_44, %dma_start3A_428] : memref<10000x128xf32, #tpu.memory_space<vmem_shared>> -> memref<80x128xf32, #tpu.memory_space<vmem_shared>>
      %dma_start3A_430 = arith.constant 0 : i32
      %dma_start3A_431 = arith.constant 0 : i32
      %dma_start3A_432 = tpu.memref_slice %arg11[%run_scoped3A_45, %dma_start3A_430, %dma_start3A_431] : memref<4x80x128xf32, #tpu.memory_space<vmem>> -> memref<1x80x128xf32, #tpu.memory_space<vmem>>
      %dma_start3A_433 = tpu.memref_squeeze %dma_start3A_432 : memref<1x80x128xf32, #tpu.memory_space<vmem>> -> memref<80x128xf32, #tpu.memory_space<vmem>>
      tpu.enqueue_dma source(%dma_start3A_433 : memref<80x128xf32, #tpu.memory_space<vmem>>) target(%dma_start3A_429 : memref<80x128xf32, #tpu.memory_space<vmem_shared>>) target_semaphore(%run_scoped3A_421 : memref<!tpu.dma_semaphore, #tpu.memory_space<semaphore_mem>>)
      %dma_wait3A_434 = arith.constant 0 : i32
      %dma_wait3A_435 = arith.constant 0 : i32
      %dma_wait3A_436 = tpu.memref_slice %arg11[%run_scoped3A_45, %dma_wait3A_434, %dma_wait3A_435] : memref<4x80x128xf32, #tpu.memory_space<vmem>> -> memref<1x80x128xf32, #tpu.memory_space<vmem>>
      %dma_wait3A_437 = tpu.memref_squeeze %dma_wait3A_436 : memref<1x80x128xf32, #tpu.memory_space<vmem>> -> memref<80x128xf32, #tpu.memory_space<vmem>>
      %dma_wait3A_438 = arith.constant 0 : i32
      %dma_wait3A_439 = tpu.memref_slice %arg14[%add3A_44, %dma_wait3A_438] : memref<10000x128xf32, #tpu.memory_space<vmem_shared>> -> memref<80x128xf32, #tpu.memory_space<vmem_shared>>
      %dma_wait3A_440 = arith.constant 0 : i32
      %dma_wait3A_441 = tpu.memref_slice %arg14[%add3A_44, %dma_wait3A_440] : memref<10000x128xf32, #tpu.memory_space<vmem_shared>> -> memref<80x128xf32, #tpu.memory_space<vmem_shared>>
      %dma_wait3A_442 = arith.constant 0 : i32
      %dma_wait3A_443 = arith.constant 0 : i32
      %dma_wait3A_444 = tpu.memref_slice %arg11[%run_scoped3A_45, %dma_wait3A_442, %dma_wait3A_443] : memref<4x80x128xf32, #tpu.memory_space<vmem>> -> memref<1x80x128xf32, #tpu.memory_space<vmem>>
      %dma_wait3A_445 = tpu.memref_squeeze %dma_wait3A_444 : memref<1x80x128xf32, #tpu.memory_space<vmem>> -> memref<80x128xf32, #tpu.memory_space<vmem>>
      tpu.wait_dma2 semaphore(%run_scoped3A_421 : memref<!tpu.dma_semaphore, #tpu.memory_space<semaphore_mem>>) src(%dma_wait3A_445 : memref<80x128xf32, #tpu.memory_space<vmem>>) dst(%dma_wait3A_441 : memref<80x128xf32, #tpu.memory_space<vmem_shared>>)
      tpu.yield
    }) : () -> ()
    %add3A_46 = arith.constant 160 : i32
    %add3A_47 = arith.addi %mul3A_41, %add3A_46 : i32
    %run_scoped3A_48 = arith.constant 0 : i32
    "tpu.region"() ({
      %run_scoped3A_421 = tpu.sem_alloc : memref<!tpu.dma_semaphore, #tpu.memory_space<semaphore_mem>>
      %dma_start3A_422 = arith.constant 0 : i32
      %dma_start3A_423 = arith.constant 0 : i32
      %dma_start3A_424 = tpu.memref_slice %arg11[%run_scoped3A_48, %dma_start3A_422, %dma_start3A_423] : memref<4x80x128xf32, #tpu.memory_space<vmem>> -> memref<1x80x128xf32, #tpu.memory_space<vmem>>
      %dma_start3A_425 = tpu.memref_squeeze %dma_start3A_424 : memref<1x80x128xf32, #tpu.memory_space<vmem>> -> memref<80x128xf32, #tpu.memory_space<vmem>>
      %dma_start3A_426 = arith.constant 0 : i32
      %dma_start3A_427 = tpu.memref_slice %arg14[%add3A_47, %dma_start3A_426] : memref<10000x128xf32, #tpu.memory_space<vmem_shared>> -> memref<80x128xf32, #tpu.memory_space<vmem_shared>>
      %dma_start3A_428 = arith.constant 0 : i32
      %dma_start3A_429 = tpu.memref_slice %arg14[%add3A_47, %dma_start3A_428] : memref<10000x128xf32, #tpu.memory_space<vmem_shared>> -> memref<80x128xf32, #tpu.memory_space<vmem_shared>>
      %dma_start3A_430 = arith.constant 0 : i32
      %dma_start3A_431 = arith.constant 0 : i32
      %dma_start3A_432 = tpu.memref_slice %arg11[%run_scoped3A_48, %dma_start3A_430, %dma_start3A_431] : memref<4x80x128xf32, #tpu.memory_space<vmem>> -> memref<1x80x128xf32, #tpu.memory_space<vmem>>
      %dma_start3A_433 = tpu.memref_squeeze %dma_start3A_432 : memref<1x80x128xf32, #tpu.memory_space<vmem>> -> memref<80x128xf32, #tpu.memory_space<vmem>>
      tpu.enqueue_dma source(%dma_start3A_433 : memref<80x128xf32, #tpu.memory_space<vmem>>) target(%dma_start3A_429 : memref<80x128xf32, #tpu.memory_space<vmem_shared>>) target_semaphore(%run_scoped3A_421 : memref<!tpu.dma_semaphore, #tpu.memory_space<semaphore_mem>>)
      %dma_wait3A_434 = arith.constant 0 : i32
      %dma_wait3A_435 = arith.constant 0 : i32
      %dma_wait3A_436 = tpu.memref_slice %arg11[%run_scoped3A_48, %dma_wait3A_434, %dma_wait3A_435] : memref<4x80x128xf32, #tpu.memory_space<vmem>> -> memref<1x80x128xf32, #tpu.memory_space<vmem>>
      %dma_wait3A_437 = tpu.memref_squeeze %dma_wait3A_436 : memref<1x80x128xf32, #tpu.memory_space<vmem>> -> memref<80x128xf32, #tpu.memory_space<vmem>>
      %dma_wait3A_438 = arith.constant 0 : i32
      %dma_wait3A_439 = tpu.memref_slice %arg14[%add3A_47, %dma_wait3A_438] : memref<10000x128xf32, #tpu.memory_space<vmem_shared>> -> memref<80x128xf32, #tpu.memory_space<vmem_shared>>
      %dma_wait3A_440 = arith.constant 0 : i32
      %dma_wait3A_441 = tpu.memref_slice %arg14[%add3A_47, %dma_wait3A_440] : memref<10000x128xf32, #tpu.memory_space<vmem_shared>> -> memref<80x128xf32, #tpu.memory_space<vmem_shared>>
      %dma_wait3A_442 = arith.constant 0 : i32
      %dma_wait3A_443 = arith.constant 0 : i32
      %dma_wait3A_444 = tpu.memref_slice %arg11[%run_scoped3A_48, %dma_wait3A_442, %dma_wait3A_443] : memref<4x80x128xf32, #tpu.memory_space<vmem>> -> memref<1x80x128xf32, #tpu.memory_space<vmem>>
      %dma_wait3A_445 = tpu.memref_squeeze %dma_wait3A_444 : memref<1x80x128xf32, #tpu.memory_space<vmem>> -> memref<80x128xf32, #tpu.memory_space<vmem>>
      tpu.wait_dma2 semaphore(%run_scoped3A_421 : memref<!tpu.dma_semaphore, #tpu.memory_space<semaphore_mem>>) src(%dma_wait3A_445 : memref<80x128xf32, #tpu.memory_space<vmem>>) dst(%dma_wait3A_441 : memref<80x128xf32, #tpu.memory_space<vmem_shared>>)
      tpu.yield
    }) : () -> ()
    %add3A_49 = arith.constant 240 : i32
    %add3A_50 = arith.addi %mul3A_41, %add3A_49 : i32
    %run_scoped3A_51 = arith.constant 0 : i32
    "tpu.region"() ({
      %run_scoped3A_421 = tpu.sem_alloc : memref<!tpu.dma_semaphore, #tpu.memory_space<semaphore_mem>>
      %dma_start3A_422 = arith.constant 0 : i32
      %dma_start3A_423 = arith.constant 0 : i32
      %dma_start3A_424 = tpu.memref_slice %arg11[%run_scoped3A_51, %dma_start3A_422, %dma_start3A_423] : memref<4x80x128xf32, #tpu.memory_space<vmem>> -> memref<1x80x128xf32, #tpu.memory_space<vmem>>
      %dma_start3A_425 = tpu.memref_squeeze %dma_start3A_424 : memref<1x80x128xf32, #tpu.memory_space<vmem>> -> memref<80x128xf32, #tpu.memory_space<vmem>>
      %dma_start3A_426 = arith.constant 0 : i32
      %dma_start3A_427 = tpu.memref_slice %arg14[%add3A_50, %dma_start3A_426] : memref<10000x128xf32, #tpu.memory_space<vmem_shared>> -> memref<80x128xf32, #tpu.memory_space<vmem_shared>>
      %dma_start3A_428 = arith.constant 0 : i32
      %dma_start3A_429 = tpu.memref_slice %arg14[%add3A_50, %dma_start3A_428] : memref<10000x128xf32, #tpu.memory_space<vmem_shared>> -> memref<80x128xf32, #tpu.memory_space<vmem_shared>>
      %dma_start3A_430 = arith.constant 0 : i32
      %dma_start3A_431 = arith.constant 0 : i32
      %dma_start3A_432 = tpu.memref_slice %arg11[%run_scoped3A_51, %dma_start3A_430, %dma_start3A_431] : memref<4x80x128xf32, #tpu.memory_space<vmem>> -> memref<1x80x128xf32, #tpu.memory_space<vmem>>
      %dma_start3A_433 = tpu.memref_squeeze %dma_start3A_432 : memref<1x80x128xf32, #tpu.memory_space<vmem>> -> memref<80x128xf32, #tpu.memory_space<vmem>>
      tpu.enqueue_dma source(%dma_start3A_433 : memref<80x128xf32, #tpu.memory_space<vmem>>) target(%dma_start3A_429 : memref<80x128xf32, #tpu.memory_space<vmem_shared>>) target_semaphore(%run_scoped3A_421 : memref<!tpu.dma_semaphore, #tpu.memory_space<semaphore_mem>>)
      %dma_wait3A_434 = arith.constant 0 : i32
      %dma_wait3A_435 = arith.constant 0 : i32
      %dma_wait3A_436 = tpu.memref_slice %arg11[%run_scoped3A_51, %dma_wait3A_434, %dma_wait3A_435] : memref<4x80x128xf32, #tpu.memory_space<vmem>> -> memref<1x80x128xf32, #tpu.memory_space<vmem>>
      %dma_wait3A_437 = tpu.memref_squeeze %dma_wait3A_436 : memref<1x80x128xf32, #tpu.memory_space<vmem>> -> memref<80x128xf32, #tpu.memory_space<vmem>>
      %dma_wait3A_438 = arith.constant 0 : i32
      %dma_wait3A_439 = tpu.memref_slice %arg14[%add3A_50, %dma_wait3A_438] : memref<10000x128xf32, #tpu.memory_space<vmem_shared>> -> memref<80x128xf32, #tpu.memory_space<vmem_shared>>
      %dma_wait3A_440 = arith.constant 0 : i32
      %dma_wait3A_441 = tpu.memref_slice %arg14[%add3A_50, %dma_wait3A_440] : memref<10000x128xf32, #tpu.memory_space<vmem_shared>> -> memref<80x128xf32, #tpu.memory_space<vmem_shared>>
      %dma_wait3A_442 = arith.constant 0 : i32
      %dma_wait3A_443 = arith.constant 0 : i32
      %dma_wait3A_444 = tpu.memref_slice %arg11[%run_scoped3A_51, %dma_wait3A_442, %dma_wait3A_443] : memref<4x80x128xf32, #tpu.memory_space<vmem>> -> memref<1x80x128xf32, #tpu.memory_space<vmem>>
      %dma_wait3A_445 = tpu.memref_squeeze %dma_wait3A_444 : memref<1x80x128xf32, #tpu.memory_space<vmem>> -> memref<80x128xf32, #tpu.memory_space<vmem>>
      tpu.wait_dma2 semaphore(%run_scoped3A_421 : memref<!tpu.dma_semaphore, #tpu.memory_space<semaphore_mem>>) src(%dma_wait3A_445 : memref<80x128xf32, #tpu.memory_space<vmem>>) dst(%dma_wait3A_441 : memref<80x128xf32, #tpu.memory_space<vmem_shared>>)
      tpu.yield
    }) : () -> ()
    %add3A_52 = arith.constant 320 : i32
    %add3A_53 = arith.addi %mul3A_41, %add3A_52 : i32
    %run_scoped3A_54 = arith.constant 0 : i32
    "tpu.region"() ({
      %run_scoped3A_421 = tpu.sem_alloc : memref<!tpu.dma_semaphore, #tpu.memory_space<semaphore_mem>>
      %dma_start3A_422 = arith.constant 0 : i32
      %dma_start3A_423 = arith.constant 0 : i32
      %dma_start3A_424 = tpu.memref_slice %arg11[%run_scoped3A_54, %dma_start3A_422, %dma_start3A_423] : memref<4x80x128xf32, #tpu.memory_space<vmem>> -> memref<1x80x128xf32, #tpu.memory_space<vmem>>
      %dma_start3A_425 = tpu.memref_squeeze %dma_start3A_424 : memref<1x80x128xf32, #tpu.memory_space<vmem>> -> memref<80x128xf32, #tpu.memory_space<vmem>>
      %dma_start3A_426 = arith.constant 0 : i32
      %dma_start3A_427 = tpu.memref_slice %arg14[%add3A_53, %dma_start3A_426] : memref<10000x128xf32, #tpu.memory_space<vmem_shared>> -> memref<80x128xf32, #tpu.memory_space<vmem_shared>>
      %dma_start3A_428 = arith.constant 0 : i32
      %dma_start3A_429 = tpu.memref_slice %arg14[%add3A_53, %dma_start3A_428] : memref<10000x128xf32, #tpu.memory_space<vmem_shared>> -> memref<80x128xf32, #tpu.memory_space<vmem_shared>>
      %dma_start3A_430 = arith.constant 0 : i32
      %dma_start3A_431 = arith.constant 0 : i32
      %dma_start3A_432 = tpu.memref_slice %arg11[%run_scoped3A_54, %dma_start3A_430, %dma_start3A_431] : memref<4x80x128xf32, #tpu.memory_space<vmem>> -> memref<1x80x128xf32, #tpu.memory_space<vmem>>
      %dma_start3A_433 = tpu.memref_squeeze %dma_start3A_432 : memref<1x80x128xf32, #tpu.memory_space<vmem>> -> memref<80x128xf32, #tpu.memory_space<vmem>>
      tpu.enqueue_dma source(%dma_start3A_433 : memref<80x128xf32, #tpu.memory_space<vmem>>) target(%dma_start3A_429 : memref<80x128xf32, #tpu.memory_space<vmem_shared>>) target_semaphore(%run_scoped3A_421 : memref<!tpu.dma_semaphore, #tpu.memory_space<semaphore_mem>>)
      %dma_wait3A_434 = arith.constant 0 : i32
      %dma_wait3A_435 = arith.constant 0 : i32
      %dma_wait3A_436 = tpu.memref_slice %arg11[%run_scoped3A_54, %dma_wait3A_434, %dma_wait3A_435] : memref<4x80x128xf32, #tpu.memory_space<vmem>> -> memref<1x80x128xf32, #tpu.memory_space<vmem>>
      %dma_wait3A_437 = tpu.memref_squeeze %dma_wait3A_436 : memref<1x80x128xf32, #tpu.memory_space<vmem>> -> memref<80x128xf32, #tpu.memory_space<vmem>>
      %dma_wait3A_438 = arith.constant 0 : i32
      %dma_wait3A_439 = tpu.memref_slice %arg14[%add3A_53, %dma_wait3A_438] : memref<10000x128xf32, #tpu.memory_space<vmem_shared>> -> memref<80x128xf32, #tpu.memory_space<vmem_shared>>
      %dma_wait3A_440 = arith.constant 0 : i32
      %dma_wait3A_441 = tpu.memref_slice %arg14[%add3A_53, %dma_wait3A_440] : memref<10000x128xf32, #tpu.memory_space<vmem_shared>> -> memref<80x128xf32, #tpu.memory_space<vmem_shared>>
      %dma_wait3A_442 = arith.constant 0 : i32
      %dma_wait3A_443 = arith.constant 0 : i32
      %dma_wait3A_444 = tpu.memref_slice %arg11[%run_scoped3A_54, %dma_wait3A_442, %dma_wait3A_443] : memref<4x80x128xf32, #tpu.memory_space<vmem>> -> memref<1x80x128xf32, #tpu.memory_space<vmem>>
      %dma_wait3A_445 = tpu.memref_squeeze %dma_wait3A_444 : memref<1x80x128xf32, #tpu.memory_space<vmem>> -> memref<80x128xf32, #tpu.memory_space<vmem>>
      tpu.wait_dma2 semaphore(%run_scoped3A_421 : memref<!tpu.dma_semaphore, #tpu.memory_space<semaphore_mem>>) src(%dma_wait3A_445 : memref<80x128xf32, #tpu.memory_space<vmem>>) dst(%dma_wait3A_441 : memref<80x128xf32, #tpu.memory_space<vmem_shared>>)
      tpu.yield
    }) : () -> ()
    %add3A_55 = arith.constant 400 : i32
    %add3A_56 = arith.addi %mul3A_41, %add3A_55 : i32
    %run_scoped3A_57 = arith.constant 0 : i32
    "tpu.region"() ({
      %run_scoped3A_421 = tpu.sem_alloc : memref<!tpu.dma_semaphore, #tpu.memory_space<semaphore_mem>>
      %dma_start3A_422 = arith.constant 0 : i32
      %dma_start3A_423 = arith.constant 0 : i32
      %dma_start3A_424 = tpu.memref_slice %arg11[%run_scoped3A_57, %dma_start3A_422, %dma_start3A_423] : memref<4x80x128xf32, #tpu.memory_space<vmem>> -> memref<1x80x128xf32, #tpu.memory_space<vmem>>
      %dma_start3A_425 = tpu.memref_squeeze %dma_start3A_424 : memref<1x80x128xf32, #tpu.memory_space<vmem>> -> memref<80x128xf32, #tpu.memory_space<vmem>>
      %dma_start3A_426 = arith.constant 0 : i32
      %dma_start3A_427 = tpu.memref_slice %arg14[%add3A_56, %dma_start3A_426] : memref<10000x128xf32, #tpu.memory_space<vmem_shared>> -> memref<80x128xf32, #tpu.memory_space<vmem_shared>>
      %dma_start3A_428 = arith.constant 0 : i32
      %dma_start3A_429 = tpu.memref_slice %arg14[%add3A_56, %dma_start3A_428] : memref<10000x128xf32, #tpu.memory_space<vmem_shared>> -> memref<80x128xf32, #tpu.memory_space<vmem_shared>>
      %dma_start3A_430 = arith.constant 0 : i32
      %dma_start3A_431 = arith.constant 0 : i32
      %dma_start3A_432 = tpu.memref_slice %arg11[%run_scoped3A_57, %dma_start3A_430, %dma_start3A_431] : memref<4x80x128xf32, #tpu.memory_space<vmem>> -> memref<1x80x128xf32, #tpu.memory_space<vmem>>
      %dma_start3A_433 = tpu.memref_squeeze %dma_start3A_432 : memref<1x80x128xf32, #tpu.memory_space<vmem>> -> memref<80x128xf32, #tpu.memory_space<vmem>>
      tpu.enqueue_dma source(%dma_start3A_433 : memref<80x128xf32, #tpu.memory_space<vmem>>) target(%dma_start3A_429 : memref<80x128xf32, #tpu.memory_space<vmem_shared>>) target_semaphore(%run_scoped3A_421 : memref<!tpu.dma_semaphore, #tpu.memory_space<semaphore_mem>>)
      %dma_wait3A_434 = arith.constant 0 : i32
      %dma_wait3A_435 = arith.constant 0 : i32
      %dma_wait3A_436 = tpu.memref_slice %arg11[%run_scoped3A_57, %dma_wait3A_434, %dma_wait3A_435] : memref<4x80x128xf32, #tpu.memory_space<vmem>> -> memref<1x80x128xf32, #tpu.memory_space<vmem>>
      %dma_wait3A_437 = tpu.memref_squeeze %dma_wait3A_436 : memref<1x80x128xf32, #tpu.memory_space<vmem>> -> memref<80x128xf32, #tpu.memory_space<vmem>>
      %dma_wait3A_438 = arith.constant 0 : i32
      %dma_wait3A_439 = tpu.memref_slice %arg14[%add3A_56, %dma_wait3A_438] : memref<10000x128xf32, #tpu.memory_space<vmem_shared>> -> memref<80x128xf32, #tpu.memory_space<vmem_shared>>
      %dma_wait3A_440 = arith.constant 0 : i32
      %dma_wait3A_441 = tpu.memref_slice %arg14[%add3A_56, %dma_wait3A_440] : memref<10000x128xf32, #tpu.memory_space<vmem_shared>> -> memref<80x128xf32, #tpu.memory_space<vmem_shared>>
      %dma_wait3A_442 = arith.constant 0 : i32
      %dma_wait3A_443 = arith.constant 0 : i32
      %dma_wait3A_444 = tpu.memref_slice %arg11[%run_scoped3A_57, %dma_wait3A_442, %dma_wait3A_443] : memref<4x80x128xf32, #tpu.memory_space<vmem>> -> memref<1x80x128xf32, #tpu.memory_space<vmem>>
      %dma_wait3A_445 = tpu.memref_squeeze %dma_wait3A_444 : memref<1x80x128xf32, #tpu.memory_space<vmem>> -> memref<80x128xf32, #tpu.memory_space<vmem>>
      tpu.wait_dma2 semaphore(%run_scoped3A_421 : memref<!tpu.dma_semaphore, #tpu.memory_space<semaphore_mem>>) src(%dma_wait3A_445 : memref<80x128xf32, #tpu.memory_space<vmem>>) dst(%dma_wait3A_441 : memref<80x128xf32, #tpu.memory_space<vmem_shared>>)
      tpu.yield
    }) : () -> ()
    %add3A_58 = arith.constant 480 : i32
    %add3A_59 = arith.addi %mul3A_41, %add3A_58 : i32
    %run_scoped3A_60 = arith.constant 0 : i32
    "tpu.region"() ({
      %run_scoped3A_421 = tpu.sem_alloc : memref<!tpu.dma_semaphore, #tpu.memory_space<semaphore_mem>>
      %dma_start3A_422 = arith.constant 0 : i32
      %dma_start3A_423 = arith.constant 0 : i32
      %dma_start3A_424 = tpu.memref_slice %arg11[%run_scoped3A_60, %dma_start3A_422, %dma_start3A_423] : memref<4x80x128xf32, #tpu.memory_space<vmem>> -> memref<1x80x128xf32, #tpu.memory_space<vmem>>
      %dma_start3A_425 = tpu.memref_squeeze %dma_start3A_424 : memref<1x80x128xf32, #tpu.memory_space<vmem>> -> memref<80x128xf32, #tpu.memory_space<vmem>>
      %dma_start3A_426 = arith.constant 0 : i32
      %dma_start3A_427 = tpu.memref_slice %arg14[%add3A_59, %dma_start3A_426] : memref<10000x128xf32, #tpu.memory_space<vmem_shared>> -> memref<80x128xf32, #tpu.memory_space<vmem_shared>>
      %dma_start3A_428 = arith.constant 0 : i32
      %dma_start3A_429 = tpu.memref_slice %arg14[%add3A_59, %dma_start3A_428] : memref<10000x128xf32, #tpu.memory_space<vmem_shared>> -> memref<80x128xf32, #tpu.memory_space<vmem_shared>>
      %dma_start3A_430 = arith.constant 0 : i32
      %dma_start3A_431 = arith.constant 0 : i32
      %dma_start3A_432 = tpu.memref_slice %arg11[%run_scoped3A_60, %dma_start3A_430, %dma_start3A_431] : memref<4x80x128xf32, #tpu.memory_space<vmem>> -> memref<1x80x128xf32, #tpu.memory_space<vmem>>
      %dma_start3A_433 = tpu.memref_squeeze %dma_start3A_432 : memref<1x80x128xf32, #tpu.memory_space<vmem>> -> memref<80x128xf32, #tpu.memory_space<vmem>>
      tpu.enqueue_dma source(%dma_start3A_433 : memref<80x128xf32, #tpu.memory_space<vmem>>) target(%dma_start3A_429 : memref<80x128xf32, #tpu.memory_space<vmem_shared>>) target_semaphore(%run_scoped3A_421 : memref<!tpu.dma_semaphore, #tpu.memory_space<semaphore_mem>>)
      %dma_wait3A_434 = arith.constant 0 : i32
      %dma_wait3A_435 = arith.constant 0 : i32
      %dma_wait3A_436 = tpu.memref_slice %arg11[%run_scoped3A_60, %dma_wait3A_434, %dma_wait3A_435] : memref<4x80x128xf32, #tpu.memory_space<vmem>> -> memref<1x80x128xf32, #tpu.memory_space<vmem>>
      %dma_wait3A_437 = tpu.memref_squeeze %dma_wait3A_436 : memref<1x80x128xf32, #tpu.memory_space<vmem>> -> memref<80x128xf32, #tpu.memory_space<vmem>>
      %dma_wait3A_438 = arith.constant 0 : i32
      %dma_wait3A_439 = tpu.memref_slice %arg14[%add3A_59, %dma_wait3A_438] : memref<10000x128xf32, #tpu.memory_space<vmem_shared>> -> memref<80x128xf32, #tpu.memory_space<vmem_shared>>
      %dma_wait3A_440 = arith.constant 0 : i32
      %dma_wait3A_441 = tpu.memref_slice %arg14[%add3A_59, %dma_wait3A_440] : memref<10000x128xf32, #tpu.memory_space<vmem_shared>> -> memref<80x128xf32, #tpu.memory_space<vmem_shared>>
      %dma_wait3A_442 = arith.constant 0 : i32
      %dma_wait3A_443 = arith.constant 0 : i32
      %dma_wait3A_444 = tpu.memref_slice %arg11[%run_scoped3A_60, %dma_wait3A_442, %dma_wait3A_443] : memref<4x80x128xf32, #tpu.memory_space<vmem>> -> memref<1x80x128xf32, #tpu.memory_space<vmem>>
      %dma_wait3A_445 = tpu.memref_squeeze %dma_wait3A_444 : memref<1x80x128xf32, #tpu.memory_space<vmem>> -> memref<80x128xf32, #tpu.memory_space<vmem>>
      tpu.wait_dma2 semaphore(%run_scoped3A_421 : memref<!tpu.dma_semaphore, #tpu.memory_space<semaphore_mem>>) src(%dma_wait3A_445 : memref<80x128xf32, #tpu.memory_space<vmem>>) dst(%dma_wait3A_441 : memref<80x128xf32, #tpu.memory_space<vmem_shared>>)
      tpu.yield
    }) : () -> ()
    %add3A_61 = arith.constant 625 : i32
    %add3A_62 = arith.addi %mul3A_41, %add3A_61 : i32
    %sub3A = arith.constant 65 : i32
    %sub3A_63 = arith.subi %add3A_62, %sub3A : i32
    %run_scoped3A_64 = arith.constant 0 : i32
    "tpu.region"() ({
      %run_scoped3A_421 = tpu.sem_alloc : memref<!tpu.dma_semaphore, #tpu.memory_space<semaphore_mem>>
      %dma_start3A_422 = arith.constant 0 : i32
      %dma_start3A_423 = arith.constant 0 : i32
      %dma_start3A_424 = tpu.memref_slice %arg11[%run_scoped3A_64, %dma_start3A_422, %dma_start3A_423] : memref<4x80x128xf32, #tpu.memory_space<vmem>> -> memref<1x80x128xf32, #tpu.memory_space<vmem>>
      %dma_start3A_425 = tpu.memref_squeeze %dma_start3A_424 : memref<1x80x128xf32, #tpu.memory_space<vmem>> -> memref<80x128xf32, #tpu.memory_space<vmem>>
      %dma_start3A_426 = arith.constant 0 : i32
      %dma_start3A_427 = arith.constant 0 : i32
      %dma_start3A_428 = tpu.memref_slice %dma_start3A_425[%dma_start3A_426, %dma_start3A_427] : memref<80x128xf32, #tpu.memory_space<vmem>> -> memref<65x128xf32, #tpu.memory_space<vmem>>
      %dma_start3A_429 = arith.constant 0 : i32
      %dma_start3A_430 = tpu.memref_slice %arg14[%sub3A_63, %dma_start3A_429] : memref<10000x128xf32, #tpu.memory_space<vmem_shared>> -> memref<65x128xf32, #tpu.memory_space<vmem_shared>>
      %dma_start3A_431 = arith.constant 0 : i32
      %dma_start3A_432 = tpu.memref_slice %arg14[%sub3A_63, %dma_start3A_431] : memref<10000x128xf32, #tpu.memory_space<vmem_shared>> -> memref<65x128xf32, #tpu.memory_space<vmem_shared>>
      %dma_start3A_433 = arith.constant 0 : i32
      %dma_start3A_434 = arith.constant 0 : i32
      %dma_start3A_435 = tpu.memref_slice %arg11[%run_scoped3A_64, %dma_start3A_433, %dma_start3A_434] : memref<4x80x128xf32, #tpu.memory_space<vmem>> -> memref<1x80x128xf32, #tpu.memory_space<vmem>>
      %dma_start3A_436 = tpu.memref_squeeze %dma_start3A_435 : memref<1x80x128xf32, #tpu.memory_space<vmem>> -> memref<80x128xf32, #tpu.memory_space<vmem>>
      %dma_start3A_437 = arith.constant 0 : i32
      %dma_start3A_438 = arith.constant 0 : i32
      %dma_start3A_439 = tpu.memref_slice %dma_start3A_436[%dma_start3A_437, %dma_start3A_438] : memref<80x128xf32, #tpu.memory_space<vmem>> -> memref<65x128xf32, #tpu.memory_space<vmem>>
      tpu.enqueue_dma source(%dma_start3A_439 : memref<65x128xf32, #tpu.memory_space<vmem>>) target(%dma_start3A_432 : memref<65x128xf32, #tpu.memory_space<vmem_shared>>) target_semaphore(%run_scoped3A_421 : memref<!tpu.dma_semaphore, #tpu.memory_space<semaphore_mem>>)
      %dma_wait3A_440 = arith.constant 0 : i32
      %dma_wait3A_441 = arith.constant 0 : i32
      %dma_wait3A_442 = tpu.memref_slice %arg11[%run_scoped3A_64, %dma_wait3A_440, %dma_wait3A_441] : memref<4x80x128xf32, #tpu.memory_space<vmem>> -> memref<1x80x128xf32, #tpu.memory_space<vmem>>
      %dma_wait3A_443 = tpu.memref_squeeze %dma_wait3A_442 : memref<1x80x128xf32, #tpu.memory_space<vmem>> -> memref<80x128xf32, #tpu.memory_space<vmem>>
      %dma_wait3A_444 = arith.constant 0 : i32
      %dma_wait3A_445 = arith.constant 0 : i32
      %dma_wait3A_446 = tpu.memref_slice %dma_wait3A_443[%dma_wait3A_444, %dma_wait3A_445] : memref<80x128xf32, #tpu.memory_space<vmem>> -> memref<65x128xf32, #tpu.memory_space<vmem>>
      %dma_wait3A_447 = arith.constant 0 : i32
      %dma_wait3A_448 = tpu.memref_slice %arg14[%sub3A_63, %dma_wait3A_447] : memref<10000x128xf32, #tpu.memory_space<vmem_shared>> -> memref<65x128xf32, #tpu.memory_space<vmem_shared>>
      %dma_wait3A_449 = arith.constant 0 : i32
      %dma_wait3A_450 = tpu.memref_slice %arg14[%sub3A_63, %dma_wait3A_449] : memref<10000x128xf32, #tpu.memory_space<vmem_shared>> -> memref<65x128xf32, #tpu.memory_space<vmem_shared>>
      %dma_wait3A_451 = arith.constant 0 : i32
      %dma_wait3A_452 = arith.constant 0 : i32
      %dma_wait3A_453 = tpu.memref_slice %arg11[%run_scoped3A_64, %dma_wait3A_451, %dma_wait3A_452] : memref<4x80x128xf32, #tpu.memory_space<vmem>> -> memref<1x80x128xf32, #tpu.memory_space<vmem>>
      %dma_wait3A_454 = tpu.memref_squeeze %dma_wait3A_453 : memref<1x80x128xf32, #tpu.memory_space<vmem>> -> memref<80x128xf32, #tpu.memory_space<vmem>>
      %dma_wait3A_455 = arith.constant 0 : i32
      %dma_wait3A_456 = arith.constant 0 : i32
      %dma_wait3A_457 = tpu.memref_slice %dma_wait3A_454[%dma_wait3A_455, %dma_wait3A_456] : memref<80x128xf32, #tpu.memory_space<vmem>> -> memref<65x128xf32, #tpu.memory_space<vmem>>
      tpu.wait_dma2 semaphore(%run_scoped3A_421 : memref<!tpu.dma_semaphore, #tpu.memory_space<semaphore_mem>>) src(%dma_wait3A_457 : memref<65x128xf32, #tpu.memory_space<vmem>>) dst(%dma_wait3A_450 : memref<65x128xf32, #tpu.memory_space<vmem_shared>>)
      tpu.yield
    }) : () -> ()
    %eq3A = arith.constant 1 : i32
    %eq3A_65 = arith.cmpi eq, %arg0, %eq3A : i32
    %convert_element_type3A = arith.extui %eq3A_65 : i1 to i32
    %cond3A = arith.constant 0 : i32
    %cond3A_66 = arith.cmpi ne, %convert_element_type3A, %cond3A : i32
    scf.if %cond3A_66 {
      %mul3A_421 = arith.constant 640 : i32
      %mul3A_422 = arith.muli %arg1, %mul3A_421 : i32
      "tpu.region"() ({
        %run_scoped3A_423 = tpu.sem_alloc : memref<!tpu.dma_semaphore, #tpu.memory_space<semaphore_mem>>
        %dma_start3A_424 = tpu.memref_slice %arg15[%mul3A_422] : memref<10240xf32, #tpu.memory_space<vmem_shared>> -> memref<640xf32, #tpu.memory_space<vmem_shared>>
        %dma_start3A_425 = tpu.memref_slice %arg15[%mul3A_422] : memref<10240xf32, #tpu.memory_space<vmem_shared>> -> memref<640xf32, #tpu.memory_space<vmem_shared>>
        tpu.enqueue_dma source(%arg13 : memref<640xf32, #tpu.memory_space<vmem>>) target(%dma_start3A_425 : memref<640xf32, #tpu.memory_space<vmem_shared>>) target_semaphore(%run_scoped3A_423 : memref<!tpu.dma_semaphore, #tpu.memory_space<semaphore_mem>>)
        %dma_wait3A_426 = tpu.memref_slice %arg15[%mul3A_422] : memref<10240xf32, #tpu.memory_space<vmem_shared>> -> memref<640xf32, #tpu.memory_space<vmem_shared>>
        %dma_wait3A_427 = tpu.memref_slice %arg15[%mul3A_422] : memref<10240xf32, #tpu.memory_space<vmem_shared>> -> memref<640xf32, #tpu.memory_space<vmem_shared>>
        tpu.wait_dma2 semaphore(%run_scoped3A_423 : memref<!tpu.dma_semaphore, #tpu.memory_space<semaphore_mem>>) src(%arg13 : memref<640xf32, #tpu.memory_space<vmem>>) dst(%dma_wait3A_427 : memref<640xf32, #tpu.memory_space<vmem_shared>>)
        tpu.yield
      }) : () -> ()
    } else {
    }
    %barrier3A = arith.constant 0 : index
    tpu.barrier barrier_id(%barrier3A)
    %mul3A_67 = arith.constant 10000 : i32
    %mul3A_68 = arith.muli %arg1, %mul3A_67 : i32
    %add3A_69 = arith.constant 0 : i32
    %add3A_70 = arith.addi %mul3A_68, %add3A_69 : i32
    %dma_start3A = arith.constant 0 : i32
    %dma_start3A_71 = arith.constant 0 : i32
    %dma_start3A_72 = arith.constant 0 : i32
    %dma_start3A_73 = tpu.memref_slice %arg9[%dma_start3A, %dma_start3A_72] : memref<8x80xi32, #tpu.memory_space<vmem>> -> memref<1x80xi32, #tpu.memory_space<vmem>>
    %dma_start3A_74 = tpu.memref_squeeze %dma_start3A_73 : memref<1x80xi32, #tpu.memory_space<vmem>> -> memref<80xi32, #tpu.memory_space<vmem>>
    %dma_start3A_75 = tpu.memref_slice %arg4[%add3A_70] : memref<160000xi32, #tpu.memory_space<hbm>> -> memref<80xi32, #tpu.memory_space<hbm>>
    %dma_start3A_76 = tpu.memref_slice %arg16[%dma_start3A_71] : memref<8x!tpu.dma_semaphore, #tpu.memory_space<semaphore_mem>> -> memref<1x!tpu.dma_semaphore, #tpu.memory_space<semaphore_mem>>
    %dma_start3A_77 = tpu.memref_squeeze %dma_start3A_76 : memref<1x!tpu.dma_semaphore, #tpu.memory_space<semaphore_mem>> -> memref<!tpu.dma_semaphore, #tpu.memory_space<semaphore_mem>>
    %dma_start3A_78 = arith.constant 0 : i32
    %dma_start3A_79 = tpu.memref_slice %arg9[%dma_start3A, %dma_start3A_78] : memref<8x80xi32, #tpu.memory_space<vmem>> -> memref<1x80xi32, #tpu.memory_space<vmem>>
    %dma_start3A_80 = tpu.memref_squeeze %dma_start3A_79 : memref<1x80xi32, #tpu.memory_space<vmem>> -> memref<80xi32, #tpu.memory_space<vmem>>
    %dma_start3A_81 = tpu.memref_slice %arg4[%add3A_70] : memref<160000xi32, #tpu.memory_space<hbm>> -> memref<80xi32, #tpu.memory_space<hbm>>
    tpu.enqueue_dma source(%dma_start3A_81 : memref<80xi32, #tpu.memory_space<hbm>>) target(%dma_start3A_80 : memref<80xi32, #tpu.memory_space<vmem>>) target_semaphore(%dma_start3A_77 : memref<!tpu.dma_semaphore, #tpu.memory_space<semaphore_mem>>)
    %dma_start3A_82 = arith.constant 0 : i32
    %dma_start3A_83 = arith.constant 0 : i32
    %dma_start3A_84 = arith.constant 0 : i32
    %dma_start3A_85 = tpu.memref_slice %arg10[%dma_start3A_82, %dma_start3A_84] : memref<8x80xi32, #tpu.memory_space<vmem>> -> memref<1x80xi32, #tpu.memory_space<vmem>>
    %dma_start3A_86 = tpu.memref_squeeze %dma_start3A_85 : memref<1x80xi32, #tpu.memory_space<vmem>> -> memref<80xi32, #tpu.memory_space<vmem>>
    %dma_start3A_87 = tpu.memref_slice %arg5[%add3A_70] : memref<160000xi32, #tpu.memory_space<hbm>> -> memref<80xi32, #tpu.memory_space<hbm>>
    %dma_start3A_88 = tpu.memref_slice %arg16[%dma_start3A_83] : memref<8x!tpu.dma_semaphore, #tpu.memory_space<semaphore_mem>> -> memref<1x!tpu.dma_semaphore, #tpu.memory_space<semaphore_mem>>
    %dma_start3A_89 = tpu.memref_squeeze %dma_start3A_88 : memref<1x!tpu.dma_semaphore, #tpu.memory_space<semaphore_mem>> -> memref<!tpu.dma_semaphore, #tpu.memory_space<semaphore_mem>>
    %dma_start3A_90 = arith.constant 0 : i32
    %dma_start3A_91 = tpu.memref_slice %arg10[%dma_start3A_82, %dma_start3A_90] : memref<8x80xi32, #tpu.memory_space<vmem>> -> memref<1x80xi32, #tpu.memory_space<vmem>>
    %dma_start3A_92 = tpu.memref_squeeze %dma_start3A_91 : memref<1x80xi32, #tpu.memory_space<vmem>> -> memref<80xi32, #tpu.memory_space<vmem>>
    %dma_start3A_93 = tpu.memref_slice %arg5[%add3A_70] : memref<160000xi32, #tpu.memory_space<hbm>> -> memref<80xi32, #tpu.memory_space<hbm>>
    tpu.enqueue_dma source(%dma_start3A_93 : memref<80xi32, #tpu.memory_space<hbm>>) target(%dma_start3A_92 : memref<80xi32, #tpu.memory_space<vmem>>) target_semaphore(%dma_start3A_89 : memref<!tpu.dma_semaphore, #tpu.memory_space<semaphore_mem>>)
    %mul3A_94 = arith.constant 10000 : i32
    %mul3A_95 = arith.muli %arg1, %mul3A_94 : i32
    %add3A_96 = arith.constant 80 : i32
    %add3A_97 = arith.addi %mul3A_95, %add3A_96 : i32
    %dma_start3A_98 = arith.constant 1 : i32
    %dma_start3A_99 = arith.constant 1 : i32
    %dma_start3A_100 = arith.constant 0 : i32
    %dma_start3A_101 = tpu.memref_slice %arg9[%dma_start3A_98, %dma_start3A_100] : memref<8x80xi32, #tpu.memory_space<vmem>> -> memref<1x80xi32, #tpu.memory_space<vmem>>
    %dma_start3A_102 = tpu.memref_squeeze %dma_start3A_101 : memref<1x80xi32, #tpu.memory_space<vmem>> -> memref<80xi32, #tpu.memory_space<vmem>>
    %dma_start3A_103 = tpu.memref_slice %arg4[%add3A_97] : memref<160000xi32, #tpu.memory_space<hbm>> -> memref<80xi32, #tpu.memory_space<hbm>>
    %dma_start3A_104 = tpu.memref_slice %arg16[%dma_start3A_99] : memref<8x!tpu.dma_semaphore, #tpu.memory_space<semaphore_mem>> -> memref<1x!tpu.dma_semaphore, #tpu.memory_space<semaphore_mem>>
    %dma_start3A_105 = tpu.memref_squeeze %dma_start3A_104 : memref<1x!tpu.dma_semaphore, #tpu.memory_space<semaphore_mem>> -> memref<!tpu.dma_semaphore, #tpu.memory_space<semaphore_mem>>
    %dma_start3A_106 = arith.constant 0 : i32
    %dma_start3A_107 = tpu.memref_slice %arg9[%dma_start3A_98, %dma_start3A_106] : memref<8x80xi32, #tpu.memory_space<vmem>> -> memref<1x80xi32, #tpu.memory_space<vmem>>
    %dma_start3A_108 = tpu.memref_squeeze %dma_start3A_107 : memref<1x80xi32, #tpu.memory_space<vmem>> -> memref<80xi32, #tpu.memory_space<vmem>>
    %dma_start3A_109 = tpu.memref_slice %arg4[%add3A_97] : memref<160000xi32, #tpu.memory_space<hbm>> -> memref<80xi32, #tpu.memory_space<hbm>>
    tpu.enqueue_dma source(%dma_start3A_109 : memref<80xi32, #tpu.memory_space<hbm>>) target(%dma_start3A_108 : memref<80xi32, #tpu.memory_space<vmem>>) target_semaphore(%dma_start3A_105 : memref<!tpu.dma_semaphore, #tpu.memory_space<semaphore_mem>>)
    %dma_start3A_110 = arith.constant 1 : i32
    %dma_start3A_111 = arith.constant 1 : i32
    %dma_start3A_112 = arith.constant 0 : i32
    %dma_start3A_113 = tpu.memref_slice %arg10[%dma_start3A_110, %dma_start3A_112] : memref<8x80xi32, #tpu.memory_space<vmem>> -> memref<1x80xi32, #tpu.memory_space<vmem>>
    %dma_start3A_114 = tpu.memref_squeeze %dma_start3A_113 : memref<1x80xi32, #tpu.memory_space<vmem>> -> memref<80xi32, #tpu.memory_space<vmem>>
    %dma_start3A_115 = tpu.memref_slice %arg5[%add3A_97] : memref<160000xi32, #tpu.memory_space<hbm>> -> memref<80xi32, #tpu.memory_space<hbm>>
    %dma_start3A_116 = tpu.memref_slice %arg16[%dma_start3A_111] : memref<8x!tpu.dma_semaphore, #tpu.memory_space<semaphore_mem>> -> memref<1x!tpu.dma_semaphore, #tpu.memory_space<semaphore_mem>>
    %dma_start3A_117 = tpu.memref_squeeze %dma_start3A_116 : memref<1x!tpu.dma_semaphore, #tpu.memory_space<semaphore_mem>> -> memref<!tpu.dma_semaphore, #tpu.memory_space<semaphore_mem>>
    %dma_start3A_118 = arith.constant 0 : i32
    %dma_start3A_119 = tpu.memref_slice %arg10[%dma_start3A_110, %dma_start3A_118] : memref<8x80xi32, #tpu.memory_space<vmem>> -> memref<1x80xi32, #tpu.memory_space<vmem>>
    %dma_start3A_120 = tpu.memref_squeeze %dma_start3A_119 : memref<1x80xi32, #tpu.memory_space<vmem>> -> memref<80xi32, #tpu.memory_space<vmem>>
    %dma_start3A_121 = tpu.memref_slice %arg5[%add3A_97] : memref<160000xi32, #tpu.memory_space<hbm>> -> memref<80xi32, #tpu.memory_space<hbm>>
    tpu.enqueue_dma source(%dma_start3A_121 : memref<80xi32, #tpu.memory_space<hbm>>) target(%dma_start3A_120 : memref<80xi32, #tpu.memory_space<vmem>>) target_semaphore(%dma_start3A_117 : memref<!tpu.dma_semaphore, #tpu.memory_space<semaphore_mem>>)
    %mul3A_122 = arith.constant 10000 : i32
    %mul3A_123 = arith.muli %arg1, %mul3A_122 : i32
    %add3A_124 = arith.constant 160 : i32
    %add3A_125 = arith.addi %mul3A_123, %add3A_124 : i32
    %dma_start3A_126 = arith.constant 2 : i32
    %dma_start3A_127 = arith.constant 2 : i32
    %dma_start3A_128 = arith.constant 0 : i32
    %dma_start3A_129 = tpu.memref_slice %arg9[%dma_start3A_126, %dma_start3A_128] : memref<8x80xi32, #tpu.memory_space<vmem>> -> memref<1x80xi32, #tpu.memory_space<vmem>>
    %dma_start3A_130 = tpu.memref_squeeze %dma_start3A_129 : memref<1x80xi32, #tpu.memory_space<vmem>> -> memref<80xi32, #tpu.memory_space<vmem>>
    %dma_start3A_131 = tpu.memref_slice %arg4[%add3A_125] : memref<160000xi32, #tpu.memory_space<hbm>> -> memref<80xi32, #tpu.memory_space<hbm>>
    %dma_start3A_132 = tpu.memref_slice %arg16[%dma_start3A_127] : memref<8x!tpu.dma_semaphore, #tpu.memory_space<semaphore_mem>> -> memref<1x!tpu.dma_semaphore, #tpu.memory_space<semaphore_mem>>
    %dma_start3A_133 = tpu.memref_squeeze %dma_start3A_132 : memref<1x!tpu.dma_semaphore, #tpu.memory_space<semaphore_mem>> -> memref<!tpu.dma_semaphore, #tpu.memory_space<semaphore_mem>>
    %dma_start3A_134 = arith.constant 0 : i32
    %dma_start3A_135 = tpu.memref_slice %arg9[%dma_start3A_126, %dma_start3A_134] : memref<8x80xi32, #tpu.memory_space<vmem>> -> memref<1x80xi32, #tpu.memory_space<vmem>>
    %dma_start3A_136 = tpu.memref_squeeze %dma_start3A_135 : memref<1x80xi32, #tpu.memory_space<vmem>> -> memref<80xi32, #tpu.memory_space<vmem>>
    %dma_start3A_137 = tpu.memref_slice %arg4[%add3A_125] : memref<160000xi32, #tpu.memory_space<hbm>> -> memref<80xi32, #tpu.memory_space<hbm>>
    tpu.enqueue_dma source(%dma_start3A_137 : memref<80xi32, #tpu.memory_space<hbm>>) target(%dma_start3A_136 : memref<80xi32, #tpu.memory_space<vmem>>) target_semaphore(%dma_start3A_133 : memref<!tpu.dma_semaphore, #tpu.memory_space<semaphore_mem>>)
    %dma_start3A_138 = arith.constant 2 : i32
    %dma_start3A_139 = arith.constant 2 : i32
    %dma_start3A_140 = arith.constant 0 : i32
    %dma_start3A_141 = tpu.memref_slice %arg10[%dma_start3A_138, %dma_start3A_140] : memref<8x80xi32, #tpu.memory_space<vmem>> -> memref<1x80xi32, #tpu.memory_space<vmem>>
    %dma_start3A_142 = tpu.memref_squeeze %dma_start3A_141 : memref<1x80xi32, #tpu.memory_space<vmem>> -> memref<80xi32, #tpu.memory_space<vmem>>
    %dma_start3A_143 = tpu.memref_slice %arg5[%add3A_125] : memref<160000xi32, #tpu.memory_space<hbm>> -> memref<80xi32, #tpu.memory_space<hbm>>
    %dma_start3A_144 = tpu.memref_slice %arg16[%dma_start3A_139] : memref<8x!tpu.dma_semaphore, #tpu.memory_space<semaphore_mem>> -> memref<1x!tpu.dma_semaphore, #tpu.memory_space<semaphore_mem>>
    %dma_start3A_145 = tpu.memref_squeeze %dma_start3A_144 : memref<1x!tpu.dma_semaphore, #tpu.memory_space<semaphore_mem>> -> memref<!tpu.dma_semaphore, #tpu.memory_space<semaphore_mem>>
    %dma_start3A_146 = arith.constant 0 : i32
    %dma_start3A_147 = tpu.memref_slice %arg10[%dma_start3A_138, %dma_start3A_146] : memref<8x80xi32, #tpu.memory_space<vmem>> -> memref<1x80xi32, #tpu.memory_space<vmem>>
    %dma_start3A_148 = tpu.memref_squeeze %dma_start3A_147 : memref<1x80xi32, #tpu.memory_space<vmem>> -> memref<80xi32, #tpu.memory_space<vmem>>
    %dma_start3A_149 = tpu.memref_slice %arg5[%add3A_125] : memref<160000xi32, #tpu.memory_space<hbm>> -> memref<80xi32, #tpu.memory_space<hbm>>
    tpu.enqueue_dma source(%dma_start3A_149 : memref<80xi32, #tpu.memory_space<hbm>>) target(%dma_start3A_148 : memref<80xi32, #tpu.memory_space<vmem>>) target_semaphore(%dma_start3A_145 : memref<!tpu.dma_semaphore, #tpu.memory_space<semaphore_mem>>)
    %mul3A_150 = arith.constant 10000 : i32
    %mul3A_151 = arith.muli %arg1, %mul3A_150 : i32
    %add3A_152 = arith.constant 240 : i32
    %add3A_153 = arith.addi %mul3A_151, %add3A_152 : i32
    %dma_start3A_154 = arith.constant 3 : i32
    %dma_start3A_155 = arith.constant 3 : i32
    %dma_start3A_156 = arith.constant 0 : i32
    %dma_start3A_157 = tpu.memref_slice %arg9[%dma_start3A_154, %dma_start3A_156] : memref<8x80xi32, #tpu.memory_space<vmem>> -> memref<1x80xi32, #tpu.memory_space<vmem>>
    %dma_start3A_158 = tpu.memref_squeeze %dma_start3A_157 : memref<1x80xi32, #tpu.memory_space<vmem>> -> memref<80xi32, #tpu.memory_space<vmem>>
    %dma_start3A_159 = tpu.memref_slice %arg4[%add3A_153] : memref<160000xi32, #tpu.memory_space<hbm>> -> memref<80xi32, #tpu.memory_space<hbm>>
    %dma_start3A_160 = tpu.memref_slice %arg16[%dma_start3A_155] : memref<8x!tpu.dma_semaphore, #tpu.memory_space<semaphore_mem>> -> memref<1x!tpu.dma_semaphore, #tpu.memory_space<semaphore_mem>>
    %dma_start3A_161 = tpu.memref_squeeze %dma_start3A_160 : memref<1x!tpu.dma_semaphore, #tpu.memory_space<semaphore_mem>> -> memref<!tpu.dma_semaphore, #tpu.memory_space<semaphore_mem>>
    %dma_start3A_162 = arith.constant 0 : i32
    %dma_start3A_163 = tpu.memref_slice %arg9[%dma_start3A_154, %dma_start3A_162] : memref<8x80xi32, #tpu.memory_space<vmem>> -> memref<1x80xi32, #tpu.memory_space<vmem>>
    %dma_start3A_164 = tpu.memref_squeeze %dma_start3A_163 : memref<1x80xi32, #tpu.memory_space<vmem>> -> memref<80xi32, #tpu.memory_space<vmem>>
    %dma_start3A_165 = tpu.memref_slice %arg4[%add3A_153] : memref<160000xi32, #tpu.memory_space<hbm>> -> memref<80xi32, #tpu.memory_space<hbm>>
    tpu.enqueue_dma source(%dma_start3A_165 : memref<80xi32, #tpu.memory_space<hbm>>) target(%dma_start3A_164 : memref<80xi32, #tpu.memory_space<vmem>>) target_semaphore(%dma_start3A_161 : memref<!tpu.dma_semaphore, #tpu.memory_space<semaphore_mem>>)
    %dma_start3A_166 = arith.constant 3 : i32
    %dma_start3A_167 = arith.constant 3 : i32
    %dma_start3A_168 = arith.constant 0 : i32
    %dma_start3A_169 = tpu.memref_slice %arg10[%dma_start3A_166, %dma_start3A_168] : memref<8x80xi32, #tpu.memory_space<vmem>> -> memref<1x80xi32, #tpu.memory_space<vmem>>
    %dma_start3A_170 = tpu.memref_squeeze %dma_start3A_169 : memref<1x80xi32, #tpu.memory_space<vmem>> -> memref<80xi32, #tpu.memory_space<vmem>>
    %dma_start3A_171 = tpu.memref_slice %arg5[%add3A_153] : memref<160000xi32, #tpu.memory_space<hbm>> -> memref<80xi32, #tpu.memory_space<hbm>>
    %dma_start3A_172 = tpu.memref_slice %arg16[%dma_start3A_167] : memref<8x!tpu.dma_semaphore, #tpu.memory_space<semaphore_mem>> -> memref<1x!tpu.dma_semaphore, #tpu.memory_space<semaphore_mem>>
    %dma_start3A_173 = tpu.memref_squeeze %dma_start3A_172 : memref<1x!tpu.dma_semaphore, #tpu.memory_space<semaphore_mem>> -> memref<!tpu.dma_semaphore, #tpu.memory_space<semaphore_mem>>
    %dma_start3A_174 = arith.constant 0 : i32
    %dma_start3A_175 = tpu.memref_slice %arg10[%dma_start3A_166, %dma_start3A_174] : memref<8x80xi32, #tpu.memory_space<vmem>> -> memref<1x80xi32, #tpu.memory_space<vmem>>
    %dma_start3A_176 = tpu.memref_squeeze %dma_start3A_175 : memref<1x80xi32, #tpu.memory_space<vmem>> -> memref<80xi32, #tpu.memory_space<vmem>>
    %dma_start3A_177 = tpu.memref_slice %arg5[%add3A_153] : memref<160000xi32, #tpu.memory_space<hbm>> -> memref<80xi32, #tpu.memory_space<hbm>>
    tpu.enqueue_dma source(%dma_start3A_177 : memref<80xi32, #tpu.memory_space<hbm>>) target(%dma_start3A_176 : memref<80xi32, #tpu.memory_space<vmem>>) target_semaphore(%dma_start3A_173 : memref<!tpu.dma_semaphore, #tpu.memory_space<semaphore_mem>>)
    %mul3A_178 = arith.constant 10000 : i32
    %mul3A_179 = arith.muli %arg1, %mul3A_178 : i32
    %add3A_180 = arith.constant 320 : i32
    %add3A_181 = arith.addi %mul3A_179, %add3A_180 : i32
    %dma_start3A_182 = arith.constant 4 : i32
    %dma_start3A_183 = arith.constant 4 : i32
    %dma_start3A_184 = arith.constant 0 : i32
    %dma_start3A_185 = tpu.memref_slice %arg9[%dma_start3A_182, %dma_start3A_184] : memref<8x80xi32, #tpu.memory_space<vmem>> -> memref<1x80xi32, #tpu.memory_space<vmem>>
    %dma_start3A_186 = tpu.memref_squeeze %dma_start3A_185 : memref<1x80xi32, #tpu.memory_space<vmem>> -> memref<80xi32, #tpu.memory_space<vmem>>
    %dma_start3A_187 = tpu.memref_slice %arg4[%add3A_181] : memref<160000xi32, #tpu.memory_space<hbm>> -> memref<80xi32, #tpu.memory_space<hbm>>
    %dma_start3A_188 = tpu.memref_slice %arg16[%dma_start3A_183] : memref<8x!tpu.dma_semaphore, #tpu.memory_space<semaphore_mem>> -> memref<1x!tpu.dma_semaphore, #tpu.memory_space<semaphore_mem>>
    %dma_start3A_189 = tpu.memref_squeeze %dma_start3A_188 : memref<1x!tpu.dma_semaphore, #tpu.memory_space<semaphore_mem>> -> memref<!tpu.dma_semaphore, #tpu.memory_space<semaphore_mem>>
    %dma_start3A_190 = arith.constant 0 : i32
    %dma_start3A_191 = tpu.memref_slice %arg9[%dma_start3A_182, %dma_start3A_190] : memref<8x80xi32, #tpu.memory_space<vmem>> -> memref<1x80xi32, #tpu.memory_space<vmem>>
    %dma_start3A_192 = tpu.memref_squeeze %dma_start3A_191 : memref<1x80xi32, #tpu.memory_space<vmem>> -> memref<80xi32, #tpu.memory_space<vmem>>
    %dma_start3A_193 = tpu.memref_slice %arg4[%add3A_181] : memref<160000xi32, #tpu.memory_space<hbm>> -> memref<80xi32, #tpu.memory_space<hbm>>
    tpu.enqueue_dma source(%dma_start3A_193 : memref<80xi32, #tpu.memory_space<hbm>>) target(%dma_start3A_192 : memref<80xi32, #tpu.memory_space<vmem>>) target_semaphore(%dma_start3A_189 : memref<!tpu.dma_semaphore, #tpu.memory_space<semaphore_mem>>)
    %dma_start3A_194 = arith.constant 4 : i32
    %dma_start3A_195 = arith.constant 4 : i32
    %dma_start3A_196 = arith.constant 0 : i32
    %dma_start3A_197 = tpu.memref_slice %arg10[%dma_start3A_194, %dma_start3A_196] : memref<8x80xi32, #tpu.memory_space<vmem>> -> memref<1x80xi32, #tpu.memory_space<vmem>>
    %dma_start3A_198 = tpu.memref_squeeze %dma_start3A_197 : memref<1x80xi32, #tpu.memory_space<vmem>> -> memref<80xi32, #tpu.memory_space<vmem>>
    %dma_start3A_199 = tpu.memref_slice %arg5[%add3A_181] : memref<160000xi32, #tpu.memory_space<hbm>> -> memref<80xi32, #tpu.memory_space<hbm>>
    %dma_start3A_200 = tpu.memref_slice %arg16[%dma_start3A_195] : memref<8x!tpu.dma_semaphore, #tpu.memory_space<semaphore_mem>> -> memref<1x!tpu.dma_semaphore, #tpu.memory_space<semaphore_mem>>
    %dma_start3A_201 = tpu.memref_squeeze %dma_start3A_200 : memref<1x!tpu.dma_semaphore, #tpu.memory_space<semaphore_mem>> -> memref<!tpu.dma_semaphore, #tpu.memory_space<semaphore_mem>>
    %dma_start3A_202 = arith.constant 0 : i32
    %dma_start3A_203 = tpu.memref_slice %arg10[%dma_start3A_194, %dma_start3A_202] : memref<8x80xi32, #tpu.memory_space<vmem>> -> memref<1x80xi32, #tpu.memory_space<vmem>>
    %dma_start3A_204 = tpu.memref_squeeze %dma_start3A_203 : memref<1x80xi32, #tpu.memory_space<vmem>> -> memref<80xi32, #tpu.memory_space<vmem>>
    %dma_start3A_205 = tpu.memref_slice %arg5[%add3A_181] : memref<160000xi32, #tpu.memory_space<hbm>> -> memref<80xi32, #tpu.memory_space<hbm>>
    tpu.enqueue_dma source(%dma_start3A_205 : memref<80xi32, #tpu.memory_space<hbm>>) target(%dma_start3A_204 : memref<80xi32, #tpu.memory_space<vmem>>) target_semaphore(%dma_start3A_201 : memref<!tpu.dma_semaphore, #tpu.memory_space<semaphore_mem>>)
    %mul3A_206 = arith.constant 10000 : i32
    %mul3A_207 = arith.muli %arg1, %mul3A_206 : i32
    %add3A_208 = arith.constant 400 : i32
    %add3A_209 = arith.addi %mul3A_207, %add3A_208 : i32
    %dma_start3A_210 = arith.constant 5 : i32
    %dma_start3A_211 = arith.constant 5 : i32
    %dma_start3A_212 = arith.constant 0 : i32
    %dma_start3A_213 = tpu.memref_slice %arg9[%dma_start3A_210, %dma_start3A_212] : memref<8x80xi32, #tpu.memory_space<vmem>> -> memref<1x80xi32, #tpu.memory_space<vmem>>
    %dma_start3A_214 = tpu.memref_squeeze %dma_start3A_213 : memref<1x80xi32, #tpu.memory_space<vmem>> -> memref<80xi32, #tpu.memory_space<vmem>>
    %dma_start3A_215 = tpu.memref_slice %arg4[%add3A_209] : memref<160000xi32, #tpu.memory_space<hbm>> -> memref<80xi32, #tpu.memory_space<hbm>>
    %dma_start3A_216 = tpu.memref_slice %arg16[%dma_start3A_211] : memref<8x!tpu.dma_semaphore, #tpu.memory_space<semaphore_mem>> -> memref<1x!tpu.dma_semaphore, #tpu.memory_space<semaphore_mem>>
    %dma_start3A_217 = tpu.memref_squeeze %dma_start3A_216 : memref<1x!tpu.dma_semaphore, #tpu.memory_space<semaphore_mem>> -> memref<!tpu.dma_semaphore, #tpu.memory_space<semaphore_mem>>
    %dma_start3A_218 = arith.constant 0 : i32
    %dma_start3A_219 = tpu.memref_slice %arg9[%dma_start3A_210, %dma_start3A_218] : memref<8x80xi32, #tpu.memory_space<vmem>> -> memref<1x80xi32, #tpu.memory_space<vmem>>
    %dma_start3A_220 = tpu.memref_squeeze %dma_start3A_219 : memref<1x80xi32, #tpu.memory_space<vmem>> -> memref<80xi32, #tpu.memory_space<vmem>>
    %dma_start3A_221 = tpu.memref_slice %arg4[%add3A_209] : memref<160000xi32, #tpu.memory_space<hbm>> -> memref<80xi32, #tpu.memory_space<hbm>>
    tpu.enqueue_dma source(%dma_start3A_221 : memref<80xi32, #tpu.memory_space<hbm>>) target(%dma_start3A_220 : memref<80xi32, #tpu.memory_space<vmem>>) target_semaphore(%dma_start3A_217 : memref<!tpu.dma_semaphore, #tpu.memory_space<semaphore_mem>>)
    %dma_start3A_222 = arith.constant 5 : i32
    %dma_start3A_223 = arith.constant 5 : i32
    %dma_start3A_224 = arith.constant 0 : i32
    %dma_start3A_225 = tpu.memref_slice %arg10[%dma_start3A_222, %dma_start3A_224] : memref<8x80xi32, #tpu.memory_space<vmem>> -> memref<1x80xi32, #tpu.memory_space<vmem>>
    %dma_start3A_226 = tpu.memref_squeeze %dma_start3A_225 : memref<1x80xi32, #tpu.memory_space<vmem>> -> memref<80xi32, #tpu.memory_space<vmem>>
    %dma_start3A_227 = tpu.memref_slice %arg5[%add3A_209] : memref<160000xi32, #tpu.memory_space<hbm>> -> memref<80xi32, #tpu.memory_space<hbm>>
    %dma_start3A_228 = tpu.memref_slice %arg16[%dma_start3A_223] : memref<8x!tpu.dma_semaphore, #tpu.memory_space<semaphore_mem>> -> memref<1x!tpu.dma_semaphore, #tpu.memory_space<semaphore_mem>>
    %dma_start3A_229 = tpu.memref_squeeze %dma_start3A_228 : memref<1x!tpu.dma_semaphore, #tpu.memory_space<semaphore_mem>> -> memref<!tpu.dma_semaphore, #tpu.memory_space<semaphore_mem>>
    %dma_start3A_230 = arith.constant 0 : i32
    %dma_start3A_231 = tpu.memref_slice %arg10[%dma_start3A_222, %dma_start3A_230] : memref<8x80xi32, #tpu.memory_space<vmem>> -> memref<1x80xi32, #tpu.memory_space<vmem>>
    %dma_start3A_232 = tpu.memref_squeeze %dma_start3A_231 : memref<1x80xi32, #tpu.memory_space<vmem>> -> memref<80xi32, #tpu.memory_space<vmem>>
    %dma_start3A_233 = tpu.memref_slice %arg5[%add3A_209] : memref<160000xi32, #tpu.memory_space<hbm>> -> memref<80xi32, #tpu.memory_space<hbm>>
    tpu.enqueue_dma source(%dma_start3A_233 : memref<80xi32, #tpu.memory_space<hbm>>) target(%dma_start3A_232 : memref<80xi32, #tpu.memory_space<vmem>>) target_semaphore(%dma_start3A_229 : memref<!tpu.dma_semaphore, #tpu.memory_space<semaphore_mem>>)
    %mul3A_234 = arith.constant 10000 : i32
    %mul3A_235 = arith.muli %arg1, %mul3A_234 : i32
    %add3A_236 = arith.constant 480 : i32
    %add3A_237 = arith.addi %mul3A_235, %add3A_236 : i32
    %dma_start3A_238 = arith.constant 6 : i32
    %dma_start3A_239 = arith.constant 6 : i32
    %dma_start3A_240 = arith.constant 0 : i32
    %dma_start3A_241 = tpu.memref_slice %arg9[%dma_start3A_238, %dma_start3A_240] : memref<8x80xi32, #tpu.memory_space<vmem>> -> memref<1x80xi32, #tpu.memory_space<vmem>>
    %dma_start3A_242 = tpu.memref_squeeze %dma_start3A_241 : memref<1x80xi32, #tpu.memory_space<vmem>> -> memref<80xi32, #tpu.memory_space<vmem>>
    %dma_start3A_243 = tpu.memref_slice %arg4[%add3A_237] : memref<160000xi32, #tpu.memory_space<hbm>> -> memref<80xi32, #tpu.memory_space<hbm>>
    %dma_start3A_244 = tpu.memref_slice %arg16[%dma_start3A_239] : memref<8x!tpu.dma_semaphore, #tpu.memory_space<semaphore_mem>> -> memref<1x!tpu.dma_semaphore, #tpu.memory_space<semaphore_mem>>
    %dma_start3A_245 = tpu.memref_squeeze %dma_start3A_244 : memref<1x!tpu.dma_semaphore, #tpu.memory_space<semaphore_mem>> -> memref<!tpu.dma_semaphore, #tpu.memory_space<semaphore_mem>>
    %dma_start3A_246 = arith.constant 0 : i32
    %dma_start3A_247 = tpu.memref_slice %arg9[%dma_start3A_238, %dma_start3A_246] : memref<8x80xi32, #tpu.memory_space<vmem>> -> memref<1x80xi32, #tpu.memory_space<vmem>>
    %dma_start3A_248 = tpu.memref_squeeze %dma_start3A_247 : memref<1x80xi32, #tpu.memory_space<vmem>> -> memref<80xi32, #tpu.memory_space<vmem>>
    %dma_start3A_249 = tpu.memref_slice %arg4[%add3A_237] : memref<160000xi32, #tpu.memory_space<hbm>> -> memref<80xi32, #tpu.memory_space<hbm>>
    tpu.enqueue_dma source(%dma_start3A_249 : memref<80xi32, #tpu.memory_space<hbm>>) target(%dma_start3A_248 : memref<80xi32, #tpu.memory_space<vmem>>) target_semaphore(%dma_start3A_245 : memref<!tpu.dma_semaphore, #tpu.memory_space<semaphore_mem>>)
    %dma_start3A_250 = arith.constant 6 : i32
    %dma_start3A_251 = arith.constant 6 : i32
    %dma_start3A_252 = arith.constant 0 : i32
    %dma_start3A_253 = tpu.memref_slice %arg10[%dma_start3A_250, %dma_start3A_252] : memref<8x80xi32, #tpu.memory_space<vmem>> -> memref<1x80xi32, #tpu.memory_space<vmem>>
    %dma_start3A_254 = tpu.memref_squeeze %dma_start3A_253 : memref<1x80xi32, #tpu.memory_space<vmem>> -> memref<80xi32, #tpu.memory_space<vmem>>
    %dma_start3A_255 = tpu.memref_slice %arg5[%add3A_237] : memref<160000xi32, #tpu.memory_space<hbm>> -> memref<80xi32, #tpu.memory_space<hbm>>
    %dma_start3A_256 = tpu.memref_slice %arg16[%dma_start3A_251] : memref<8x!tpu.dma_semaphore, #tpu.memory_space<semaphore_mem>> -> memref<1x!tpu.dma_semaphore, #tpu.memory_space<semaphore_mem>>
    %dma_start3A_257 = tpu.memref_squeeze %dma_start3A_256 : memref<1x!tpu.dma_semaphore, #tpu.memory_space<semaphore_mem>> -> memref<!tpu.dma_semaphore, #tpu.memory_space<semaphore_mem>>
    %dma_start3A_258 = arith.constant 0 : i32
    %dma_start3A_259 = tpu.memref_slice %arg10[%dma_start3A_250, %dma_start3A_258] : memref<8x80xi32, #tpu.memory_space<vmem>> -> memref<1x80xi32, #tpu.memory_space<vmem>>
    %dma_start3A_260 = tpu.memref_squeeze %dma_start3A_259 : memref<1x80xi32, #tpu.memory_space<vmem>> -> memref<80xi32, #tpu.memory_space<vmem>>
    %dma_start3A_261 = tpu.memref_slice %arg5[%add3A_237] : memref<160000xi32, #tpu.memory_space<hbm>> -> memref<80xi32, #tpu.memory_space<hbm>>
    tpu.enqueue_dma source(%dma_start3A_261 : memref<80xi32, #tpu.memory_space<hbm>>) target(%dma_start3A_260 : memref<80xi32, #tpu.memory_space<vmem>>) target_semaphore(%dma_start3A_257 : memref<!tpu.dma_semaphore, #tpu.memory_space<semaphore_mem>>)
    %mul3A_262 = arith.constant 10000 : i32
    %mul3A_263 = arith.muli %arg1, %mul3A_262 : i32
    %add3A_264 = arith.constant 560 : i32
    %add3A_265 = arith.addi %mul3A_263, %add3A_264 : i32
    %dma_start3A_266 = arith.constant 7 : i32
    %dma_start3A_267 = arith.constant 7 : i32
    %dma_start3A_268 = arith.constant 0 : i32
    %dma_start3A_269 = tpu.memref_slice %arg9[%dma_start3A_266, %dma_start3A_268] : memref<8x80xi32, #tpu.memory_space<vmem>> -> memref<1x80xi32, #tpu.memory_space<vmem>>
    %dma_start3A_270 = tpu.memref_squeeze %dma_start3A_269 : memref<1x80xi32, #tpu.memory_space<vmem>> -> memref<80xi32, #tpu.memory_space<vmem>>
    %dma_start3A_271 = tpu.memref_slice %arg4[%add3A_265] : memref<160000xi32, #tpu.memory_space<hbm>> -> memref<80xi32, #tpu.memory_space<hbm>>
    %dma_start3A_272 = tpu.memref_slice %arg16[%dma_start3A_267] : memref<8x!tpu.dma_semaphore, #tpu.memory_space<semaphore_mem>> -> memref<1x!tpu.dma_semaphore, #tpu.memory_space<semaphore_mem>>
    %dma_start3A_273 = tpu.memref_squeeze %dma_start3A_272 : memref<1x!tpu.dma_semaphore, #tpu.memory_space<semaphore_mem>> -> memref<!tpu.dma_semaphore, #tpu.memory_space<semaphore_mem>>
    %dma_start3A_274 = arith.constant 0 : i32
    %dma_start3A_275 = tpu.memref_slice %arg9[%dma_start3A_266, %dma_start3A_274] : memref<8x80xi32, #tpu.memory_space<vmem>> -> memref<1x80xi32, #tpu.memory_space<vmem>>
    %dma_start3A_276 = tpu.memref_squeeze %dma_start3A_275 : memref<1x80xi32, #tpu.memory_space<vmem>> -> memref<80xi32, #tpu.memory_space<vmem>>
    %dma_start3A_277 = tpu.memref_slice %arg4[%add3A_265] : memref<160000xi32, #tpu.memory_space<hbm>> -> memref<80xi32, #tpu.memory_space<hbm>>
    tpu.enqueue_dma source(%dma_start3A_277 : memref<80xi32, #tpu.memory_space<hbm>>) target(%dma_start3A_276 : memref<80xi32, #tpu.memory_space<vmem>>) target_semaphore(%dma_start3A_273 : memref<!tpu.dma_semaphore, #tpu.memory_space<semaphore_mem>>)
    %dma_start3A_278 = arith.constant 7 : i32
    %dma_start3A_279 = arith.constant 7 : i32
    %dma_start3A_280 = arith.constant 0 : i32
    %dma_start3A_281 = tpu.memref_slice %arg10[%dma_start3A_278, %dma_start3A_280] : memref<8x80xi32, #tpu.memory_space<vmem>> -> memref<1x80xi32, #tpu.memory_space<vmem>>
    %dma_start3A_282 = tpu.memref_squeeze %dma_start3A_281 : memref<1x80xi32, #tpu.memory_space<vmem>> -> memref<80xi32, #tpu.memory_space<vmem>>
    %dma_start3A_283 = tpu.memref_slice %arg5[%add3A_265] : memref<160000xi32, #tpu.memory_space<hbm>> -> memref<80xi32, #tpu.memory_space<hbm>>
    %dma_start3A_284 = tpu.memref_slice %arg16[%dma_start3A_279] : memref<8x!tpu.dma_semaphore, #tpu.memory_space<semaphore_mem>> -> memref<1x!tpu.dma_semaphore, #tpu.memory_space<semaphore_mem>>
    %dma_start3A_285 = tpu.memref_squeeze %dma_start3A_284 : memref<1x!tpu.dma_semaphore, #tpu.memory_space<semaphore_mem>> -> memref<!tpu.dma_semaphore, #tpu.memory_space<semaphore_mem>>
    %dma_start3A_286 = arith.constant 0 : i32
    %dma_start3A_287 = tpu.memref_slice %arg10[%dma_start3A_278, %dma_start3A_286] : memref<8x80xi32, #tpu.memory_space<vmem>> -> memref<1x80xi32, #tpu.memory_space<vmem>>
    %dma_start3A_288 = tpu.memref_squeeze %dma_start3A_287 : memref<1x80xi32, #tpu.memory_space<vmem>> -> memref<80xi32, #tpu.memory_space<vmem>>
    %dma_start3A_289 = tpu.memref_slice %arg5[%add3A_265] : memref<160000xi32, #tpu.memory_space<hbm>> -> memref<80xi32, #tpu.memory_space<hbm>>
    tpu.enqueue_dma source(%dma_start3A_289 : memref<80xi32, #tpu.memory_space<hbm>>) target(%dma_start3A_288 : memref<80xi32, #tpu.memory_space<vmem>>) target_semaphore(%dma_start3A_285 : memref<!tpu.dma_semaphore, #tpu.memory_space<semaphore_mem>>)
    %dma_wait3A = arith.constant 0 : i32
    %dma_wait3A_290 = arith.constant 0 : i32
    %dma_wait3A_291 = arith.constant 0 : i32
    %dma_wait3A_292 = tpu.memref_slice %arg9[%dma_wait3A, %dma_wait3A_291] : memref<8x80xi32, #tpu.memory_space<vmem>> -> memref<1x80xi32, #tpu.memory_space<vmem>>
    %dma_wait3A_293 = tpu.memref_squeeze %dma_wait3A_292 : memref<1x80xi32, #tpu.memory_space<vmem>> -> memref<80xi32, #tpu.memory_space<vmem>>
    %dma_wait3A_294 = arith.constant 0 : i32
    %dma_wait3A_295 = tpu.memref_slice %arg4[%dma_wait3A_294] : memref<160000xi32, #tpu.memory_space<hbm>> -> memref<80xi32, #tpu.memory_space<hbm>>
    %dma_wait3A_296 = tpu.memref_slice %arg16[%dma_wait3A_290] : memref<8x!tpu.dma_semaphore, #tpu.memory_space<semaphore_mem>> -> memref<1x!tpu.dma_semaphore, #tpu.memory_space<semaphore_mem>>
    %dma_wait3A_297 = tpu.memref_squeeze %dma_wait3A_296 : memref<1x!tpu.dma_semaphore, #tpu.memory_space<semaphore_mem>> -> memref<!tpu.dma_semaphore, #tpu.memory_space<semaphore_mem>>
    %dma_wait3A_298 = arith.constant 0 : i32
    %dma_wait3A_299 = tpu.memref_slice %arg9[%dma_wait3A, %dma_wait3A_298] : memref<8x80xi32, #tpu.memory_space<vmem>> -> memref<1x80xi32, #tpu.memory_space<vmem>>
    %dma_wait3A_300 = tpu.memref_squeeze %dma_wait3A_299 : memref<1x80xi32, #tpu.memory_space<vmem>> -> memref<80xi32, #tpu.memory_space<vmem>>
    %dma_wait3A_301 = arith.constant 0 : i32
    %dma_wait3A_302 = tpu.memref_slice %arg4[%dma_wait3A_301] : memref<160000xi32, #tpu.memory_space<hbm>> -> memref<80xi32, #tpu.memory_space<hbm>>
    tpu.wait_dma2 semaphore(%dma_wait3A_297 : memref<!tpu.dma_semaphore, #tpu.memory_space<semaphore_mem>>) src(%dma_wait3A_302 : memref<80xi32, #tpu.memory_space<hbm>>) dst(%dma_wait3A_300 : memref<80xi32, #tpu.memory_space<vmem>>)
    %dma_wait3A_303 = arith.constant 0 : i32
    %dma_wait3A_304 = arith.constant 0 : i32
    %dma_wait3A_305 = arith.constant 0 : i32
    %dma_wait3A_306 = tpu.memref_slice %arg10[%dma_wait3A_303, %dma_wait3A_305] : memref<8x80xi32, #tpu.memory_space<vmem>> -> memref<1x80xi32, #tpu.memory_space<vmem>>
    %dma_wait3A_307 = tpu.memref_squeeze %dma_wait3A_306 : memref<1x80xi32, #tpu.memory_space<vmem>> -> memref<80xi32, #tpu.memory_space<vmem>>
    %dma_wait3A_308 = arith.constant 0 : i32
    %dma_wait3A_309 = tpu.memref_slice %arg5[%dma_wait3A_308] : memref<160000xi32, #tpu.memory_space<hbm>> -> memref<80xi32, #tpu.memory_space<hbm>>
    %dma_wait3A_310 = tpu.memref_slice %arg16[%dma_wait3A_304] : memref<8x!tpu.dma_semaphore, #tpu.memory_space<semaphore_mem>> -> memref<1x!tpu.dma_semaphore, #tpu.memory_space<semaphore_mem>>
    %dma_wait3A_311 = tpu.memref_squeeze %dma_wait3A_310 : memref<1x!tpu.dma_semaphore, #tpu.memory_space<semaphore_mem>> -> memref<!tpu.dma_semaphore, #tpu.memory_space<semaphore_mem>>
    %dma_wait3A_312 = arith.constant 0 : i32
    %dma_wait3A_313 = tpu.memref_slice %arg10[%dma_wait3A_303, %dma_wait3A_312] : memref<8x80xi32, #tpu.memory_space<vmem>> -> memref<1x80xi32, #tpu.memory_space<vmem>>
    %dma_wait3A_314 = tpu.memref_squeeze %dma_wait3A_313 : memref<1x80xi32, #tpu.memory_space<vmem>> -> memref<80xi32, #tpu.memory_space<vmem>>
    %dma_wait3A_315 = arith.constant 0 : i32
    %dma_wait3A_316 = tpu.memref_slice %arg5[%dma_wait3A_315] : memref<160000xi32, #tpu.memory_space<hbm>> -> memref<80xi32, #tpu.memory_space<hbm>>
    tpu.wait_dma2 semaphore(%dma_wait3A_311 : memref<!tpu.dma_semaphore, #tpu.memory_space<semaphore_mem>>) src(%dma_wait3A_316 : memref<80xi32, #tpu.memory_space<hbm>>) dst(%dma_wait3A_314 : memref<80xi32, #tpu.memory_space<vmem>>)
    %eq3A_317 = arith.constant 0 : i32
    %eq3A_318 = arith.cmpi eq, %arg0, %eq3A_317 : i32
    %convert_element_type3A_319 = arith.extui %eq3A_318 : i1 to i32
    %cond3A_320 = arith.constant 0 : i32
    %cond3A_321 = arith.cmpi ne, %convert_element_type3A_319, %cond3A_320 : i32
    scf.if %cond3A_321 {
      %dma_start3A_421 = arith.constant 0 : i32
      %dma_start3A_422 = arith.constant 0 : i32
      %dma_start3A_423 = arith.constant 0 : i32
      %dma_start3A_424 = arith.constant 0 : i32
      %dma_start3A_425 = arith.constant 0 : i32
      %dma_start3A_426 = tpu.memref_slice %arg11[%dma_start3A_422, %dma_start3A_424, %dma_start3A_425] : memref<4x80x128xf32, #tpu.memory_space<vmem>> -> memref<1x80x128xf32, #tpu.memory_space<vmem>>
      %dma_start3A_427 = tpu.memref_squeeze %dma_start3A_426 : memref<1x80x128xf32, #tpu.memory_space<vmem>> -> memref<80x128xf32, #tpu.memory_space<vmem>>
      %dma_start3A_428 = arith.constant 0 : i32
      %dma_start3A_429 = tpu.memref_slice %arg9[%dma_start3A_421, %dma_start3A_428] : memref<8x80xi32, #tpu.memory_space<vmem>> -> memref<1x80xi32, #tpu.memory_space<vmem>>
      %dma_start3A_430 = tpu.memref_squeeze %dma_start3A_429 : memref<1x80xi32, #tpu.memory_space<vmem>> -> memref<80xi32, #tpu.memory_space<vmem>>
      %dma_start3A_431 = arith.constant 0 : i32
      %dma_start3A_432 = arith.constant 0 : i32
      %dma_start3A_433 = tpu.memref_slice %arg2[%dma_start3A_431, %dma_start3A_432] : memref<10000x128xf32, #tpu.memory_space<hbm>> -> memref<10000x128xf32, #tpu.memory_space<hbm>>
      %dma_start3A_434 = tpu.memref_slice %arg17[%dma_start3A_423] : memref<4x!tpu.dma_semaphore, #tpu.memory_space<semaphore_mem>> -> memref<1x!tpu.dma_semaphore, #tpu.memory_space<semaphore_mem>>
      %dma_start3A_435 = tpu.memref_squeeze %dma_start3A_434 : memref<1x!tpu.dma_semaphore, #tpu.memory_space<semaphore_mem>> -> memref<!tpu.dma_semaphore, #tpu.memory_space<semaphore_mem>>
      tpu.enqueue_indirect_dma source(%dma_start3A_433 : memref<10000x128xf32, #tpu.memory_space<hbm>>) target(%dma_start3A_427 : memref<80x128xf32, #tpu.memory_space<vmem>>) offsets(%dma_start3A_430 : memref<80xi32, #tpu.memory_space<vmem>>) semaphore(%dma_start3A_435 : memref<!tpu.dma_semaphore, #tpu.memory_space<semaphore_mem>>)
    } else {
    }
    %eq3A_322 = arith.constant 1 : i32
    %eq3A_323 = arith.cmpi eq, %arg0, %eq3A_322 : i32
    %convert_element_type3A_324 = arith.extui %eq3A_323 : i1 to i32
    %cond3A_325 = arith.constant 0 : i32
    %cond3A_326 = arith.cmpi ne, %convert_element_type3A_324, %cond3A_325 : i32
    scf.if %cond3A_326 {
      %dma_start3A_421 = arith.constant 0 : i32
      %dma_start3A_422 = arith.constant 0 : i32
      %dma_start3A_423 = arith.constant 0 : i32
      %dma_start3A_424 = arith.constant 0 : i32
      %dma_start3A_425 = arith.constant 0 : i32
      %dma_start3A_426 = tpu.memref_slice %arg11[%dma_start3A_422, %dma_start3A_424, %dma_start3A_425] : memref<4x80x128xf32, #tpu.memory_space<vmem>> -> memref<1x80x128xf32, #tpu.memory_space<vmem>>
      %dma_start3A_427 = tpu.memref_squeeze %dma_start3A_426 : memref<1x80x128xf32, #tpu.memory_space<vmem>> -> memref<80x128xf32, #tpu.memory_space<vmem>>
      %dma_start3A_428 = arith.constant 0 : i32
      %dma_start3A_429 = tpu.memref_slice %arg9[%dma_start3A_421, %dma_start3A_428] : memref<8x80xi32, #tpu.memory_space<vmem>> -> memref<1x80xi32, #tpu.memory_space<vmem>>
      %dma_start3A_430 = tpu.memref_squeeze %dma_start3A_429 : memref<1x80xi32, #tpu.memory_space<vmem>> -> memref<80xi32, #tpu.memory_space<vmem>>
      %dma_start3A_431 = arith.constant 0 : i32
      %dma_start3A_432 = arith.constant 0 : i32
      %dma_start3A_433 = tpu.memref_slice %arg3[%dma_start3A_431, %dma_start3A_432] : memref<10000x128xf32, #tpu.memory_space<hbm>> -> memref<10000x128xf32, #tpu.memory_space<hbm>>
      %dma_start3A_434 = tpu.memref_slice %arg17[%dma_start3A_423] : memref<4x!tpu.dma_semaphore, #tpu.memory_space<semaphore_mem>> -> memref<1x!tpu.dma_semaphore, #tpu.memory_space<semaphore_mem>>
      %dma_start3A_435 = tpu.memref_squeeze %dma_start3A_434 : memref<1x!tpu.dma_semaphore, #tpu.memory_space<semaphore_mem>> -> memref<!tpu.dma_semaphore, #tpu.memory_space<semaphore_mem>>
      tpu.enqueue_indirect_dma source(%dma_start3A_433 : memref<10000x128xf32, #tpu.memory_space<hbm>>) target(%dma_start3A_427 : memref<80x128xf32, #tpu.memory_space<vmem>>) offsets(%dma_start3A_430 : memref<80xi32, #tpu.memory_space<vmem>>) semaphore(%dma_start3A_435 : memref<!tpu.dma_semaphore, #tpu.memory_space<semaphore_mem>>)
    } else {
    }
    %dma_wait3A_327 = arith.constant 1 : i32
    %dma_wait3A_328 = arith.constant 1 : i32
    %dma_wait3A_329 = arith.constant 0 : i32
    %dma_wait3A_330 = tpu.memref_slice %arg9[%dma_wait3A_327, %dma_wait3A_329] : memref<8x80xi32, #tpu.memory_space<vmem>> -> memref<1x80xi32, #tpu.memory_space<vmem>>
    %dma_wait3A_331 = tpu.memref_squeeze %dma_wait3A_330 : memref<1x80xi32, #tpu.memory_space<vmem>> -> memref<80xi32, #tpu.memory_space<vmem>>
    %dma_wait3A_332 = arith.constant 0 : i32
    %dma_wait3A_333 = tpu.memref_slice %arg4[%dma_wait3A_332] : memref<160000xi32, #tpu.memory_space<hbm>> -> memref<80xi32, #tpu.memory_space<hbm>>
    %dma_wait3A_334 = tpu.memref_slice %arg16[%dma_wait3A_328] : memref<8x!tpu.dma_semaphore, #tpu.memory_space<semaphore_mem>> -> memref<1x!tpu.dma_semaphore, #tpu.memory_space<semaphore_mem>>
    %dma_wait3A_335 = tpu.memref_squeeze %dma_wait3A_334 : memref<1x!tpu.dma_semaphore, #tpu.memory_space<semaphore_mem>> -> memref<!tpu.dma_semaphore, #tpu.memory_space<semaphore_mem>>
    %dma_wait3A_336 = arith.constant 0 : i32
    %dma_wait3A_337 = tpu.memref_slice %arg9[%dma_wait3A_327, %dma_wait3A_336] : memref<8x80xi32, #tpu.memory_space<vmem>> -> memref<1x80xi32, #tpu.memory_space<vmem>>
    %dma_wait3A_338 = tpu.memref_squeeze %dma_wait3A_337 : memref<1x80xi32, #tpu.memory_space<vmem>> -> memref<80xi32, #tpu.memory_space<vmem>>
    %dma_wait3A_339 = arith.constant 0 : i32
    %dma_wait3A_340 = tpu.memref_slice %arg4[%dma_wait3A_339] : memref<160000xi32, #tpu.memory_space<hbm>> -> memref<80xi32, #tpu.memory_space<hbm>>
    tpu.wait_dma2 semaphore(%dma_wait3A_335 : memref<!tpu.dma_semaphore, #tpu.memory_space<semaphore_mem>>) src(%dma_wait3A_340 : memref<80xi32, #tpu.memory_space<hbm>>) dst(%dma_wait3A_338 : memref<80xi32, #tpu.memory_space<vmem>>)
    %dma_wait3A_341 = arith.constant 1 : i32
    %dma_wait3A_342 = arith.constant 1 : i32
    %dma_wait3A_343 = arith.constant 0 : i32
    %dma_wait3A_344 = tpu.memref_slice %arg10[%dma_wait3A_341, %dma_wait3A_343] : memref<8x80xi32, #tpu.memory_space<vmem>> -> memref<1x80xi32, #tpu.memory_space<vmem>>
    %dma_wait3A_345 = tpu.memref_squeeze %dma_wait3A_344 : memref<1x80xi32, #tpu.memory_space<vmem>> -> memref<80xi32, #tpu.memory_space<vmem>>
    %dma_wait3A_346 = arith.constant 0 : i32
    %dma_wait3A_347 = tpu.memref_slice %arg5[%dma_wait3A_346] : memref<160000xi32, #tpu.memory_space<hbm>> -> memref<80xi32, #tpu.memory_space<hbm>>
    %dma_wait3A_348 = tpu.memref_slice %arg16[%dma_wait3A_342] : memref<8x!tpu.dma_semaphore, #tpu.memory_space<semaphore_mem>> -> memref<1x!tpu.dma_semaphore, #tpu.memory_space<semaphore_mem>>
    %dma_wait3A_349 = tpu.memref_squeeze %dma_wait3A_348 : memref<1x!tpu.dma_semaphore, #tpu.memory_space<semaphore_mem>> -> memref<!tpu.dma_semaphore, #tpu.memory_space<semaphore_mem>>
    %dma_wait3A_350 = arith.constant 0 : i32
    %dma_wait3A_351 = tpu.memref_slice %arg10[%dma_wait3A_341, %dma_wait3A_350] : memref<8x80xi32, #tpu.memory_space<vmem>> -> memref<1x80xi32, #tpu.memory_space<vmem>>
    %dma_wait3A_352 = tpu.memref_squeeze %dma_wait3A_351 : memref<1x80xi32, #tpu.memory_space<vmem>> -> memref<80xi32, #tpu.memory_space<vmem>>
    %dma_wait3A_353 = arith.constant 0 : i32
    %dma_wait3A_354 = tpu.memref_slice %arg5[%dma_wait3A_353] : memref<160000xi32, #tpu.memory_space<hbm>> -> memref<80xi32, #tpu.memory_space<hbm>>
    tpu.wait_dma2 semaphore(%dma_wait3A_349 : memref<!tpu.dma_semaphore, #tpu.memory_space<semaphore_mem>>) src(%dma_wait3A_354 : memref<80xi32, #tpu.memory_space<hbm>>) dst(%dma_wait3A_352 : memref<80xi32, #tpu.memory_space<vmem>>)
    %eq3A_355 = arith.constant 0 : i32
    %eq3A_356 = arith.cmpi eq, %arg0, %eq3A_355 : i32
    %convert_element_type3A_357 = arith.extui %eq3A_356 : i1 to i32
    %cond3A_358 = arith.constant 0 : i32
    %cond3A_359 = arith.cmpi ne, %convert_element_type3A_357, %cond3A_358 : i32
    scf.if %cond3A_359 {
      %dma_start3A_421 = arith.constant 1 : i32
      %dma_start3A_422 = arith.constant 1 : i32
      %dma_start3A_423 = arith.constant 1 : i32
      %dma_start3A_424 = arith.constant 0 : i32
      %dma_start3A_425 = arith.constant 0 : i32
      %dma_start3A_426 = tpu.memref_slice %arg11[%dma_start3A_422, %dma_start3A_424, %dma_start3A_425] : memref<4x80x128xf32, #tpu.memory_space<vmem>> -> memref<1x80x128xf32, #tpu.memory_space<vmem>>
      %dma_start3A_427 = tpu.memref_squeeze %dma_start3A_426 : memref<1x80x128xf32, #tpu.memory_space<vmem>> -> memref<80x128xf32, #tpu.memory_space<vmem>>
      %dma_start3A_428 = arith.constant 0 : i32
      %dma_start3A_429 = tpu.memref_slice %arg9[%dma_start3A_421, %dma_start3A_428] : memref<8x80xi32, #tpu.memory_space<vmem>> -> memref<1x80xi32, #tpu.memory_space<vmem>>
      %dma_start3A_430 = tpu.memref_squeeze %dma_start3A_429 : memref<1x80xi32, #tpu.memory_space<vmem>> -> memref<80xi32, #tpu.memory_space<vmem>>
      %dma_start3A_431 = arith.constant 0 : i32
      %dma_start3A_432 = arith.constant 0 : i32
      %dma_start3A_433 = tpu.memref_slice %arg2[%dma_start3A_431, %dma_start3A_432] : memref<10000x128xf32, #tpu.memory_space<hbm>> -> memref<10000x128xf32, #tpu.memory_space<hbm>>
      %dma_start3A_434 = tpu.memref_slice %arg17[%dma_start3A_423] : memref<4x!tpu.dma_semaphore, #tpu.memory_space<semaphore_mem>> -> memref<1x!tpu.dma_semaphore, #tpu.memory_space<semaphore_mem>>
      %dma_start3A_435 = tpu.memref_squeeze %dma_start3A_434 : memref<1x!tpu.dma_semaphore, #tpu.memory_space<semaphore_mem>> -> memref<!tpu.dma_semaphore, #tpu.memory_space<semaphore_mem>>
      tpu.enqueue_indirect_dma source(%dma_start3A_433 : memref<10000x128xf32, #tpu.memory_space<hbm>>) target(%dma_start3A_427 : memref<80x128xf32, #tpu.memory_space<vmem>>) offsets(%dma_start3A_430 : memref<80xi32, #tpu.memory_space<vmem>>) semaphore(%dma_start3A_435 : memref<!tpu.dma_semaphore, #tpu.memory_space<semaphore_mem>>)
    } else {
    }
    %eq3A_360 = arith.constant 1 : i32
    %eq3A_361 = arith.cmpi eq, %arg0, %eq3A_360 : i32
    %convert_element_type3A_362 = arith.extui %eq3A_361 : i1 to i32
    %cond3A_363 = arith.constant 0 : i32
    %cond3A_364 = arith.cmpi ne, %convert_element_type3A_362, %cond3A_363 : i32
    scf.if %cond3A_364 {
      %dma_start3A_421 = arith.constant 1 : i32
      %dma_start3A_422 = arith.constant 1 : i32
      %dma_start3A_423 = arith.constant 1 : i32
      %dma_start3A_424 = arith.constant 0 : i32
      %dma_start3A_425 = arith.constant 0 : i32
      %dma_start3A_426 = tpu.memref_slice %arg11[%dma_start3A_422, %dma_start3A_424, %dma_start3A_425] : memref<4x80x128xf32, #tpu.memory_space<vmem>> -> memref<1x80x128xf32, #tpu.memory_space<vmem>>
      %dma_start3A_427 = tpu.memref_squeeze %dma_start3A_426 : memref<1x80x128xf32, #tpu.memory_space<vmem>> -> memref<80x128xf32, #tpu.memory_space<vmem>>
      %dma_start3A_428 = arith.constant 0 : i32
      %dma_start3A_429 = tpu.memref_slice %arg9[%dma_start3A_421, %dma_start3A_428] : memref<8x80xi32, #tpu.memory_space<vmem>> -> memref<1x80xi32, #tpu.memory_space<vmem>>
      %dma_start3A_430 = tpu.memref_squeeze %dma_start3A_429 : memref<1x80xi32, #tpu.memory_space<vmem>> -> memref<80xi32, #tpu.memory_space<vmem>>
      %dma_start3A_431 = arith.constant 0 : i32
      %dma_start3A_432 = arith.constant 0 : i32
      %dma_start3A_433 = tpu.memref_slice %arg3[%dma_start3A_431, %dma_start3A_432] : memref<10000x128xf32, #tpu.memory_space<hbm>> -> memref<10000x128xf32, #tpu.memory_space<hbm>>
      %dma_start3A_434 = tpu.memref_slice %arg17[%dma_start3A_423] : memref<4x!tpu.dma_semaphore, #tpu.memory_space<semaphore_mem>> -> memref<1x!tpu.dma_semaphore, #tpu.memory_space<semaphore_mem>>
      %dma_start3A_435 = tpu.memref_squeeze %dma_start3A_434 : memref<1x!tpu.dma_semaphore, #tpu.memory_space<semaphore_mem>> -> memref<!tpu.dma_semaphore, #tpu.memory_space<semaphore_mem>>
      tpu.enqueue_indirect_dma source(%dma_start3A_433 : memref<10000x128xf32, #tpu.memory_space<hbm>>) target(%dma_start3A_427 : memref<80x128xf32, #tpu.memory_space<vmem>>) offsets(%dma_start3A_430 : memref<80xi32, #tpu.memory_space<vmem>>) semaphore(%dma_start3A_435 : memref<!tpu.dma_semaphore, #tpu.memory_space<semaphore_mem>>)
    } else {
    }
    %dma_wait3A_365 = arith.constant 2 : i32
    %dma_wait3A_366 = arith.constant 2 : i32
    %dma_wait3A_367 = arith.constant 0 : i32
    %dma_wait3A_368 = tpu.memref_slice %arg9[%dma_wait3A_365, %dma_wait3A_367] : memref<8x80xi32, #tpu.memory_space<vmem>> -> memref<1x80xi32, #tpu.memory_space<vmem>>
    %dma_wait3A_369 = tpu.memref_squeeze %dma_wait3A_368 : memref<1x80xi32, #tpu.memory_space<vmem>> -> memref<80xi32, #tpu.memory_space<vmem>>
    %dma_wait3A_370 = arith.constant 0 : i32
    %dma_wait3A_371 = tpu.memref_slice %arg4[%dma_wait3A_370] : memref<160000xi32, #tpu.memory_space<hbm>> -> memref<80xi32, #tpu.memory_space<hbm>>
    %dma_wait3A_372 = tpu.memref_slice %arg16[%dma_wait3A_366] : memref<8x!tpu.dma_semaphore, #tpu.memory_space<semaphore_mem>> -> memref<1x!tpu.dma_semaphore, #tpu.memory_space<semaphore_mem>>
    %dma_wait3A_373 = tpu.memref_squeeze %dma_wait3A_372 : memref<1x!tpu.dma_semaphore, #tpu.memory_space<semaphore_mem>> -> memref<!tpu.dma_semaphore, #tpu.memory_space<semaphore_mem>>
    %dma_wait3A_374 = arith.constant 0 : i32
    %dma_wait3A_375 = tpu.memref_slice %arg9[%dma_wait3A_365, %dma_wait3A_374] : memref<8x80xi32, #tpu.memory_space<vmem>> -> memref<1x80xi32, #tpu.memory_space<vmem>>
    %dma_wait3A_376 = tpu.memref_squeeze %dma_wait3A_375 : memref<1x80xi32, #tpu.memory_space<vmem>> -> memref<80xi32, #tpu.memory_space<vmem>>
    %dma_wait3A_377 = arith.constant 0 : i32
    %dma_wait3A_378 = tpu.memref_slice %arg4[%dma_wait3A_377] : memref<160000xi32, #tpu.memory_space<hbm>> -> memref<80xi32, #tpu.memory_space<hbm>>
    tpu.wait_dma2 semaphore(%dma_wait3A_373 : memref<!tpu.dma_semaphore, #tpu.memory_space<semaphore_mem>>) src(%dma_wait3A_378 : memref<80xi32, #tpu.memory_space<hbm>>) dst(%dma_wait3A_376 : memref<80xi32, #tpu.memory_space<vmem>>)
    %dma_wait3A_379 = arith.constant 2 : i32
    %dma_wait3A_380 = arith.constant 2 : i32
    %dma_wait3A_381 = arith.constant 0 : i32
    %dma_wait3A_382 = tpu.memref_slice %arg10[%dma_wait3A_379, %dma_wait3A_381] : memref<8x80xi32, #tpu.memory_space<vmem>> -> memref<1x80xi32, #tpu.memory_space<vmem>>
    %dma_wait3A_383 = tpu.memref_squeeze %dma_wait3A_382 : memref<1x80xi32, #tpu.memory_space<vmem>> -> memref<80xi32, #tpu.memory_space<vmem>>
    %dma_wait3A_384 = arith.constant 0 : i32
    %dma_wait3A_385 = tpu.memref_slice %arg5[%dma_wait3A_384] : memref<160000xi32, #tpu.memory_space<hbm>> -> memref<80xi32, #tpu.memory_space<hbm>>
    %dma_wait3A_386 = tpu.memref_slice %arg16[%dma_wait3A_380] : memref<8x!tpu.dma_semaphore, #tpu.memory_space<semaphore_mem>> -> memref<1x!tpu.dma_semaphore, #tpu.memory_space<semaphore_mem>>
    %dma_wait3A_387 = tpu.memref_squeeze %dma_wait3A_386 : memref<1x!tpu.dma_semaphore, #tpu.memory_space<semaphore_mem>> -> memref<!tpu.dma_semaphore, #tpu.memory_space<semaphore_mem>>
    %dma_wait3A_388 = arith.constant 0 : i32
    %dma_wait3A_389 = tpu.memref_slice %arg10[%dma_wait3A_379, %dma_wait3A_388] : memref<8x80xi32, #tpu.memory_space<vmem>> -> memref<1x80xi32, #tpu.memory_space<vmem>>
    %dma_wait3A_390 = tpu.memref_squeeze %dma_wait3A_389 : memref<1x80xi32, #tpu.memory_space<vmem>> -> memref<80xi32, #tpu.memory_space<vmem>>
    %dma_wait3A_391 = arith.constant 0 : i32
    %dma_wait3A_392 = tpu.memref_slice %arg5[%dma_wait3A_391] : memref<160000xi32, #tpu.memory_space<hbm>> -> memref<80xi32, #tpu.memory_space<hbm>>
    tpu.wait_dma2 semaphore(%dma_wait3A_387 : memref<!tpu.dma_semaphore, #tpu.memory_space<semaphore_mem>>) src(%dma_wait3A_392 : memref<80xi32, #tpu.memory_space<hbm>>) dst(%dma_wait3A_390 : memref<80xi32, #tpu.memory_space<vmem>>)
    %eq3A_393 = arith.constant 0 : i32
    %eq3A_394 = arith.cmpi eq, %arg0, %eq3A_393 : i32
    %convert_element_type3A_395 = arith.extui %eq3A_394 : i1 to i32
    %cond3A_396 = arith.constant 0 : i32
    %cond3A_397 = arith.cmpi ne, %convert_element_type3A_395, %cond3A_396 : i32
    scf.if %cond3A_397 {
      %dma_start3A_421 = arith.constant 2 : i32
      %dma_start3A_422 = arith.constant 2 : i32
      %dma_start3A_423 = arith.constant 2 : i32
      %dma_start3A_424 = arith.constant 0 : i32
      %dma_start3A_425 = arith.constant 0 : i32
      %dma_start3A_426 = tpu.memref_slice %arg11[%dma_start3A_422, %dma_start3A_424, %dma_start3A_425] : memref<4x80x128xf32, #tpu.memory_space<vmem>> -> memref<1x80x128xf32, #tpu.memory_space<vmem>>
      %dma_start3A_427 = tpu.memref_squeeze %dma_start3A_426 : memref<1x80x128xf32, #tpu.memory_space<vmem>> -> memref<80x128xf32, #tpu.memory_space<vmem>>
      %dma_start3A_428 = arith.constant 0 : i32
      %dma_start3A_429 = tpu.memref_slice %arg9[%dma_start3A_421, %dma_start3A_428] : memref<8x80xi32, #tpu.memory_space<vmem>> -> memref<1x80xi32, #tpu.memory_space<vmem>>
      %dma_start3A_430 = tpu.memref_squeeze %dma_start3A_429 : memref<1x80xi32, #tpu.memory_space<vmem>> -> memref<80xi32, #tpu.memory_space<vmem>>
      %dma_start3A_431 = arith.constant 0 : i32
      %dma_start3A_432 = arith.constant 0 : i32
      %dma_start3A_433 = tpu.memref_slice %arg2[%dma_start3A_431, %dma_start3A_432] : memref<10000x128xf32, #tpu.memory_space<hbm>> -> memref<10000x128xf32, #tpu.memory_space<hbm>>
      %dma_start3A_434 = tpu.memref_slice %arg17[%dma_start3A_423] : memref<4x!tpu.dma_semaphore, #tpu.memory_space<semaphore_mem>> -> memref<1x!tpu.dma_semaphore, #tpu.memory_space<semaphore_mem>>
      %dma_start3A_435 = tpu.memref_squeeze %dma_start3A_434 : memref<1x!tpu.dma_semaphore, #tpu.memory_space<semaphore_mem>> -> memref<!tpu.dma_semaphore, #tpu.memory_space<semaphore_mem>>
      tpu.enqueue_indirect_dma source(%dma_start3A_433 : memref<10000x128xf32, #tpu.memory_space<hbm>>) target(%dma_start3A_427 : memref<80x128xf32, #tpu.memory_space<vmem>>) offsets(%dma_start3A_430 : memref<80xi32, #tpu.memory_space<vmem>>) semaphore(%dma_start3A_435 : memref<!tpu.dma_semaphore, #tpu.memory_space<semaphore_mem>>)
    } else {
    }
    %eq3A_398 = arith.constant 1 : i32
    %eq3A_399 = arith.cmpi eq, %arg0, %eq3A_398 : i32
    %convert_element_type3A_400 = arith.extui %eq3A_399 : i1 to i32
    %cond3A_401 = arith.constant 0 : i32
    %cond3A_402 = arith.cmpi ne, %convert_element_type3A_400, %cond3A_401 : i32
    scf.if %cond3A_402 {
      %dma_start3A_421 = arith.constant 2 : i32
      %dma_start3A_422 = arith.constant 2 : i32
      %dma_start3A_423 = arith.constant 2 : i32
      %dma_start3A_424 = arith.constant 0 : i32
      %dma_start3A_425 = arith.constant 0 : i32
      %dma_start3A_426 = tpu.memref_slice %arg11[%dma_start3A_422, %dma_start3A_424, %dma_start3A_425] : memref<4x80x128xf32, #tpu.memory_space<vmem>> -> memref<1x80x128xf32, #tpu.memory_space<vmem>>
      %dma_start3A_427 = tpu.memref_squeeze %dma_start3A_426 : memref<1x80x128xf32, #tpu.memory_space<vmem>> -> memref<80x128xf32, #tpu.memory_space<vmem>>
      %dma_start3A_428 = arith.constant 0 : i32
      %dma_start3A_429 = tpu.memref_slice %arg9[%dma_start3A_421, %dma_start3A_428] : memref<8x80xi32, #tpu.memory_space<vmem>> -> memref<1x80xi32, #tpu.memory_space<vmem>>
      %dma_start3A_430 = tpu.memref_squeeze %dma_start3A_429 : memref<1x80xi32, #tpu.memory_space<vmem>> -> memref<80xi32, #tpu.memory_space<vmem>>
      %dma_start3A_431 = arith.constant 0 : i32
      %dma_start3A_432 = arith.constant 0 : i32
      %dma_start3A_433 = tpu.memref_slice %arg3[%dma_start3A_431, %dma_start3A_432] : memref<10000x128xf32, #tpu.memory_space<hbm>> -> memref<10000x128xf32, #tpu.memory_space<hbm>>
      %dma_start3A_434 = tpu.memref_slice %arg17[%dma_start3A_423] : memref<4x!tpu.dma_semaphore, #tpu.memory_space<semaphore_mem>> -> memref<1x!tpu.dma_semaphore, #tpu.memory_space<semaphore_mem>>
      %dma_start3A_435 = tpu.memref_squeeze %dma_start3A_434 : memref<1x!tpu.dma_semaphore, #tpu.memory_space<semaphore_mem>> -> memref<!tpu.dma_semaphore, #tpu.memory_space<semaphore_mem>>
      tpu.enqueue_indirect_dma source(%dma_start3A_433 : memref<10000x128xf32, #tpu.memory_space<hbm>>) target(%dma_start3A_427 : memref<80x128xf32, #tpu.memory_space<vmem>>) offsets(%dma_start3A_430 : memref<80xi32, #tpu.memory_space<vmem>>) semaphore(%dma_start3A_435 : memref<!tpu.dma_semaphore, #tpu.memory_space<semaphore_mem>>)
    } else {
    }
    %scan3A_403 = arith.constant 0 : i32
    %scan3A_404 = arith.constant 0 : i32
    %scan3A_405 = arith.constant 125 : i32
    %scan3A_406 = arith.addi %scan3A_404, %scan3A_405 : i32
    %scan3A_407 = arith.constant 1 : i32
    %scan3A_408 = scf.for %scan3A_421 = %scan3A_404 to %scan3A_406 step %scan3A_407 iter_args(%scan3A_422 = %scan3A_403) -> (i32)  : i32 {
      %rem3A = arith.constant 4 : i32
      %rem3A_423 = arith.remsi %scan3A_421, %rem3A : i32
      %rem3A_424 = arith.constant 8 : i32
      %rem3A_425 = arith.remsi %scan3A_421, %rem3A_424 : i32
      %dma_wait3A_426 = arith.constant 0 : i32
      %dma_wait3A_427 = arith.constant 0 : i32
      %dma_wait3A_428 = arith.constant 0 : i32
      %dma_wait3A_429 = tpu.memref_slice %arg11[%rem3A_423, %dma_wait3A_427, %dma_wait3A_428] : memref<4x80x128xf32, #tpu.memory_space<vmem>> -> memref<1x80x128xf32, #tpu.memory_space<vmem>>
      %dma_wait3A_430 = tpu.memref_squeeze %dma_wait3A_429 : memref<1x80x128xf32, #tpu.memory_space<vmem>> -> memref<80x128xf32, #tpu.memory_space<vmem>>
      %dma_wait3A_431 = arith.constant 0 : i32
      %dma_wait3A_432 = tpu.memref_slice %arg9[%dma_wait3A_426, %dma_wait3A_431] : memref<8x80xi32, #tpu.memory_space<vmem>> -> memref<1x80xi32, #tpu.memory_space<vmem>>
      %dma_wait3A_433 = tpu.memref_squeeze %dma_wait3A_432 : memref<1x80xi32, #tpu.memory_space<vmem>> -> memref<80xi32, #tpu.memory_space<vmem>>
      %dma_wait3A_434 = arith.constant 0 : i32
      %dma_wait3A_435 = arith.constant 0 : i32
      %dma_wait3A_436 = tpu.memref_slice %arg2[%dma_wait3A_434, %dma_wait3A_435] : memref<10000x128xf32, #tpu.memory_space<hbm>> -> memref<10000x128xf32, #tpu.memory_space<hbm>>
      %dma_wait3A_437 = tpu.memref_slice %arg17[%rem3A_423] : memref<4x!tpu.dma_semaphore, #tpu.memory_space<semaphore_mem>> -> memref<1x!tpu.dma_semaphore, #tpu.memory_space<semaphore_mem>>
      %dma_wait3A_438 = tpu.memref_squeeze %dma_wait3A_437 : memref<1x!tpu.dma_semaphore, #tpu.memory_space<semaphore_mem>> -> memref<!tpu.dma_semaphore, #tpu.memory_space<semaphore_mem>>
      tpu.wait_indirect_dma semaphore(%dma_wait3A_438 : memref<!tpu.dma_semaphore, #tpu.memory_space<semaphore_mem>>) src(%dma_wait3A_436 : memref<10000x128xf32, #tpu.memory_space<hbm>>) dst(%dma_wait3A_430 : memref<80x128xf32, #tpu.memory_space<vmem>>)
      "tpu.region"() ({
        %run_scoped3A_458 = tpu.sem_alloc : memref<!tpu.dma_semaphore, #tpu.memory_space<semaphore_mem>>
        %dma_start3A_459 = arith.constant 0 : i32
        %dma_start3A_460 = arith.constant 0 : i32
        %dma_start3A_461 = tpu.memref_slice %arg11[%rem3A_423, %dma_start3A_459, %dma_start3A_460] : memref<4x80x128xf32, #tpu.memory_space<vmem>> -> memref<1x80x128xf32, #tpu.memory_space<vmem>>
        %dma_start3A_462 = tpu.memref_squeeze %dma_start3A_461 : memref<1x80x128xf32, #tpu.memory_space<vmem>> -> memref<80x128xf32, #tpu.memory_space<vmem>>
        %dma_start3A_463 = arith.constant 0 : i32
        %dma_start3A_464 = tpu.memref_slice %arg10[%rem3A_425, %dma_start3A_463] : memref<8x80xi32, #tpu.memory_space<vmem>> -> memref<1x80xi32, #tpu.memory_space<vmem>>
        %dma_start3A_465 = tpu.memref_squeeze %dma_start3A_464 : memref<1x80xi32, #tpu.memory_space<vmem>> -> memref<80xi32, #tpu.memory_space<vmem>>
        %dma_start3A_466 = arith.constant 0 : i32
        %dma_start3A_467 = arith.constant 0 : i32
        %dma_start3A_468 = tpu.memref_slice %arg14[%dma_start3A_466, %dma_start3A_467] : memref<10000x128xf32, #tpu.memory_space<vmem_shared>> -> memref<10000x128xf32, #tpu.memory_space<vmem_shared>>
        tpu.enqueue_indirect_dma source(%dma_start3A_462 : memref<80x128xf32, #tpu.memory_space<vmem>>) target(%dma_start3A_468 : memref<10000x128xf32, #tpu.memory_space<vmem_shared>>) offsets(%dma_start3A_465 : memref<80xi32, #tpu.memory_space<vmem>>) semaphore(%run_scoped3A_458 : memref<!tpu.dma_semaphore, #tpu.memory_space<semaphore_mem>>) {add = true}
        %dma_wait3A_469 = arith.constant 0 : i32
        %dma_wait3A_470 = arith.constant 0 : i32
        %dma_wait3A_471 = tpu.memref_slice %arg11[%rem3A_423, %dma_wait3A_469, %dma_wait3A_470] : memref<4x80x128xf32, #tpu.memory_space<vmem>> -> memref<1x80x128xf32, #tpu.memory_space<vmem>>
        %dma_wait3A_472 = tpu.memref_squeeze %dma_wait3A_471 : memref<1x80x128xf32, #tpu.memory_space<vmem>> -> memref<80x128xf32, #tpu.memory_space<vmem>>
        %dma_wait3A_473 = arith.constant 0 : i32
        %dma_wait3A_474 = tpu.memref_slice %arg10[%rem3A_425, %dma_wait3A_473] : memref<8x80xi32, #tpu.memory_space<vmem>> -> memref<1x80xi32, #tpu.memory_space<vmem>>
        %dma_wait3A_475 = tpu.memref_squeeze %dma_wait3A_474 : memref<1x80xi32, #tpu.memory_space<vmem>> -> memref<80xi32, #tpu.memory_space<vmem>>
        %dma_wait3A_476 = arith.constant 0 : i32
        %dma_wait3A_477 = arith.constant 0 : i32
        %dma_wait3A_478 = tpu.memref_slice %arg14[%dma_wait3A_476, %dma_wait3A_477] : memref<10000x128xf32, #tpu.memory_space<vmem_shared>> -> memref<10000x128xf32, #tpu.memory_space<vmem_shared>>
        tpu.wait_indirect_dma semaphore(%run_scoped3A_458 : memref<!tpu.dma_semaphore, #tpu.memory_space<semaphore_mem>>) src(%dma_wait3A_472 : memref<80x128xf32, #tpu.memory_space<vmem>>) dst(%dma_wait3A_478 : memref<10000x128xf32, #tpu.memory_space<vmem_shared>>)
        tpu.yield
      }) : () -> ()
      %eq3A_439 = arith.constant 1 : i32
      %eq3A_440 = arith.cmpi eq, %arg0, %eq3A_439 : i32
      %convert_element_type3A_441 = arith.extui %eq3A_440 : i1 to i32
      %cond3A_442 = arith.constant 0 : i32
      %cond3A_443 = arith.cmpi ne, %convert_element_type3A_441, %cond3A_442 : i32
      scf.if %cond3A_443 {
        "tpu.region"() ({
          %run_scoped3A_458 = tpu.sem_alloc : memref<!tpu.dma_semaphore, #tpu.memory_space<semaphore_mem>>
          %dma_start3A_459 = arith.constant 0 : i32
          %dma_start3A_460 = tpu.memref_slice %arg10[%rem3A_425, %dma_start3A_459] : memref<8x80xi32, #tpu.memory_space<vmem>> -> memref<1x80xi32, #tpu.memory_space<vmem>>
          %dma_start3A_461 = tpu.memref_squeeze %dma_start3A_460 : memref<1x80xi32, #tpu.memory_space<vmem>> -> memref<80xi32, #tpu.memory_space<vmem>>
          %dma_start3A_462 = arith.constant 0 : i32
          %dma_start3A_463 = tpu.memref_slice %arg15[%dma_start3A_462] : memref<10240xf32, #tpu.memory_space<vmem_shared>> -> memref<10240xf32, #tpu.memory_space<vmem_shared>>
          tpu.enqueue_indirect_dma source(%arg12 : memref<80xf32, #tpu.memory_space<vmem>>) target(%dma_start3A_463 : memref<10240xf32, #tpu.memory_space<vmem_shared>>) offsets(%dma_start3A_461 : memref<80xi32, #tpu.memory_space<vmem>>) semaphore(%run_scoped3A_458 : memref<!tpu.dma_semaphore, #tpu.memory_space<semaphore_mem>>) {add = true}
          %dma_wait3A_464 = arith.constant 0 : i32
          %dma_wait3A_465 = tpu.memref_slice %arg10[%rem3A_425, %dma_wait3A_464] : memref<8x80xi32, #tpu.memory_space<vmem>> -> memref<1x80xi32, #tpu.memory_space<vmem>>
          %dma_wait3A_466 = tpu.memref_squeeze %dma_wait3A_465 : memref<1x80xi32, #tpu.memory_space<vmem>> -> memref<80xi32, #tpu.memory_space<vmem>>
          %dma_wait3A_467 = arith.constant 0 : i32
          %dma_wait3A_468 = tpu.memref_slice %arg15[%dma_wait3A_467] : memref<10240xf32, #tpu.memory_space<vmem_shared>> -> memref<10240xf32, #tpu.memory_space<vmem_shared>>
          tpu.wait_indirect_dma semaphore(%run_scoped3A_458 : memref<!tpu.dma_semaphore, #tpu.memory_space<semaphore_mem>>) src(%arg12 : memref<80xf32, #tpu.memory_space<vmem>>) dst(%dma_wait3A_468 : memref<10240xf32, #tpu.memory_space<vmem_shared>>)
          tpu.yield
        }) : () -> ()
      } else {
      }
      %add3A_444 = arith.constant 8 : i32
      %add3A_445 = arith.addi %scan3A_421, %add3A_444 : i32
      %lt3A = arith.constant 125 : i32
      %lt3A_446 = arith.cmpi slt, %add3A_445, %lt3A : i32
      %convert_element_type3A_447 = arith.extui %lt3A_446 : i1 to i32
      %cond3A_448 = arith.constant 0 : i32
      %cond3A_449 = arith.cmpi ne, %convert_element_type3A_447, %cond3A_448 : i32
      scf.if %cond3A_449 {
        %add3A_458 = arith.constant 8 : i32
        %add3A_459 = arith.addi %scan3A_421, %add3A_458 : i32
        %mul3A_460 = arith.constant 10000 : i32
        %mul3A_461 = arith.muli %arg1, %mul3A_460 : i32
        %mul3A_462 = arith.constant 80 : i32
        %mul3A_463 = arith.muli %add3A_459, %mul3A_462 : i32
        %add3A_464 = arith.addi %mul3A_461, %mul3A_463 : i32
        %dma_start3A_465 = arith.constant 0 : i32
        %dma_start3A_466 = tpu.memref_slice %arg9[%rem3A_425, %dma_start3A_465] : memref<8x80xi32, #tpu.memory_space<vmem>> -> memref<1x80xi32, #tpu.memory_space<vmem>>
        %dma_start3A_467 = tpu.memref_squeeze %dma_start3A_466 : memref<1x80xi32, #tpu.memory_space<vmem>> -> memref<80xi32, #tpu.memory_space<vmem>>
        %dma_start3A_468 = tpu.memref_slice %arg4[%add3A_464] : memref<160000xi32, #tpu.memory_space<hbm>> -> memref<80xi32, #tpu.memory_space<hbm>>
        %dma_start3A_469 = tpu.memref_slice %arg16[%rem3A_425] : memref<8x!tpu.dma_semaphore, #tpu.memory_space<semaphore_mem>> -> memref<1x!tpu.dma_semaphore, #tpu.memory_space<semaphore_mem>>
        %dma_start3A_470 = tpu.memref_squeeze %dma_start3A_469 : memref<1x!tpu.dma_semaphore, #tpu.memory_space<semaphore_mem>> -> memref<!tpu.dma_semaphore, #tpu.memory_space<semaphore_mem>>
        %dma_start3A_471 = arith.constant 0 : i32
        %dma_start3A_472 = tpu.memref_slice %arg9[%rem3A_425, %dma_start3A_471] : memref<8x80xi32, #tpu.memory_space<vmem>> -> memref<1x80xi32, #tpu.memory_space<vmem>>
        %dma_start3A_473 = tpu.memref_squeeze %dma_start3A_472 : memref<1x80xi32, #tpu.memory_space<vmem>> -> memref<80xi32, #tpu.memory_space<vmem>>
        %dma_start3A_474 = tpu.memref_slice %arg4[%add3A_464] : memref<160000xi32, #tpu.memory_space<hbm>> -> memref<80xi32, #tpu.memory_space<hbm>>
        tpu.enqueue_dma source(%dma_start3A_474 : memref<80xi32, #tpu.memory_space<hbm>>) target(%dma_start3A_473 : memref<80xi32, #tpu.memory_space<vmem>>) target_semaphore(%dma_start3A_470 : memref<!tpu.dma_semaphore, #tpu.memory_space<semaphore_mem>>)
        %dma_start3A_475 = arith.constant 0 : i32
        %dma_start3A_476 = tpu.memref_slice %arg10[%rem3A_425, %dma_start3A_475] : memref<8x80xi32, #tpu.memory_space<vmem>> -> memref<1x80xi32, #tpu.memory_space<vmem>>
        %dma_start3A_477 = tpu.memref_squeeze %dma_start3A_476 : memref<1x80xi32, #tpu.memory_space<vmem>> -> memref<80xi32, #tpu.memory_space<vmem>>
        %dma_start3A_478 = tpu.memref_slice %arg5[%add3A_464] : memref<160000xi32, #tpu.memory_space<hbm>> -> memref<80xi32, #tpu.memory_space<hbm>>
        %dma_start3A_479 = tpu.memref_slice %arg16[%rem3A_425] : memref<8x!tpu.dma_semaphore, #tpu.memory_space<semaphore_mem>> -> memref<1x!tpu.dma_semaphore, #tpu.memory_space<semaphore_mem>>
        %dma_start3A_480 = tpu.memref_squeeze %dma_start3A_479 : memref<1x!tpu.dma_semaphore, #tpu.memory_space<semaphore_mem>> -> memref<!tpu.dma_semaphore, #tpu.memory_space<semaphore_mem>>
        %dma_start3A_481 = arith.constant 0 : i32
        %dma_start3A_482 = tpu.memref_slice %arg10[%rem3A_425, %dma_start3A_481] : memref<8x80xi32, #tpu.memory_space<vmem>> -> memref<1x80xi32, #tpu.memory_space<vmem>>
        %dma_start3A_483 = tpu.memref_squeeze %dma_start3A_482 : memref<1x80xi32, #tpu.memory_space<vmem>> -> memref<80xi32, #tpu.memory_space<vmem>>
        %dma_start3A_484 = tpu.memref_slice %arg5[%add3A_464] : memref<160000xi32, #tpu.memory_space<hbm>> -> memref<80xi32, #tpu.memory_space<hbm>>
        tpu.enqueue_dma source(%dma_start3A_484 : memref<80xi32, #tpu.memory_space<hbm>>) target(%dma_start3A_483 : memref<80xi32, #tpu.memory_space<vmem>>) target_semaphore(%dma_start3A_480 : memref<!tpu.dma_semaphore, #tpu.memory_space<semaphore_mem>>)
      } else {
      }
      %add3A_450 = arith.constant 3 : i32
      %add3A_451 = arith.addi %scan3A_421, %add3A_450 : i32
      %lt3A_452 = arith.constant 125 : i32
      %lt3A_453 = arith.cmpi slt, %add3A_451, %lt3A_452 : i32
      %convert_element_type3A_454 = arith.extui %lt3A_453 : i1 to i32
      %cond3A_455 = arith.constant 0 : i32
      %cond3A_456 = arith.cmpi ne, %convert_element_type3A_454, %cond3A_455 : i32
      scf.if %cond3A_456 {
        %add3A_458 = arith.constant 3 : i32
        %add3A_459 = arith.addi %scan3A_421, %add3A_458 : i32
        %rem3A_460 = arith.constant 8 : i32
        %rem3A_461 = arith.remsi %add3A_459, %rem3A_460 : i32
        %rem3A_462 = arith.constant 4 : i32
        %rem3A_463 = arith.remsi %add3A_459, %rem3A_462 : i32
        %dma_wait3A_464 = arith.constant 0 : i32
        %dma_wait3A_465 = tpu.memref_slice %arg9[%rem3A_461, %dma_wait3A_464] : memref<8x80xi32, #tpu.memory_space<vmem>> -> memref<1x80xi32, #tpu.memory_space<vmem>>
        %dma_wait3A_466 = tpu.memref_squeeze %dma_wait3A_465 : memref<1x80xi32, #tpu.memory_space<vmem>> -> memref<80xi32, #tpu.memory_space<vmem>>
        %dma_wait3A_467 = arith.constant 0 : i32
        %dma_wait3A_468 = tpu.memref_slice %arg4[%dma_wait3A_467] : memref<160000xi32, #tpu.memory_space<hbm>> -> memref<80xi32, #tpu.memory_space<hbm>>
        %dma_wait3A_469 = tpu.memref_slice %arg16[%rem3A_461] : memref<8x!tpu.dma_semaphore, #tpu.memory_space<semaphore_mem>> -> memref<1x!tpu.dma_semaphore, #tpu.memory_space<semaphore_mem>>
        %dma_wait3A_470 = tpu.memref_squeeze %dma_wait3A_469 : memref<1x!tpu.dma_semaphore, #tpu.memory_space<semaphore_mem>> -> memref<!tpu.dma_semaphore, #tpu.memory_space<semaphore_mem>>
        %dma_wait3A_471 = arith.constant 0 : i32
        %dma_wait3A_472 = tpu.memref_slice %arg9[%rem3A_461, %dma_wait3A_471] : memref<8x80xi32, #tpu.memory_space<vmem>> -> memref<1x80xi32, #tpu.memory_space<vmem>>
        %dma_wait3A_473 = tpu.memref_squeeze %dma_wait3A_472 : memref<1x80xi32, #tpu.memory_space<vmem>> -> memref<80xi32, #tpu.memory_space<vmem>>
        %dma_wait3A_474 = arith.constant 0 : i32
        %dma_wait3A_475 = tpu.memref_slice %arg4[%dma_wait3A_474] : memref<160000xi32, #tpu.memory_space<hbm>> -> memref<80xi32, #tpu.memory_space<hbm>>
        tpu.wait_dma2 semaphore(%dma_wait3A_470 : memref<!tpu.dma_semaphore, #tpu.memory_space<semaphore_mem>>) src(%dma_wait3A_475 : memref<80xi32, #tpu.memory_space<hbm>>) dst(%dma_wait3A_473 : memref<80xi32, #tpu.memory_space<vmem>>)
        %dma_wait3A_476 = arith.constant 0 : i32
        %dma_wait3A_477 = tpu.memref_slice %arg10[%rem3A_461, %dma_wait3A_476] : memref<8x80xi32, #tpu.memory_space<vmem>> -> memref<1x80xi32, #tpu.memory_space<vmem>>
        %dma_wait3A_478 = tpu.memref_squeeze %dma_wait3A_477 : memref<1x80xi32, #tpu.memory_space<vmem>> -> memref<80xi32, #tpu.memory_space<vmem>>
        %dma_wait3A_479 = arith.constant 0 : i32
        %dma_wait3A_480 = tpu.memref_slice %arg5[%dma_wait3A_479] : memref<160000xi32, #tpu.memory_space<hbm>> -> memref<80xi32, #tpu.memory_space<hbm>>
        %dma_wait3A_481 = tpu.memref_slice %arg16[%rem3A_461] : memref<8x!tpu.dma_semaphore, #tpu.memory_space<semaphore_mem>> -> memref<1x!tpu.dma_semaphore, #tpu.memory_space<semaphore_mem>>
        %dma_wait3A_482 = tpu.memref_squeeze %dma_wait3A_481 : memref<1x!tpu.dma_semaphore, #tpu.memory_space<semaphore_mem>> -> memref<!tpu.dma_semaphore, #tpu.memory_space<semaphore_mem>>
        %dma_wait3A_483 = arith.constant 0 : i32
        %dma_wait3A_484 = tpu.memref_slice %arg10[%rem3A_461, %dma_wait3A_483] : memref<8x80xi32, #tpu.memory_space<vmem>> -> memref<1x80xi32, #tpu.memory_space<vmem>>
        %dma_wait3A_485 = tpu.memref_squeeze %dma_wait3A_484 : memref<1x80xi32, #tpu.memory_space<vmem>> -> memref<80xi32, #tpu.memory_space<vmem>>
        %dma_wait3A_486 = arith.constant 0 : i32
        %dma_wait3A_487 = tpu.memref_slice %arg5[%dma_wait3A_486] : memref<160000xi32, #tpu.memory_space<hbm>> -> memref<80xi32, #tpu.memory_space<hbm>>
        tpu.wait_dma2 semaphore(%dma_wait3A_482 : memref<!tpu.dma_semaphore, #tpu.memory_space<semaphore_mem>>) src(%dma_wait3A_487 : memref<80xi32, #tpu.memory_space<hbm>>) dst(%dma_wait3A_485 : memref<80xi32, #tpu.memory_space<vmem>>)
        %eq3A_488 = arith.constant 0 : i32
        %eq3A_489 = arith.cmpi eq, %arg0, %eq3A_488 : i32
        %convert_element_type3A_490 = arith.extui %eq3A_489 : i1 to i32
        %cond3A_491 = arith.constant 0 : i32
        %cond3A_492 = arith.cmpi ne, %convert_element_type3A_490, %cond3A_491 : i32
        scf.if %cond3A_492 {
          %dma_start3A_498 = arith.constant 0 : i32
          %dma_start3A_499 = arith.constant 0 : i32
          %dma_start3A_500 = tpu.memref_slice %arg11[%rem3A_463, %dma_start3A_498, %dma_start3A_499] : memref<4x80x128xf32, #tpu.memory_space<vmem>> -> memref<1x80x128xf32, #tpu.memory_space<vmem>>
          %dma_start3A_501 = tpu.memref_squeeze %dma_start3A_500 : memref<1x80x128xf32, #tpu.memory_space<vmem>> -> memref<80x128xf32, #tpu.memory_space<vmem>>
          %dma_start3A_502 = arith.constant 0 : i32
          %dma_start3A_503 = tpu.memref_slice %arg9[%rem3A_461, %dma_start3A_502] : memref<8x80xi32, #tpu.memory_space<vmem>> -> memref<1x80xi32, #tpu.memory_space<vmem>>
          %dma_start3A_504 = tpu.memref_squeeze %dma_start3A_503 : memref<1x80xi32, #tpu.memory_space<vmem>> -> memref<80xi32, #tpu.memory_space<vmem>>
          %dma_start3A_505 = arith.constant 0 : i32
          %dma_start3A_506 = arith.constant 0 : i32
          %dma_start3A_507 = tpu.memref_slice %arg2[%dma_start3A_505, %dma_start3A_506] : memref<10000x128xf32, #tpu.memory_space<hbm>> -> memref<10000x128xf32, #tpu.memory_space<hbm>>
          %dma_start3A_508 = tpu.memref_slice %arg17[%rem3A_463] : memref<4x!tpu.dma_semaphore, #tpu.memory_space<semaphore_mem>> -> memref<1x!tpu.dma_semaphore, #tpu.memory_space<semaphore_mem>>
          %dma_start3A_509 = tpu.memref_squeeze %dma_start3A_508 : memref<1x!tpu.dma_semaphore, #tpu.memory_space<semaphore_mem>> -> memref<!tpu.dma_semaphore, #tpu.memory_space<semaphore_mem>>
          tpu.enqueue_indirect_dma source(%dma_start3A_507 : memref<10000x128xf32, #tpu.memory_space<hbm>>) target(%dma_start3A_501 : memref<80x128xf32, #tpu.memory_space<vmem>>) offsets(%dma_start3A_504 : memref<80xi32, #tpu.memory_space<vmem>>) semaphore(%dma_start3A_509 : memref<!tpu.dma_semaphore, #tpu.memory_space<semaphore_mem>>)
        } else {
        }
        %eq3A_493 = arith.constant 1 : i32
        %eq3A_494 = arith.cmpi eq, %arg0, %eq3A_493 : i32
        %convert_element_type3A_495 = arith.extui %eq3A_494 : i1 to i32
        %cond3A_496 = arith.constant 0 : i32
        %cond3A_497 = arith.cmpi ne, %convert_element_type3A_495, %cond3A_496 : i32
        scf.if %cond3A_497 {
          %dma_start3A_498 = arith.constant 0 : i32
          %dma_start3A_499 = arith.constant 0 : i32
          %dma_start3A_500 = tpu.memref_slice %arg11[%rem3A_463, %dma_start3A_498, %dma_start3A_499] : memref<4x80x128xf32, #tpu.memory_space<vmem>> -> memref<1x80x128xf32, #tpu.memory_space<vmem>>
          %dma_start3A_501 = tpu.memref_squeeze %dma_start3A_500 : memref<1x80x128xf32, #tpu.memory_space<vmem>> -> memref<80x128xf32, #tpu.memory_space<vmem>>
          %dma_start3A_502 = arith.constant 0 : i32
          %dma_start3A_503 = tpu.memref_slice %arg9[%rem3A_461, %dma_start3A_502] : memref<8x80xi32, #tpu.memory_space<vmem>> -> memref<1x80xi32, #tpu.memory_space<vmem>>
          %dma_start3A_504 = tpu.memref_squeeze %dma_start3A_503 : memref<1x80xi32, #tpu.memory_space<vmem>> -> memref<80xi32, #tpu.memory_space<vmem>>
          %dma_start3A_505 = arith.constant 0 : i32
          %dma_start3A_506 = arith.constant 0 : i32
          %dma_start3A_507 = tpu.memref_slice %arg3[%dma_start3A_505, %dma_start3A_506] : memref<10000x128xf32, #tpu.memory_space<hbm>> -> memref<10000x128xf32, #tpu.memory_space<hbm>>
          %dma_start3A_508 = tpu.memref_slice %arg17[%rem3A_463] : memref<4x!tpu.dma_semaphore, #tpu.memory_space<semaphore_mem>> -> memref<1x!tpu.dma_semaphore, #tpu.memory_space<semaphore_mem>>
          %dma_start3A_509 = tpu.memref_squeeze %dma_start3A_508 : memref<1x!tpu.dma_semaphore, #tpu.memory_space<semaphore_mem>> -> memref<!tpu.dma_semaphore, #tpu.memory_space<semaphore_mem>>
          tpu.enqueue_indirect_dma source(%dma_start3A_507 : memref<10000x128xf32, #tpu.memory_space<hbm>>) target(%dma_start3A_501 : memref<80x128xf32, #tpu.memory_space<vmem>>) offsets(%dma_start3A_504 : memref<80xi32, #tpu.memory_space<vmem>>) semaphore(%dma_start3A_509 : memref<!tpu.dma_semaphore, #tpu.memory_space<semaphore_mem>>)
        } else {
        }
      } else {
      }
      %scan3A_457 = arith.constant 0 : i32
      scf.yield %scan3A_457 : i32
    }
    %scan3A_409 = arith.constant 125 : i32
    %barrier3A_410 = arith.constant 0 : index
    tpu.barrier barrier_id(%barrier3A_410)
    %eq3A_411 = arith.constant 0 : i32
    %eq3A_412 = arith.cmpi eq, %arg0, %eq3A_411 : i32
    %convert_element_type3A_413 = arith.extui %eq3A_412 : i1 to i32
    %cond3A_414 = arith.constant 0 : i32
    %cond3A_415 = arith.cmpi ne, %convert_element_type3A_413, %cond3A_414 : i32
    scf.if %cond3A_415 {
      %mul3A_421 = arith.constant 625 : i32
      %mul3A_422 = arith.muli %arg1, %mul3A_421 : i32
      %mul3A_423 = arith.constant 625 : i32
      %mul3A_424 = arith.muli %arg1, %mul3A_423 : i32
      "tpu.region"() ({
        %run_scoped3A_425 = tpu.sem_alloc : memref<!tpu.dma_semaphore, #tpu.memory_space<semaphore_mem>>
        %dma_start3A_426 = arith.constant 0 : i32
        %dma_start3A_427 = tpu.memref_slice %arg6[%mul3A_424, %dma_start3A_426] : memref<10000x128xf32, #tpu.memory_space<hbm>> -> memref<625x128xf32, #tpu.memory_space<hbm>>
        %dma_start3A_428 = arith.constant 0 : i32
        %dma_start3A_429 = tpu.memref_slice %arg14[%mul3A_422, %dma_start3A_428] : memref<10000x128xf32, #tpu.memory_space<vmem_shared>> -> memref<625x128xf32, #tpu.memory_space<vmem_shared>>
        tpu.enqueue_dma source(%dma_start3A_429 : memref<625x128xf32, #tpu.memory_space<vmem_shared>>) target(%dma_start3A_427 : memref<625x128xf32, #tpu.memory_space<hbm>>) target_semaphore(%run_scoped3A_425 : memref<!tpu.dma_semaphore, #tpu.memory_space<semaphore_mem>>)
        %dma_wait3A_430 = arith.constant 0 : i32
        %dma_wait3A_431 = tpu.memref_slice %arg6[%mul3A_424, %dma_wait3A_430] : memref<10000x128xf32, #tpu.memory_space<hbm>> -> memref<625x128xf32, #tpu.memory_space<hbm>>
        %dma_wait3A_432 = arith.constant 0 : i32
        %dma_wait3A_433 = tpu.memref_slice %arg14[%mul3A_422, %dma_wait3A_432] : memref<10000x128xf32, #tpu.memory_space<vmem_shared>> -> memref<625x128xf32, #tpu.memory_space<vmem_shared>>
        tpu.wait_dma2 semaphore(%run_scoped3A_425 : memref<!tpu.dma_semaphore, #tpu.memory_space<semaphore_mem>>) src(%dma_wait3A_433 : memref<625x128xf32, #tpu.memory_space<vmem_shared>>) dst(%dma_wait3A_431 : memref<625x128xf32, #tpu.memory_space<hbm>>)
        tpu.yield
      }) : () -> ()
    } else {
    }
    %eq3A_416 = arith.constant 1 : i32
    %eq3A_417 = arith.cmpi eq, %arg0, %eq3A_416 : i32
    %convert_element_type3A_418 = arith.extui %eq3A_417 : i1 to i32
    %cond3A_419 = arith.constant 0 : i32
    %cond3A_420 = arith.cmpi ne, %convert_element_type3A_418, %cond3A_419 : i32
    scf.if %cond3A_420 {
      %mul3A_421 = arith.constant 625 : i32
      %mul3A_422 = arith.muli %arg1, %mul3A_421 : i32
      %mul3A_423 = arith.constant 625 : i32
      %mul3A_424 = arith.muli %arg1, %mul3A_423 : i32
      "tpu.region"() ({
        %run_scoped3A_429 = tpu.sem_alloc : memref<!tpu.dma_semaphore, #tpu.memory_space<semaphore_mem>>
        %dma_start3A_430 = arith.constant 0 : i32
        %dma_start3A_431 = tpu.memref_slice %arg7[%mul3A_424, %dma_start3A_430] : memref<10000x128xf32, #tpu.memory_space<hbm>> -> memref<625x128xf32, #tpu.memory_space<hbm>>
        %dma_start3A_432 = arith.constant 0 : i32
        %dma_start3A_433 = tpu.memref_slice %arg14[%mul3A_422, %dma_start3A_432] : memref<10000x128xf32, #tpu.memory_space<vmem_shared>> -> memref<625x128xf32, #tpu.memory_space<vmem_shared>>
        tpu.enqueue_dma source(%dma_start3A_433 : memref<625x128xf32, #tpu.memory_space<vmem_shared>>) target(%dma_start3A_431 : memref<625x128xf32, #tpu.memory_space<hbm>>) target_semaphore(%run_scoped3A_429 : memref<!tpu.dma_semaphore, #tpu.memory_space<semaphore_mem>>)
        %dma_wait3A_434 = arith.constant 0 : i32
        %dma_wait3A_435 = tpu.memref_slice %arg7[%mul3A_424, %dma_wait3A_434] : memref<10000x128xf32, #tpu.memory_space<hbm>> -> memref<625x128xf32, #tpu.memory_space<hbm>>
        %dma_wait3A_436 = arith.constant 0 : i32
        %dma_wait3A_437 = tpu.memref_slice %arg14[%mul3A_422, %dma_wait3A_436] : memref<10000x128xf32, #tpu.memory_space<vmem_shared>> -> memref<625x128xf32, #tpu.memory_space<vmem_shared>>
        tpu.wait_dma2 semaphore(%run_scoped3A_429 : memref<!tpu.dma_semaphore, #tpu.memory_space<semaphore_mem>>) src(%dma_wait3A_437 : memref<625x128xf32, #tpu.memory_space<vmem_shared>>) dst(%dma_wait3A_435 : memref<625x128xf32, #tpu.memory_space<hbm>>)
        tpu.yield
      }) : () -> ()
      %mul3A_425 = arith.constant 640 : i32
      %mul3A_426 = arith.muli %arg1, %mul3A_425 : i32
      %mul3A_427 = arith.constant 640 : i32
      %mul3A_428 = arith.muli %arg1, %mul3A_427 : i32
      "tpu.region"() ({
        %run_scoped3A_429 = tpu.sem_alloc : memref<!tpu.dma_semaphore, #tpu.memory_space<semaphore_mem>>
        %dma_start3A_430 = tpu.memref_slice %arg8[%mul3A_428] : memref<10240xf32, #tpu.memory_space<hbm>> -> memref<640xf32, #tpu.memory_space<hbm>>
        %dma_start3A_431 = tpu.memref_slice %arg15[%mul3A_426] : memref<10240xf32, #tpu.memory_space<vmem_shared>> -> memref<640xf32, #tpu.memory_space<vmem_shared>>
        tpu.enqueue_dma source(%dma_start3A_431 : memref<640xf32, #tpu.memory_space<vmem_shared>>) target(%dma_start3A_430 : memref<640xf32, #tpu.memory_space<hbm>>) target_semaphore(%run_scoped3A_429 : memref<!tpu.dma_semaphore, #tpu.memory_space<semaphore_mem>>)
        %dma_wait3A_432 = tpu.memref_slice %arg8[%mul3A_428] : memref<10240xf32, #tpu.memory_space<hbm>> -> memref<640xf32, #tpu.memory_space<hbm>>
        %dma_wait3A_433 = tpu.memref_slice %arg15[%mul3A_426] : memref<10240xf32, #tpu.memory_space<vmem_shared>> -> memref<640xf32, #tpu.memory_space<vmem_shared>>
        tpu.wait_dma2 semaphore(%run_scoped3A_429 : memref<!tpu.dma_semaphore, #tpu.memory_space<semaphore_mem>>) src(%dma_wait3A_433 : memref<640xf32, #tpu.memory_space<vmem_shared>>) dst(%dma_wait3A_432 : memref<640xf32, #tpu.memory_space<hbm>>)
        tpu.yield
      }) : () -> ()
    } else {
    }
    return
  }
}

module attributes {stable_mosaic.version = 14 : i64} {
  func.func @_mm_body(%arg0: i32, %arg1: memref<1000x256xf32, #tpu.memory_space<vmem>>, %arg2: memref<256x256xf32, #tpu.memory_space<vmem>>, %arg3: memref<1000x128xf32, #tpu.memory_space<vmem>>, %arg4: memref<1000x128xf32, #tpu.memory_space<vmem>>) attributes {dimension_semantics = [#tpu.dimension_semantics<arbitrary>], iteration_bounds = array<i64: 10>, scalar_prefetch = 0 : i64, scratch_operands = 0 : i64, tpu.core_type = #tpu.core_type<tc>, window_params = [{transform_indices = @transform_0, window_bounds = array<i64: 1000, 256>}, {pipeline_mode = #tpu.pipeline_mode<synchronous>, transform_indices = @transform_1, window_bounds = array<i64: 256, 256>}, {transform_indices = @transform_2, window_bounds = array<i64: 1000, 128>}, {transform_indices = @transform_3, window_bounds = array<i64: 1000, 128>}]} {
    %get3A = arith.constant 0 : index
    %get3A_0 = arith.constant 0 : index
    %get3A_1 = vector.load %arg1[%get3A, %get3A_0] : memref<1000x256xf32, #tpu.memory_space<vmem>>, vector<1000x256xf32>
    %get3A_2 = arith.constant 0 : index
    %get3A_3 = arith.constant 0 : index
    %get3A_4 = vector.load %arg2[%get3A_2, %get3A_3] : memref<256x256xf32, #tpu.memory_space<vmem>>, vector<256x256xf32>
    %dot_general3A = arith.constant dense<0.000000e+00> : vector<1000x256xf32>
    %dot_general3A_5 = tpu.matmul %get3A_1, %get3A_4, %dot_general3A {dimension_numbers = #tpu.dot_dimension_numbers<[1], [0], [0], [1], [0, 0, 1, 1], [], []>, transpose_lhs_hint = false} : vector<1000x256xf32>, vector<256x256xf32>, vector<1000x256xf32> -> vector<1000x256xf32>
    %slice3A = vector.extract_strided_slice %dot_general3A_5 {offsets = [0, 0], sizes = [1000, 128], strides = [1, 1]} : vector<1000x256xf32> to vector<1000x128xf32>
    %swap3A = arith.constant 0 : index
    %swap3A_6 = arith.constant 0 : index
    %swap3A_7 = vector.load %arg3[%swap3A, %swap3A_6] : memref<1000x128xf32, #tpu.memory_space<vmem>>, vector<1000x128xf32>
    tpu.vector_store %arg3[%swap3A, %swap3A_6], %slice3A {strides = array<i32>} : memref<1000x128xf32, #tpu.memory_space<vmem>>, vector<1000x128xf32>,
    %slice3A_8 = vector.extract_strided_slice %dot_general3A_5 {offsets = [0, 128], sizes = [1000, 128], strides = [1, 1]} : vector<1000x256xf32> to vector<1000x128xf32>
    %swap3A_9 = arith.constant 0 : index
    %swap3A_10 = arith.constant 0 : index
    %swap3A_11 = vector.load %arg4[%swap3A_9, %swap3A_10] : memref<1000x128xf32, #tpu.memory_space<vmem>>, vector<1000x128xf32>
    tpu.vector_store %arg4[%swap3A_9, %swap3A_10], %slice3A_8 {strides = array<i32>} : memref<1000x128xf32, #tpu.memory_space<vmem>>, vector<1000x128xf32>,
    return
  }
  func.func @transform_0(%arg0: i32) -> (i32, i32) {
    %c0_i32 = arith.constant 0 : i32
    %c0_i32_0 = arith.constant 0 : i32
    return %arg0, %c0_i32 : i32, i32
  }
  func.func @transform_1(%arg0: i32) -> (i32, i32) {
    %c0_i32 = arith.constant 0 : i32
    %c0_i32_0 = arith.constant 0 : i32
    %c0_i32_1 = arith.constant 0 : i32
    return %c0_i32, %c0_i32_0 : i32, i32
  }
  func.func @transform_2(%arg0: i32) -> (i32, i32) {
    %c0_i32 = arith.constant 0 : i32
    %c0_i32_0 = arith.constant 0 : i32
    return %arg0, %c0_i32 : i32, i32
  }
  func.func @transform_3(%arg0: i32) -> (i32, i32) {
    %c0_i32 = arith.constant 0 : i32
    %c0_i32_0 = arith.constant 0 : i32
    return %arg0, %c0_i32 : i32, i32
  }
}

module attributes {stable_mosaic.version = 14 : i64} {
  func.func @_layer_mm_body(%arg0: i32, %arg1: memref<1000x128xf32, #tpu.memory_space<vmem>>, %arg2: memref<1000x128xf32, #tpu.memory_space<vmem>>, %arg3: memref<1000x1xf32, #tpu.memory_space<vmem>>, %arg4: memref<1x256xf32, #tpu.memory_space<vmem>>, %arg5: memref<256x256xf32, #tpu.memory_space<vmem>>, %arg6: memref<1000x128xf32, #tpu.memory_space<vmem>>, %arg7: memref<1000x128xf32, #tpu.memory_space<vmem>>) attributes {dimension_semantics = [#tpu.dimension_semantics<arbitrary>], iteration_bounds = array<i64: 10>, scalar_prefetch = 0 : i64, scratch_operands = 0 : i64, tpu.core_type = #tpu.core_type<tc>, window_params = [{transform_indices = @transform_0, window_bounds = array<i64: 1000, 128>}, {transform_indices = @transform_1, window_bounds = array<i64: 1000, 128>}, {transform_indices = @transform_2, window_bounds = array<i64: 1000, 1>}, {pipeline_mode = #tpu.pipeline_mode<synchronous>, transform_indices = @transform_3, window_bounds = array<i64: 1, 256>}, {pipeline_mode = #tpu.pipeline_mode<synchronous>, transform_indices = @transform_4, window_bounds = array<i64: 256, 256>}, {transform_indices = @transform_5, window_bounds = array<i64: 1000, 128>}, {transform_indices = @transform_6, window_bounds = array<i64: 1000, 128>}]} {
    %get3A = arith.constant 0 : index
    %get3A_0 = arith.constant 0 : index
    %get3A_1 = vector.load %arg1[%get3A, %get3A_0] : memref<1000x128xf32, #tpu.memory_space<vmem>>, vector<1000x128xf32>
    %get3A_2 = arith.constant 0 : index
    %get3A_3 = arith.constant 0 : index
    %get3A_4 = vector.load %arg2[%get3A_2, %get3A_3] : memref<1000x128xf32, #tpu.memory_space<vmem>>, vector<1000x128xf32>
    %concatenate3A = tpu.concatenate %get3A_1, %get3A_4 in 1 : vector<1000x128xf32>, vector<1000x128xf32> -> vector<1000x256xf32>
    %get3A_5 = arith.constant 0 : index
    %get3A_6 = arith.constant 0 : index
    %get3A_7 = vector.load %arg3[%get3A_5, %get3A_6] : memref<1000x1xf32, #tpu.memory_space<vmem>>, vector<1000x1xf32>
    %max3A = arith.constant 1.000000e+00 : f32
    %max3A_8 = vector.broadcast %max3A : f32 to vector<1000x1xf32>
    %max3A_9 = arith.maximumf %get3A_7, %max3A_8 : vector<1000x1xf32>
    %div3A = vector.broadcast %max3A_9 : vector<1000x1xf32> to vector<1000x256xf32>
    %div3A_10 = arith.divf %concatenate3A, %div3A : vector<1000x256xf32>
    %get3A_11 = arith.constant 0 : index
    %get3A_12 = arith.constant 0 : index
    %get3A_13 = vector.load %arg4[%get3A_11, %get3A_12] : memref<1x256xf32, #tpu.memory_space<vmem>>, vector<1x256xf32>
    %add3A = vector.broadcast %get3A_13 : vector<1x256xf32> to vector<1000x256xf32>
    %add3A_14 = arith.addf %div3A_10, %add3A : vector<1000x256xf32>
    %max3A_15 = arith.constant 0.000000e+00 : f32
    %max3A_16 = vector.broadcast %max3A_15 : f32 to vector<1000x256xf32>
    %max3A_17 = arith.maximumf %add3A_14, %max3A_16 : vector<1000x256xf32>
    %get3A_18 = arith.constant 0 : index
    %get3A_19 = arith.constant 0 : index
    %get3A_20 = vector.load %arg5[%get3A_18, %get3A_19] : memref<256x256xf32, #tpu.memory_space<vmem>>, vector<256x256xf32>
    %dot_general3A = arith.constant dense<0.000000e+00> : vector<1000x256xf32>
    %dot_general3A_21 = tpu.matmul %max3A_17, %get3A_20, %dot_general3A {dimension_numbers = #tpu.dot_dimension_numbers<[1], [0], [0], [1], [0, 0, 1, 1], [], []>, transpose_lhs_hint = false} : vector<1000x256xf32>, vector<256x256xf32>, vector<1000x256xf32> -> vector<1000x256xf32>
    %slice3A = vector.extract_strided_slice %dot_general3A_21 {offsets = [0, 0], sizes = [1000, 128], strides = [1, 1]} : vector<1000x256xf32> to vector<1000x128xf32>
    %swap3A = arith.constant 0 : index
    %swap3A_22 = arith.constant 0 : index
    %swap3A_23 = vector.load %arg6[%swap3A, %swap3A_22] : memref<1000x128xf32, #tpu.memory_space<vmem>>, vector<1000x128xf32>
    tpu.vector_store %arg6[%swap3A, %swap3A_22], %slice3A {strides = array<i32>} : memref<1000x128xf32, #tpu.memory_space<vmem>>, vector<1000x128xf32>,
    %slice3A_24 = vector.extract_strided_slice %dot_general3A_21 {offsets = [0, 128], sizes = [1000, 128], strides = [1, 1]} : vector<1000x256xf32> to vector<1000x128xf32>
    %swap3A_25 = arith.constant 0 : index
    %swap3A_26 = arith.constant 0 : index
    %swap3A_27 = vector.load %arg7[%swap3A_25, %swap3A_26] : memref<1000x128xf32, #tpu.memory_space<vmem>>, vector<1000x128xf32>
    tpu.vector_store %arg7[%swap3A_25, %swap3A_26], %slice3A_24 {strides = array<i32>} : memref<1000x128xf32, #tpu.memory_space<vmem>>, vector<1000x128xf32>,
    return
  }
  func.func @transform_0(%arg0: i32) -> (i32, i32) {
    %c0_i32 = arith.constant 0 : i32
    %c0_i32_0 = arith.constant 0 : i32
    return %arg0, %c0_i32 : i32, i32
  }
  func.func @transform_1(%arg0: i32) -> (i32, i32) {
    %c0_i32 = arith.constant 0 : i32
    %c0_i32_0 = arith.constant 0 : i32
    return %arg0, %c0_i32 : i32, i32
  }
  func.func @transform_2(%arg0: i32) -> (i32, i32) {
    %c0_i32 = arith.constant 0 : i32
    %c0_i32_0 = arith.constant 0 : i32
    return %arg0, %c0_i32 : i32, i32
  }
  func.func @transform_3(%arg0: i32) -> (i32, i32) {
    %c0_i32 = arith.constant 0 : i32
    %c0_i32_0 = arith.constant 0 : i32
    %c0_i32_1 = arith.constant 0 : i32
    return %c0_i32, %c0_i32_0 : i32, i32
  }
  func.func @transform_4(%arg0: i32) -> (i32, i32) {
    %c0_i32 = arith.constant 0 : i32
    %c0_i32_0 = arith.constant 0 : i32
    %c0_i32_1 = arith.constant 0 : i32
    return %c0_i32, %c0_i32_0 : i32, i32
  }
  func.func @transform_5(%arg0: i32) -> (i32, i32) {
    %c0_i32 = arith.constant 0 : i32
    %c0_i32_0 = arith.constant 0 : i32
    return %arg0, %c0_i32 : i32, i32
  }
  func.func @transform_6(%arg0: i32) -> (i32, i32) {
    %c0_i32 = arith.constant 0 : i32
    %c0_i32_0 = arith.constant 0 : i32
    return %arg0, %c0_i32 : i32, i32
  }
}

module attributes {stable_mosaic.version = 14 : i64} {
  func.func @_final_body(%arg0: i32, %arg1: memref<1000x128xf32, #tpu.memory_space<vmem>>, %arg2: memref<1000x128xf32, #tpu.memory_space<vmem>>, %arg3: memref<1000x1xf32, #tpu.memory_space<vmem>>, %arg4: memref<1x256xf32, #tpu.memory_space<vmem>>, %arg5: memref<1000x256xf32, #tpu.memory_space<vmem>>) attributes {dimension_semantics = [#tpu.dimension_semantics<arbitrary>], iteration_bounds = array<i64: 10>, scalar_prefetch = 0 : i64, scratch_operands = 0 : i64, tpu.core_type = #tpu.core_type<tc>, window_params = [{transform_indices = @transform_0, window_bounds = array<i64: 1000, 128>}, {transform_indices = @transform_1, window_bounds = array<i64: 1000, 128>}, {transform_indices = @transform_2, window_bounds = array<i64: 1000, 1>}, {pipeline_mode = #tpu.pipeline_mode<synchronous>, transform_indices = @transform_3, window_bounds = array<i64: 1, 256>}, {transform_indices = @transform_4, window_bounds = array<i64: 1000, 256>}]} {
    %get3A = arith.constant 0 : index
    %get3A_0 = arith.constant 0 : index
    %get3A_1 = vector.load %arg1[%get3A, %get3A_0] : memref<1000x128xf32, #tpu.memory_space<vmem>>, vector<1000x128xf32>
    %get3A_2 = arith.constant 0 : index
    %get3A_3 = arith.constant 0 : index
    %get3A_4 = vector.load %arg2[%get3A_2, %get3A_3] : memref<1000x128xf32, #tpu.memory_space<vmem>>, vector<1000x128xf32>
    %concatenate3A = tpu.concatenate %get3A_1, %get3A_4 in 1 : vector<1000x128xf32>, vector<1000x128xf32> -> vector<1000x256xf32>
    %get3A_5 = arith.constant 0 : index
    %get3A_6 = arith.constant 0 : index
    %get3A_7 = vector.load %arg3[%get3A_5, %get3A_6] : memref<1000x1xf32, #tpu.memory_space<vmem>>, vector<1000x1xf32>
    %max3A = arith.constant 1.000000e+00 : f32
    %max3A_8 = vector.broadcast %max3A : f32 to vector<1000x1xf32>
    %max3A_9 = arith.maximumf %get3A_7, %max3A_8 : vector<1000x1xf32>
    %div3A = vector.broadcast %max3A_9 : vector<1000x1xf32> to vector<1000x256xf32>
    %div3A_10 = arith.divf %concatenate3A, %div3A : vector<1000x256xf32>
    %get3A_11 = arith.constant 0 : index
    %get3A_12 = arith.constant 0 : index
    %get3A_13 = vector.load %arg4[%get3A_11, %get3A_12] : memref<1x256xf32, #tpu.memory_space<vmem>>, vector<1x256xf32>
    %add3A = vector.broadcast %get3A_13 : vector<1x256xf32> to vector<1000x256xf32>
    %add3A_14 = arith.addf %div3A_10, %add3A : vector<1000x256xf32>
    %max3A_15 = arith.constant 0.000000e+00 : f32
    %max3A_16 = vector.broadcast %max3A_15 : f32 to vector<1000x256xf32>
    %max3A_17 = arith.maximumf %add3A_14, %max3A_16 : vector<1000x256xf32>
    %mul3A = arith.mulf %max3A_17, %max3A_17 : vector<1000x256xf32>
    %reduce_sum3A = arith.constant dense<0.000000e+00> : vector<1000xf32>
    %reduce_sum3A_18 = vector.multi_reduction <add>, %mul3A, %reduce_sum3A [1] : vector<1000x256xf32> to vector<1000xf32>
    %broadcast_in_dim3A = vector.shape_cast %reduce_sum3A_18 : vector<1000xf32> to vector<1000x1xf32>
    %sqrt3A = math.sqrt %broadcast_in_dim3A : vector<1000x1xf32>
    %max3A_19 = arith.constant 9.99999996E-13 : f32
    %max3A_20 = vector.broadcast %max3A_19 : f32 to vector<1000x1xf32>
    %max3A_21 = arith.maximumf %sqrt3A, %max3A_20 : vector<1000x1xf32>
    %div3A_22 = vector.broadcast %max3A_21 : vector<1000x1xf32> to vector<1000x256xf32>
    %div3A_23 = arith.divf %max3A_17, %div3A_22 : vector<1000x256xf32>
    %swap3A = arith.constant 0 : index
    %swap3A_24 = arith.constant 0 : index
    %swap3A_25 = vector.load %arg5[%swap3A, %swap3A_24] : memref<1000x256xf32, #tpu.memory_space<vmem>>, vector<1000x256xf32>
    tpu.vector_store %arg5[%swap3A, %swap3A_24], %div3A_23 {strides = array<i32>} : memref<1000x256xf32, #tpu.memory_space<vmem>>, vector<1000x256xf32>,
    return
  }
  func.func @transform_0(%arg0: i32) -> (i32, i32) {
    %c0_i32 = arith.constant 0 : i32
    %c0_i32_0 = arith.constant 0 : i32
    return %arg0, %c0_i32 : i32, i32
  }
  func.func @transform_1(%arg0: i32) -> (i32, i32) {
    %c0_i32 = arith.constant 0 : i32
    %c0_i32_0 = arith.constant 0 : i32
    return %arg0, %c0_i32 : i32, i32
  }
  func.func @transform_2(%arg0: i32) -> (i32, i32) {
    %c0_i32 = arith.constant 0 : i32
    %c0_i32_0 = arith.constant 0 : i32
    return %arg0, %c0_i32 : i32, i32
  }
  func.func @transform_3(%arg0: i32) -> (i32, i32) {
    %c0_i32 = arith.constant 0 : i32
    %c0_i32_0 = arith.constant 0 : i32
    %c0_i32_1 = arith.constant 0 : i32
    return %c0_i32, %c0_i32_0 : i32, i32
  }
  func.func @transform_4(%arg0: i32) -> (i32, i32) {
    %c0_i32 = arith.constant 0 : i32
    %c0_i32_0 = arith.constant 0 : i32
    return %arg0, %c0_i32 : i32, i32
  }
}

</mosaic_0001>

<sc_bundles>
// kernel: kernel.10.cloned.1.call-start
scs
__scs_entry_jumppad:
0x0: {  	(pc) =	sbr.rel $0x88, $3  }
0x1: {  	(tag) =	ssettag $0x0;
	lr =	simm.s32 $0x1  }
0x2: {  	[smem:$0x3F9B] =	sst lr;
	_ =	strace $0xD0000000  }
0x3: {  	_ = 	snop  }
0x4: {  	_ = 	snop  }
0x5: {  	_ = 	snop  }
0x6: {  	_ = 	snop  }
0x7: {  	_ = 	snop  }
__scs_overlays_trampoline_lowered:
0x8: {  	[smem:$0x3FAA] =	sst s0  }
0x9: {  	[smem:$0x3FAB] =	sst s1  }
0xa: {  	[smem:$0x3FAC] =	sst s2  }
0xb: {  	[smem:$0x3FAD] =	sst s3  }
0xc: {  	[smem:$0x3FAE] =	sst s4  }
0xd: {  	[smem:$0x3FAF] =	sst s5  }
0xe: {  	[smem:$0x3FB0] =	sst s6  }
0xf: {  	[smem:$0x3FB1] =	sst s7  }
0x10: {  	[smem:$0x3FB2] =	sst s8  }
0x11: {  	[smem:$0x3FB3] =	sst s9;
	s0 =	simm.s32 @!p0 $0x0  }
0x12: {  	s1 =	sld [smem:$0x3F99];
	s0 =	simm.s32 @p0 $0x1  }
0x13: {  	[smem:$0x3FB4] =	sst s0;
	s0 =	simm.s32 @!p1 $0x0  }
0x14: {  	s2 =	sld [smem:$0x3F98];
	s0 =	simm.s32 @p1 $0x1  }
0x15: {  	[smem:$0x3FB5] =	sst s0;
	s0 =	simm.s32 @!p2 $0x0  }
0x16: {  	s3 =	sld [smem:$0x3FDB];
	s0 =	simm.s32 @p2 $0x1  }
0x17: {  	s4 =	simm.s32 $0x1BF5;
	[smem:$0x3FB7] =	sst s0  }
0x18: {  	s0 =	sld [smem:$0x3F9A];
	_ =	swait.ge [sflag:s4], $0x0  }
0x19: {  	s7 =	sld [smem:$0x3F9B]  }
0x1a: {  	s8 =	sadd.s32 $0xFFFFE003, lr  }
0x1b: {  	s9 =	sadd.s32 $0xFFFFFEF7, lr;
	s5 =	simm.s32 $0xFFFFFFFF;
	p2 =	slt.u32 s8, $0xFFFFF086  }
0x1c: {  	p1 =	slt.u32 s9, $0xF7A;
	s5 =	simm.s32 @!p2 $0x0  }
0x1d: {  	s5 =	simm.s32 @p1 $0x1;
	p0 =	seq.s32 s7, s2  }
0x1e: {  	s7 =	smul.u32 @!p0 $0xF7A, s2;
	p2 =	seq.s32 @!p0 s5, $0x0  }
0x1f: {  	s9 =	smul.u32 $0xF7A, s1;
	s8 =	simm.s32 @!p0 $0x1BF5;
	p2 =	por !p2, p0  }
0x20: {  	[sflag:s8] =	ssyncset.s32 @!p0 $0xFFFFF086;
	s6 =	sadd.s32 @!p0 s3, s7;
	s7 =	simm.s32 @!p0 $0x108  }
0x21: {  	s3 =	sadd.s32 s3, s9;
	s6 =	sadd.s32 @!p0 $0x88, s6;
	s7 =	simm.s32 @p2 $0x1082  }
0x22: {  	[simem:s7], [sflag:s8] =	dma.local @!p0 [hbm:s6], $0xF7A  }
0x23: {  	s9 =	sor.u32 $0xD0000000, s2;
	s6 =	simm.s32 $0x108;
	_ =	swait.ge @!p0 [sflag:s8], $0x0  }
0x24: {  	s3 =	sadd.s32 $0x88, s3;
	s6 =	simm.s32 @!p1 $0x1082;
	[sflag:s4] =	ssyncset.s32 $0xFFFFF086  }
0x25: {  	[simem:s6], [sflag:s4] =	dma.local [hbm:s3], $0xF7A  }
0x26: {  	[smem:$0x3F9B] =	sst s1;
	(tag) =	ssettag s2;
	_ =	strace s9  }
0x27: {  	s1 =	sld [smem:$0x3FAB]  }
0x28: {  	s2 =	sld [smem:$0x3FAC]  }
0x29: {  	s4 =	sld [smem:$0x3FAE]  }
0x2a: {  	p0 =	seq.s32 s5, $0x0;
	s5 =	sld [smem:$0x3FAF]  }
0x2b: {  	s6 =	sld [smem:$0x3FB0]  }
0x2c: {  	s7 =	sld [smem:$0x3FB1]  }
0x2d: {  	s3 =	simm.s32 $0x108;
	s8 =	sld [smem:$0x3FB2]  }
0x2e: {  	s3 =	simm.s32 @!p0 $0x1082;
	s9 =	sld [smem:$0x3FB3]  }
0x2f: {  	lr =	sadd.s32 s0, s3;
	s0 =	sld [smem:$0x3FAA]  }
0x30: {  	s3 =	sld [smem:$0x3FAD]  }
0x31: {  	[smem:$0x3FB6] =	sst s10  }
0x32: {  	s10 =	sld [smem:$0x3FB4];
	_ =	sdelay $0x3  }
0x33: {  	p0 =	seq.s32 s10, $0x1;
	s10 =	sld [smem:$0x3FB6];
	_ =	sdelay $0x3  }
0x34: {  	[smem:$0x3FB6] =	sst s10  }
0x35: {  	s10 =	sld [smem:$0x3FB5];
	_ =	sdelay $0x3  }
0x36: {  	p1 =	seq.s32 s10, $0x1;
	s10 =	sld [smem:$0x3FB6];
	_ =	sdelay $0x3  }
0x37: {  	[smem:$0x3FB6] =	sst s10  }
0x38: {  	s10 =	sld [smem:$0x3FB7]  }
0x39: {  	_ = 	snop;
	(pc) =	sbr.ind lr, $3  }
0x3a: {  	_ = 	snop  }
0x3b: {  	_ = 	snop  }
0x3c: {  	p2 =	seq.s32 s10, $0x1;
	s10 =	sld [smem:$0x3FB6]  }
0x3d: {  	_ =	shalt  }
0x3e: {  	_ =	shalt  }
0x3f: {  	_ =	shalt  }
0x40: {  	_ =	shalt  }
0x41: {  	_ =	shalt  }
0x42: {  	_ =	shalt  }
0x43: {  	_ =	shalt  }
0x44: {  	_ =	shalt  }
0x45: {  	_ =	shalt  }
0x46: {  	_ =	shalt  }
0x47: {  	_ =	shalt  }
0x48: {  	_ =	shalt  }
0x49: {  	_ =	shalt  }
0x4a: {  	_ =	shalt  }
0x4b: {  	_ =	shalt  }
0x4c: {  	_ =	shalt  }
0x4d: {  	_ =	shalt  }
0x4e: {  	_ =	shalt  }
0x4f: {  	_ =	shalt  }
0x50: {  	_ =	shalt  }
0x51: {  	_ =	shalt  }
0x52: {  	_ =	shalt  }
0x53: {  	_ =	shalt  }
0x54: {  	_ =	shalt  }
0x55: {  	_ =	shalt  }
0x56: {  	_ =	shalt  }
0x57: {  	_ =	shalt  }
0x58: {  	_ =	shalt  }
0x59: {  	_ =	shalt  }
0x5a: {  	_ =	shalt  }
0x5b: {  	_ =	shalt  }
0x5c: {  	_ =	shalt  }
0x5d: {  	_ =	shalt  }
0x5e: {  	_ =	shalt  }
0x5f: {  	_ =	shalt  }
0x60: {  	_ =	shalt  }
0x61: {  	_ =	shalt  }
0x62: {  	_ =	shalt  }
0x63: {  	_ =	shalt  }
0x64: {  	_ =	shalt  }
0x65: {  	_ =	shalt  }
0x66: {  	_ =	shalt  }
0x67: {  	_ =	shalt  }
0x68: {  	_ =	shalt  }
0x69: {  	_ =	shalt  }
0x6a: {  	_ =	shalt  }
0x6b: {  	_ =	shalt  }
0x6c: {  	_ =	shalt  }
0x6d: {  	_ =	shalt  }
0x6e: {  	_ =	shalt  }
0x6f: {  	_ =	shalt  }
0x70: {  	_ =	shalt  }
0x71: {  	_ =	shalt  }
0x72: {  	_ =	shalt  }
0x73: {  	_ =	shalt  }
0x74: {  	_ =	shalt  }
0x75: {  	_ =	shalt  }
0x76: {  	_ =	shalt  }
0x77: {  	_ =	shalt  }
0x78: {  	_ =	shalt  }
0x79: {  	_ =	shalt  }
0x7a: {  	_ =	shalt  }
0x7b: {  	_ =	shalt  }
0x7c: {  	_ =	shalt  }
0x7d: {  	_ =	shalt  }
0x7e: {  	_ =	shalt  }
0x7f: {  	_ =	shalt  }
0x80: {  	_ =	shalt  }
0x81: {  	_ =	shalt  }
0x82: {  	_ =	shalt  }
0x83: {  	_ =	shalt  }
0x84: {  	_ =	shalt  }
0x85: {  	_ =	shalt  }
0x86: {  	_ =	shalt  }
0x87: {  	_ =	shalt  }
.Lfunc_end0:
.L_simem_size_0:
called_computation.1_lowered:
.L_overlay_start_0:
0x88: {  	s2 =	sld [smem:$0x3FD9]  }
0x89: {  	s3 =	sld [smem:$0x3FFE];
	_ =	sdelay $0x1  }
0x8a: {  	s1 =	srdreg.scid  }
0x8b: {  	s0 =	sand.u32 $0x1, s1  }
0x8c: {  	s16 =	sshll.u32 s0, $0xA;
	s2 =	sadd.s32 s3, s2  }
0x8d: {  	s2 =	sadd.s32 s2, s16  }
0x8e: {  	[smem:$0x3FC2] =	sst s2  }
0x8f: {  	_ = 	snop  }
0x90: {  	(tm) =	ssettm $0x1  }
0x91: {  	s17 =	sld [smem:$0x3FFB];
	_ =	sdelay $0x3  }
0x92: {  	_ =	strace s17  }
0x93: {  	s2 =	sld [smem:$0x3FFC];
	_ =	sdelay $0x3  }
0x94: {  	_ =	strace s2  }
0x95: {  	s2 =	sld [smem:$0x3FFD];
	_ =	sdelay $0x3  }
0x96: {  	_ =	strace s2  }
0x97: {  	_ =	strace $0x8FFFFFFF  }
0x98: {  	s18 =	sld [smem:$0x3FDB];
	_ =	sdelay $0x1  }
0x99: {  	s19 =	simm.s32 $_scs_section_size  }
0x9a: {  	s4 =	simm.s32 $_size__tile_overlayer_lowered;
	s5 =	simm.s32 $_tile_overlayer_lowered  }
0x9b: {  	s22 =	simm.s32 $0x1BFF;
	s21 =	sshll.u32 s5, $0x1;
	s2 =	sadd.s32 s19, s18  }
0x9c: {  	s6 =	simm.s32 $0x0;
	s20 =	sshll.u32 s4, $0x1;
	s4 =	sadd.s32 s21, s2  }
0x9d: {  	[timem:s6], [sflag:s22] =	dma.local [hbm:s4], s20  }
0x9e: {  	_ =	swait.ge [sflag:s22], s20  }
0x9f: {  	s3 =	ssub.s32 $0x0, s20;
	[sflag:s22] =	ssyncset.done $0x0  }
0xa0: {  	[sflag:s22] =	ssyncadd.s32 s3;
	_ =	sdelay $0x1  }
0xa1: {  	s23 =	simm.s32 $0x1B8B  }
0xa2: {  	_ =	swait.ge [sflag:s23], $0x1  }
0xa3: {  	[sflag:s23] =	ssyncset.done $0x0  }
0xa4: {  	s25 =	simm.s32 $0x1B8E;
	s24 =	sld [smem:$0x3FFE];
	[sflag:s23] =	ssyncadd.s32 $0xFFFFFFFF  }
0xa5: {  	s26 =	simm.s32 $execute0_lowered;
	[smem:$0x3FD2] =	sst s25  }
0xa6: {  	s4 =	sshll.u32 s26, $0x1;
	_ =	strace $0x80000049;
	[dreg:$0x1] =	wrdreg $0xFFFFFFFF  }
0xa7: {  	s28 =	simm.s32 $_size_execute0_lowered;
	s2 =	sadd.s32 s2, s4;
	[dreg:$0x0] =	wrdreg $0x0  }
0xa8: {  	s4 =	sshll.u32 s28, $0x1;
	[dreg:$0x2] =	wrdreg s2  }
0xa9: {  	[dreg:$0x3] =	wrdreg s4  }
0xaa: {  	[dreg:$0x4] =	wrdreg $0xC0  }
0xab: {  	_ =	task [dreg:s6], $0x5FFFF  }
0xac: {  	[dreg:$0x1] =	wrdreg $0xFFFFFFFF  }
0xad: {  	[dreg:$0x0] =	wrdreg $0x60  }
0xae: {  	[dreg:$0x2] =	wrdreg s24  }
0xaf: {  	[dreg:$0x3] =	wrdreg $0xA7D00  }
0xb0: {  	[dreg:$0x4] =	wrdreg $0x1E0500  }
0xb1: {  	[dreg:$0x5] =	wrdreg $0x9  }
0xb2: {  	_ =	task.clear_ibuf [dreg:s6], $0x6FFFF;
	_ =	strace $0x90000049  }
0xb3: {  	s29 =	simm.s32 $0x9;
	_ =	strace $0x8000004B  }
0xb4: {  	_ =	swait.ge [sflag:s29], $0x1  }
0xb5: {  	[sflag:s29] =	ssyncadd.s32 $0xFFFFFFFF  }
0xb6: {  	_ =	strace $0x9000004B  }
0xb7: {  	_ =	sfence  }
0xb8: {  	s30 =	sld [smem:$0x0];
	_ =	sdelay $0x2  }
0xb9: {  	s31 =	sshll.u32 s1, $0xD;
	s1 =	sshrl.u32 s1, $0x2  }
0xba: {  	s3 =	sand.u32 $0x4000, s31;
	s1 =	sadd.s32 s1, s30  }
0xbb: {  	s0 =	sor.u32 s3, s0;
	s1 =	sshll.u32 s1, $0x11  }
0xbc: {  	s0 =	sor.u32 s1, s0  }
0xbd: {  	s0 =	sadd.s32 $0x8F2B, s0  }
0xbe: {  	[sflag:s0] =	ssyncadd.remote.s32 $0x1  }
0xbf: {  	_ =	sfence.sel $0xFFFF  }
0xc0: {  	[dreg:$0x0] =	wrdreg $0xFFFFFFFF;
	(pc) =	sbr.abs _section_cstart, $3  }
0xc1: {  	[dreg:$0x1] =	wrdreg $0xFFFFFFFF  }
0xc2: {  	_ =	task.clear_ibuf [dreg:s6], $0x2FFFF;
	_ =	strace $0x9FFFFFFF  }
0xc3: {  	(tm) =	ssettm $0x7FFFFFFF  }
tec
execute0_lowered:
.L_overlay_start_1:
0x0: {  	(tag) =	ssettag $0x1  }
0x1: {  	s0 =	rddreg [dreg:$0x0]  }
0x2: {  	s1 =	rddreg [dreg:$0x1];
	s16 =	stileid.u32  }
0x3: {  	s2 =	rddreg [dreg:$0x2];
	s8 =	smul.u32 $0x13880, s16  }
0x4: {  	s4 =	simm.s32 $0x0;
	s7 =	srdreg.scid;
	s10 =	smul.u32 $0x280, s16  }
0x5: {  	[smem:$0x7FF] =	sst s4;
	s3 =	sadd.s32 $0xCE00, s0;
	s12 =	smul.u32 $0x4E200, s16  }
0x6: {  	s5 =	sadd.s32 $0x34000, s0;
	s6 =	sadd.s32 $0x7E00, s0;
	s23 =	smul.u32 $0xA00, s16  }
0x7: {  	s11 =	sand.u32 $0x1, s7;
	s7 =	sadd.s32 $0x2E00, s0;
	s16 =	smul.u32 $0x2710, s16  }
0x8: {  	_ =	strace $0x8000004A;
	s20 =	ssub.s32 $0x2, s11;
	p0 =	seq.s32 s11, $0x0  }
0x9: {  	p1 =	sne.s32 s11, $0x0;
	s9 =	sshrl.u32 s8, $0x3;
	s14 =	sshrl.u32 s10, $0x3  }
0xa: {  	s15 =	sshrl.u32 s20, $0x1;
	s12 =	sshrl.u32 s12, $0x2;
	s8 =	sadd.s32 s8, s1  }
0xb: {  	s29 =	sshrl.u32 s23, $0x2;
	s5 =	smov.u32 @p0 s3;
	s21 =	sadd.s32 s12, s1  }
0xc: {  	s13 =	sadd.s32 s9, s0;
	s14 =	sadd.s32 s14, s0;
	s22 =	sadd.s32 $0x2800, s21  }
0xd: {  	s15 =	ssub.s32 s20, s15;
	s12 =	sadd.s32 $0x5000, s21;
	[dreg:$0x4] =	wrdreg s22  }
0xe: {  	s9 =	sshrl.u32 s16, $0x3;
	s24 =	sadd.s32 $0x7800, s21;
	[dreg:$0x5] =	wrdreg s12  }
0xf: {  	s25 =	sadd.s32 $0xA000, s21;
	s26 =	sadd.s32 $0xC800, s21;
	[dreg:$0x6] =	wrdreg s24  }
0x10: {  	s28 =	sadd.s32 $0xF000, s21;
	s0 =	sadd.s32 $0x11800, s21;
	[dreg:$0x7] =	wrdreg s25  }
0x11: {  	s30 =	sadd.s32 $0xA, s9;
	s17 =	sadd.s32 $0x1E, s9;
	[dreg:$0x8] =	wrdreg s26  }
0x12: {  	s21 =	sadd.s32 $0x28, s9;
	s3 =	sadd.s32 $0x5B200, s14;
	[dreg:$0x9] =	wrdreg s28  }
0x13: {  	s14 =	sadd.s32 s10, s2;
	[dreg:$0xa] =	wrdreg s0;
	s0 =	sadd.s32 s29, s2  }
0x14: {  	s10 =	sadd.s32 $0x82A00, s13;
	s31 =	sadd.s32 s6, s30;
	[dreg:$0xb] =	wrdreg s0  }
0x15: {  	s11 =	sadd.s32 $0x5B800, s13;
	s19 =	sadd.s32 s6, s17;
	[dreg:$0xc] =	wrdreg s31  }
0x16: {  	s12 =	sadd.s32 $0x14, s9;
	s20 =	sadd.s32 s7, s17;
	[dreg:$0x10] =	wrdreg s19  }
0x17: {  	s22 =	sadd.s32 $0x32, s9;
	s23 =	sadd.s32 s6, s21;
	[dreg:$0x11] =	wrdreg s20  }
0x18: {  	s26 =	sadd.s32 s6, s9;
	s28 =	sadd.s32 $0x3C, s9;
	[dreg:$0x12] =	wrdreg s23  }
0x19: {  	s29 =	sadd.s32 s7, s9;
	s14 =	sshrl.u32 @p1 s14, $0x3;
	[dreg:$0x16] =	wrdreg s26  }
0x1a: {  	s17 =	simm.s32 $0x50;
	s0 =	sadd.s32 s7, s30;
	[dreg:$0x17] =	wrdreg s29  }
0x1b: {  	s18 =	sadd.s32 s6, s12;
	s24 =	sadd.s32 s6, s22;
	[dreg:$0xd] =	wrdreg s0  }
0x1c: {  	s25 =	sadd.s32 s7, s22;
	s30 =	sadd.s32 $0x46, s9;
	[dreg:$0xe] =	wrdreg s18  }
0x1d: {  	s31 =	sadd.s32 s6, s28;
	s19 =	simm.s32 $0x1;
	[dreg:$0x14] =	wrdreg s24  }
0x1e: {  	s20 =	simm.s32 $0x2;
	s22 =	simm.s32 $0x0;
	[dreg:$0x15] =	wrdreg s25  }
0x1f: {  	s0 =	sadd.s32 s7, s12;
	[dreg:$0x18] =	wrdreg s31;
	s9 =	sadd.s32 s7, s30  }
0x20: {  	s12 =	smax.u32 s15, $0x1;
	s25 =	sadd.s32 $0x280, s16;
	s15 =	simm.s32 $0x500  }
0x21: {  	s16 =	simm.s32 $0xD;
	[dreg:$0xf] =	wrdreg s0;
	s0 =	sadd.s32 s7, s21  }
0x22: {  	s18 =	simm.s32 $0xA0;
	[dreg:$0x13] =	wrdreg s0;
	s0 =	sadd.s32 s7, s28  }
0x23: {  	v0 =	vimm.f32 $1.000000000e+00;
	v1 =	vimm.f32 $0.0e+00;
	s21 =	simm.s32 $0x3;
	[dreg:$0x19] =	wrdreg s0;
	s0 =	sadd.s32 s6, s30  }
.LBB2_1:
0x24: {  	[tilespmem:$0xA500] =	vst v0  }
0x25: {  	[tilespmem:$0xA510] =	vst v0  }
0x26: {  	[tilespmem:$0xA520] =	vst v0  }
0x27: {  	[tilespmem:$0xA530] =	vst v0  }
0x28: {  	[tilespmem:$0xA540] =	vst v0;
	s13 =	simm.s32 $0x0;
	s23 =	simm.s32 $0x200  }
.LBB2_2:
0x29: {  	p2 =	sne.s32 s23, $0x9E00;
	[tilespmem:s13+$0x570] =	vst v1  }
0x2a: {  	[tilespmem:s13+$0x500] =	vst v1  }
0x2b: {  	[tilespmem:s13+$0x510] =	vst v1  }
.Ltmp0:
0x2c: {  	[tilespmem:s13+$0x520] =	vst v1;
	(pc) =	sbr.rel @p2 .LBB2_2-.Ltmp0, $4  }
0x2d: {  	[tilespmem:s13+$0x530] =	vst v1  }
0x2e: {  	[tilespmem:s13+$0x540] =	vst v1  }
0x2f: {  	[tilespmem:s13+$0x550] =	vst v1  }
0x30: {  	[tilespmem:s13+$0x560] =	vst v1;
	s13 =	sshra.s32 s23, $0x2;
	s23 =	sadd.s32 $0x200, s23  }
0x31: {  	[tilespmem:s13+$0x570] =	vst v1  }
0x32: {  	[tilespmem:s13+$0x500] =	vst v1  }
0x33: {  	[tilespmem:s13+$0x510] =	vst v1  }
0x34: {  	[tilespmem:s13+$0x520] =	vst v1  }
0x35: {  	[tilespmem:s13+$0x530] =	vst v1  }
0x36: {  	[tilespmem:s13+$0x540] =	vst v1  }
0x37: {  	[tilespmem:s13+$0x550] =	vst v1  }
0x38: {  	[tilespmem:s13+$0x560] =	vst v1  }
0x39: {  	[tilespmem:$0xA550] =	vst v1  }
0x3a: {  	[tilespmem:$0xA560] =	vst v1  }
0x3b: {  	[tilespmem:$0xA570] =	vst v1  }
0x3c: {  	[tilespmem:$0xA580] =	vst v1  }
0x3d: {  	[tilespmem:$0xA590] =	vst v1  }
0x3e: {  	[tilespmem:$0xA5A0] =	vst v1  }
0x3f: {  	[tilespmem:$0xA5B0] =	vst v1  }
0x40: {  	[tilespmem:$0xA5C0] =	vst v1  }
0x41: {  	[tilespmem:$0xA5D0] =	vst v1  }
0x42: {  	[tilespmem:$0xA5E0] =	vst v1  }
0x43: {  	[tilespmem:$0xA5F0] =	vst v1  }
0x44: {  	[tilespmem:$0xA600] =	vst v1  }
0x45: {  	[tilespmem:$0xA610] =	vst v1  }
0x46: {  	[tilespmem:$0xA620] =	vst v1  }
0x47: {  	[tilespmem:$0xA630] =	vst v1  }
0x48: {  	[tilespmem:$0xA640] =	vst v1  }
0x49: {  	[tilespmem:$0xA650] =	vst v1  }
0x4a: {  	[tilespmem:$0xA660] =	vst v1  }
0x4b: {  	[tilespmem:$0xA670] =	vst v1  }
0x4c: {  	[tilespmem:$0xA680] =	vst v1  }
0x4d: {  	[tilespmem:$0xA690] =	vst v1  }
0x4e: {  	[tilespmem:$0xA6A0] =	vst v1  }
0x4f: {  	[tilespmem:$0xA6B0] =	vst v1  }
0x50: {  	[tilespmem:$0xA6C0] =	vst v1  }
0x51: {  	[tilespmem:$0xA6D0] =	vst v1  }
0x52: {  	[tilespmem:$0xA6E0] =	vst v1  }
0x53: {  	[tilespmem:$0xA6F0] =	vst v1  }
0x54: {  	[tilespmem:$0xA700] =	vst v1  }
0x55: {  	[tilespmem:$0xA710] =	vst v1  }
0x56: {  	[tilespmem:$0xA720] =	vst v1  }
0x57: {  	[tilespmem:$0xA730] =	vst v1  }
0x58: {  	[tilespmem:$0xA740] =	vst v1  }
0x59: {  	[tilespmem:$0xA750] =	vst v1  }
0x5a: {  	[tilespmem:$0xA760] =	vst v1  }
0x5b: {  	[tilespmem:$0xA770] =	vst v1  }
0x5c: {  	[tilespmem:$0xA780] =	vst v1  }
0x5d: {  	[tilespmem:$0xA790] =	vst v1  }
0x5e: {  	[tilespmem:$0xA7A0] =	vst v1  }
0x5f: {  	[tilespmem:$0xA7B0] =	vst v1  }
0x60: {  	[tilespmem:$0xA7C0] =	vst v1  }
0x61: {  	[spmem:s8] =	stream.linear.scatter [tilespmem:s15], [sflag:$0xD], $0x2800, $0x38;
	[tilespmem:$0x1E2D0] =	vst v63  }
0x62: {  	_ =	swait.ge [sflag:s16], $0x2800  }
0x63: {  	[sflag:s16] =	ssyncset.done $0x0  }
0x64: {  	s29 =	rddreg [dreg:$0x4];
	[sflag:s16] =	ssyncadd.s32 $0xFFFFD800  }
0x65: {  	[spmem:s29] =	stream.linear.scatter [tilespmem:s15], [sflag:$0xD], $0x2800, $0x38;
	[tilespmem:$0x1E2D0] =	vst v63  }
0x66: {  	_ =	swait.ge [sflag:s16], $0x2800  }
0x67: {  	[sflag:s16] =	ssyncset.done $0x0  }
0x68: {  	s30 =	rddreg [dreg:$0x5];
	[sflag:s16] =	ssyncadd.s32 $0xFFFFD800  }
0x69: {  	[spmem:s30] =	stream.linear.scatter [tilespmem:s15], [sflag:$0xD], $0x2800, $0x38;
	[tilespmem:$0x1E2D0] =	vst v63  }
0x6a: {  	_ =	swait.ge [sflag:s16], $0x2800  }
0x6b: {  	[sflag:s16] =	ssyncset.done $0x0  }
0x6c: {  	s31 =	rddreg [dreg:$0x6];
	[sflag:s16] =	ssyncadd.s32 $0xFFFFD800  }
0x6d: {  	[spmem:s31] =	stream.linear.scatter [tilespmem:s15], [sflag:$0xD], $0x2800, $0x38;
	[tilespmem:$0x1E2D0] =	vst v63  }
0x6e: {  	_ =	swait.ge [sflag:s16], $0x2800  }
0x6f: {  	[sflag:s16] =	ssyncset.done $0x0  }
0x70: {  	s23 =	rddreg [dreg:$0x7];
	[sflag:s16] =	ssyncadd.s32 $0xFFFFD800  }
0x71: {  	[spmem:s23] =	stream.linear.scatter [tilespmem:s15], [sflag:$0xD], $0x2800, $0x38;
	[tilespmem:$0x1E2D0] =	vst v63  }
0x72: {  	_ =	swait.ge [sflag:s16], $0x2800  }
0x73: {  	[sflag:s16] =	ssyncset.done $0x0  }
0x74: {  	s24 =	rddreg [dreg:$0x8];
	[sflag:s16] =	ssyncadd.s32 $0xFFFFD800  }
0x75: {  	[spmem:s24] =	stream.linear.scatter [tilespmem:s15], [sflag:$0xD], $0x2800, $0x38;
	[tilespmem:$0x1E2D0] =	vst v63  }
0x76: {  	_ =	swait.ge [sflag:s16], $0x2800  }
0x77: {  	[sflag:s16] =	ssyncset.done $0x0  }
0x78: {  	s26 =	rddreg [dreg:$0x9];
	[sflag:s16] =	ssyncadd.s32 $0xFFFFD800  }
0x79: {  	[spmem:s26] =	stream.linear.scatter [tilespmem:s15], [sflag:$0xD], $0x2800, $0x38;
	[tilespmem:$0x1E2D0] =	vst v63  }
0x7a: {  	_ =	swait.ge [sflag:s16], $0x2800  }
0x7b: {  	[sflag:s16] =	ssyncset.done $0x0  }
0x7c: {  	s28 =	rddreg [dreg:$0xa];
	[sflag:s16] =	ssyncadd.s32 $0xFFFFD800  }
0x7d: {  	[spmem:s28] =	stream.linear.scatter [tilespmem:s15], [sflag:$0xD], $0x2080, $0x38;
	[tilespmem:$0x1E2D0] =	vst v63  }
0x7e: {  	_ =	swait.ge [sflag:s16], $0x2080  }
0x7f: {  	[sflag:s16] =	ssyncset.done $0x0  }
0x80: {  	s13 =	simm.s32 @!p0 $0xA550;
	s23 =	rddreg [dreg:$0xb];
	[sflag:s16] =	ssyncadd.s32 $0xFFFFDF80  }
0x81: {  	[spmem:s23] =	stream.linear.scatter @!p0 [tilespmem:s13], [sflag:$0xD], $0x280, $0x38;
	[tilespmem:$0x1E2D0] =	vst v63  }
0x82: {  	s23 =	simm.s32 @!p0 $0xD  }
0x83: {  	_ =	swait.ge @!p0 [sflag:s23], $0x280  }
0x84: {  	[sflag:s23] =	ssyncset.done @!p0 $0x0  }
0x85: {  	[sflag:s23] =	ssyncadd.s32 @!p0 $0xFFFFFD80  }
0x86: {  	[bflag:$0x0] =	sbarrier.arrive $0xFFFF  }
0x87: {  	s24 =	simm.s32 $0x0;
	s29 =	rddreg [dreg:$0x16]  }
0x88: {  	[tilespmem:s24], [sflag:$0x1] =	stream.linear.gather [hbm4b:s29+s24], $0x50, $0x38;
	[tilespmem:$0x1E2D0] =	vst v63  }
0x89: {  	s26 =	simm.s32 $0x280;
	s30 =	rddreg [dreg:$0x17]  }
0x8a: {  	[tilespmem:s26], [sflag:$0x1] =	stream.linear.gather [hbm4b:s30+s24], $0x50, $0x38;
	[tilespmem:$0x1E2D0] =	vst v63  }
0x8b: {  	s31 =	rddreg [dreg:$0xc]  }
0x8c: {  	[tilespmem:s17], [sflag:$0x2] =	stream.linear.gather [hbm4b:s31+s24], $0x50, $0x38;
	[tilespmem:$0x1E2D0] =	vst v63  }
0x8d: {  	s28 =	simm.s32 $0x2D0;
	s26 =	rddreg [dreg:$0xd]  }
0x8e: {  	[tilespmem:s28], [sflag:$0x2] =	stream.linear.gather [hbm4b:s26+s24], $0x50, $0x38;
	[tilespmem:$0x1E2D0] =	vst v63  }
0x8f: {  	s29 =	rddreg [dreg:$0xe]  }
0x90: {  	[tilespmem:s18], [sflag:$0x3] =	stream.linear.gather [hbm4b:s29+s24], $0x50, $0x38;
	[tilespmem:$0x1E2D0] =	vst v63  }
0x91: {  	s30 =	rddreg [dreg:$0xf];
	s31 =	simm.s32 $0x320  }
0x92: {  	[tilespmem:s31], [sflag:$0x3] =	stream.linear.gather [hbm4b:s30+s24], $0x50, $0x38;
	[tilespmem:$0x1E2D0] =	vst v63  }
0x93: {  	s28 =	rddreg [dreg:$0x10];
	s29 =	simm.s32 $0xF0  }
0x94: {  	[tilespmem:s29], [sflag:$0x4] =	stream.linear.gather [hbm4b:s28+s24], $0x50, $0x38;
	[tilespmem:$0x1E2D0] =	vst v63  }
0x95: {  	s30 =	rddreg [dreg:$0x11];
	s31 =	simm.s32 $0x370  }
0x96: {  	[tilespmem:s31], [sflag:$0x4] =	stream.linear.gather [hbm4b:s30+s24], $0x50, $0x38;
	[tilespmem:$0x1E2D0] =	vst v63  }
0x97: {  	s28 =	rddreg [dreg:$0x12];
	s29 =	simm.s32 $0x140  }
0x98: {  	[tilespmem:s29], [sflag:$0x5] =	stream.linear.gather [hbm4b:s28+s24], $0x50, $0x38;
	[tilespmem:$0x1E2D0] =	vst v63  }
0x99: {  	s30 =	rddreg [dreg:$0x13];
	s31 =	simm.s32 $0x3C0  }
0x9a: {  	[tilespmem:s31], [sflag:$0x5] =	stream.linear.gather [hbm4b:s30+s24], $0x50, $0x38;
	[tilespmem:$0x1E2D0] =	vst v63  }
0x9b: {  	s28 =	rddreg [dreg:$0x14];
	s29 =	simm.s32 $0x190  }
0x9c: {  	[tilespmem:s29], [sflag:$0x6] =	stream.linear.gather [hbm4b:s28+s24], $0x50, $0x38;
	[tilespmem:$0x1E2D0] =	vst v63  }
0x9d: {  	s30 =	rddreg [dreg:$0x15];
	s31 =	simm.s32 $0x410  }
0x9e: {  	[tilespmem:s31], [sflag:$0x6] =	stream.linear.gather [hbm4b:s30+s24], $0x50, $0x38;
	[tilespmem:$0x1E2D0] =	vst v63  }
0x9f: {  	s28 =	rddreg [dreg:$0x18];
	s29 =	simm.s32 $0x1E0  }
0xa0: {  	[tilespmem:s29], [sflag:$0x7] =	stream.linear.gather [hbm4b:s28+s24], $0x50, $0x38;
	[tilespmem:$0x1E2D0] =	vst v63  }
0xa1: {  	s30 =	rddreg [dreg:$0x19];
	s31 =	simm.s32 $0x460  }
0xa2: {  	[tilespmem:s31], [sflag:$0x7] =	stream.linear.gather [hbm4b:s30+s24], $0x50, $0x38;
	[tilespmem:$0x1E2D0] =	vst v63  }
0xa3: {  	s28 =	simm.s32 $0x230  }
0xa4: {  	[tilespmem:s28], [sflag:$0x8] =	stream.linear.gather [hbm4b:s0+s24], $0x50, $0x38;
	[tilespmem:$0x1E2D0] =	vst v63  }
0xa5: {  	s29 =	simm.s32 $0x4B0  }
0xa6: {  	[tilespmem:s29], [sflag:$0x8] =	stream.linear.gather [hbm4b:s9+s24], $0x50, $0x38;
	[tilespmem:$0x1E2D0] =	vst v63  }
0xa7: {  	_ =	swait.ge [sflag:s19], $0x50  }
0xa8: {  	[sflag:s19] =	ssyncset.done $0x0  }
0xa9: {  	[sflag:s19] =	ssyncadd.s32 $0xFFFFFFB0  }
0xaa: {  	_ =	swait.ge [sflag:s19], $0x50  }
0xab: {  	[sflag:s19] =	ssyncset.done $0x0  }
0xac: {  	[sflag:s19] =	ssyncadd.s32 $0xFFFFFFB0  }
0xad: {  	[tilespmem:s15], [sflag:$0x9] =	stream.indirect.gather [hbm4b:s5+s17], $0x80, s24, s17, $0xb8;
	[tilespmem:$0x1E2D0] =	vst v63  }
0xae: {  	_ =	swait.ge [sflag:s20], $0x50  }
0xaf: {  	[sflag:s20] =	ssyncset.done $0x0  }
0xb0: {  	[sflag:s20] =	ssyncadd.s32 $0xFFFFFFB0  }
0xb1: {  	_ =	swait.ge [sflag:s20], $0x50  }
0xb2: {  	[sflag:s20] =	ssyncset.done $0x0  }
0xb3: {  	s30 =	simm.s32 $0x2D00;
	[sflag:s20] =	ssyncadd.s32 $0xFFFFFFB0  }
0xb4: {  	[tilespmem:s30], [sflag:$0xA] =	stream.indirect.gather [hbm4b:s5+s17], $0x80, s17, s17, $0xb8;
	[tilespmem:$0x1E2D0] =	vst v63  }
0xb5: {  	_ =	swait.ge [sflag:s21], $0x50  }
0xb6: {  	[sflag:s21] =	ssyncset.done $0x0  }
.Ltmp1:
0xb7: {  	[sflag:s21] =	ssyncadd.s32 $0xFFFFFFB0;
	(pc) =	sbr.rel .LBB2_4-.Ltmp1, $4  }
0xb8: {  	_ =	swait.ge [sflag:s21], $0x50  }
0xb9: {  	[sflag:s21] =	ssyncset.done $0x0  }
0xba: {  	s13 =	smov.u32 s25;
	s31 =	simm.s32 $0x5500;
	[sflag:s21] =	ssyncadd.s32 $0xFFFFFFB0  }
0xbb: {  	[tilespmem:s31], [sflag:$0xB] =	stream.indirect.gather [hbm4b:s5+s17], $0x80, s18, s17, $0xb8;
	[tilespmem:$0x1E2D0] =	vst v63  }
.LBB2_5:
0xbc: {  	s30 =	sshrl.u32 s13, $0x3  }
0xbd: {  	s26 =	sadd.s32 $0x1, s26;
	s31 =	sadd.s32 s6, s30  }
0xbe: {  	[tilespmem:s28], [sflag:s26] =	stream.linear.gather [hbm4b:s31+s4], $0x50, $0x38;
	[tilespmem:$0x1E2D0] =	vst v63  }
0xbf: {  	s31 =	sadd.s32 s7, s30  }
0xc0: {  	[tilespmem:s29], [sflag:s26] =	stream.linear.gather [hbm4b:s31+s4], $0x50, $0x38;
	[tilespmem:$0x1E2D0] =	vst v63  }
.LBB2_7:
0xc1: {  	s26 =	sadd.s32 $0x3, s24  }
0xc2: {  	s28 =	sand.u32 $0x7, s26  }
0xc3: {  	s29 =	sadd.s32 $0x1, s28  }
0xc4: {  	_ =	swait.ge [sflag:s29], $0x50  }
0xc5: {  	s26 =	sand.u32 $0x3, s26;
	[sflag:s29] =	ssyncset.done $0x0  }
0xc6: {  	s30 =	smul.u32 $0xA000, s26;
	[sflag:s29] =	ssyncadd.s32 $0xFFFFFFB0  }
0xc7: {  	s28 =	smul.u32 $0x140, s28;
	_ =	swait.ge [sflag:s29], $0x50  }
0xc8: {  	s26 =	sadd.s32 $0x9, s26;
	s31 =	sshrl.u32 s30, $0x2;
	[sflag:s29] =	ssyncset.done $0x0  }
0xc9: {  	s28 =	sshrl.u32 s28, $0x2;
	[sflag:s29] =	ssyncadd.s32 $0xFFFFFFB0;
	s29 =	sor.u32 $0x500, s31  }
0xca: {  	[tilespmem:s29], [sflag:s26] =	stream.indirect.gather [hbm4b:s5+s17], $0x80, s28, s17, $0xb8;
	[tilespmem:$0x1E2D0] =	vst v63  }
.LBB2_8:
0xcb: {  	s24 =	sadd.s32 $0x1, s24;
	s13 =	sadd.s32 $0x50, s13  }
.LBB2_4:
0xcc: {  	s28 =	sand.u32 $0x3, s24  }
0xcd: {  	s26 =	sand.u32 $0x7, s24;
	s29 =	smul.u32 $0xA000, s28;
	s30 =	sadd.s32 $0x9, s28  }
0xce: {  	s28 =	smul.u32 $0x50, s26;
	_ =	swait.ge [sflag:s30], $0x2800  }
0xcf: {  	s29 =	sshrl.u32 s29, $0x2;
	[sflag:s30] =	ssyncset.done $0x0  }
0xd0: {  	s31 =	sor.u32 $0x500, s29;
	[sflag:s30] =	ssyncadd.s32 $0xFFFFD800;
	s29 =	sadd.s32 $0x280, s28  }
0xd1: {  	[spmem:s1] =	stream.indirect.scatter.add.f32 [tilespmem:s31], [sflag:$0xD], $0x80, s29, s17, $0xb8;
	[tilespmem:$0x1E2D0] =	vst v63  }
0xd2: {  	_ =	swait.ge [sflag:s16], $0x2800  }
0xd3: {  	p2 =	sgt.u32 s24, $0x74;
	s30 =	simm.s32 @!p0 $0x50;
	[sflag:s16] =	ssyncset.done $0x0  }
.Ltmp2:
0xd4: {  	s31 =	simm.s32 @!p0 $0xA500;
	[sflag:s16] =	ssyncadd.s32 $0xFFFFD800;
	(pc) =	sbr.rel @!p2 .LBB2_5-.Ltmp2, $4  }
0xd5: {  	[spmem:s2] =	stream.indirect.scatter.add.f32 @!p0 [tilespmem:s31], [sflag:$0xD], $0x1, s29, s30, $0xb8;
	[tilespmem:$0x1E2D0] =	vst v63  }
0xd6: {  	_ =	swait.ge @!p0 [sflag:s23], $0x50  }
0xd7: {  	[sflag:s23] =	ssyncset.done @!p0 $0x0  }
0xd8: {  	[sflag:s23] =	ssyncadd.s32 @!p0 $0xFFFFFFB0  }
0xd9: {  	p2 =	sgt.u32 s24, $0x79  }
.Ltmp3:
0xda: {  	_ = 	snop;
	(pc) =	sbr.rel @!p2 .LBB2_7-.Ltmp3, $1  }
0xdb: {  	_ =	sdelay $0x3  }
0xdc: {  	p2 =	sne.s32 s24, $0x7C  }
.Ltmp4:
0xdd: {  	_ = 	snop;
	(pc) =	sbr.rel @p2 .LBB2_8-.Ltmp4, $1  }
0xde: {  	_ =	sdelay $0x3  }
0xdf: {  	s26 =	stileid.u32  }
0xe0: {  	s13 =	sshll.u32 @p1 s26, $0x6  }
0xe1: {  	[bflag:$0x0] =	sbarrier.arrive $0xFFFF;
	s23 =	sshrl.u32 @p1 s8, $0x3;
	s13 =	sor.u32 @p1 $0x1C0D, s13  }
0xe2: {  	[hbm:s10], [sflag:s13] =	dma.local @p1 [spmem:s23], $0x2710  }
0xe3: {  	s23 =	simm.s32 @p1 $0xD  }
0xe4: {  	_ =	swait.ge @p1 [sflag:s23], $0x2710  }
0xe5: {  	[sflag:s23] =	ssyncset.done @p1 $0x0  }
0xe6: {  	[sflag:s23] =	ssyncadd.s32 @p1 $0xFFFFD8F0  }
0xe7: {  	[hbm:s3], [sflag:s13] =	dma.local @p1 [spmem:s14], $0x50  }
0xe8: {  	s22 =	sadd.s32 $0x1, s22;
	_ =	swait.ge @p1 [sflag:s23], $0x50  }
0xe9: {  	p2 =	sne.s32 s22, s12;
	s13 =	sshll.u32 @!p1 s26, $0x6;
	[sflag:s23] =	ssyncset.done @p1 $0x0  }
0xea: {  	s13 =	sor.u32 @!p1 $0x1C0D, s13;
	[sflag:s23] =	ssyncadd.s32 @p1 $0xFFFFFFB0;
	s23 =	sshrl.u32 @!p1 s8, $0x3  }
0xeb: {  	[hbm:s11], [sflag:s13] =	dma.local @!p1 [spmem:s23], $0x2710  }
.Ltmp5:
0xec: {  	_ = 	snop;
	(pc) =	sbr.rel @p2 .LBB2_1-.Ltmp5, $4  }
0xed: {  	s13 =	simm.s32 @!p1 $0xD  }
0xee: {  	_ =	swait.ge @!p1 [sflag:s13], $0x2710  }
0xef: {  	[sflag:s13] =	ssyncset.done @!p1 $0x0  }
0xf0: {  	s24 =	stileid.u32;
	[sflag:s13] =	ssyncadd.s32 @!p1 $0xFFFFD8F0  }
0xf1: {  	_ =	sfence.sel $0x180000  }
0xf2: {  	[bflag:$0x0] =	sbarrier.arrive $0xFFFF  }
0xf3: {  	_ =	strace $0x9000004A  }
0xf4: {  	[bflag:$0x2] =	sbarrier.arrive $0xFFFF  }
0xf5: {  	p0 =	sne.s32 s24, $0x0;
	s0 =	rddreg [dreg:$0x3]  }
0xf6: {  	s0 =	sadd.s32 @!p0 $0x100000, s0  }
0xf7: {  	[sflag:s0] =	ssyncadd.tile.s32 @!p0 $0x1;
	_ =	shalt  }
.Lfunc_end2:
_tile_overlayer_lowered:
.L_overlay_start_2:
0xf8: {  	(tag) =	ssettag $0x2  }
0xf9: {  	s0 =	rddreg [dreg:$0x0];
	s2 =	stileid.u32  }
0xfa: {  	s1 =	rddreg [dreg:$0x1];
	p0 =	sne.s32 s2, $0x0  }
0xfb: {  	s3 =	rddreg [dreg:$0x2];
	[bflag:$0x3] =	sbarrier.arrive $0xFFFF;
	s2 =	simm.s32 @!p0 $0x1C0D  }
0xfc: {  	[timem:s3], [sflag:s2] =	dma.local @!p0 [hbm:s0], s1  }
0xfd: {  	s0 =	simm.s32 @!p0 $0xD  }
0xfe: {  	_ =	swait.ge @!p0 [sflag:s0], s1  }
0xff: {  	s1 =	ssub.s32 @!p0 $0x0, s1;
	[sflag:s0] =	ssyncset.done @!p0 $0x0  }
0x100: {  	[sflag:s0] =	ssyncadd.s32 @!p0 s1  }
0x101: {  	[bflag:$0x3] =	sbarrier.arrive $0xFFFF  }
0x102: {  	_ =	shalt  }

// kernel: kernel.7.cloned.1.call-start
scs
__scs_entry_jumppad:
0x0: {  	(pc) =	sbr.rel $0x88, $3  }
0x1: {  	(tag) =	ssettag $0x0;
	lr =	simm.s32 $0x1  }
0x2: {  	[smem:$0x3F9B] =	sst lr;
	_ =	strace $0xD0000000  }
0x3: {  	_ = 	snop  }
0x4: {  	_ = 	snop  }
0x5: {  	_ = 	snop  }
0x6: {  	_ = 	snop  }
0x7: {  	_ = 	snop  }
__scs_overlays_trampoline_lowered:
0x8: {  	[smem:$0x3FAA] =	sst s0  }
0x9: {  	[smem:$0x3FAB] =	sst s1  }
0xa: {  	[smem:$0x3FAC] =	sst s2  }
0xb: {  	[smem:$0x3FAD] =	sst s3  }
0xc: {  	[smem:$0x3FAE] =	sst s4  }
0xd: {  	[smem:$0x3FAF] =	sst s5  }
0xe: {  	[smem:$0x3FB0] =	sst s6  }
0xf: {  	[smem:$0x3FB1] =	sst s7  }
0x10: {  	[smem:$0x3FB2] =	sst s8  }
0x11: {  	[smem:$0x3FB3] =	sst s9;
	s0 =	simm.s32 @!p0 $0x0  }
0x12: {  	s1 =	sld [smem:$0x3F99];
	s0 =	simm.s32 @p0 $0x1  }
0x13: {  	[smem:$0x3FB4] =	sst s0;
	s0 =	simm.s32 @!p1 $0x0  }
0x14: {  	s2 =	sld [smem:$0x3F98];
	s0 =	simm.s32 @p1 $0x1  }
0x15: {  	[smem:$0x3FB5] =	sst s0;
	s0 =	simm.s32 @!p2 $0x0  }
0x16: {  	s3 =	sld [smem:$0x3FDB];
	s0 =	simm.s32 @p2 $0x1  }
0x17: {  	s4 =	simm.s32 $0x1BF5;
	[smem:$0x3FB7] =	sst s0  }
0x18: {  	s0 =	sld [smem:$0x3F9A];
	_ =	swait.ge [sflag:s4], $0x0  }
0x19: {  	s7 =	sld [smem:$0x3F9B]  }
0x1a: {  	s8 =	sadd.s32 $0xFFFFE003, lr  }
0x1b: {  	s9 =	sadd.s32 $0xFFFFFEF7, lr;
	s5 =	simm.s32 $0xFFFFFFFF;
	p2 =	slt.u32 s8, $0xFFFFF086  }
0x1c: {  	p1 =	slt.u32 s9, $0xF7A;
	s5 =	simm.s32 @!p2 $0x0  }
0x1d: {  	s5 =	simm.s32 @p1 $0x1;
	p0 =	seq.s32 s7, s2  }
0x1e: {  	s7 =	smul.u32 @!p0 $0xF7A, s2;
	p2 =	seq.s32 @!p0 s5, $0x0  }
0x1f: {  	s9 =	smul.u32 $0xF7A, s1;
	s8 =	simm.s32 @!p0 $0x1BF5;
	p2 =	por !p2, p0  }
0x20: {  	[sflag:s8] =	ssyncset.s32 @!p0 $0xFFFFF086;
	s6 =	sadd.s32 @!p0 s3, s7;
	s7 =	simm.s32 @!p0 $0x108  }
0x21: {  	s3 =	sadd.s32 s3, s9;
	s6 =	sadd.s32 @!p0 $0x88, s6;
	s7 =	simm.s32 @p2 $0x1082  }
0x22: {  	[simem:s7], [sflag:s8] =	dma.local @!p0 [hbm:s6], $0xF7A  }
0x23: {  	s9 =	sor.u32 $0xD0000000, s2;
	s6 =	simm.s32 $0x108;
	_ =	swait.ge @!p0 [sflag:s8], $0x0  }
0x24: {  	s3 =	sadd.s32 $0x88, s3;
	s6 =	simm.s32 @!p1 $0x1082;
	[sflag:s4] =	ssyncset.s32 $0xFFFFF086  }
0x25: {  	[simem:s6], [sflag:s4] =	dma.local [hbm:s3], $0xF7A  }
0x26: {  	[smem:$0x3F9B] =	sst s1;
	(tag) =	ssettag s2;
	_ =	strace s9  }
0x27: {  	s1 =	sld [smem:$0x3FAB]  }
0x28: {  	s2 =	sld [smem:$0x3FAC]  }
0x29: {  	s4 =	sld [smem:$0x3FAE]  }
0x2a: {  	p0 =	seq.s32 s5, $0x0;
	s5 =	sld [smem:$0x3FAF]  }
0x2b: {  	s6 =	sld [smem:$0x3FB0]  }
0x2c: {  	s7 =	sld [smem:$0x3FB1]  }
0x2d: {  	s3 =	simm.s32 $0x108;
	s8 =	sld [smem:$0x3FB2]  }
0x2e: {  	s3 =	simm.s32 @!p0 $0x1082;
	s9 =	sld [smem:$0x3FB3]  }
0x2f: {  	lr =	sadd.s32 s0, s3;
	s0 =	sld [smem:$0x3FAA]  }
0x30: {  	s3 =	sld [smem:$0x3FAD]  }
0x31: {  	[smem:$0x3FB6] =	sst s10  }
0x32: {  	s10 =	sld [smem:$0x3FB4];
	_ =	sdelay $0x3  }
0x33: {  	p0 =	seq.s32 s10, $0x1;
	s10 =	sld [smem:$0x3FB6];
	_ =	sdelay $0x3  }
0x34: {  	[smem:$0x3FB6] =	sst s10  }
0x35: {  	s10 =	sld [smem:$0x3FB5];
	_ =	sdelay $0x3  }
0x36: {  	p1 =	seq.s32 s10, $0x1;
	s10 =	sld [smem:$0x3FB6];
	_ =	sdelay $0x3  }
0x37: {  	[smem:$0x3FB6] =	sst s10  }
0x38: {  	s10 =	sld [smem:$0x3FB7]  }
0x39: {  	_ = 	snop;
	(pc) =	sbr.ind lr, $3  }
0x3a: {  	_ = 	snop  }
0x3b: {  	_ = 	snop  }
0x3c: {  	p2 =	seq.s32 s10, $0x1;
	s10 =	sld [smem:$0x3FB6]  }
0x3d: {  	_ =	shalt  }
0x3e: {  	_ =	shalt  }
0x3f: {  	_ =	shalt  }
0x40: {  	_ =	shalt  }
0x41: {  	_ =	shalt  }
0x42: {  	_ =	shalt  }
0x43: {  	_ =	shalt  }
0x44: {  	_ =	shalt  }
0x45: {  	_ =	shalt  }
0x46: {  	_ =	shalt  }
0x47: {  	_ =	shalt  }
0x48: {  	_ =	shalt  }
0x49: {  	_ =	shalt  }
0x4a: {  	_ =	shalt  }
0x4b: {  	_ =	shalt  }
0x4c: {  	_ =	shalt  }
0x4d: {  	_ =	shalt  }
0x4e: {  	_ =	shalt  }
0x4f: {  	_ =	shalt  }
0x50: {  	_ =	shalt  }
0x51: {  	_ =	shalt  }
0x52: {  	_ =	shalt  }
0x53: {  	_ =	shalt  }
0x54: {  	_ =	shalt  }
0x55: {  	_ =	shalt  }
0x56: {  	_ =	shalt  }
0x57: {  	_ =	shalt  }
0x58: {  	_ =	shalt  }
0x59: {  	_ =	shalt  }
0x5a: {  	_ =	shalt  }
0x5b: {  	_ =	shalt  }
0x5c: {  	_ =	shalt  }
0x5d: {  	_ =	shalt  }
0x5e: {  	_ =	shalt  }
0x5f: {  	_ =	shalt  }
0x60: {  	_ =	shalt  }
0x61: {  	_ =	shalt  }
0x62: {  	_ =	shalt  }
0x63: {  	_ =	shalt  }
0x64: {  	_ =	shalt  }
0x65: {  	_ =	shalt  }
0x66: {  	_ =	shalt  }
0x67: {  	_ =	shalt  }
0x68: {  	_ =	shalt  }
0x69: {  	_ =	shalt  }
0x6a: {  	_ =	shalt  }
0x6b: {  	_ =	shalt  }
0x6c: {  	_ =	shalt  }
0x6d: {  	_ =	shalt  }
0x6e: {  	_ =	shalt  }
0x6f: {  	_ =	shalt  }
0x70: {  	_ =	shalt  }
0x71: {  	_ =	shalt  }
0x72: {  	_ =	shalt  }
0x73: {  	_ =	shalt  }
0x74: {  	_ =	shalt  }
0x75: {  	_ =	shalt  }
0x76: {  	_ =	shalt  }
0x77: {  	_ =	shalt  }
0x78: {  	_ =	shalt  }
0x79: {  	_ =	shalt  }
0x7a: {  	_ =	shalt  }
0x7b: {  	_ =	shalt  }
0x7c: {  	_ =	shalt  }
0x7d: {  	_ =	shalt  }
0x7e: {  	_ =	shalt  }
0x7f: {  	_ =	shalt  }
0x80: {  	_ =	shalt  }
0x81: {  	_ =	shalt  }
0x82: {  	_ =	shalt  }
0x83: {  	_ =	shalt  }
0x84: {  	_ =	shalt  }
0x85: {  	_ =	shalt  }
0x86: {  	_ =	shalt  }
0x87: {  	_ =	shalt  }
.Lfunc_end0:
.L_simem_size_0:
called_computation_lowered:
.L_overlay_start_0:
0x88: {  	s2 =	sld [smem:$0x3FD9]  }
0x89: {  	s3 =	sld [smem:$0x3FFE];
	_ =	sdelay $0x1  }
0x8a: {  	s1 =	srdreg.scid  }
0x8b: {  	s0 =	sand.u32 $0x1, s1  }
0x8c: {  	s17 =	sshll.u32 s0, $0xA;
	s2 =	sadd.s32 s3, s2  }
0x8d: {  	s2 =	sadd.s32 s2, s17  }
0x8e: {  	[smem:$0x3FC2] =	sst s2  }
0x8f: {  	_ = 	snop  }
0x90: {  	s2 =	sld [smem:$0x3FD0];
	(tm) =	ssettm $0x1  }
0x91: {  	s18 =	sld [smem:$0x3FFB];
	_ =	sdelay $0x3  }
0x92: {  	_ =	strace s18  }
0x93: {  	s3 =	sld [smem:$0x3FFC];
	_ =	sdelay $0x3  }
0x94: {  	_ =	strace s3  }
0x95: {  	s3 =	sld [smem:$0x3FFD];
	_ =	sdelay $0x3  }
0x96: {  	_ =	strace s3  }
0x97: {  	_ =	strace $0x8FFFFFFF  }
0x98: {  	s19 =	sld [smem:$0x3FDB];
	_ =	sdelay $0x1  }
0x99: {  	s4 =	simm.s32 $_scs_section_size  }
0x9a: {  	s5 =	simm.s32 $_size__tile_overlayer_lowered;
	s6 =	simm.s32 $_tile_overlayer_lowered  }
0x9b: {  	s22 =	simm.s32 $0x1BFF;
	s21 =	sshll.u32 s6, $0x1;
	s3 =	sadd.s32 s4, s19  }
0x9c: {  	s7 =	simm.s32 $0x0;
	s20 =	sshll.u32 s5, $0x1;
	s5 =	sadd.s32 s21, s3  }
0x9d: {  	[timem:s7], [sflag:s22] =	dma.local [hbm:s5], s20  }
0x9e: {  	_ =	swait.ge [sflag:s22], s20  }
0x9f: {  	s4 =	ssub.s32 $0x0, s20;
	[sflag:s22] =	ssyncset.done $0x0  }
0xa0: {  	[sflag:s22] =	ssyncadd.s32 s4;
	_ =	sdelay $0x1  }
0xa1: {  	s23 =	simm.s32 $0x1B8B  }
0xa2: {  	_ =	swait.ge [sflag:s23], $0x1  }
0xa3: {  	[sflag:s23] =	ssyncset.done $0x0  }
0xa4: {  	s25 =	simm.s32 $0x1B8E;
	s24 =	sld [smem:$0x3FFE];
	[sflag:s23] =	ssyncadd.s32 $0xFFFFFFFF  }
0xa5: {  	s26 =	simm.s32 $execute0_lowered;
	[smem:$0x3FD2] =	sst s25  }
0xa6: {  	s5 =	sshll.u32 s26, $0x1;
	_ =	strace $0x80000046;
	[dreg:$0x1] =	wrdreg $0xFFFFFFFF  }
0xa7: {  	s28 =	simm.s32 $_size_execute0_lowered;
	s3 =	sadd.s32 s3, s5;
	[dreg:$0x0] =	wrdreg $0x0  }
0xa8: {  	s5 =	sshll.u32 s28, $0x1;
	[dreg:$0x2] =	wrdreg s3  }
0xa9: {  	[dreg:$0x3] =	wrdreg s5  }
0xaa: {  	[dreg:$0x4] =	wrdreg $0xC0  }
0xab: {  	_ =	task [dreg:s7], $0x5FFFF  }
0xac: {  	[dreg:$0x1] =	wrdreg $0xFFFFFFFF  }
0xad: {  	[dreg:$0x0] =	wrdreg $0x60  }
0xae: {  	[dreg:$0x2] =	wrdreg s2  }
0xaf: {  	[dreg:$0x3] =	wrdreg s24  }
0xb0: {  	[dreg:$0x4] =	wrdreg $0xA7D00  }
0xb1: {  	[dreg:$0x5] =	wrdreg $0x1E0500  }
0xb2: {  	[dreg:$0x6] =	wrdreg $0x9  }
0xb3: {  	_ =	task.clear_ibuf [dreg:s7], $0x7FFFF;
	_ =	strace $0x90000046  }
0xb4: {  	s29 =	simm.s32 $0x9;
	_ =	strace $0x80000048  }
0xb5: {  	_ =	swait.ge [sflag:s29], $0x1  }
0xb6: {  	[sflag:s29] =	ssyncadd.s32 $0xFFFFFFFF  }
0xb7: {  	_ =	strace $0x90000048  }
0xb8: {  	_ =	sfence  }
0xb9: {  	s30 =	sld [smem:$0x0];
	_ =	sdelay $0x2  }
0xba: {  	s31 =	sshll.u32 s1, $0xD;
	s1 =	sshrl.u32 s1, $0x2  }
0xbb: {  	s3 =	sand.u32 $0x4000, s31;
	s1 =	sadd.s32 s1, s30  }
0xbc: {  	s0 =	sor.u32 s3, s0;
	s1 =	sshll.u32 s1, $0x11  }
0xbd: {  	s0 =	sor.u32 s1, s0  }
0xbe: {  	s0 =	sadd.s32 $0x8F2B, s0  }
0xbf: {  	[sflag:s0] =	ssyncadd.remote.s32 $0x1  }
0xc0: {  	_ =	sfence.sel $0xFFFF  }
0xc1: {  	[dreg:$0x0] =	wrdreg $0xFFFFFFFF;
	(pc) =	sbr.abs _section_cstart, $3  }
0xc2: {  	[dreg:$0x1] =	wrdreg $0xFFFFFFFF  }
0xc3: {  	_ =	task.clear_ibuf [dreg:s7], $0x2FFFF;
	_ =	strace $0x9FFFFFFF  }
0xc4: {  	(tm) =	ssettm $0x7FFFFFFF  }
0xc5: {  	_ =	shalt  }
tec
execute0_lowered:
.L_overlay_start_1:
0x0: {  	(tag) =	ssettag $0x1  }
0x1: {  	s0 =	rddreg [dreg:$0x0]  }
0x2: {  	s2 =	rddreg [dreg:$0x1]  }
0x3: {  	s1 =	rddreg [dreg:$0x2]  }
0x4: {  	s3 =	rddreg [dreg:$0x3];
	s16 =	stileid.u32  }
0x5: {  	s4 =	simm.s32 $0x0;
	s7 =	srdreg.scid;
	s8 =	smul.u32 $0x13880, s16  }
0x6: {  	[smem:$0x7FF] =	sst s4;
	s5 =	sadd.s32 $0xCE00, s2;
	s10 =	smul.u32 $0x280, s16  }
0x7: {  	s6 =	sadd.s32 $0x7E00, s2;
	s11 =	sand.u32 $0x1, s7;
	s12 =	smul.u32 $0x4E200, s16  }
0x8: {  	s7 =	sadd.s32 $0x2E00, s2;
	s22 =	smul.u32 $0xA00, s16;
	_ =	strace $0x80000047  }
0x9: {  	s20 =	ssub.s32 $0x2, s11;
	p0 =	seq.s32 s11, $0x0;
	p1 =	sne.s32 s11, $0x0  }
0xa: {  	s9 =	sshrl.u32 s8, $0x3;
	s14 =	sshrl.u32 s10, $0x3;
	s12 =	sshrl.u32 s12, $0x2  }
0xb: {  	s15 =	sshrl.u32 s20, $0x1;
	s8 =	sadd.s32 s8, s1;
	s21 =	sadd.s32 s12, s1  }
0xc: {  	s29 =	sshrl.u32 s22, $0x2;
	s5 =	smov.u32 @p0 s0;
	s12 =	sadd.s32 $0x2800, s21  }
0xd: {  	s13 =	sadd.s32 s9, s2;
	s23 =	sadd.s32 $0x5000, s21;
	[dreg:$0x5] =	wrdreg s12  }
0xe: {  	s2 =	sadd.s32 s14, s2;
	s24 =	sadd.s32 $0x7800, s21;
	[dreg:$0x6] =	wrdreg s23  }
0xf: {  	s14 =	ssub.s32 s20, s15;
	s25 =	sadd.s32 $0xA000, s21;
	[dreg:$0x7] =	wrdreg s24  }
0x10: {  	s15 =	smul.u32 $0x2710, s16;
	s26 =	sadd.s32 $0xC800, s21;
	[dreg:$0x8] =	wrdreg s25  }
0x11: {  	s28 =	sadd.s32 $0xF000, s21;
	s9 =	sadd.s32 $0x11800, s21;
	[dreg:$0x9] =	wrdreg s26  }
0x12: {  	s2 =	sadd.s32 $0x34000, s2;
	s11 =	sadd.s32 $0x34600, s13;
	[dreg:$0xa] =	wrdreg s28  }
0x13: {  	[dreg:$0xb] =	wrdreg s9;
	s12 =	sshrl.u32 s15, $0x3;
	s9 =	sadd.s32 s29, s3  }
0x14: {  	[dreg:$0xc] =	wrdreg s9;
	s30 =	sadd.s32 $0xA, s12;
	s26 =	sadd.s32 s6, s12  }
0x15: {  	s16 =	sadd.s32 $0x14, s12;
	s29 =	sadd.s32 s7, s12;
	[dreg:$0x17] =	wrdreg s26  }
0x16: {  	s17 =	sadd.s32 $0x1E, s12;
	s31 =	sadd.s32 s6, s30;
	[dreg:$0x18] =	wrdreg s29  }
0x17: {  	s21 =	sadd.s32 $0x28, s12;
	s9 =	sadd.s32 s7, s30;
	[dreg:$0xd] =	wrdreg s31  }
0x18: {  	s22 =	sadd.s32 $0x32, s12;
	s18 =	sadd.s32 s6, s16;
	[dreg:$0xe] =	wrdreg s9  }
0x19: {  	s28 =	sadd.s32 $0x3C, s12;
	s0 =	sadd.s32 s7, s16;
	[dreg:$0xf] =	wrdreg s18  }
0x1a: {  	s19 =	sadd.s32 s6, s17;
	s20 =	sadd.s32 s7, s17;
	[dreg:$0x10] =	wrdreg s0  }
0x1b: {  	s23 =	sadd.s32 s6, s21;
	s24 =	sadd.s32 s6, s22;
	[dreg:$0x11] =	wrdreg s19  }
0x1c: {  	s25 =	sadd.s32 s7, s22;
	s30 =	sadd.s32 $0x46, s12;
	[dreg:$0x12] =	wrdreg s20  }
0x1d: {  	s16 =	sadd.s32 s10, s3;
	s10 =	sadd.s32 $0x5B800, s13;
	[dreg:$0x13] =	wrdreg s23  }
0x1e: {  	s12 =	smax.u32 s14, $0x1;
	s17 =	simm.s32 $0x50;
	[dreg:$0x15] =	wrdreg s24  }
0x1f: {  	s22 =	simm.s32 $0x0;
	s0 =	sadd.s32 s7, s21;
	[dreg:$0x16] =	wrdreg s25  }
0x20: {  	s31 =	sadd.s32 s6, s28;
	s9 =	sadd.s32 s7, s30;
	s25 =	sadd.s32 $0x280, s15  }
0x21: {  	s14 =	sshrl.u32 @p1 s16, $0x3;
	s15 =	simm.s32 $0x500;
	s16 =	simm.s32 $0xD  }
0x22: {  	s18 =	simm.s32 $0xA0;
	s19 =	simm.s32 $0x1;
	[dreg:$0x14] =	wrdreg s0  }
0x23: {  	s20 =	simm.s32 $0x2;
	[dreg:$0x19] =	wrdreg s31;
	s0 =	sadd.s32 s7, s28  }
0x24: {  	v0 =	vimm.f32 $1.000000000e+00;
	v1 =	vimm.f32 $0.0e+00;
	s21 =	simm.s32 $0x3;
	[dreg:$0x1a] =	wrdreg s0;
	s0 =	sadd.s32 s6, s30  }
.LBB2_1:
0x25: {  	[tilespmem:$0xA500] =	vst v0  }
0x26: {  	[tilespmem:$0xA510] =	vst v0  }
0x27: {  	[tilespmem:$0xA520] =	vst v0  }
0x28: {  	[tilespmem:$0xA530] =	vst v0  }
0x29: {  	[tilespmem:$0xA540] =	vst v0;
	s13 =	simm.s32 $0x0;
	s23 =	simm.s32 $0x200  }
.LBB2_2:
0x2a: {  	p2 =	sne.s32 s23, $0x9E00;
	[tilespmem:s13+$0x570] =	vst v1  }
0x2b: {  	[tilespmem:s13+$0x500] =	vst v1  }
0x2c: {  	[tilespmem:s13+$0x510] =	vst v1  }
.Ltmp0:
0x2d: {  	[tilespmem:s13+$0x520] =	vst v1;
	(pc) =	sbr.rel @p2 .LBB2_2-.Ltmp0, $4  }
0x2e: {  	[tilespmem:s13+$0x530] =	vst v1  }
0x2f: {  	[tilespmem:s13+$0x540] =	vst v1  }
0x30: {  	[tilespmem:s13+$0x550] =	vst v1  }
0x31: {  	[tilespmem:s13+$0x560] =	vst v1;
	s13 =	sshra.s32 s23, $0x2;
	s23 =	sadd.s32 $0x200, s23  }
0x32: {  	[tilespmem:s13+$0x570] =	vst v1  }
0x33: {  	[tilespmem:s13+$0x500] =	vst v1  }
0x34: {  	[tilespmem:s13+$0x510] =	vst v1  }
0x35: {  	[tilespmem:s13+$0x520] =	vst v1  }
0x36: {  	[tilespmem:s13+$0x530] =	vst v1  }
0x37: {  	[tilespmem:s13+$0x540] =	vst v1  }
0x38: {  	[tilespmem:s13+$0x550] =	vst v1  }
0x39: {  	[tilespmem:s13+$0x560] =	vst v1  }
0x3a: {  	[tilespmem:$0xA550] =	vst v1  }
0x3b: {  	[tilespmem:$0xA560] =	vst v1  }
0x3c: {  	[tilespmem:$0xA570] =	vst v1  }
0x3d: {  	[tilespmem:$0xA580] =	vst v1  }
0x3e: {  	[tilespmem:$0xA590] =	vst v1  }
0x3f: {  	[tilespmem:$0xA5A0] =	vst v1  }
0x40: {  	[tilespmem:$0xA5B0] =	vst v1  }
0x41: {  	[tilespmem:$0xA5C0] =	vst v1  }
0x42: {  	[tilespmem:$0xA5D0] =	vst v1  }
0x43: {  	[tilespmem:$0xA5E0] =	vst v1  }
0x44: {  	[tilespmem:$0xA5F0] =	vst v1  }
0x45: {  	[tilespmem:$0xA600] =	vst v1  }
0x46: {  	[tilespmem:$0xA610] =	vst v1  }
0x47: {  	[tilespmem:$0xA620] =	vst v1  }
0x48: {  	[tilespmem:$0xA630] =	vst v1  }
0x49: {  	[tilespmem:$0xA640] =	vst v1  }
0x4a: {  	[tilespmem:$0xA650] =	vst v1  }
0x4b: {  	[tilespmem:$0xA660] =	vst v1  }
0x4c: {  	[tilespmem:$0xA670] =	vst v1  }
0x4d: {  	[tilespmem:$0xA680] =	vst v1  }
0x4e: {  	[tilespmem:$0xA690] =	vst v1  }
0x4f: {  	[tilespmem:$0xA6A0] =	vst v1  }
0x50: {  	[tilespmem:$0xA6B0] =	vst v1  }
0x51: {  	[tilespmem:$0xA6C0] =	vst v1  }
0x52: {  	[tilespmem:$0xA6D0] =	vst v1  }
0x53: {  	[tilespmem:$0xA6E0] =	vst v1  }
0x54: {  	[tilespmem:$0xA6F0] =	vst v1  }
0x55: {  	[tilespmem:$0xA700] =	vst v1  }
0x56: {  	[tilespmem:$0xA710] =	vst v1  }
0x57: {  	[tilespmem:$0xA720] =	vst v1  }
0x58: {  	[tilespmem:$0xA730] =	vst v1  }
0x59: {  	[tilespmem:$0xA740] =	vst v1  }
0x5a: {  	[tilespmem:$0xA750] =	vst v1  }
0x5b: {  	[tilespmem:$0xA760] =	vst v1  }
0x5c: {  	[tilespmem:$0xA770] =	vst v1  }
0x5d: {  	[tilespmem:$0xA780] =	vst v1  }
0x5e: {  	[tilespmem:$0xA790] =	vst v1  }
0x5f: {  	[tilespmem:$0xA7A0] =	vst v1  }
0x60: {  	[tilespmem:$0xA7B0] =	vst v1  }
0x61: {  	[tilespmem:$0xA7C0] =	vst v1  }
0x62: {  	[spmem:s8] =	stream.linear.scatter [tilespmem:s15], [sflag:$0xD], $0x2800, $0x38;
	[tilespmem:$0x1E2D0] =	vst v63  }
0x63: {  	_ =	swait.ge [sflag:s16], $0x2800  }
0x64: {  	[sflag:s16] =	ssyncset.done $0x0  }
0x65: {  	s29 =	rddreg [dreg:$0x5];
	[sflag:s16] =	ssyncadd.s32 $0xFFFFD800  }
0x66: {  	[spmem:s29] =	stream.linear.scatter [tilespmem:s15], [sflag:$0xD], $0x2800, $0x38;
	[tilespmem:$0x1E2D0] =	vst v63  }
0x67: {  	_ =	swait.ge [sflag:s16], $0x2800  }
0x68: {  	[sflag:s16] =	ssyncset.done $0x0  }
0x69: {  	s30 =	rddreg [dreg:$0x6];
	[sflag:s16] =	ssyncadd.s32 $0xFFFFD800  }
0x6a: {  	[spmem:s30] =	stream.linear.scatter [tilespmem:s15], [sflag:$0xD], $0x2800, $0x38;
	[tilespmem:$0x1E2D0] =	vst v63  }
0x6b: {  	_ =	swait.ge [sflag:s16], $0x2800  }
0x6c: {  	[sflag:s16] =	ssyncset.done $0x0  }
0x6d: {  	s31 =	rddreg [dreg:$0x7];
	[sflag:s16] =	ssyncadd.s32 $0xFFFFD800  }
0x6e: {  	[spmem:s31] =	stream.linear.scatter [tilespmem:s15], [sflag:$0xD], $0x2800, $0x38;
	[tilespmem:$0x1E2D0] =	vst v63  }
0x6f: {  	_ =	swait.ge [sflag:s16], $0x2800  }
0x70: {  	[sflag:s16] =	ssyncset.done $0x0  }
0x71: {  	s23 =	rddreg [dreg:$0x8];
	[sflag:s16] =	ssyncadd.s32 $0xFFFFD800  }
0x72: {  	[spmem:s23] =	stream.linear.scatter [tilespmem:s15], [sflag:$0xD], $0x2800, $0x38;
	[tilespmem:$0x1E2D0] =	vst v63  }
0x73: {  	_ =	swait.ge [sflag:s16], $0x2800  }
0x74: {  	[sflag:s16] =	ssyncset.done $0x0  }
0x75: {  	s24 =	rddreg [dreg:$0x9];
	[sflag:s16] =	ssyncadd.s32 $0xFFFFD800  }
0x76: {  	[spmem:s24] =	stream.linear.scatter [tilespmem:s15], [sflag:$0xD], $0x2800, $0x38;
	[tilespmem:$0x1E2D0] =	vst v63  }
0x77: {  	_ =	swait.ge [sflag:s16], $0x2800  }
0x78: {  	[sflag:s16] =	ssyncset.done $0x0  }
0x79: {  	s26 =	rddreg [dreg:$0xa];
	[sflag:s16] =	ssyncadd.s32 $0xFFFFD800  }
0x7a: {  	[spmem:s26] =	stream.linear.scatter [tilespmem:s15], [sflag:$0xD], $0x2800, $0x38;
	[tilespmem:$0x1E2D0] =	vst v63  }
0x7b: {  	_ =	swait.ge [sflag:s16], $0x2800  }
0x7c: {  	[sflag:s16] =	ssyncset.done $0x0  }
0x7d: {  	s28 =	rddreg [dreg:$0xb];
	[sflag:s16] =	ssyncadd.s32 $0xFFFFD800  }
0x7e: {  	[spmem:s28] =	stream.linear.scatter [tilespmem:s15], [sflag:$0xD], $0x2080, $0x38;
	[tilespmem:$0x1E2D0] =	vst v63  }
0x7f: {  	_ =	swait.ge [sflag:s16], $0x2080  }
0x80: {  	[sflag:s16] =	ssyncset.done $0x0  }
0x81: {  	s13 =	simm.s32 @!p0 $0xA550;
	s23 =	rddreg [dreg:$0xc];
	[sflag:s16] =	ssyncadd.s32 $0xFFFFDF80  }
0x82: {  	[spmem:s23] =	stream.linear.scatter @!p0 [tilespmem:s13], [sflag:$0xD], $0x280, $0x38;
	[tilespmem:$0x1E2D0] =	vst v63  }
0x83: {  	s23 =	simm.s32 @!p0 $0xD  }
0x84: {  	_ =	swait.ge @!p0 [sflag:s23], $0x280  }
0x85: {  	[sflag:s23] =	ssyncset.done @!p0 $0x0  }
0x86: {  	[sflag:s23] =	ssyncadd.s32 @!p0 $0xFFFFFD80  }
0x87: {  	[bflag:$0x0] =	sbarrier.arrive $0xFFFF  }
0x88: {  	s24 =	simm.s32 $0x0;
	s29 =	rddreg [dreg:$0x17]  }
0x89: {  	[tilespmem:s24], [sflag:$0x1] =	stream.linear.gather [hbm4b:s29+s24], $0x50, $0x38;
	[tilespmem:$0x1E2D0] =	vst v63  }
0x8a: {  	s26 =	simm.s32 $0x280;
	s30 =	rddreg [dreg:$0x18]  }
0x8b: {  	[tilespmem:s26], [sflag:$0x1] =	stream.linear.gather [hbm4b:s30+s24], $0x50, $0x38;
	[tilespmem:$0x1E2D0] =	vst v63  }
0x8c: {  	s31 =	rddreg [dreg:$0xd]  }
0x8d: {  	[tilespmem:s17], [sflag:$0x2] =	stream.linear.gather [hbm4b:s31+s24], $0x50, $0x38;
	[tilespmem:$0x1E2D0] =	vst v63  }
0x8e: {  	s28 =	simm.s32 $0x2D0;
	s26 =	rddreg [dreg:$0xe]  }
0x8f: {  	[tilespmem:s28], [sflag:$0x2] =	stream.linear.gather [hbm4b:s26+s24], $0x50, $0x38;
	[tilespmem:$0x1E2D0] =	vst v63  }
0x90: {  	s29 =	rddreg [dreg:$0xf]  }
0x91: {  	[tilespmem:s18], [sflag:$0x3] =	stream.linear.gather [hbm4b:s29+s24], $0x50, $0x38;
	[tilespmem:$0x1E2D0] =	vst v63  }
0x92: {  	s30 =	rddreg [dreg:$0x10];
	s31 =	simm.s32 $0x320  }
0x93: {  	[tilespmem:s31], [sflag:$0x3] =	stream.linear.gather [hbm4b:s30+s24], $0x50, $0x38;
	[tilespmem:$0x1E2D0] =	vst v63  }
0x94: {  	s28 =	rddreg [dreg:$0x11];
	s29 =	simm.s32 $0xF0  }
0x95: {  	[tilespmem:s29], [sflag:$0x4] =	stream.linear.gather [hbm4b:s28+s24], $0x50, $0x38;
	[tilespmem:$0x1E2D0] =	vst v63  }
0x96: {  	s30 =	rddreg [dreg:$0x12];
	s31 =	simm.s32 $0x370  }
0x97: {  	[tilespmem:s31], [sflag:$0x4] =	stream.linear.gather [hbm4b:s30+s24], $0x50, $0x38;
	[tilespmem:$0x1E2D0] =	vst v63  }
0x98: {  	s28 =	rddreg [dreg:$0x13];
	s29 =	simm.s32 $0x140  }
0x99: {  	[tilespmem:s29], [sflag:$0x5] =	stream.linear.gather [hbm4b:s28+s24], $0x50, $0x38;
	[tilespmem:$0x1E2D0] =	vst v63  }
0x9a: {  	s30 =	rddreg [dreg:$0x14];
	s31 =	simm.s32 $0x3C0  }
0x9b: {  	[tilespmem:s31], [sflag:$0x5] =	stream.linear.gather [hbm4b:s30+s24], $0x50, $0x38;
	[tilespmem:$0x1E2D0] =	vst v63  }
0x9c: {  	s28 =	rddreg [dreg:$0x15];
	s29 =	simm.s32 $0x190  }
0x9d: {  	[tilespmem:s29], [sflag:$0x6] =	stream.linear.gather [hbm4b:s28+s24], $0x50, $0x38;
	[tilespmem:$0x1E2D0] =	vst v63  }
0x9e: {  	s30 =	rddreg [dreg:$0x16];
	s31 =	simm.s32 $0x410  }
0x9f: {  	[tilespmem:s31], [sflag:$0x6] =	stream.linear.gather [hbm4b:s30+s24], $0x50, $0x38;
	[tilespmem:$0x1E2D0] =	vst v63  }
0xa0: {  	s28 =	rddreg [dreg:$0x19];
	s29 =	simm.s32 $0x1E0  }
0xa1: {  	[tilespmem:s29], [sflag:$0x7] =	stream.linear.gather [hbm4b:s28+s24], $0x50, $0x38;
	[tilespmem:$0x1E2D0] =	vst v63  }
0xa2: {  	s30 =	rddreg [dreg:$0x1a];
	s31 =	simm.s32 $0x460  }
0xa3: {  	[tilespmem:s31], [sflag:$0x7] =	stream.linear.gather [hbm4b:s30+s24], $0x50, $0x38;
	[tilespmem:$0x1E2D0] =	vst v63  }
0xa4: {  	s28 =	simm.s32 $0x230  }
0xa5: {  	[tilespmem:s28], [sflag:$0x8] =	stream.linear.gather [hbm4b:s0+s24], $0x50, $0x38;
	[tilespmem:$0x1E2D0] =	vst v63  }
0xa6: {  	s29 =	simm.s32 $0x4B0  }
0xa7: {  	[tilespmem:s29], [sflag:$0x8] =	stream.linear.gather [hbm4b:s9+s24], $0x50, $0x38;
	[tilespmem:$0x1E2D0] =	vst v63  }
0xa8: {  	_ =	swait.ge [sflag:s19], $0x50  }
0xa9: {  	[sflag:s19] =	ssyncset.done $0x0  }
0xaa: {  	[sflag:s19] =	ssyncadd.s32 $0xFFFFFFB0  }
0xab: {  	_ =	swait.ge [sflag:s19], $0x50  }
0xac: {  	[sflag:s19] =	ssyncset.done $0x0  }
0xad: {  	[sflag:s19] =	ssyncadd.s32 $0xFFFFFFB0  }
0xae: {  	[tilespmem:s15], [sflag:$0x9] =	stream.indirect.gather [hbm4b:s5+s17], $0x80, s24, s17, $0xb8;
	[tilespmem:$0x1E2D0] =	vst v63  }
0xaf: {  	_ =	swait.ge [sflag:s20], $0x50  }
0xb0: {  	[sflag:s20] =	ssyncset.done $0x0  }
0xb1: {  	[sflag:s20] =	ssyncadd.s32 $0xFFFFFFB0  }
0xb2: {  	_ =	swait.ge [sflag:s20], $0x50  }
0xb3: {  	[sflag:s20] =	ssyncset.done $0x0  }
0xb4: {  	s30 =	simm.s32 $0x2D00;
	[sflag:s20] =	ssyncadd.s32 $0xFFFFFFB0  }
0xb5: {  	[tilespmem:s30], [sflag:$0xA] =	stream.indirect.gather [hbm4b:s5+s17], $0x80, s17, s17, $0xb8;
	[tilespmem:$0x1E2D0] =	vst v63  }
0xb6: {  	_ =	swait.ge [sflag:s21], $0x50  }
0xb7: {  	[sflag:s21] =	ssyncset.done $0x0  }
.Ltmp1:
0xb8: {  	[sflag:s21] =	ssyncadd.s32 $0xFFFFFFB0;
	(pc) =	sbr.rel .LBB2_4-.Ltmp1, $4  }
0xb9: {  	_ =	swait.ge [sflag:s21], $0x50  }
0xba: {  	[sflag:s21] =	ssyncset.done $0x0  }
0xbb: {  	s13 =	smov.u32 s25;
	s31 =	simm.s32 $0x5500;
	[sflag:s21] =	ssyncadd.s32 $0xFFFFFFB0  }
0xbc: {  	[tilespmem:s31], [sflag:$0xB] =	stream.indirect.gather [hbm4b:s5+s17], $0x80, s18, s17, $0xb8;
	[tilespmem:$0x1E2D0] =	vst v63  }
.LBB2_5:
0xbd: {  	s30 =	sshrl.u32 s13, $0x3  }
0xbe: {  	s26 =	sadd.s32 $0x1, s26;
	s31 =	sadd.s32 s6, s30  }
0xbf: {  	[tilespmem:s28], [sflag:s26] =	stream.linear.gather [hbm4b:s31+s4], $0x50, $0x38;
	[tilespmem:$0x1E2D0] =	vst v63  }
0xc0: {  	s31 =	sadd.s32 s7, s30  }
0xc1: {  	[tilespmem:s29], [sflag:s26] =	stream.linear.gather [hbm4b:s31+s4], $0x50, $0x38;
	[tilespmem:$0x1E2D0] =	vst v63  }
.LBB2_7:
0xc2: {  	s26 =	sadd.s32 $0x3, s24  }
0xc3: {  	s28 =	sand.u32 $0x7, s26  }
0xc4: {  	s29 =	sadd.s32 $0x1, s28  }
0xc5: {  	_ =	swait.ge [sflag:s29], $0x50  }
0xc6: {  	s26 =	sand.u32 $0x3, s26;
	[sflag:s29] =	ssyncset.done $0x0  }
0xc7: {  	s30 =	smul.u32 $0xA000, s26;
	[sflag:s29] =	ssyncadd.s32 $0xFFFFFFB0  }
0xc8: {  	s28 =	smul.u32 $0x140, s28;
	_ =	swait.ge [sflag:s29], $0x50  }
0xc9: {  	s26 =	sadd.s32 $0x9, s26;
	s31 =	sshrl.u32 s30, $0x2;
	[sflag:s29] =	ssyncset.done $0x0  }
0xca: {  	s28 =	sshrl.u32 s28, $0x2;
	[sflag:s29] =	ssyncadd.s32 $0xFFFFFFB0;
	s29 =	sor.u32 $0x500, s31  }
0xcb: {  	[tilespmem:s29], [sflag:s26] =	stream.indirect.gather [hbm4b:s5+s17], $0x80, s28, s17, $0xb8;
	[tilespmem:$0x1E2D0] =	vst v63  }
.LBB2_8:
0xcc: {  	s24 =	sadd.s32 $0x1, s24;
	s13 =	sadd.s32 $0x50, s13  }
.LBB2_4:
0xcd: {  	s28 =	sand.u32 $0x3, s24  }
0xce: {  	s26 =	sand.u32 $0x7, s24;
	s29 =	smul.u32 $0xA000, s28;
	s30 =	sadd.s32 $0x9, s28  }
0xcf: {  	s28 =	smul.u32 $0x50, s26;
	_ =	swait.ge [sflag:s30], $0x2800  }
0xd0: {  	s29 =	sshrl.u32 s29, $0x2;
	[sflag:s30] =	ssyncset.done $0x0  }
0xd1: {  	s31 =	sor.u32 $0x500, s29;
	[sflag:s30] =	ssyncadd.s32 $0xFFFFD800;
	s29 =	sadd.s32 $0x280, s28  }
0xd2: {  	[spmem:s1] =	stream.indirect.scatter.add.f32 [tilespmem:s31], [sflag:$0xD], $0x80, s29, s17, $0xb8;
	[tilespmem:$0x1E2D0] =	vst v63  }
0xd3: {  	_ =	swait.ge [sflag:s16], $0x2800  }
0xd4: {  	p2 =	sgt.u32 s24, $0x74;
	s30 =	simm.s32 @!p0 $0x50;
	[sflag:s16] =	ssyncset.done $0x0  }
.Ltmp2:
0xd5: {  	s31 =	simm.s32 @!p0 $0xA500;
	[sflag:s16] =	ssyncadd.s32 $0xFFFFD800;
	(pc) =	sbr.rel @!p2 .LBB2_5-.Ltmp2, $4  }
0xd6: {  	[spmem:s3] =	stream.indirect.scatter.add.f32 @!p0 [tilespmem:s31], [sflag:$0xD], $0x1, s29, s30, $0xb8;
	[tilespmem:$0x1E2D0] =	vst v63  }
0xd7: {  	_ =	swait.ge @!p0 [sflag:s23], $0x50  }
0xd8: {  	[sflag:s23] =	ssyncset.done @!p0 $0x0  }
0xd9: {  	[sflag:s23] =	ssyncadd.s32 @!p0 $0xFFFFFFB0  }
0xda: {  	p2 =	sgt.u32 s24, $0x79  }
.Ltmp3:
0xdb: {  	_ = 	snop;
	(pc) =	sbr.rel @!p2 .LBB2_7-.Ltmp3, $1  }
0xdc: {  	_ =	sdelay $0x3  }
0xdd: {  	p2 =	sne.s32 s24, $0x7C  }
.Ltmp4:
0xde: {  	_ = 	snop;
	(pc) =	sbr.rel @p2 .LBB2_8-.Ltmp4, $1  }
0xdf: {  	_ =	sdelay $0x3  }
0xe0: {  	s26 =	stileid.u32  }
0xe1: {  	s13 =	sshll.u32 @p1 s26, $0x6  }
0xe2: {  	[bflag:$0x0] =	sbarrier.arrive $0xFFFF;
	s23 =	sshrl.u32 @p1 s8, $0x3;
	s13 =	sor.u32 @p1 $0x1C0D, s13  }
0xe3: {  	[hbm:s10], [sflag:s13] =	dma.local @p1 [spmem:s23], $0x2710  }
0xe4: {  	s23 =	simm.s32 @p1 $0xD  }
0xe5: {  	_ =	swait.ge @p1 [sflag:s23], $0x2710  }
0xe6: {  	[sflag:s23] =	ssyncset.done @p1 $0x0  }
0xe7: {  	[sflag:s23] =	ssyncadd.s32 @p1 $0xFFFFD8F0  }
0xe8: {  	[hbm:s2], [sflag:s13] =	dma.local @p1 [spmem:s14], $0x50  }
0xe9: {  	s22 =	sadd.s32 $0x1, s22;
	_ =	swait.ge @p1 [sflag:s23], $0x50  }
0xea: {  	p2 =	sne.s32 s22, s12;
	s13 =	sshll.u32 @!p1 s26, $0x6;
	[sflag:s23] =	ssyncset.done @p1 $0x0  }
0xeb: {  	s13 =	sor.u32 @!p1 $0x1C0D, s13;
	[sflag:s23] =	ssyncadd.s32 @p1 $0xFFFFFFB0;
	s23 =	sshrl.u32 @!p1 s8, $0x3  }
0xec: {  	[hbm:s11], [sflag:s13] =	dma.local @!p1 [spmem:s23], $0x2710  }
.Ltmp5:
0xed: {  	_ = 	snop;
	(pc) =	sbr.rel @p2 .LBB2_1-.Ltmp5, $4  }
0xee: {  	s13 =	simm.s32 @!p1 $0xD  }
0xef: {  	_ =	swait.ge @!p1 [sflag:s13], $0x2710  }
0xf0: {  	[sflag:s13] =	ssyncset.done @!p1 $0x0  }
0xf1: {  	s24 =	stileid.u32;
	[sflag:s13] =	ssyncadd.s32 @!p1 $0xFFFFD8F0  }
0xf2: {  	_ =	sfence.sel $0x180000  }
0xf3: {  	[bflag:$0x0] =	sbarrier.arrive $0xFFFF  }
0xf4: {  	_ =	strace $0x90000047  }
0xf5: {  	[bflag:$0x2] =	sbarrier.arrive $0xFFFF  }
0xf6: {  	p0 =	sne.s32 s24, $0x0;
	s0 =	rddreg [dreg:$0x4]  }
0xf7: {  	s0 =	sadd.s32 @!p0 $0x100000, s0  }
0xf8: {  	[sflag:s0] =	ssyncadd.tile.s32 @!p0 $0x1;
	_ =	shalt  }
.Lfunc_end2:
_tile_overlayer_lowered:
.L_overlay_start_2:
0xf9: {  	(tag) =	ssettag $0x2  }
0xfa: {  	s0 =	rddreg [dreg:$0x0];
	s2 =	stileid.u32  }
0xfb: {  	s1 =	rddreg [dreg:$0x1];
	p0 =	sne.s32 s2, $0x0  }
0xfc: {  	s3 =	rddreg [dreg:$0x2];
	[bflag:$0x3] =	sbarrier.arrive $0xFFFF;
	s2 =	simm.s32 @!p0 $0x1C0D  }
0xfd: {  	[timem:s3], [sflag:s2] =	dma.local @!p0 [hbm:s0], s1  }
0xfe: {  	s0 =	simm.s32 @!p0 $0xD  }
0xff: {  	_ =	swait.ge @!p0 [sflag:s0], s1  }
0x100: {  	s1 =	ssub.s32 @!p0 $0x0, s1;
	[sflag:s0] =	ssyncset.done @!p0 $0x0  }
0x101: {  	[sflag:s0] =	ssyncadd.s32 @!p0 s1  }
0x102: {  	[bflag:$0x3] =	sbarrier.arrive $0xFFFF  }
0x103: {  	_ =	shalt  }

</sc_bundles>
